<compile_context>
chip_gen: v7x
topology: tpu7x:2x2x1
jax: 0.10.2.dev20260603
libtpu: 0.0.44.dev20260713+nightly
codegen_flags: <defaults>
</compile_context>

<pallas_src>
import functools

import jax
import jax.numpy as jnp
from jax import lax
from jax.experimental import pallas as pl
from jax.experimental.pallas import tpu as pltpu
from jax.experimental.pallas import tpu_sc as plsc

N = 10000
E = 320000
DIN = 128
HID = 16
NCLS = 40

NCORE = 2
NSUB = 16
NW = NCORE * NSUB
B = 128
K = 80
NCH = E // B
KLAST = NCH - 31 * K
NPAD = 10112
RPS = NPAD // NSUB
DEGW = 16
NB = 8

_SC_PARAMS = pltpu.CompilerParams(use_tc_tiling_on_sc=False,
                                  needs_layout_passes=False)


def _stage_edges(ei_hbm, src_v, dst_v, w):

    @pl.when(w < NW - 1)
    def _():
        pltpu.sync_copy(ei_hbm.at[0, pl.ds(w * K, K)], src_v)
        pltpu.sync_copy(ei_hbm.at[1, pl.ds(w * K, K)], dst_v)

    @pl.when(w == NW - 1)
    def _():
        pltpu.sync_copy(ei_hbm.at[0, pl.ds((NW - 1) * K, KLAST)],
                        src_v.at[pl.ds(0, KLAST)])
        pltpu.sync_copy(ei_hbm.at[1, pl.ds((NW - 1) * K, KLAST)],
                        dst_v.at[pl.ds(0, KLAST)])
        zero16 = jnp.zeros((16,), jnp.int32)
        sink16 = jnp.full((16,), N, jnp.int32)

        def fill(r, carry):
            for g in range(B // 16):
                src_v[r, pl.ds(g * 16, 16)] = zero16
                dst_v[r, pl.ds(g * 16, 16)] = sink16
            return carry

        lax.fori_loop(KLAST, K, fill, 0)


def _dinv_vec(d):
    i = plsc.bitcast(d, jnp.int32)
    y = plsc.bitcast(jnp.int32(0x5F3759DF) - (i >> 1), jnp.float32)
    for _ in range(3):
        y = y * (1.5 - 0.5 * d * y * y)
    return y


def _ring_agg(tab_sh, acc_sh, src_v, dst_v, rows_v, gsem, ssem):
    pltpu.async_copy(tab_sh.at[src_v.at[0]], rows_v.at[0], gsem[0])

    def outer(t, carry):
        for b in range(NB):
            j = t * NB + b
            bn = (b + 1) % NB
            jn = j + 1
            pltpu.make_async_copy(
                tab_sh.at[src_v.at[j]], rows_v.at[b], gsem[b]).wait()
            pltpu.async_copy(rows_v.at[b],
                             acc_sh.at[dst_v.at[j]], ssem[b], add=True)

            @pl.when(jnp.logical_and(jn >= NB, jn < K))
            def _():
                pltpu.make_async_copy(
                    rows_v.at[bn],
                    acc_sh.at[dst_v.at[jn - NB]], ssem[bn]).wait()

            @pl.when(jn < K)
            def _():
                pltpu.async_copy(
                    tab_sh.at[src_v.at[jn]], rows_v.at[bn], gsem[bn])
        return carry

    lax.fori_loop(0, K // NB, outer, 0)
    for cch in range(K - NB, K):
        pltpu.make_async_copy(
            rows_v.at[cch % NB],
            acc_sh.at[dst_v.at[cch]], ssem[cch % NB]).wait()


def _sc_agg1():

    @functools.partial(
        pl.kernel,
        out_type=jax.ShapeDtypeStruct((NCORE, NPAD, HID), jnp.float32),
        mesh=plsc.VectorSubcoreMesh(core_axis_name="c",
                                    subcore_axis_name="s"),
        scratch_types=[
            pltpu.VMEM((K, B), jnp.int32),
            pltpu.VMEM((K, B), jnp.int32),
            pltpu.VMEM((NB, B, HID), jnp.float32),
            pltpu.VMEM((RPS, HID), jnp.float32),
            pltpu.VMEM((RPS, HID), jnp.float32),
            pltpu.VMEM((RPS, HID), jnp.float32),
            pltpu.VMEM_SHARED((NPAD, HID), jnp.float32),
            pltpu.VMEM_SHARED((NPAD, HID), jnp.float32),
        ] + [pltpu.SemaphoreType.DMA] * (2 * NB),
        compiler_params=_SC_PARAMS,
    )
    def agg1(h1_hbm, degp_hbm, ei_hbm, zeros_hbm, out_hbm,
             src_v, dst_v, rows_v, ha, da, pa, acc_sh, tab_sh, *sems):
        gsem = sems[:NB]
        ssem = sems[NB:]
        c = lax.axis_index("c")
        s = lax.axis_index("s")
        w = s * NCORE + c
        _stage_edges(ei_hbm, src_v, dst_v, w)
        rows = pl.ds(s * RPS, RPS)
        pltpu.sync_copy(zeros_hbm, acc_sh.at[rows])
        pltpu.sync_copy(h1_hbm.at[rows], ha)
        pltpu.sync_copy(degp_hbm.at[0, rows], da)
        pltpu.sync_copy(degp_hbm.at[1, rows], pa)

        def hs_row(t, carry):
            for u in range(4):
                r = t * 4 + u
                dv = _dinv_vec(da[r, :] + pa[r, :] + 1.0)
                ha[r, :] = ha[r, :] * dv
            return carry

        lax.fori_loop(0, RPS // 4, hs_row, 0)
        pltpu.sync_copy(ha, tab_sh.at[rows])
        plsc.subcore_barrier()
        _ring_agg(tab_sh, acc_sh, src_v, dst_v, rows_v, gsem, ssem)
        plsc.subcore_barrier()
        pltpu.sync_copy(acc_sh.at[rows], out_hbm.at[c, rows])

    return agg1


def _sc_agg2():

    @functools.partial(
        pl.kernel,
        out_type=[
            jax.ShapeDtypeStruct((NCORE, NPAD, HID), jnp.float32),
            jax.ShapeDtypeStruct((NPAD, HID), jnp.float32),
            jax.ShapeDtypeStruct((NPAD, HID), jnp.float32),
        ],
        mesh=plsc.VectorSubcoreMesh(core_axis_name="c",
                                    subcore_axis_name="s"),
        scratch_types=[
            pltpu.VMEM((K, B), jnp.int32),
            pltpu.VMEM((K, B), jnp.int32),
            pltpu.VMEM((NB, B, HID), jnp.float32),
            pltpu.VMEM((RPS, HID), jnp.float32),
            pltpu.VMEM((RPS, HID), jnp.float32),
            pltpu.VMEM((RPS, HID), jnp.float32),
            pltpu.VMEM((RPS, HID), jnp.float32),
            pltpu.VMEM((RPS, HID), jnp.float32),
            pltpu.VMEM((16,), jnp.float32),
            pltpu.VMEM_SHARED((NPAD, HID), jnp.float32),
            pltpu.VMEM_SHARED((NPAD, HID), jnp.float32),
        ] + [pltpu.SemaphoreType.DMA] * (2 * NB),
        compiler_params=_SC_PARAMS,
    )
    def agg2(h1_hbm, degp_hbm, p_hbm, b1_hbm, ei_hbm, zeros_hbm,
             q_hbm, z1_hbm, dinv_hbm,
             src_v, dst_v, rows_v, ha, da, db, pa, pb, bb,
             acc_sh, tab_sh, *sems):
        gsem = sems[:NB]
        ssem = sems[NB:]
        c = lax.axis_index("c")
        s = lax.axis_index("s")
        w = s * NCORE + c
        _stage_edges(ei_hbm, src_v, dst_v, w)
        rows = pl.ds(s * RPS, RPS)
        pltpu.sync_copy(zeros_hbm, acc_sh.at[rows])
        pltpu.sync_copy(h1_hbm.at[rows], ha)
        pltpu.sync_copy(degp_hbm.at[0, rows], da)
        pltpu.sync_copy(degp_hbm.at[1, rows], db)
        pltpu.sync_copy(p_hbm.at[0, rows], pa)
        pltpu.sync_copy(p_hbm.at[1, rows], pb)
        pltpu.sync_copy(b1_hbm, bb)
        b1v = bb[...]

        def z_row(t, carry):
            for u in range(4):
                r = t * 4 + u
                dv = _dinv_vec(da[r, :] + db[r, :] + 1.0)
                z = dv * (pa[r, :] + pb[r, :]) + dv * dv * ha[r, :] + b1v
                z = jnp.maximum(z, 0.0)
                pa[r, :] = z
                ha[r, :] = z * dv
                da[r, :] = dv
            return carry

        lax.fori_loop(0, RPS // 4, z_row, 0)
        pltpu.sync_copy(ha, tab_sh.at[rows])

        @pl.when(c == 0)
        def _():
            pltpu.sync_copy(pa, z1_hbm.at[rows])
            pltpu.sync_copy(da, dinv_hbm.at[rows])

        plsc.subcore_barrier()
        _ring_agg(tab_sh, acc_sh, src_v, dst_v, rows_v, gsem, ssem)
        plsc.subcore_barrier()
        pltpu.sync_copy(acc_sh.at[rows], q_hbm.at[c, rows])

    return agg2


def _sc_deg():

    @functools.partial(
        pl.kernel,
        out_type=jax.ShapeDtypeStruct((NCORE, NPAD, DEGW), jnp.float32),
        mesh=plsc.VectorSubcoreMesh(core_axis_name="c",
                                    subcore_axis_name="s"),
        scratch_types=[
            pltpu.VMEM((K, B), jnp.int32),
            pltpu.VMEM((K, B), jnp.int32),
            pltpu.VMEM((B, DEGW), jnp.float32),
            pltpu.VMEM_SHARED((NPAD, DEGW), jnp.float32),
        ] + [pltpu.SemaphoreType.DMA] * NB,
        compiler_params=_SC_PARAMS,
    )
    def deg(ei_hbm, ones_hbm, zeros_hbm, out_hbm, src_v, dst_v, ones_v,
            acc_sh, *sems):
        c = lax.axis_index("c")
        s = lax.axis_index("s")
        w = s * NCORE + c
        _stage_edges(ei_hbm, src_v, dst_v, w)
        pltpu.sync_copy(ones_hbm, ones_v)
        pltpu.sync_copy(zeros_hbm, acc_sh.at[pl.ds(s * RPS, RPS)])
        plsc.subcore_barrier()

        for j0 in range(NB):
            pltpu.async_copy(ones_v, acc_sh.at[dst_v.at[j0]], sems[j0],
                             add=True)

        def step(j, carry):
            for b in range(NB):
                pltpu.make_async_copy(
                    ones_v, acc_sh.at[dst_v.at[j * NB + b]], sems[b]).wait()

                @pl.when(j * NB + b + NB < K)
                def _():
                    pltpu.async_copy(
                        ones_v, acc_sh.at[dst_v.at[j * NB + b + NB]],
                        sems[b], add=True)
            return carry

        lax.fori_loop(0, K // NB, step, 0)
        plsc.subcore_barrier()
        pltpu.sync_copy(acc_sh.at[pl.ds(s * RPS, RPS)],
                        out_hbm.at[c, pl.ds(s * RPS, RPS)])

    return deg


def _tc_mm1(x, W1):
    def body(x_ref, w_ref, h_ref):
        h = jnp.dot(x_ref[...], w_ref[...],
                    preferred_element_type=jnp.float32)
        h_ref[...] = jnp.pad(h, ((0, NPAD - N), (0, 0)))

    return pl.pallas_call(
        body,
        out_shape=jax.ShapeDtypeStruct((NPAD, HID), jnp.float32),
    )(x, W1)


def _tc_out(q, z1, dinv, W2, b2):
    def body(q_ref, z_ref, dinv_ref, w2_ref, b2_ref, out_ref):
        dv = dinv_ref[:N, :1]
        agg = dv * (q_ref[0, :N] + q_ref[1, :N]) \
            + (dv * dv) * z_ref[:N]
        out_ref[...] = jnp.dot(agg, w2_ref[...],
                               preferred_element_type=jnp.float32) \
            + b2_ref[...]

    return pl.pallas_call(
        body,
        out_shape=jax.ShapeDtypeStruct((N, NCLS), jnp.float32),
    )(q, z1, dinv, W2, b2.reshape(1, NCLS))


def kernel(x, edge_index, W1, b1, W2, b2):
    ei3 = edge_index.reshape(2, NCH, B)

    ones_deg = jnp.ones((B, DEGW), jnp.float32)
    zeros_deg = jnp.zeros((RPS, DEGW), jnp.float32)
    zeros_h = jnp.zeros((RPS, HID), jnp.float32)

    h1 = _tc_mm1(x, W1)
    degp = _sc_deg()(ei3, ones_deg, zeros_deg)
    p = _sc_agg1()(h1, degp, ei3, zeros_h)
    q, z1, dinv = _sc_agg2()(h1, degp, p, b1, ei3, zeros_h)
    return _tc_out(q, z1, dinv, W2, b2)

# --- scband reference (transcript-rebuilt; emitter-appended) ---
"""Pipeline reference for scband-gcn-7756710936726 (READ-ONLY COPY).

The authoritative reference and input builder live on the scoring server;
editing this copy changes nothing except your own understanding.
"""

import jax, jax.numpy as jnp
import numpy as np

N = 10000
E = 320000
D_IN = 128
HID = 16
NC = 40


def gcn_conv(x, src, dst, W, b):
    # PyG GCNConv: h = X @ W, then D^-1/2 (A + I) D^-1/2 aggregation, + bias.
    n = x.shape[0]
    h = x @ W
    deg = jnp.zeros((n,), dtype=h.dtype).at[dst].add(1.0)
    dinv = jnp.where(deg > 0, jax.lax.rsqrt(jnp.maximum(deg, 1e-12)), 0.0)
    norm = dinv[src] * dinv[dst]
    msg = h[src] * norm[:, None]
    out = jnp.zeros((n, h.shape[1]), dtype=h.dtype).at[dst].add(msg)
    return out + b


def setup_inputs(seed: int = 0):
    key = jax.random.key(seed)
    ks = jax.random.split(key, 6)
    x = jax.random.normal(ks[0], (N, D_IN), dtype=jnp.float32)
    edge_index = jax.random.randint(ks[1], (2, E), 0, N, dtype=jnp.int32)
    W1 = jax.random.normal(ks[2], (D_IN, HID), dtype=jnp.float32) * 0.05
    b1 = jnp.zeros((HID,), dtype=jnp.float32)
    W2 = jax.random.normal(ks[3], (HID, NC), dtype=jnp.float32) * 0.05
    b2 = jnp.zeros((NC,), dtype=jnp.float32)
    return {"x": x, "edge_index": edge_index, "W1": W1, "b1": b1, "W2": W2, "b2": b2}


def reference(x, edge_index, W1, b1, W2, b2):
    # Dropout is identity in eval mode; return_logits=True so no LogSoftmax.
    n = x.shape[0]
    loop = jnp.arange(n, dtype=edge_index.dtype)
    src = jnp.concatenate([edge_index[0], loop])
    dst = jnp.concatenate([edge_index[1], loop])
    h = gcn_conv(x, src, dst, W1, b1)
    h = jax.nn.relu(h)
    out = gcn_conv(h, src, dst, W2, b2)
    return out

if __name__ == "__main__":
    import jax
    _d = setup_inputs()
    print(jax.jit(kernel)(*tuple(_d.values())))

</pallas_src>

<mosaic_0001>
#map = affine_map<(d0, d1) -> (0, 0)>
#map1 = affine_map<(d0, d1) -> (0, 0, 0)>
module attributes {stable_mosaic.version = 14 : i64} {
  func.func @agg1(%arg0: i32, %arg1: i32, %arg2: memref<10112x16xf32, #tpu.memory_space<hbm>>, %arg3: memref<2x10112x16xf32, #tpu.memory_space<hbm>>, %arg4: memref<2x2500x128xi32, #tpu.memory_space<hbm>>, %arg5: memref<632x16xf32, #tpu.memory_space<hbm>>, %arg6: memref<2x10112x16xf32, #tpu.memory_space<hbm>>, %arg7: memref<80x128xi32, #tpu.memory_space<vmem>>, %arg8: memref<80x128xi32, #tpu.memory_space<vmem>>, %arg9: memref<8x128x16xf32, #tpu.memory_space<vmem>>, %arg10: memref<632x16xf32, #tpu.memory_space<vmem>>, %arg11: memref<632x16xf32, #tpu.memory_space<vmem>>, %arg12: memref<632x16xf32, #tpu.memory_space<vmem>>, %arg13: memref<10112x16xf32, #tpu.memory_space<vmem_shared>>, %arg14: memref<10112x16xf32, #tpu.memory_space<vmem_shared>>, %arg15: memref<!tpu.dma_semaphore, #tpu.memory_space<semaphore_mem>>, %arg16: memref<!tpu.dma_semaphore, #tpu.memory_space<semaphore_mem>>, %arg17: memref<!tpu.dma_semaphore, #tpu.memory_space<semaphore_mem>>, %arg18: memref<!tpu.dma_semaphore, #tpu.memory_space<semaphore_mem>>, %arg19: memref<!tpu.dma_semaphore, #tpu.memory_space<semaphore_mem>>, %arg20: memref<!tpu.dma_semaphore, #tpu.memory_space<semaphore_mem>>, %arg21: memref<!tpu.dma_semaphore, #tpu.memory_space<semaphore_mem>>, %arg22: memref<!tpu.dma_semaphore, #tpu.memory_space<semaphore_mem>>, %arg23: memref<!tpu.dma_semaphore, #tpu.memory_space<semaphore_mem>>, %arg24: memref<!tpu.dma_semaphore, #tpu.memory_space<semaphore_mem>>, %arg25: memref<!tpu.dma_semaphore, #tpu.memory_space<semaphore_mem>>, %arg26: memref<!tpu.dma_semaphore, #tpu.memory_space<semaphore_mem>>, %arg27: memref<!tpu.dma_semaphore, #tpu.memory_space<semaphore_mem>>, %arg28: memref<!tpu.dma_semaphore, #tpu.memory_space<semaphore_mem>>, %arg29: memref<!tpu.dma_semaphore, #tpu.memory_space<semaphore_mem>>, %arg30: memref<!tpu.dma_semaphore, #tpu.memory_space<semaphore_mem>>) attributes {dimension_semantics = [#tpu.dimension_semantics<core_parallel>, #tpu.dimension_semantics<subcore_parallel>], iteration_bounds = array<i64: 2, 16>, scalar_prefetch = 0 : i64, scratch_operands = 24 : i64, tpu.core_type = #tpu.core_type<sc_vector_subcore>, window_params = [{transform_indices = #map}, {transform_indices = #map1}, {transform_indices = #map1}, {transform_indices = #map}, {transform_indices = #map1}]} {
    %mul3A = arith.constant 2 : i32
    %mul3A_0 = arith.muli %arg1, %mul3A : i32
    %add3A = arith.addi %mul3A_0, %arg0 : i32
    %lt3A = arith.constant 31 : i32
    %lt3A_1 = arith.cmpi slt, %add3A, %lt3A : i32
    %convert_element_type3A = arith.extui %lt3A_1 : i1 to i32
    %cond3A = arith.constant 0 : i32
    %cond3A_2 = arith.cmpi ne, %convert_element_type3A, %cond3A : i32
    scf.if %cond3A_2 {
      %mul3A_128 = arith.constant 80 : i32
      %mul3A_129 = arith.muli %add3A, %mul3A_128 : i32
      %run_scoped3A_130 = arith.constant 0 : i32
      "tpu.region"() ({
        %run_scoped3A_134 = tpu.sem_alloc : memref<!tpu.dma_semaphore, #tpu.memory_space<semaphore_mem>>
        %dma_start3A_135 = arith.constant 0 : i32
        %dma_start3A_136 = tpu.memref_slice %arg4[%run_scoped3A_130, %mul3A_129, %dma_start3A_135] : memref<2x2500x128xi32, #tpu.memory_space<hbm>> -> memref<1x80x128xi32, #tpu.memory_space<hbm>>
        %dma_start3A_137 = tpu.memref_squeeze %dma_start3A_136 : memref<1x80x128xi32, #tpu.memory_space<hbm>> -> memref<80x128xi32, #tpu.memory_space<hbm>>
        %dma_start3A_138 = arith.constant 0 : i32
        %dma_start3A_139 = tpu.memref_slice %arg4[%run_scoped3A_130, %mul3A_129, %dma_start3A_138] : memref<2x2500x128xi32, #tpu.memory_space<hbm>> -> memref<1x80x128xi32, #tpu.memory_space<hbm>>
        %dma_start3A_140 = tpu.memref_squeeze %dma_start3A_139 : memref<1x80x128xi32, #tpu.memory_space<hbm>> -> memref<80x128xi32, #tpu.memory_space<hbm>>
        tpu.enqueue_dma source(%dma_start3A_140 : memref<80x128xi32, #tpu.memory_space<hbm>>) target(%arg7 : memref<80x128xi32, #tpu.memory_space<vmem>>) target_semaphore(%run_scoped3A_134 : memref<!tpu.dma_semaphore, #tpu.memory_space<semaphore_mem>>)
        %dma_wait3A_141 = arith.constant 0 : i32
        %dma_wait3A_142 = tpu.memref_slice %arg4[%run_scoped3A_130, %mul3A_129, %dma_wait3A_141] : memref<2x2500x128xi32, #tpu.memory_space<hbm>> -> memref<1x80x128xi32, #tpu.memory_space<hbm>>
        %dma_wait3A_143 = tpu.memref_squeeze %dma_wait3A_142 : memref<1x80x128xi32, #tpu.memory_space<hbm>> -> memref<80x128xi32, #tpu.memory_space<hbm>>
        %dma_wait3A_144 = arith.constant 0 : i32
        %dma_wait3A_145 = tpu.memref_slice %arg4[%run_scoped3A_130, %mul3A_129, %dma_wait3A_144] : memref<2x2500x128xi32, #tpu.memory_space<hbm>> -> memref<1x80x128xi32, #tpu.memory_space<hbm>>
        %dma_wait3A_146 = tpu.memref_squeeze %dma_wait3A_145 : memref<1x80x128xi32, #tpu.memory_space<hbm>> -> memref<80x128xi32, #tpu.memory_space<hbm>>
        tpu.wait_dma2 semaphore(%run_scoped3A_134 : memref<!tpu.dma_semaphore, #tpu.memory_space<semaphore_mem>>) src(%dma_wait3A_146 : memref<80x128xi32, #tpu.memory_space<hbm>>) dst(%arg7 : memref<80x128xi32, #tpu.memory_space<vmem>>)
        tpu.yield
      }) : () -> ()
      %mul3A_131 = arith.constant 80 : i32
      %mul3A_132 = arith.muli %add3A, %mul3A_131 : i32
      %run_scoped3A_133 = arith.constant 1 : i32
      "tpu.region"() ({
        %run_scoped3A_134 = tpu.sem_alloc : memref<!tpu.dma_semaphore, #tpu.memory_space<semaphore_mem>>
        %dma_start3A_135 = arith.constant 0 : i32
        %dma_start3A_136 = tpu.memref_slice %arg4[%run_scoped3A_133, %mul3A_132, %dma_start3A_135] : memref<2x2500x128xi32, #tpu.memory_space<hbm>> -> memref<1x80x128xi32, #tpu.memory_space<hbm>>
        %dma_start3A_137 = tpu.memref_squeeze %dma_start3A_136 : memref<1x80x128xi32, #tpu.memory_space<hbm>> -> memref<80x128xi32, #tpu.memory_space<hbm>>
        %dma_start3A_138 = arith.constant 0 : i32
        %dma_start3A_139 = tpu.memref_slice %arg4[%run_scoped3A_133, %mul3A_132, %dma_start3A_138] : memref<2x2500x128xi32, #tpu.memory_space<hbm>> -> memref<1x80x128xi32, #tpu.memory_space<hbm>>
        %dma_start3A_140 = tpu.memref_squeeze %dma_start3A_139 : memref<1x80x128xi32, #tpu.memory_space<hbm>> -> memref<80x128xi32, #tpu.memory_space<hbm>>
        tpu.enqueue_dma source(%dma_start3A_140 : memref<80x128xi32, #tpu.memory_space<hbm>>) target(%arg8 : memref<80x128xi32, #tpu.memory_space<vmem>>) target_semaphore(%run_scoped3A_134 : memref<!tpu.dma_semaphore, #tpu.memory_space<semaphore_mem>>)
        %dma_wait3A_141 = arith.constant 0 : i32
        %dma_wait3A_142 = tpu.memref_slice %arg4[%run_scoped3A_133, %mul3A_132, %dma_wait3A_141] : memref<2x2500x128xi32, #tpu.memory_space<hbm>> -> memref<1x80x128xi32, #tpu.memory_space<hbm>>
        %dma_wait3A_143 = tpu.memref_squeeze %dma_wait3A_142 : memref<1x80x128xi32, #tpu.memory_space<hbm>> -> memref<80x128xi32, #tpu.memory_space<hbm>>
        %dma_wait3A_144 = arith.constant 0 : i32
        %dma_wait3A_145 = tpu.memref_slice %arg4[%run_scoped3A_133, %mul3A_132, %dma_wait3A_144] : memref<2x2500x128xi32, #tpu.memory_space<hbm>> -> memref<1x80x128xi32, #tpu.memory_space<hbm>>
        %dma_wait3A_146 = tpu.memref_squeeze %dma_wait3A_145 : memref<1x80x128xi32, #tpu.memory_space<hbm>> -> memref<80x128xi32, #tpu.memory_space<hbm>>
        tpu.wait_dma2 semaphore(%run_scoped3A_134 : memref<!tpu.dma_semaphore, #tpu.memory_space<semaphore_mem>>) src(%dma_wait3A_146 : memref<80x128xi32, #tpu.memory_space<hbm>>) dst(%arg8 : memref<80x128xi32, #tpu.memory_space<vmem>>)
        tpu.yield
      }) : () -> ()
    } else {
    }
    %eq3A = arith.constant 31 : i32
    %eq3A_3 = arith.cmpi eq, %add3A, %eq3A : i32
    %convert_element_type3A_4 = arith.extui %eq3A_3 : i1 to i32
    %cond3A_5 = arith.constant 0 : i32
    %cond3A_6 = arith.cmpi ne, %convert_element_type3A_4, %cond3A_5 : i32
    scf.if %cond3A_6 {
      %run_scoped3A_128 = arith.constant 0 : i32
      "tpu.region"() ({
        %run_scoped3A_139 = tpu.sem_alloc : memref<!tpu.dma_semaphore, #tpu.memory_space<semaphore_mem>>
        %dma_start3A_140 = arith.constant 0 : i32
        %dma_start3A_141 = arith.constant 0 : i32
        %dma_start3A_142 = tpu.memref_slice %arg7[%dma_start3A_140, %dma_start3A_141] : memref<80x128xi32, #tpu.memory_space<vmem>> -> memref<20x128xi32, #tpu.memory_space<vmem>>
        %dma_start3A_143 = arith.constant 2480 : i32
        %dma_start3A_144 = arith.constant 0 : i32
        %dma_start3A_145 = tpu.memref_slice %arg4[%run_scoped3A_128, %dma_start3A_143, %dma_start3A_144] : memref<2x2500x128xi32, #tpu.memory_space<hbm>> -> memref<1x20x128xi32, #tpu.memory_space<hbm>>
        %dma_start3A_146 = tpu.memref_squeeze %dma_start3A_145 : memref<1x20x128xi32, #tpu.memory_space<hbm>> -> memref<20x128xi32, #tpu.memory_space<hbm>>
        %dma_start3A_147 = arith.constant 0 : i32
        %dma_start3A_148 = arith.constant 0 : i32
        %dma_start3A_149 = tpu.memref_slice %arg7[%dma_start3A_147, %dma_start3A_148] : memref<80x128xi32, #tpu.memory_space<vmem>> -> memref<20x128xi32, #tpu.memory_space<vmem>>
        %dma_start3A_150 = arith.constant 2480 : i32
        %dma_start3A_151 = arith.constant 0 : i32
        %dma_start3A_152 = tpu.memref_slice %arg4[%run_scoped3A_128, %dma_start3A_150, %dma_start3A_151] : memref<2x2500x128xi32, #tpu.memory_space<hbm>> -> memref<1x20x128xi32, #tpu.memory_space<hbm>>
        %dma_start3A_153 = tpu.memref_squeeze %dma_start3A_152 : memref<1x20x128xi32, #tpu.memory_space<hbm>> -> memref<20x128xi32, #tpu.memory_space<hbm>>
        tpu.enqueue_dma source(%dma_start3A_153 : memref<20x128xi32, #tpu.memory_space<hbm>>) target(%dma_start3A_149 : memref<20x128xi32, #tpu.memory_space<vmem>>) target_semaphore(%run_scoped3A_139 : memref<!tpu.dma_semaphore, #tpu.memory_space<semaphore_mem>>)
        %dma_wait3A_154 = arith.constant 0 : i32
        %dma_wait3A_155 = arith.constant 0 : i32
        %dma_wait3A_156 = tpu.memref_slice %arg7[%dma_wait3A_154, %dma_wait3A_155] : memref<80x128xi32, #tpu.memory_space<vmem>> -> memref<20x128xi32, #tpu.memory_space<vmem>>
        %dma_wait3A_157 = arith.constant 2480 : i32
        %dma_wait3A_158 = arith.constant 0 : i32
        %dma_wait3A_159 = tpu.memref_slice %arg4[%run_scoped3A_128, %dma_wait3A_157, %dma_wait3A_158] : memref<2x2500x128xi32, #tpu.memory_space<hbm>> -> memref<1x20x128xi32, #tpu.memory_space<hbm>>
        %dma_wait3A_160 = tpu.memref_squeeze %dma_wait3A_159 : memref<1x20x128xi32, #tpu.memory_space<hbm>> -> memref<20x128xi32, #tpu.memory_space<hbm>>
        %dma_wait3A_161 = arith.constant 0 : i32
        %dma_wait3A_162 = arith.constant 0 : i32
        %dma_wait3A_163 = tpu.memref_slice %arg7[%dma_wait3A_161, %dma_wait3A_162] : memref<80x128xi32, #tpu.memory_space<vmem>> -> memref<20x128xi32, #tpu.memory_space<vmem>>
        %dma_wait3A_164 = arith.constant 2480 : i32
        %dma_wait3A_165 = arith.constant 0 : i32
        %dma_wait3A_166 = tpu.memref_slice %arg4[%run_scoped3A_128, %dma_wait3A_164, %dma_wait3A_165] : memref<2x2500x128xi32, #tpu.memory_space<hbm>> -> memref<1x20x128xi32, #tpu.memory_space<hbm>>
        %dma_wait3A_167 = tpu.memref_squeeze %dma_wait3A_166 : memref<1x20x128xi32, #tpu.memory_space<hbm>> -> memref<20x128xi32, #tpu.memory_space<hbm>>
        tpu.wait_dma2 semaphore(%run_scoped3A_139 : memref<!tpu.dma_semaphore, #tpu.memory_space<semaphore_mem>>) src(%dma_wait3A_167 : memref<20x128xi32, #tpu.memory_space<hbm>>) dst(%dma_wait3A_163 : memref<20x128xi32, #tpu.memory_space<vmem>>)
        tpu.yield
      }) : () -> ()
      %run_scoped3A_129 = arith.constant 1 : i32
      "tpu.region"() ({
        %run_scoped3A_139 = tpu.sem_alloc : memref<!tpu.dma_semaphore, #tpu.memory_space<semaphore_mem>>
        %dma_start3A_140 = arith.constant 0 : i32
        %dma_start3A_141 = arith.constant 0 : i32
        %dma_start3A_142 = tpu.memref_slice %arg8[%dma_start3A_140, %dma_start3A_141] : memref<80x128xi32, #tpu.memory_space<vmem>> -> memref<20x128xi32, #tpu.memory_space<vmem>>
        %dma_start3A_143 = arith.constant 2480 : i32
        %dma_start3A_144 = arith.constant 0 : i32
        %dma_start3A_145 = tpu.memref_slice %arg4[%run_scoped3A_129, %dma_start3A_143, %dma_start3A_144] : memref<2x2500x128xi32, #tpu.memory_space<hbm>> -> memref<1x20x128xi32, #tpu.memory_space<hbm>>
        %dma_start3A_146 = tpu.memref_squeeze %dma_start3A_145 : memref<1x20x128xi32, #tpu.memory_space<hbm>> -> memref<20x128xi32, #tpu.memory_space<hbm>>
        %dma_start3A_147 = arith.constant 0 : i32
        %dma_start3A_148 = arith.constant 0 : i32
        %dma_start3A_149 = tpu.memref_slice %arg8[%dma_start3A_147, %dma_start3A_148] : memref<80x128xi32, #tpu.memory_space<vmem>> -> memref<20x128xi32, #tpu.memory_space<vmem>>
        %dma_start3A_150 = arith.constant 2480 : i32
        %dma_start3A_151 = arith.constant 0 : i32
        %dma_start3A_152 = tpu.memref_slice %arg4[%run_scoped3A_129, %dma_start3A_150, %dma_start3A_151] : memref<2x2500x128xi32, #tpu.memory_space<hbm>> -> memref<1x20x128xi32, #tpu.memory_space<hbm>>
        %dma_start3A_153 = tpu.memref_squeeze %dma_start3A_152 : memref<1x20x128xi32, #tpu.memory_space<hbm>> -> memref<20x128xi32, #tpu.memory_space<hbm>>
        tpu.enqueue_dma source(%dma_start3A_153 : memref<20x128xi32, #tpu.memory_space<hbm>>) target(%dma_start3A_149 : memref<20x128xi32, #tpu.memory_space<vmem>>) target_semaphore(%run_scoped3A_139 : memref<!tpu.dma_semaphore, #tpu.memory_space<semaphore_mem>>)
        %dma_wait3A_154 = arith.constant 0 : i32
        %dma_wait3A_155 = arith.constant 0 : i32
        %dma_wait3A_156 = tpu.memref_slice %arg8[%dma_wait3A_154, %dma_wait3A_155] : memref<80x128xi32, #tpu.memory_space<vmem>> -> memref<20x128xi32, #tpu.memory_space<vmem>>
        %dma_wait3A_157 = arith.constant 2480 : i32
        %dma_wait3A_158 = arith.constant 0 : i32
        %dma_wait3A_159 = tpu.memref_slice %arg4[%run_scoped3A_129, %dma_wait3A_157, %dma_wait3A_158] : memref<2x2500x128xi32, #tpu.memory_space<hbm>> -> memref<1x20x128xi32, #tpu.memory_space<hbm>>
        %dma_wait3A_160 = tpu.memref_squeeze %dma_wait3A_159 : memref<1x20x128xi32, #tpu.memory_space<hbm>> -> memref<20x128xi32, #tpu.memory_space<hbm>>
        %dma_wait3A_161 = arith.constant 0 : i32
        %dma_wait3A_162 = arith.constant 0 : i32
        %dma_wait3A_163 = tpu.memref_slice %arg8[%dma_wait3A_161, %dma_wait3A_162] : memref<80x128xi32, #tpu.memory_space<vmem>> -> memref<20x128xi32, #tpu.memory_space<vmem>>
        %dma_wait3A_164 = arith.constant 2480 : i32
        %dma_wait3A_165 = arith.constant 0 : i32
        %dma_wait3A_166 = tpu.memref_slice %arg4[%run_scoped3A_129, %dma_wait3A_164, %dma_wait3A_165] : memref<2x2500x128xi32, #tpu.memory_space<hbm>> -> memref<1x20x128xi32, #tpu.memory_space<hbm>>
        %dma_wait3A_167 = tpu.memref_squeeze %dma_wait3A_166 : memref<1x20x128xi32, #tpu.memory_space<hbm>> -> memref<20x128xi32, #tpu.memory_space<hbm>>
        tpu.wait_dma2 semaphore(%run_scoped3A_139 : memref<!tpu.dma_semaphore, #tpu.memory_space<semaphore_mem>>) src(%dma_wait3A_167 : memref<20x128xi32, #tpu.memory_space<hbm>>) dst(%dma_wait3A_163 : memref<20x128xi32, #tpu.memory_space<vmem>>)
        tpu.yield
      }) : () -> ()
      %broadcast_in_dim3A = arith.constant 0 : i32
      %broadcast_in_dim3A_130 = vector.broadcast %broadcast_in_dim3A : i32 to vector<16xi32>
      %broadcast_in_dim3A_131 = arith.constant 10000 : i32
      %broadcast_in_dim3A_132 = vector.broadcast %broadcast_in_dim3A_131 : i32 to vector<16xi32>
      %scan3A_133 = arith.constant 0 : i32
      %scan3A_134 = arith.constant 20 : i32
      %scan3A_135 = arith.constant 60 : i32
      %scan3A_136 = arith.addi %scan3A_134, %scan3A_135 : i32
      %scan3A_137 = arith.constant 1 : i32
      scf.for %scan3A_139 = %scan3A_134 to %scan3A_136 step %scan3A_137  : i32 {
        %swap3A = arith.index_cast %scan3A_139 : i32 to index
        %swap3A_140 = arith.constant 0 : index
        %swap3A_141 = tpu.vector_load %arg7[%swap3A, %swap3A_140] {strides = array<i32>} : memref<80x128xi32, #tpu.memory_space<vmem>>, vector<16xi32>,
        tpu.vector_store %arg7[%swap3A, %swap3A_140], %broadcast_in_dim3A_130 {strides = array<i32>} : memref<80x128xi32, #tpu.memory_space<vmem>>, vector<16xi32>,
        %swap3A_142 = arith.index_cast %scan3A_139 : i32 to index
        %swap3A_143 = arith.constant 0 : index
        %swap3A_144 = tpu.vector_load %arg8[%swap3A_142, %swap3A_143] {strides = array<i32>} : memref<80x128xi32, #tpu.memory_space<vmem>>, vector<16xi32>,
        tpu.vector_store %arg8[%swap3A_142, %swap3A_143], %broadcast_in_dim3A_132 {strides = array<i32>} : memref<80x128xi32, #tpu.memory_space<vmem>>, vector<16xi32>,
        %swap3A_145 = arith.index_cast %scan3A_139 : i32 to index
        %swap3A_146 = arith.constant 16 : index
        %swap3A_147 = tpu.vector_load %arg7[%swap3A_145, %swap3A_146] {strides = array<i32>} : memref<80x128xi32, #tpu.memory_space<vmem>>, vector<16xi32>,
        tpu.vector_store %arg7[%swap3A_145, %swap3A_146], %broadcast_in_dim3A_130 {strides = array<i32>} : memref<80x128xi32, #tpu.memory_space<vmem>>, vector<16xi32>,
        %swap3A_148 = arith.index_cast %scan3A_139 : i32 to index
        %swap3A_149 = arith.constant 16 : index
        %swap3A_150 = tpu.vector_load %arg8[%swap3A_148, %swap3A_149] {strides = array<i32>} : memref<80x128xi32, #tpu.memory_space<vmem>>, vector<16xi32>,
        tpu.vector_store %arg8[%swap3A_148, %swap3A_149], %broadcast_in_dim3A_132 {strides = array<i32>} : memref<80x128xi32, #tpu.memory_space<vmem>>, vector<16xi32>,
        %swap3A_151 = arith.index_cast %scan3A_139 : i32 to index
        %swap3A_152 = arith.constant 32 : index
        %swap3A_153 = tpu.vector_load %arg7[%swap3A_151, %swap3A_152] {strides = array<i32>} : memref<80x128xi32, #tpu.memory_space<vmem>>, vector<16xi32>,
        tpu.vector_store %arg7[%swap3A_151, %swap3A_152], %broadcast_in_dim3A_130 {strides = array<i32>} : memref<80x128xi32, #tpu.memory_space<vmem>>, vector<16xi32>,
        %swap3A_154 = arith.index_cast %scan3A_139 : i32 to index
        %swap3A_155 = arith.constant 32 : index
        %swap3A_156 = tpu.vector_load %arg8[%swap3A_154, %swap3A_155] {strides = array<i32>} : memref<80x128xi32, #tpu.memory_space<vmem>>, vector<16xi32>,
        tpu.vector_store %arg8[%swap3A_154, %swap3A_155], %broadcast_in_dim3A_132 {strides = array<i32>} : memref<80x128xi32, #tpu.memory_space<vmem>>, vector<16xi32>,
        %swap3A_157 = arith.index_cast %scan3A_139 : i32 to index
        %swap3A_158 = arith.constant 48 : index
        %swap3A_159 = tpu.vector_load %arg7[%swap3A_157, %swap3A_158] {strides = array<i32>} : memref<80x128xi32, #tpu.memory_space<vmem>>, vector<16xi32>,
        tpu.vector_store %arg7[%swap3A_157, %swap3A_158], %broadcast_in_dim3A_130 {strides = array<i32>} : memref<80x128xi32, #tpu.memory_space<vmem>>, vector<16xi32>,
        %swap3A_160 = arith.index_cast %scan3A_139 : i32 to index
        %swap3A_161 = arith.constant 48 : index
        %swap3A_162 = tpu.vector_load %arg8[%swap3A_160, %swap3A_161] {strides = array<i32>} : memref<80x128xi32, #tpu.memory_space<vmem>>, vector<16xi32>,
        tpu.vector_store %arg8[%swap3A_160, %swap3A_161], %broadcast_in_dim3A_132 {strides = array<i32>} : memref<80x128xi32, #tpu.memory_space<vmem>>, vector<16xi32>,
        %swap3A_163 = arith.index_cast %scan3A_139 : i32 to index
        %swap3A_164 = arith.constant 64 : index
        %swap3A_165 = tpu.vector_load %arg7[%swap3A_163, %swap3A_164] {strides = array<i32>} : memref<80x128xi32, #tpu.memory_space<vmem>>, vector<16xi32>,
        tpu.vector_store %arg7[%swap3A_163, %swap3A_164], %broadcast_in_dim3A_130 {strides = array<i32>} : memref<80x128xi32, #tpu.memory_space<vmem>>, vector<16xi32>,
        %swap3A_166 = arith.index_cast %scan3A_139 : i32 to index
        %swap3A_167 = arith.constant 64 : index
        %swap3A_168 = tpu.vector_load %arg8[%swap3A_166, %swap3A_167] {strides = array<i32>} : memref<80x128xi32, #tpu.memory_space<vmem>>, vector<16xi32>,
        tpu.vector_store %arg8[%swap3A_166, %swap3A_167], %broadcast_in_dim3A_132 {strides = array<i32>} : memref<80x128xi32, #tpu.memory_space<vmem>>, vector<16xi32>,
        %swap3A_169 = arith.index_cast %scan3A_139 : i32 to index
        %swap3A_170 = arith.constant 80 : index
        %swap3A_171 = tpu.vector_load %arg7[%swap3A_169, %swap3A_170] {strides = array<i32>} : memref<80x128xi32, #tpu.memory_space<vmem>>, vector<16xi32>,
        tpu.vector_store %arg7[%swap3A_169, %swap3A_170], %broadcast_in_dim3A_130 {strides = array<i32>} : memref<80x128xi32, #tpu.memory_space<vmem>>, vector<16xi32>,
        %swap3A_172 = arith.index_cast %scan3A_139 : i32 to index
        %swap3A_173 = arith.constant 80 : index
        %swap3A_174 = tpu.vector_load %arg8[%swap3A_172, %swap3A_173] {strides = array<i32>} : memref<80x128xi32, #tpu.memory_space<vmem>>, vector<16xi32>,
        tpu.vector_store %arg8[%swap3A_172, %swap3A_173], %broadcast_in_dim3A_132 {strides = array<i32>} : memref<80x128xi32, #tpu.memory_space<vmem>>, vector<16xi32>,
        %swap3A_175 = arith.index_cast %scan3A_139 : i32 to index
        %swap3A_176 = arith.constant 96 : index
        %swap3A_177 = tpu.vector_load %arg7[%swap3A_175, %swap3A_176] {strides = array<i32>} : memref<80x128xi32, #tpu.memory_space<vmem>>, vector<16xi32>,
        tpu.vector_store %arg7[%swap3A_175, %swap3A_176], %broadcast_in_dim3A_130 {strides = array<i32>} : memref<80x128xi32, #tpu.memory_space<vmem>>, vector<16xi32>,
        %swap3A_178 = arith.index_cast %scan3A_139 : i32 to index
        %swap3A_179 = arith.constant 96 : index
        %swap3A_180 = tpu.vector_load %arg8[%swap3A_178, %swap3A_179] {strides = array<i32>} : memref<80x128xi32, #tpu.memory_space<vmem>>, vector<16xi32>,
        tpu.vector_store %arg8[%swap3A_178, %swap3A_179], %broadcast_in_dim3A_132 {strides = array<i32>} : memref<80x128xi32, #tpu.memory_space<vmem>>, vector<16xi32>,
        %swap3A_181 = arith.index_cast %scan3A_139 : i32 to index
        %swap3A_182 = arith.constant 112 : index
        %swap3A_183 = tpu.vector_load %arg7[%swap3A_181, %swap3A_182] {strides = array<i32>} : memref<80x128xi32, #tpu.memory_space<vmem>>, vector<16xi32>,
        tpu.vector_store %arg7[%swap3A_181, %swap3A_182], %broadcast_in_dim3A_130 {strides = array<i32>} : memref<80x128xi32, #tpu.memory_space<vmem>>, vector<16xi32>,
        %swap3A_184 = arith.index_cast %scan3A_139 : i32 to index
        %swap3A_185 = arith.constant 112 : index
        %swap3A_186 = tpu.vector_load %arg8[%swap3A_184, %swap3A_185] {strides = array<i32>} : memref<80x128xi32, #tpu.memory_space<vmem>>, vector<16xi32>,
        tpu.vector_store %arg8[%swap3A_184, %swap3A_185], %broadcast_in_dim3A_132 {strides = array<i32>} : memref<80x128xi32, #tpu.memory_space<vmem>>, vector<16xi32>,
      }
      %scan3A_138 = arith.constant 60 : i32
    } else {
    }
    %mul3A_7 = arith.constant 632 : i32
    %mul3A_8 = arith.muli %arg1, %mul3A_7 : i32
    "tpu.region"() ({
      %run_scoped3A_128 = tpu.sem_alloc : memref<!tpu.dma_semaphore, #tpu.memory_space<semaphore_mem>>
      %dma_start3A_129 = arith.constant 0 : i32
      %dma_start3A_130 = tpu.memref_slice %arg13[%mul3A_8, %dma_start3A_129] : memref<10112x16xf32, #tpu.memory_space<vmem_shared>> -> memref<632x16xf32, #tpu.memory_space<vmem_shared>>
      tpu.enqueue_dma source(%arg5 : memref<632x16xf32, #tpu.memory_space<hbm>>) target(%dma_start3A_130 : memref<632x16xf32, #tpu.memory_space<vmem_shared>>) target_semaphore(%run_scoped3A_128 : memref<!tpu.dma_semaphore, #tpu.memory_space<semaphore_mem>>)
      %dma_wait3A_131 = arith.constant 0 : i32
      %dma_wait3A_132 = tpu.memref_slice %arg13[%mul3A_8, %dma_wait3A_131] : memref<10112x16xf32, #tpu.memory_space<vmem_shared>> -> memref<632x16xf32, #tpu.memory_space<vmem_shared>>
      tpu.wait_dma2 semaphore(%run_scoped3A_128 : memref<!tpu.dma_semaphore, #tpu.memory_space<semaphore_mem>>) src(%arg5 : memref<632x16xf32, #tpu.memory_space<hbm>>) dst(%dma_wait3A_132 : memref<632x16xf32, #tpu.memory_space<vmem_shared>>)
      tpu.yield
    }) : () -> ()
    "tpu.region"() ({
      %run_scoped3A_128 = tpu.sem_alloc : memref<!tpu.dma_semaphore, #tpu.memory_space<semaphore_mem>>
      %dma_start3A_129 = arith.constant 0 : i32
      %dma_start3A_130 = tpu.memref_slice %arg2[%mul3A_8, %dma_start3A_129] : memref<10112x16xf32, #tpu.memory_space<hbm>> -> memref<632x16xf32, #tpu.memory_space<hbm>>
      %dma_start3A_131 = arith.constant 0 : i32
      %dma_start3A_132 = tpu.memref_slice %arg2[%mul3A_8, %dma_start3A_131] : memref<10112x16xf32, #tpu.memory_space<hbm>> -> memref<632x16xf32, #tpu.memory_space<hbm>>
      tpu.enqueue_dma source(%dma_start3A_132 : memref<632x16xf32, #tpu.memory_space<hbm>>) target(%arg10 : memref<632x16xf32, #tpu.memory_space<vmem>>) target_semaphore(%run_scoped3A_128 : memref<!tpu.dma_semaphore, #tpu.memory_space<semaphore_mem>>)
      %dma_wait3A_133 = arith.constant 0 : i32
      %dma_wait3A_134 = tpu.memref_slice %arg2[%mul3A_8, %dma_wait3A_133] : memref<10112x16xf32, #tpu.memory_space<hbm>> -> memref<632x16xf32, #tpu.memory_space<hbm>>
      %dma_wait3A_135 = arith.constant 0 : i32
      %dma_wait3A_136 = tpu.memref_slice %arg2[%mul3A_8, %dma_wait3A_135] : memref<10112x16xf32, #tpu.memory_space<hbm>> -> memref<632x16xf32, #tpu.memory_space<hbm>>
      tpu.wait_dma2 semaphore(%run_scoped3A_128 : memref<!tpu.dma_semaphore, #tpu.memory_space<semaphore_mem>>) src(%dma_wait3A_136 : memref<632x16xf32, #tpu.memory_space<hbm>>) dst(%arg10 : memref<632x16xf32, #tpu.memory_space<vmem>>)
      tpu.yield
    }) : () -> ()
    %run_scoped3A = arith.constant 0 : i32
    "tpu.region"() ({
      %run_scoped3A_128 = tpu.sem_alloc : memref<!tpu.dma_semaphore, #tpu.memory_space<semaphore_mem>>
      %dma_start3A_129 = arith.constant 0 : i32
      %dma_start3A_130 = tpu.memref_slice %arg3[%run_scoped3A, %mul3A_8, %dma_start3A_129] : memref<2x10112x16xf32, #tpu.memory_space<hbm>> -> memref<1x632x16xf32, #tpu.memory_space<hbm>>
      %dma_start3A_131 = tpu.memref_squeeze %dma_start3A_130 : memref<1x632x16xf32, #tpu.memory_space<hbm>> -> memref<632x16xf32, #tpu.memory_space<hbm>>
      %dma_start3A_132 = arith.constant 0 : i32
      %dma_start3A_133 = tpu.memref_slice %arg3[%run_scoped3A, %mul3A_8, %dma_start3A_132] : memref<2x10112x16xf32, #tpu.memory_space<hbm>> -> memref<1x632x16xf32, #tpu.memory_space<hbm>>
      %dma_start3A_134 = tpu.memref_squeeze %dma_start3A_133 : memref<1x632x16xf32, #tpu.memory_space<hbm>> -> memref<632x16xf32, #tpu.memory_space<hbm>>
      tpu.enqueue_dma source(%dma_start3A_134 : memref<632x16xf32, #tpu.memory_space<hbm>>) target(%arg11 : memref<632x16xf32, #tpu.memory_space<vmem>>) target_semaphore(%run_scoped3A_128 : memref<!tpu.dma_semaphore, #tpu.memory_space<semaphore_mem>>)
      %dma_wait3A_135 = arith.constant 0 : i32
      %dma_wait3A_136 = tpu.memref_slice %arg3[%run_scoped3A, %mul3A_8, %dma_wait3A_135] : memref<2x10112x16xf32, #tpu.memory_space<hbm>> -> memref<1x632x16xf32, #tpu.memory_space<hbm>>
      %dma_wait3A_137 = tpu.memref_squeeze %dma_wait3A_136 : memref<1x632x16xf32, #tpu.memory_space<hbm>> -> memref<632x16xf32, #tpu.memory_space<hbm>>
      %dma_wait3A_138 = arith.constant 0 : i32
      %dma_wait3A_139 = tpu.memref_slice %arg3[%run_scoped3A, %mul3A_8, %dma_wait3A_138] : memref<2x10112x16xf32, #tpu.memory_space<hbm>> -> memref<1x632x16xf32, #tpu.memory_space<hbm>>
      %dma_wait3A_140 = tpu.memref_squeeze %dma_wait3A_139 : memref<1x632x16xf32, #tpu.memory_space<hbm>> -> memref<632x16xf32, #tpu.memory_space<hbm>>
      tpu.wait_dma2 semaphore(%run_scoped3A_128 : memref<!tpu.dma_semaphore, #tpu.memory_space<semaphore_mem>>) src(%dma_wait3A_140 : memref<632x16xf32, #tpu.memory_space<hbm>>) dst(%arg11 : memref<632x16xf32, #tpu.memory_space<vmem>>)
      tpu.yield
    }) : () -> ()
    %run_scoped3A_9 = arith.constant 1 : i32
    "tpu.region"() ({
      %run_scoped3A_128 = tpu.sem_alloc : memref<!tpu.dma_semaphore, #tpu.memory_space<semaphore_mem>>
      %dma_start3A_129 = arith.constant 0 : i32
      %dma_start3A_130 = tpu.memref_slice %arg3[%run_scoped3A_9, %mul3A_8, %dma_start3A_129] : memref<2x10112x16xf32, #tpu.memory_space<hbm>> -> memref<1x632x16xf32, #tpu.memory_space<hbm>>
      %dma_start3A_131 = tpu.memref_squeeze %dma_start3A_130 : memref<1x632x16xf32, #tpu.memory_space<hbm>> -> memref<632x16xf32, #tpu.memory_space<hbm>>
      %dma_start3A_132 = arith.constant 0 : i32
      %dma_start3A_133 = tpu.memref_slice %arg3[%run_scoped3A_9, %mul3A_8, %dma_start3A_132] : memref<2x10112x16xf32, #tpu.memory_space<hbm>> -> memref<1x632x16xf32, #tpu.memory_space<hbm>>
      %dma_start3A_134 = tpu.memref_squeeze %dma_start3A_133 : memref<1x632x16xf32, #tpu.memory_space<hbm>> -> memref<632x16xf32, #tpu.memory_space<hbm>>
      tpu.enqueue_dma source(%dma_start3A_134 : memref<632x16xf32, #tpu.memory_space<hbm>>) target(%arg12 : memref<632x16xf32, #tpu.memory_space<vmem>>) target_semaphore(%run_scoped3A_128 : memref<!tpu.dma_semaphore, #tpu.memory_space<semaphore_mem>>)
      %dma_wait3A_135 = arith.constant 0 : i32
      %dma_wait3A_136 = tpu.memref_slice %arg3[%run_scoped3A_9, %mul3A_8, %dma_wait3A_135] : memref<2x10112x16xf32, #tpu.memory_space<hbm>> -> memref<1x632x16xf32, #tpu.memory_space<hbm>>
      %dma_wait3A_137 = tpu.memref_squeeze %dma_wait3A_136 : memref<1x632x16xf32, #tpu.memory_space<hbm>> -> memref<632x16xf32, #tpu.memory_space<hbm>>
      %dma_wait3A_138 = arith.constant 0 : i32
      %dma_wait3A_139 = tpu.memref_slice %arg3[%run_scoped3A_9, %mul3A_8, %dma_wait3A_138] : memref<2x10112x16xf32, #tpu.memory_space<hbm>> -> memref<1x632x16xf32, #tpu.memory_space<hbm>>
      %dma_wait3A_140 = tpu.memref_squeeze %dma_wait3A_139 : memref<1x632x16xf32, #tpu.memory_space<hbm>> -> memref<632x16xf32, #tpu.memory_space<hbm>>
      tpu.wait_dma2 semaphore(%run_scoped3A_128 : memref<!tpu.dma_semaphore, #tpu.memory_space<semaphore_mem>>) src(%dma_wait3A_140 : memref<632x16xf32, #tpu.memory_space<hbm>>) dst(%arg12 : memref<632x16xf32, #tpu.memory_space<vmem>>)
      tpu.yield
    }) : () -> ()
    %scan3A = arith.constant 0 : i32
    %scan3A_10 = arith.constant 0 : i32
    %scan3A_11 = arith.constant 158 : i32
    %scan3A_12 = arith.addi %scan3A_10, %scan3A_11 : i32
    %scan3A_13 = arith.constant 1 : i32
    scf.for %scan3A_128 = %scan3A_10 to %scan3A_12 step %scan3A_13  : i32 {
      %mul3A_129 = arith.constant 4 : i32
      %mul3A_130 = arith.muli %scan3A_128, %mul3A_129 : i32
      %add3A_131 = arith.constant 0 : i32
      %add3A_132 = arith.addi %mul3A_130, %add3A_131 : i32
      %get3A = arith.index_cast %add3A_132 : i32 to index
      %get3A_133 = arith.constant 0 : index
      %get3A_134 = tpu.vector_load %arg11[%get3A, %get3A_133] {strides = array<i32>} : memref<632x16xf32, #tpu.memory_space<vmem>>, vector<16xf32>,
      %get3A_135 = arith.index_cast %add3A_132 : i32 to index
      %get3A_136 = arith.constant 0 : index
      %get3A_137 = tpu.vector_load %arg12[%get3A_135, %get3A_136] {strides = array<i32>} : memref<632x16xf32, #tpu.memory_space<vmem>>, vector<16xf32>,
      %add3A_138 = arith.addf %get3A_134, %get3A_137 : vector<16xf32>
      %add3A_139 = arith.constant 1.000000e+00 : f32
      %add3A_140 = vector.broadcast %add3A_139 : f32 to vector<16xf32>
      %add3A_141 = arith.addf %add3A_138, %add3A_140 : vector<16xf32>
      %bitcast3A = vector.bitcast %add3A_141 : vector<16xf32> to vector<16xi32>
      %shift_right_arithmetic3A = arith.constant 1 : i32
      %shift_right_arithmetic3A_142 = vector.broadcast %shift_right_arithmetic3A : i32 to vector<16xi32>
      %shift_right_arithmetic3A_143 = arith.shrsi %bitcast3A, %shift_right_arithmetic3A_142 : vector<16xi32>
      %sub3A = arith.constant 1597463007 : i32
      %sub3A_144 = vector.broadcast %sub3A : i32 to vector<16xi32>
      %sub3A_145 = arith.subi %sub3A_144, %shift_right_arithmetic3A_143 : vector<16xi32>
      %bitcast3A_146 = vector.bitcast %sub3A_145 : vector<16xi32> to vector<16xf32>
      %mul3A_147 = arith.constant 5.000000e-01 : f32
      %mul3A_148 = vector.broadcast %mul3A_147 : f32 to vector<16xf32>
      %mul3A_149 = arith.mulf %mul3A_148, %add3A_141 : vector<16xf32>
      %mul3A_150 = arith.mulf %mul3A_149, %bitcast3A_146 : vector<16xf32>
      %mul3A_151 = arith.mulf %mul3A_150, %bitcast3A_146 : vector<16xf32>
      %sub3A_152 = arith.constant 1.500000e+00 : f32
      %sub3A_153 = vector.broadcast %sub3A_152 : f32 to vector<16xf32>
      %sub3A_154 = arith.subf %sub3A_153, %mul3A_151 : vector<16xf32>
      %mul3A_155 = arith.mulf %bitcast3A_146, %sub3A_154 : vector<16xf32>
      %mul3A_156 = arith.constant 5.000000e-01 : f32
      %mul3A_157 = vector.broadcast %mul3A_156 : f32 to vector<16xf32>
      %mul3A_158 = arith.mulf %mul3A_157, %add3A_141 : vector<16xf32>
      %mul3A_159 = arith.mulf %mul3A_158, %mul3A_155 : vector<16xf32>
      %mul3A_160 = arith.mulf %mul3A_159, %mul3A_155 : vector<16xf32>
      %sub3A_161 = arith.constant 1.500000e+00 : f32
      %sub3A_162 = vector.broadcast %sub3A_161 : f32 to vector<16xf32>
      %sub3A_163 = arith.subf %sub3A_162, %mul3A_160 : vector<16xf32>
      %mul3A_164 = arith.mulf %mul3A_155, %sub3A_163 : vector<16xf32>
      %mul3A_165 = arith.constant 5.000000e-01 : f32
      %mul3A_166 = vector.broadcast %mul3A_165 : f32 to vector<16xf32>
      %mul3A_167 = arith.mulf %mul3A_166, %add3A_141 : vector<16xf32>
      %mul3A_168 = arith.mulf %mul3A_167, %mul3A_164 : vector<16xf32>
      %mul3A_169 = arith.mulf %mul3A_168, %mul3A_164 : vector<16xf32>
      %sub3A_170 = arith.constant 1.500000e+00 : f32
      %sub3A_171 = vector.broadcast %sub3A_170 : f32 to vector<16xf32>
      %sub3A_172 = arith.subf %sub3A_171, %mul3A_169 : vector<16xf32>
      %mul3A_173 = arith.mulf %mul3A_164, %sub3A_172 : vector<16xf32>
      %get3A_174 = arith.index_cast %add3A_132 : i32 to index
      %get3A_175 = arith.constant 0 : index
      %get3A_176 = tpu.vector_load %arg10[%get3A_174, %get3A_175] {strides = array<i32>} : memref<632x16xf32, #tpu.memory_space<vmem>>, vector<16xf32>,
      %mul3A_177 = arith.mulf %get3A_176, %mul3A_173 : vector<16xf32>
      %swap3A = arith.index_cast %add3A_132 : i32 to index
      %swap3A_178 = arith.constant 0 : index
      %swap3A_179 = tpu.vector_load %arg10[%swap3A, %swap3A_178] {strides = array<i32>} : memref<632x16xf32, #tpu.memory_space<vmem>>, vector<16xf32>,
      tpu.vector_store %arg10[%swap3A, %swap3A_178], %mul3A_177 {strides = array<i32>} : memref<632x16xf32, #tpu.memory_space<vmem>>, vector<16xf32>,
      %mul3A_180 = arith.constant 4 : i32
      %mul3A_181 = arith.muli %scan3A_128, %mul3A_180 : i32
      %add3A_182 = arith.constant 1 : i32
      %add3A_183 = arith.addi %mul3A_181, %add3A_182 : i32
      %get3A_184 = arith.index_cast %add3A_183 : i32 to index
      %get3A_185 = arith.constant 0 : index
      %get3A_186 = tpu.vector_load %arg11[%get3A_184, %get3A_185] {strides = array<i32>} : memref<632x16xf32, #tpu.memory_space<vmem>>, vector<16xf32>,
      %get3A_187 = arith.index_cast %add3A_183 : i32 to index
      %get3A_188 = arith.constant 0 : index
      %get3A_189 = tpu.vector_load %arg12[%get3A_187, %get3A_188] {strides = array<i32>} : memref<632x16xf32, #tpu.memory_space<vmem>>, vector<16xf32>,
      %add3A_190 = arith.addf %get3A_186, %get3A_189 : vector<16xf32>
      %add3A_191 = arith.constant 1.000000e+00 : f32
      %add3A_192 = vector.broadcast %add3A_191 : f32 to vector<16xf32>
      %add3A_193 = arith.addf %add3A_190, %add3A_192 : vector<16xf32>
      %bitcast3A_194 = vector.bitcast %add3A_193 : vector<16xf32> to vector<16xi32>
      %shift_right_arithmetic3A_195 = arith.constant 1 : i32
      %shift_right_arithmetic3A_196 = vector.broadcast %shift_right_arithmetic3A_195 : i32 to vector<16xi32>
      %shift_right_arithmetic3A_197 = arith.shrsi %bitcast3A_194, %shift_right_arithmetic3A_196 : vector<16xi32>
      %sub3A_198 = arith.constant 1597463007 : i32
      %sub3A_199 = vector.broadcast %sub3A_198 : i32 to vector<16xi32>
      %sub3A_200 = arith.subi %sub3A_199, %shift_right_arithmetic3A_197 : vector<16xi32>
      %bitcast3A_201 = vector.bitcast %sub3A_200 : vector<16xi32> to vector<16xf32>
      %mul3A_202 = arith.constant 5.000000e-01 : f32
      %mul3A_203 = vector.broadcast %mul3A_202 : f32 to vector<16xf32>
      %mul3A_204 = arith.mulf %mul3A_203, %add3A_193 : vector<16xf32>
      %mul3A_205 = arith.mulf %mul3A_204, %bitcast3A_201 : vector<16xf32>
      %mul3A_206 = arith.mulf %mul3A_205, %bitcast3A_201 : vector<16xf32>
      %sub3A_207 = arith.constant 1.500000e+00 : f32
      %sub3A_208 = vector.broadcast %sub3A_207 : f32 to vector<16xf32>
      %sub3A_209 = arith.subf %sub3A_208, %mul3A_206 : vector<16xf32>
      %mul3A_210 = arith.mulf %bitcast3A_201, %sub3A_209 : vector<16xf32>
      %mul3A_211 = arith.constant 5.000000e-01 : f32
      %mul3A_212 = vector.broadcast %mul3A_211 : f32 to vector<16xf32>
      %mul3A_213 = arith.mulf %mul3A_212, %add3A_193 : vector<16xf32>
      %mul3A_214 = arith.mulf %mul3A_213, %mul3A_210 : vector<16xf32>
      %mul3A_215 = arith.mulf %mul3A_214, %mul3A_210 : vector<16xf32>
      %sub3A_216 = arith.constant 1.500000e+00 : f32
      %sub3A_217 = vector.broadcast %sub3A_216 : f32 to vector<16xf32>
      %sub3A_218 = arith.subf %sub3A_217, %mul3A_215 : vector<16xf32>
      %mul3A_219 = arith.mulf %mul3A_210, %sub3A_218 : vector<16xf32>
      %mul3A_220 = arith.constant 5.000000e-01 : f32
      %mul3A_221 = vector.broadcast %mul3A_220 : f32 to vector<16xf32>
      %mul3A_222 = arith.mulf %mul3A_221, %add3A_193 : vector<16xf32>
      %mul3A_223 = arith.mulf %mul3A_222, %mul3A_219 : vector<16xf32>
      %mul3A_224 = arith.mulf %mul3A_223, %mul3A_219 : vector<16xf32>
      %sub3A_225 = arith.constant 1.500000e+00 : f32
      %sub3A_226 = vector.broadcast %sub3A_225 : f32 to vector<16xf32>
      %sub3A_227 = arith.subf %sub3A_226, %mul3A_224 : vector<16xf32>
      %mul3A_228 = arith.mulf %mul3A_219, %sub3A_227 : vector<16xf32>
      %get3A_229 = arith.index_cast %add3A_183 : i32 to index
      %get3A_230 = arith.constant 0 : index
      %get3A_231 = tpu.vector_load %arg10[%get3A_229, %get3A_230] {strides = array<i32>} : memref<632x16xf32, #tpu.memory_space<vmem>>, vector<16xf32>,
      %mul3A_232 = arith.mulf %get3A_231, %mul3A_228 : vector<16xf32>
      %swap3A_233 = arith.index_cast %add3A_183 : i32 to index
      %swap3A_234 = arith.constant 0 : index
      %swap3A_235 = tpu.vector_load %arg10[%swap3A_233, %swap3A_234] {strides = array<i32>} : memref<632x16xf32, #tpu.memory_space<vmem>>, vector<16xf32>,
      tpu.vector_store %arg10[%swap3A_233, %swap3A_234], %mul3A_232 {strides = array<i32>} : memref<632x16xf32, #tpu.memory_space<vmem>>, vector<16xf32>,
      %mul3A_236 = arith.constant 4 : i32
      %mul3A_237 = arith.muli %scan3A_128, %mul3A_236 : i32
      %add3A_238 = arith.constant 2 : i32
      %add3A_239 = arith.addi %mul3A_237, %add3A_238 : i32
      %get3A_240 = arith.index_cast %add3A_239 : i32 to index
      %get3A_241 = arith.constant 0 : index
      %get3A_242 = tpu.vector_load %arg11[%get3A_240, %get3A_241] {strides = array<i32>} : memref<632x16xf32, #tpu.memory_space<vmem>>, vector<16xf32>,
      %get3A_243 = arith.index_cast %add3A_239 : i32 to index
      %get3A_244 = arith.constant 0 : index
      %get3A_245 = tpu.vector_load %arg12[%get3A_243, %get3A_244] {strides = array<i32>} : memref<632x16xf32, #tpu.memory_space<vmem>>, vector<16xf32>,
      %add3A_246 = arith.addf %get3A_242, %get3A_245 : vector<16xf32>
      %add3A_247 = arith.constant 1.000000e+00 : f32
      %add3A_248 = vector.broadcast %add3A_247 : f32 to vector<16xf32>
      %add3A_249 = arith.addf %add3A_246, %add3A_248 : vector<16xf32>
      %bitcast3A_250 = vector.bitcast %add3A_249 : vector<16xf32> to vector<16xi32>
      %shift_right_arithmetic3A_251 = arith.constant 1 : i32
      %shift_right_arithmetic3A_252 = vector.broadcast %shift_right_arithmetic3A_251 : i32 to vector<16xi32>
      %shift_right_arithmetic3A_253 = arith.shrsi %bitcast3A_250, %shift_right_arithmetic3A_252 : vector<16xi32>
      %sub3A_254 = arith.constant 1597463007 : i32
      %sub3A_255 = vector.broadcast %sub3A_254 : i32 to vector<16xi32>
      %sub3A_256 = arith.subi %sub3A_255, %shift_right_arithmetic3A_253 : vector<16xi32>
      %bitcast3A_257 = vector.bitcast %sub3A_256 : vector<16xi32> to vector<16xf32>
      %mul3A_258 = arith.constant 5.000000e-01 : f32
      %mul3A_259 = vector.broadcast %mul3A_258 : f32 to vector<16xf32>
      %mul3A_260 = arith.mulf %mul3A_259, %add3A_249 : vector<16xf32>
      %mul3A_261 = arith.mulf %mul3A_260, %bitcast3A_257 : vector<16xf32>
      %mul3A_262 = arith.mulf %mul3A_261, %bitcast3A_257 : vector<16xf32>
      %sub3A_263 = arith.constant 1.500000e+00 : f32
      %sub3A_264 = vector.broadcast %sub3A_263 : f32 to vector<16xf32>
      %sub3A_265 = arith.subf %sub3A_264, %mul3A_262 : vector<16xf32>
      %mul3A_266 = arith.mulf %bitcast3A_257, %sub3A_265 : vector<16xf32>
      %mul3A_267 = arith.constant 5.000000e-01 : f32
      %mul3A_268 = vector.broadcast %mul3A_267 : f32 to vector<16xf32>
      %mul3A_269 = arith.mulf %mul3A_268, %add3A_249 : vector<16xf32>
      %mul3A_270 = arith.mulf %mul3A_269, %mul3A_266 : vector<16xf32>
      %mul3A_271 = arith.mulf %mul3A_270, %mul3A_266 : vector<16xf32>
      %sub3A_272 = arith.constant 1.500000e+00 : f32
      %sub3A_273 = vector.broadcast %sub3A_272 : f32 to vector<16xf32>
      %sub3A_274 = arith.subf %sub3A_273, %mul3A_271 : vector<16xf32>
      %mul3A_275 = arith.mulf %mul3A_266, %sub3A_274 : vector<16xf32>
      %mul3A_276 = arith.constant 5.000000e-01 : f32
      %mul3A_277 = vector.broadcast %mul3A_276 : f32 to vector<16xf32>
      %mul3A_278 = arith.mulf %mul3A_277, %add3A_249 : vector<16xf32>
      %mul3A_279 = arith.mulf %mul3A_278, %mul3A_275 : vector<16xf32>
      %mul3A_280 = arith.mulf %mul3A_279, %mul3A_275 : vector<16xf32>
      %sub3A_281 = arith.constant 1.500000e+00 : f32
      %sub3A_282 = vector.broadcast %sub3A_281 : f32 to vector<16xf32>
      %sub3A_283 = arith.subf %sub3A_282, %mul3A_280 : vector<16xf32>
      %mul3A_284 = arith.mulf %mul3A_275, %sub3A_283 : vector<16xf32>
      %get3A_285 = arith.index_cast %add3A_239 : i32 to index
      %get3A_286 = arith.constant 0 : index
      %get3A_287 = tpu.vector_load %arg10[%get3A_285, %get3A_286] {strides = array<i32>} : memref<632x16xf32, #tpu.memory_space<vmem>>, vector<16xf32>,
      %mul3A_288 = arith.mulf %get3A_287, %mul3A_284 : vector<16xf32>
      %swap3A_289 = arith.index_cast %add3A_239 : i32 to index
      %swap3A_290 = arith.constant 0 : index
      %swap3A_291 = tpu.vector_load %arg10[%swap3A_289, %swap3A_290] {strides = array<i32>} : memref<632x16xf32, #tpu.memory_space<vmem>>, vector<16xf32>,
      tpu.vector_store %arg10[%swap3A_289, %swap3A_290], %mul3A_288 {strides = array<i32>} : memref<632x16xf32, #tpu.memory_space<vmem>>, vector<16xf32>,
      %mul3A_292 = arith.constant 4 : i32
      %mul3A_293 = arith.muli %scan3A_128, %mul3A_292 : i32
      %add3A_294 = arith.constant 3 : i32
      %add3A_295 = arith.addi %mul3A_293, %add3A_294 : i32
      %get3A_296 = arith.index_cast %add3A_295 : i32 to index
      %get3A_297 = arith.constant 0 : index
      %get3A_298 = tpu.vector_load %arg11[%get3A_296, %get3A_297] {strides = array<i32>} : memref<632x16xf32, #tpu.memory_space<vmem>>, vector<16xf32>,
      %get3A_299 = arith.index_cast %add3A_295 : i32 to index
      %get3A_300 = arith.constant 0 : index
      %get3A_301 = tpu.vector_load %arg12[%get3A_299, %get3A_300] {strides = array<i32>} : memref<632x16xf32, #tpu.memory_space<vmem>>, vector<16xf32>,
      %add3A_302 = arith.addf %get3A_298, %get3A_301 : vector<16xf32>
      %add3A_303 = arith.constant 1.000000e+00 : f32
      %add3A_304 = vector.broadcast %add3A_303 : f32 to vector<16xf32>
      %add3A_305 = arith.addf %add3A_302, %add3A_304 : vector<16xf32>
      %bitcast3A_306 = vector.bitcast %add3A_305 : vector<16xf32> to vector<16xi32>
      %shift_right_arithmetic3A_307 = arith.constant 1 : i32
      %shift_right_arithmetic3A_308 = vector.broadcast %shift_right_arithmetic3A_307 : i32 to vector<16xi32>
      %shift_right_arithmetic3A_309 = arith.shrsi %bitcast3A_306, %shift_right_arithmetic3A_308 : vector<16xi32>
      %sub3A_310 = arith.constant 1597463007 : i32
      %sub3A_311 = vector.broadcast %sub3A_310 : i32 to vector<16xi32>
      %sub3A_312 = arith.subi %sub3A_311, %shift_right_arithmetic3A_309 : vector<16xi32>
      %bitcast3A_313 = vector.bitcast %sub3A_312 : vector<16xi32> to vector<16xf32>
      %mul3A_314 = arith.constant 5.000000e-01 : f32
      %mul3A_315 = vector.broadcast %mul3A_314 : f32 to vector<16xf32>
      %mul3A_316 = arith.mulf %mul3A_315, %add3A_305 : vector<16xf32>
      %mul3A_317 = arith.mulf %mul3A_316, %bitcast3A_313 : vector<16xf32>
      %mul3A_318 = arith.mulf %mul3A_317, %bitcast3A_313 : vector<16xf32>
      %sub3A_319 = arith.constant 1.500000e+00 : f32
      %sub3A_320 = vector.broadcast %sub3A_319 : f32 to vector<16xf32>
      %sub3A_321 = arith.subf %sub3A_320, %mul3A_318 : vector<16xf32>
      %mul3A_322 = arith.mulf %bitcast3A_313, %sub3A_321 : vector<16xf32>
      %mul3A_323 = arith.constant 5.000000e-01 : f32
      %mul3A_324 = vector.broadcast %mul3A_323 : f32 to vector<16xf32>
      %mul3A_325 = arith.mulf %mul3A_324, %add3A_305 : vector<16xf32>
      %mul3A_326 = arith.mulf %mul3A_325, %mul3A_322 : vector<16xf32>
      %mul3A_327 = arith.mulf %mul3A_326, %mul3A_322 : vector<16xf32>
      %sub3A_328 = arith.constant 1.500000e+00 : f32
      %sub3A_329 = vector.broadcast %sub3A_328 : f32 to vector<16xf32>
      %sub3A_330 = arith.subf %sub3A_329, %mul3A_327 : vector<16xf32>
      %mul3A_331 = arith.mulf %mul3A_322, %sub3A_330 : vector<16xf32>
      %mul3A_332 = arith.constant 5.000000e-01 : f32
      %mul3A_333 = vector.broadcast %mul3A_332 : f32 to vector<16xf32>
      %mul3A_334 = arith.mulf %mul3A_333, %add3A_305 : vector<16xf32>
      %mul3A_335 = arith.mulf %mul3A_334, %mul3A_331 : vector<16xf32>
      %mul3A_336 = arith.mulf %mul3A_335, %mul3A_331 : vector<16xf32>
      %sub3A_337 = arith.constant 1.500000e+00 : f32
      %sub3A_338 = vector.broadcast %sub3A_337 : f32 to vector<16xf32>
      %sub3A_339 = arith.subf %sub3A_338, %mul3A_336 : vector<16xf32>
      %mul3A_340 = arith.mulf %mul3A_331, %sub3A_339 : vector<16xf32>
      %get3A_341 = arith.index_cast %add3A_295 : i32 to index
      %get3A_342 = arith.constant 0 : index
      %get3A_343 = tpu.vector_load %arg10[%get3A_341, %get3A_342] {strides = array<i32>} : memref<632x16xf32, #tpu.memory_space<vmem>>, vector<16xf32>,
      %mul3A_344 = arith.mulf %get3A_343, %mul3A_340 : vector<16xf32>
      %swap3A_345 = arith.index_cast %add3A_295 : i32 to index
      %swap3A_346 = arith.constant 0 : index
      %swap3A_347 = tpu.vector_load %arg10[%swap3A_345, %swap3A_346] {strides = array<i32>} : memref<632x16xf32, #tpu.memory_space<vmem>>, vector<16xf32>,
      tpu.vector_store %arg10[%swap3A_345, %swap3A_346], %mul3A_344 {strides = array<i32>} : memref<632x16xf32, #tpu.memory_space<vmem>>, vector<16xf32>,
    }
    %scan3A_14 = arith.constant 158 : i32
    "tpu.region"() ({
      %run_scoped3A_128 = tpu.sem_alloc : memref<!tpu.dma_semaphore, #tpu.memory_space<semaphore_mem>>
      %dma_start3A_129 = arith.constant 0 : i32
      %dma_start3A_130 = tpu.memref_slice %arg14[%mul3A_8, %dma_start3A_129] : memref<10112x16xf32, #tpu.memory_space<vmem_shared>> -> memref<632x16xf32, #tpu.memory_space<vmem_shared>>
      %dma_start3A_131 = arith.constant 0 : i32
      %dma_start3A_132 = tpu.memref_slice %arg14[%mul3A_8, %dma_start3A_131] : memref<10112x16xf32, #tpu.memory_space<vmem_shared>> -> memref<632x16xf32, #tpu.memory_space<vmem_shared>>
      tpu.enqueue_dma source(%arg10 : memref<632x16xf32, #tpu.memory_space<vmem>>) target(%dma_start3A_132 : memref<632x16xf32, #tpu.memory_space<vmem_shared>>) target_semaphore(%run_scoped3A_128 : memref<!tpu.dma_semaphore, #tpu.memory_space<semaphore_mem>>)
      %dma_wait3A_133 = arith.constant 0 : i32
      %dma_wait3A_134 = tpu.memref_slice %arg14[%mul3A_8, %dma_wait3A_133] : memref<10112x16xf32, #tpu.memory_space<vmem_shared>> -> memref<632x16xf32, #tpu.memory_space<vmem_shared>>
      %dma_wait3A_135 = arith.constant 0 : i32
      %dma_wait3A_136 = tpu.memref_slice %arg14[%mul3A_8, %dma_wait3A_135] : memref<10112x16xf32, #tpu.memory_space<vmem_shared>> -> memref<632x16xf32, #tpu.memory_space<vmem_shared>>
      tpu.wait_dma2 semaphore(%run_scoped3A_128 : memref<!tpu.dma_semaphore, #tpu.memory_space<semaphore_mem>>) src(%arg10 : memref<632x16xf32, #tpu.memory_space<vmem>>) dst(%dma_wait3A_136 : memref<632x16xf32, #tpu.memory_space<vmem_shared>>)
      tpu.yield
    }) : () -> ()
    %barrier3A = arith.constant 0 : index
    tpu.barrier barrier_id(%barrier3A)
    %dma_start3A = arith.constant 0 : i32
    %dma_start3A_15 = arith.constant 0 : i32
    %dma_start3A_16 = arith.constant 0 : i32
    %dma_start3A_17 = arith.constant 0 : i32
    %dma_start3A_18 = tpu.memref_slice %arg9[%dma_start3A_15, %dma_start3A_16, %dma_start3A_17] : memref<8x128x16xf32, #tpu.memory_space<vmem>> -> memref<1x128x16xf32, #tpu.memory_space<vmem>>
    %dma_start3A_19 = tpu.memref_squeeze %dma_start3A_18 : memref<1x128x16xf32, #tpu.memory_space<vmem>> -> memref<128x16xf32, #tpu.memory_space<vmem>>
    %dma_start3A_20 = arith.constant 0 : i32
    %dma_start3A_21 = tpu.memref_slice %arg7[%dma_start3A, %dma_start3A_20] : memref<80x128xi32, #tpu.memory_space<vmem>> -> memref<1x128xi32, #tpu.memory_space<vmem>>
    %dma_start3A_22 = tpu.memref_squeeze %dma_start3A_21 : memref<1x128xi32, #tpu.memory_space<vmem>> -> memref<128xi32, #tpu.memory_space<vmem>>
    %dma_start3A_23 = arith.constant 0 : i32
    %dma_start3A_24 = arith.constant 0 : i32
    %dma_start3A_25 = tpu.memref_slice %arg14[%dma_start3A_23, %dma_start3A_24] : memref<10112x16xf32, #tpu.memory_space<vmem_shared>> -> memref<10112x16xf32, #tpu.memory_space<vmem_shared>>
    tpu.enqueue_indirect_dma source(%dma_start3A_25 : memref<10112x16xf32, #tpu.memory_space<vmem_shared>>) target(%dma_start3A_19 : memref<128x16xf32, #tpu.memory_space<vmem>>) offsets(%dma_start3A_22 : memref<128xi32, #tpu.memory_space<vmem>>) semaphore(%arg15 : memref<!tpu.dma_semaphore, #tpu.memory_space<semaphore_mem>>)
    %scan3A_26 = arith.constant 0 : i32
    %scan3A_27 = arith.constant 0 : i32
    %scan3A_28 = arith.constant 10 : i32
    %scan3A_29 = arith.addi %scan3A_27, %scan3A_28 : i32
    %scan3A_30 = arith.constant 1 : i32
    scf.for %scan3A_128 = %scan3A_27 to %scan3A_29 step %scan3A_30  : i32 {
      %mul3A_129 = arith.constant 8 : i32
      %mul3A_130 = arith.muli %scan3A_128, %mul3A_129 : i32
      %add3A_131 = arith.constant 0 : i32
      %add3A_132 = arith.addi %mul3A_130, %add3A_131 : i32
      %add3A_133 = arith.constant 1 : i32
      %add3A_134 = arith.addi %add3A_132, %add3A_133 : i32
      %dma_wait3A_135 = arith.constant 0 : i32
      %dma_wait3A_136 = arith.constant 0 : i32
      %dma_wait3A_137 = arith.constant 0 : i32
      %dma_wait3A_138 = tpu.memref_slice %arg9[%dma_wait3A_135, %dma_wait3A_136, %dma_wait3A_137] : memref<8x128x16xf32, #tpu.memory_space<vmem>> -> memref<1x128x16xf32, #tpu.memory_space<vmem>>
      %dma_wait3A_139 = tpu.memref_squeeze %dma_wait3A_138 : memref<1x128x16xf32, #tpu.memory_space<vmem>> -> memref<128x16xf32, #tpu.memory_space<vmem>>
      %dma_wait3A_140 = arith.constant 0 : i32
      %dma_wait3A_141 = tpu.memref_slice %arg7[%add3A_132, %dma_wait3A_140] : memref<80x128xi32, #tpu.memory_space<vmem>> -> memref<1x128xi32, #tpu.memory_space<vmem>>
      %dma_wait3A_142 = tpu.memref_squeeze %dma_wait3A_141 : memref<1x128xi32, #tpu.memory_space<vmem>> -> memref<128xi32, #tpu.memory_space<vmem>>
      %dma_wait3A_143 = arith.constant 0 : i32
      %dma_wait3A_144 = arith.constant 0 : i32
      %dma_wait3A_145 = tpu.memref_slice %arg14[%dma_wait3A_143, %dma_wait3A_144] : memref<10112x16xf32, #tpu.memory_space<vmem_shared>> -> memref<10112x16xf32, #tpu.memory_space<vmem_shared>>
      tpu.wait_indirect_dma semaphore(%arg15 : memref<!tpu.dma_semaphore, #tpu.memory_space<semaphore_mem>>) src(%dma_wait3A_145 : memref<10112x16xf32, #tpu.memory_space<vmem_shared>>) dst(%dma_wait3A_139 : memref<128x16xf32, #tpu.memory_space<vmem>>)
      %dma_start3A_146 = arith.constant 0 : i32
      %dma_start3A_147 = arith.constant 0 : i32
      %dma_start3A_148 = arith.constant 0 : i32
      %dma_start3A_149 = tpu.memref_slice %arg9[%dma_start3A_146, %dma_start3A_147, %dma_start3A_148] : memref<8x128x16xf32, #tpu.memory_space<vmem>> -> memref<1x128x16xf32, #tpu.memory_space<vmem>>
      %dma_start3A_150 = tpu.memref_squeeze %dma_start3A_149 : memref<1x128x16xf32, #tpu.memory_space<vmem>> -> memref<128x16xf32, #tpu.memory_space<vmem>>
      %dma_start3A_151 = arith.constant 0 : i32
      %dma_start3A_152 = tpu.memref_slice %arg8[%add3A_132, %dma_start3A_151] : memref<80x128xi32, #tpu.memory_space<vmem>> -> memref<1x128xi32, #tpu.memory_space<vmem>>
      %dma_start3A_153 = tpu.memref_squeeze %dma_start3A_152 : memref<1x128xi32, #tpu.memory_space<vmem>> -> memref<128xi32, #tpu.memory_space<vmem>>
      %dma_start3A_154 = arith.constant 0 : i32
      %dma_start3A_155 = arith.constant 0 : i32
      %dma_start3A_156 = tpu.memref_slice %arg13[%dma_start3A_154, %dma_start3A_155] : memref<10112x16xf32, #tpu.memory_space<vmem_shared>> -> memref<10112x16xf32, #tpu.memory_space<vmem_shared>>
      tpu.enqueue_indirect_dma source(%dma_start3A_150 : memref<128x16xf32, #tpu.memory_space<vmem>>) target(%dma_start3A_156 : memref<10112x16xf32, #tpu.memory_space<vmem_shared>>) offsets(%dma_start3A_153 : memref<128xi32, #tpu.memory_space<vmem>>) semaphore(%arg23 : memref<!tpu.dma_semaphore, #tpu.memory_space<semaphore_mem>>) {add = true}
      %ge3A = arith.constant 8 : i32
      %ge3A_157 = arith.cmpi sge, %add3A_134, %ge3A : i32
      %lt3A_158 = arith.constant 80 : i32
      %lt3A_159 = arith.cmpi slt, %add3A_134, %lt3A_158 : i32
      %and3A = arith.andi %ge3A_157, %lt3A_159 : i1
      %convert_element_type3A_160 = arith.extui %and3A : i1 to i32
      %cond3A_161 = arith.constant 0 : i32
      %cond3A_162 = arith.cmpi ne, %convert_element_type3A_160, %cond3A_161 : i32
      scf.if %cond3A_162 {
        %sub3A = arith.constant 8 : i32
        %sub3A_455 = arith.subi %add3A_134, %sub3A : i32
        %dma_wait3A_456 = arith.constant 1 : i32
        %dma_wait3A_457 = arith.constant 0 : i32
        %dma_wait3A_458 = arith.constant 0 : i32
        %dma_wait3A_459 = tpu.memref_slice %arg9[%dma_wait3A_456, %dma_wait3A_457, %dma_wait3A_458] : memref<8x128x16xf32, #tpu.memory_space<vmem>> -> memref<1x128x16xf32, #tpu.memory_space<vmem>>
        %dma_wait3A_460 = tpu.memref_squeeze %dma_wait3A_459 : memref<1x128x16xf32, #tpu.memory_space<vmem>> -> memref<128x16xf32, #tpu.memory_space<vmem>>
        %dma_wait3A_461 = arith.constant 0 : i32
        %dma_wait3A_462 = tpu.memref_slice %arg8[%sub3A_455, %dma_wait3A_461] : memref<80x128xi32, #tpu.memory_space<vmem>> -> memref<1x128xi32, #tpu.memory_space<vmem>>
        %dma_wait3A_463 = tpu.memref_squeeze %dma_wait3A_462 : memref<1x128xi32, #tpu.memory_space<vmem>> -> memref<128xi32, #tpu.memory_space<vmem>>
        %dma_wait3A_464 = arith.constant 0 : i32
        %dma_wait3A_465 = arith.constant 0 : i32
        %dma_wait3A_466 = tpu.memref_slice %arg13[%dma_wait3A_464, %dma_wait3A_465] : memref<10112x16xf32, #tpu.memory_space<vmem_shared>> -> memref<10112x16xf32, #tpu.memory_space<vmem_shared>>
        tpu.wait_indirect_dma semaphore(%arg24 : memref<!tpu.dma_semaphore, #tpu.memory_space<semaphore_mem>>) src(%dma_wait3A_460 : memref<128x16xf32, #tpu.memory_space<vmem>>) dst(%dma_wait3A_466 : memref<10112x16xf32, #tpu.memory_space<vmem_shared>>)
      } else {
      }
      %lt3A_163 = arith.constant 80 : i32
      %lt3A_164 = arith.cmpi slt, %add3A_134, %lt3A_163 : i32
      %convert_element_type3A_165 = arith.extui %lt3A_164 : i1 to i32
      %cond3A_166 = arith.constant 0 : i32
      %cond3A_167 = arith.cmpi ne, %convert_element_type3A_165, %cond3A_166 : i32
      scf.if %cond3A_167 {
        %dma_start3A_455 = arith.constant 1 : i32
        %dma_start3A_456 = arith.constant 0 : i32
        %dma_start3A_457 = arith.constant 0 : i32
        %dma_start3A_458 = tpu.memref_slice %arg9[%dma_start3A_455, %dma_start3A_456, %dma_start3A_457] : memref<8x128x16xf32, #tpu.memory_space<vmem>> -> memref<1x128x16xf32, #tpu.memory_space<vmem>>
        %dma_start3A_459 = tpu.memref_squeeze %dma_start3A_458 : memref<1x128x16xf32, #tpu.memory_space<vmem>> -> memref<128x16xf32, #tpu.memory_space<vmem>>
        %dma_start3A_460 = arith.constant 0 : i32
        %dma_start3A_461 = tpu.memref_slice %arg7[%add3A_134, %dma_start3A_460] : memref<80x128xi32, #tpu.memory_space<vmem>> -> memref<1x128xi32, #tpu.memory_space<vmem>>
        %dma_start3A_462 = tpu.memref_squeeze %dma_start3A_461 : memref<1x128xi32, #tpu.memory_space<vmem>> -> memref<128xi32, #tpu.memory_space<vmem>>
        %dma_start3A_463 = arith.constant 0 : i32
        %dma_start3A_464 = arith.constant 0 : i32
        %dma_start3A_465 = tpu.memref_slice %arg14[%dma_start3A_463, %dma_start3A_464] : memref<10112x16xf32, #tpu.memory_space<vmem_shared>> -> memref<10112x16xf32, #tpu.memory_space<vmem_shared>>
        tpu.enqueue_indirect_dma source(%dma_start3A_465 : memref<10112x16xf32, #tpu.memory_space<vmem_shared>>) target(%dma_start3A_459 : memref<128x16xf32, #tpu.memory_space<vmem>>) offsets(%dma_start3A_462 : memref<128xi32, #tpu.memory_space<vmem>>) semaphore(%arg16 : memref<!tpu.dma_semaphore, #tpu.memory_space<semaphore_mem>>)
      } else {
      }
      %mul3A_168 = arith.constant 8 : i32
      %mul3A_169 = arith.muli %scan3A_128, %mul3A_168 : i32
      %add3A_170 = arith.constant 1 : i32
      %add3A_171 = arith.addi %mul3A_169, %add3A_170 : i32
      %add3A_172 = arith.constant 1 : i32
      %add3A_173 = arith.addi %add3A_171, %add3A_172 : i32
      %dma_wait3A_174 = arith.constant 1 : i32
      %dma_wait3A_175 = arith.constant 0 : i32
      %dma_wait3A_176 = arith.constant 0 : i32
      %dma_wait3A_177 = tpu.memref_slice %arg9[%dma_wait3A_174, %dma_wait3A_175, %dma_wait3A_176] : memref<8x128x16xf32, #tpu.memory_space<vmem>> -> memref<1x128x16xf32, #tpu.memory_space<vmem>>
      %dma_wait3A_178 = tpu.memref_squeeze %dma_wait3A_177 : memref<1x128x16xf32, #tpu.memory_space<vmem>> -> memref<128x16xf32, #tpu.memory_space<vmem>>
      %dma_wait3A_179 = arith.constant 0 : i32
      %dma_wait3A_180 = tpu.memref_slice %arg7[%add3A_171, %dma_wait3A_179] : memref<80x128xi32, #tpu.memory_space<vmem>> -> memref<1x128xi32, #tpu.memory_space<vmem>>
      %dma_wait3A_181 = tpu.memref_squeeze %dma_wait3A_180 : memref<1x128xi32, #tpu.memory_space<vmem>> -> memref<128xi32, #tpu.memory_space<vmem>>
      %dma_wait3A_182 = arith.constant 0 : i32
      %dma_wait3A_183 = arith.constant 0 : i32
      %dma_wait3A_184 = tpu.memref_slice %arg14[%dma_wait3A_182, %dma_wait3A_183] : memref<10112x16xf32, #tpu.memory_space<vmem_shared>> -> memref<10112x16xf32, #tpu.memory_space<vmem_shared>>
      tpu.wait_indirect_dma semaphore(%arg16 : memref<!tpu.dma_semaphore, #tpu.memory_space<semaphore_mem>>) src(%dma_wait3A_184 : memref<10112x16xf32, #tpu.memory_space<vmem_shared>>) dst(%dma_wait3A_178 : memref<128x16xf32, #tpu.memory_space<vmem>>)
      %dma_start3A_185 = arith.constant 1 : i32
      %dma_start3A_186 = arith.constant 0 : i32
      %dma_start3A_187 = arith.constant 0 : i32
      %dma_start3A_188 = tpu.memref_slice %arg9[%dma_start3A_185, %dma_start3A_186, %dma_start3A_187] : memref<8x128x16xf32, #tpu.memory_space<vmem>> -> memref<1x128x16xf32, #tpu.memory_space<vmem>>
      %dma_start3A_189 = tpu.memref_squeeze %dma_start3A_188 : memref<1x128x16xf32, #tpu.memory_space<vmem>> -> memref<128x16xf32, #tpu.memory_space<vmem>>
      %dma_start3A_190 = arith.constant 0 : i32
      %dma_start3A_191 = tpu.memref_slice %arg8[%add3A_171, %dma_start3A_190] : memref<80x128xi32, #tpu.memory_space<vmem>> -> memref<1x128xi32, #tpu.memory_space<vmem>>
      %dma_start3A_192 = tpu.memref_squeeze %dma_start3A_191 : memref<1x128xi32, #tpu.memory_space<vmem>> -> memref<128xi32, #tpu.memory_space<vmem>>
      %dma_start3A_193 = arith.constant 0 : i32
      %dma_start3A_194 = arith.constant 0 : i32
      %dma_start3A_195 = tpu.memref_slice %arg13[%dma_start3A_193, %dma_start3A_194] : memref<10112x16xf32, #tpu.memory_space<vmem_shared>> -> memref<10112x16xf32, #tpu.memory_space<vmem_shared>>
      tpu.enqueue_indirect_dma source(%dma_start3A_189 : memref<128x16xf32, #tpu.memory_space<vmem>>) target(%dma_start3A_195 : memref<10112x16xf32, #tpu.memory_space<vmem_shared>>) offsets(%dma_start3A_192 : memref<128xi32, #tpu.memory_space<vmem>>) semaphore(%arg24 : memref<!tpu.dma_semaphore, #tpu.memory_space<semaphore_mem>>) {add = true}
      %ge3A_196 = arith.constant 8 : i32
      %ge3A_197 = arith.cmpi sge, %add3A_173, %ge3A_196 : i32
      %lt3A_198 = arith.constant 80 : i32
      %lt3A_199 = arith.cmpi slt, %add3A_173, %lt3A_198 : i32
      %and3A_200 = arith.andi %ge3A_197, %lt3A_199 : i1
      %convert_element_type3A_201 = arith.extui %and3A_200 : i1 to i32
      %cond3A_202 = arith.constant 0 : i32
      %cond3A_203 = arith.cmpi ne, %convert_element_type3A_201, %cond3A_202 : i32
      scf.if %cond3A_203 {
        %sub3A = arith.constant 8 : i32
        %sub3A_455 = arith.subi %add3A_173, %sub3A : i32
        %dma_wait3A_456 = arith.constant 2 : i32
        %dma_wait3A_457 = arith.constant 0 : i32
        %dma_wait3A_458 = arith.constant 0 : i32
        %dma_wait3A_459 = tpu.memref_slice %arg9[%dma_wait3A_456, %dma_wait3A_457, %dma_wait3A_458] : memref<8x128x16xf32, #tpu.memory_space<vmem>> -> memref<1x128x16xf32, #tpu.memory_space<vmem>>
        %dma_wait3A_460 = tpu.memref_squeeze %dma_wait3A_459 : memref<1x128x16xf32, #tpu.memory_space<vmem>> -> memref<128x16xf32, #tpu.memory_space<vmem>>
        %dma_wait3A_461 = arith.constant 0 : i32
        %dma_wait3A_462 = tpu.memref_slice %arg8[%sub3A_455, %dma_wait3A_461] : memref<80x128xi32, #tpu.memory_space<vmem>> -> memref<1x128xi32, #tpu.memory_space<vmem>>
        %dma_wait3A_463 = tpu.memref_squeeze %dma_wait3A_462 : memref<1x128xi32, #tpu.memory_space<vmem>> -> memref<128xi32, #tpu.memory_space<vmem>>
        %dma_wait3A_464 = arith.constant 0 : i32
        %dma_wait3A_465 = arith.constant 0 : i32
        %dma_wait3A_466 = tpu.memref_slice %arg13[%dma_wait3A_464, %dma_wait3A_465] : memref<10112x16xf32, #tpu.memory_space<vmem_shared>> -> memref<10112x16xf32, #tpu.memory_space<vmem_shared>>
        tpu.wait_indirect_dma semaphore(%arg25 : memref<!tpu.dma_semaphore, #tpu.memory_space<semaphore_mem>>) src(%dma_wait3A_460 : memref<128x16xf32, #tpu.memory_space<vmem>>) dst(%dma_wait3A_466 : memref<10112x16xf32, #tpu.memory_space<vmem_shared>>)
      } else {
      }
      %lt3A_204 = arith.constant 80 : i32
      %lt3A_205 = arith.cmpi slt, %add3A_173, %lt3A_204 : i32
      %convert_element_type3A_206 = arith.extui %lt3A_205 : i1 to i32
      %cond3A_207 = arith.constant 0 : i32
      %cond3A_208 = arith.cmpi ne, %convert_element_type3A_206, %cond3A_207 : i32
      scf.if %cond3A_208 {
        %dma_start3A_455 = arith.constant 2 : i32
        %dma_start3A_456 = arith.constant 0 : i32
        %dma_start3A_457 = arith.constant 0 : i32
        %dma_start3A_458 = tpu.memref_slice %arg9[%dma_start3A_455, %dma_start3A_456, %dma_start3A_457] : memref<8x128x16xf32, #tpu.memory_space<vmem>> -> memref<1x128x16xf32, #tpu.memory_space<vmem>>
        %dma_start3A_459 = tpu.memref_squeeze %dma_start3A_458 : memref<1x128x16xf32, #tpu.memory_space<vmem>> -> memref<128x16xf32, #tpu.memory_space<vmem>>
        %dma_start3A_460 = arith.constant 0 : i32
        %dma_start3A_461 = tpu.memref_slice %arg7[%add3A_173, %dma_start3A_460] : memref<80x128xi32, #tpu.memory_space<vmem>> -> memref<1x128xi32, #tpu.memory_space<vmem>>
        %dma_start3A_462 = tpu.memref_squeeze %dma_start3A_461 : memref<1x128xi32, #tpu.memory_space<vmem>> -> memref<128xi32, #tpu.memory_space<vmem>>
        %dma_start3A_463 = arith.constant 0 : i32
        %dma_start3A_464 = arith.constant 0 : i32
        %dma_start3A_465 = tpu.memref_slice %arg14[%dma_start3A_463, %dma_start3A_464] : memref<10112x16xf32, #tpu.memory_space<vmem_shared>> -> memref<10112x16xf32, #tpu.memory_space<vmem_shared>>
        tpu.enqueue_indirect_dma source(%dma_start3A_465 : memref<10112x16xf32, #tpu.memory_space<vmem_shared>>) target(%dma_start3A_459 : memref<128x16xf32, #tpu.memory_space<vmem>>) offsets(%dma_start3A_462 : memref<128xi32, #tpu.memory_space<vmem>>) semaphore(%arg17 : memref<!tpu.dma_semaphore, #tpu.memory_space<semaphore_mem>>)
      } else {
      }
      %mul3A_209 = arith.constant 8 : i32
      %mul3A_210 = arith.muli %scan3A_128, %mul3A_209 : i32
      %add3A_211 = arith.constant 2 : i32
      %add3A_212 = arith.addi %mul3A_210, %add3A_211 : i32
      %add3A_213 = arith.constant 1 : i32
      %add3A_214 = arith.addi %add3A_212, %add3A_213 : i32
      %dma_wait3A_215 = arith.constant 2 : i32
      %dma_wait3A_216 = arith.constant 0 : i32
      %dma_wait3A_217 = arith.constant 0 : i32
      %dma_wait3A_218 = tpu.memref_slice %arg9[%dma_wait3A_215, %dma_wait3A_216, %dma_wait3A_217] : memref<8x128x16xf32, #tpu.memory_space<vmem>> -> memref<1x128x16xf32, #tpu.memory_space<vmem>>
      %dma_wait3A_219 = tpu.memref_squeeze %dma_wait3A_218 : memref<1x128x16xf32, #tpu.memory_space<vmem>> -> memref<128x16xf32, #tpu.memory_space<vmem>>
      %dma_wait3A_220 = arith.constant 0 : i32
      %dma_wait3A_221 = tpu.memref_slice %arg7[%add3A_212, %dma_wait3A_220] : memref<80x128xi32, #tpu.memory_space<vmem>> -> memref<1x128xi32, #tpu.memory_space<vmem>>
      %dma_wait3A_222 = tpu.memref_squeeze %dma_wait3A_221 : memref<1x128xi32, #tpu.memory_space<vmem>> -> memref<128xi32, #tpu.memory_space<vmem>>
      %dma_wait3A_223 = arith.constant 0 : i32
      %dma_wait3A_224 = arith.constant 0 : i32
      %dma_wait3A_225 = tpu.memref_slice %arg14[%dma_wait3A_223, %dma_wait3A_224] : memref<10112x16xf32, #tpu.memory_space<vmem_shared>> -> memref<10112x16xf32, #tpu.memory_space<vmem_shared>>
      tpu.wait_indirect_dma semaphore(%arg17 : memref<!tpu.dma_semaphore, #tpu.memory_space<semaphore_mem>>) src(%dma_wait3A_225 : memref<10112x16xf32, #tpu.memory_space<vmem_shared>>) dst(%dma_wait3A_219 : memref<128x16xf32, #tpu.memory_space<vmem>>)
      %dma_start3A_226 = arith.constant 2 : i32
      %dma_start3A_227 = arith.constant 0 : i32
      %dma_start3A_228 = arith.constant 0 : i32
      %dma_start3A_229 = tpu.memref_slice %arg9[%dma_start3A_226, %dma_start3A_227, %dma_start3A_228] : memref<8x128x16xf32, #tpu.memory_space<vmem>> -> memref<1x128x16xf32, #tpu.memory_space<vmem>>
      %dma_start3A_230 = tpu.memref_squeeze %dma_start3A_229 : memref<1x128x16xf32, #tpu.memory_space<vmem>> -> memref<128x16xf32, #tpu.memory_space<vmem>>
      %dma_start3A_231 = arith.constant 0 : i32
      %dma_start3A_232 = tpu.memref_slice %arg8[%add3A_212, %dma_start3A_231] : memref<80x128xi32, #tpu.memory_space<vmem>> -> memref<1x128xi32, #tpu.memory_space<vmem>>
      %dma_start3A_233 = tpu.memref_squeeze %dma_start3A_232 : memref<1x128xi32, #tpu.memory_space<vmem>> -> memref<128xi32, #tpu.memory_space<vmem>>
      %dma_start3A_234 = arith.constant 0 : i32
      %dma_start3A_235 = arith.constant 0 : i32
      %dma_start3A_236 = tpu.memref_slice %arg13[%dma_start3A_234, %dma_start3A_235] : memref<10112x16xf32, #tpu.memory_space<vmem_shared>> -> memref<10112x16xf32, #tpu.memory_space<vmem_shared>>
      tpu.enqueue_indirect_dma source(%dma_start3A_230 : memref<128x16xf32, #tpu.memory_space<vmem>>) target(%dma_start3A_236 : memref<10112x16xf32, #tpu.memory_space<vmem_shared>>) offsets(%dma_start3A_233 : memref<128xi32, #tpu.memory_space<vmem>>) semaphore(%arg25 : memref<!tpu.dma_semaphore, #tpu.memory_space<semaphore_mem>>) {add = true}
      %ge3A_237 = arith.constant 8 : i32
      %ge3A_238 = arith.cmpi sge, %add3A_214, %ge3A_237 : i32
      %lt3A_239 = arith.constant 80 : i32
      %lt3A_240 = arith.cmpi slt, %add3A_214, %lt3A_239 : i32
      %and3A_241 = arith.andi %ge3A_238, %lt3A_240 : i1
      %convert_element_type3A_242 = arith.extui %and3A_241 : i1 to i32
      %cond3A_243 = arith.constant 0 : i32
      %cond3A_244 = arith.cmpi ne, %convert_element_type3A_242, %cond3A_243 : i32
      scf.if %cond3A_244 {
        %sub3A = arith.constant 8 : i32
        %sub3A_455 = arith.subi %add3A_214, %sub3A : i32
        %dma_wait3A_456 = arith.constant 3 : i32
        %dma_wait3A_457 = arith.constant 0 : i32
        %dma_wait3A_458 = arith.constant 0 : i32
        %dma_wait3A_459 = tpu.memref_slice %arg9[%dma_wait3A_456, %dma_wait3A_457, %dma_wait3A_458] : memref<8x128x16xf32, #tpu.memory_space<vmem>> -> memref<1x128x16xf32, #tpu.memory_space<vmem>>
        %dma_wait3A_460 = tpu.memref_squeeze %dma_wait3A_459 : memref<1x128x16xf32, #tpu.memory_space<vmem>> -> memref<128x16xf32, #tpu.memory_space<vmem>>
        %dma_wait3A_461 = arith.constant 0 : i32
        %dma_wait3A_462 = tpu.memref_slice %arg8[%sub3A_455, %dma_wait3A_461] : memref<80x128xi32, #tpu.memory_space<vmem>> -> memref<1x128xi32, #tpu.memory_space<vmem>>
        %dma_wait3A_463 = tpu.memref_squeeze %dma_wait3A_462 : memref<1x128xi32, #tpu.memory_space<vmem>> -> memref<128xi32, #tpu.memory_space<vmem>>
        %dma_wait3A_464 = arith.constant 0 : i32
        %dma_wait3A_465 = arith.constant 0 : i32
        %dma_wait3A_466 = tpu.memref_slice %arg13[%dma_wait3A_464, %dma_wait3A_465] : memref<10112x16xf32, #tpu.memory_space<vmem_shared>> -> memref<10112x16xf32, #tpu.memory_space<vmem_shared>>
        tpu.wait_indirect_dma semaphore(%arg26 : memref<!tpu.dma_semaphore, #tpu.memory_space<semaphore_mem>>) src(%dma_wait3A_460 : memref<128x16xf32, #tpu.memory_space<vmem>>) dst(%dma_wait3A_466 : memref<10112x16xf32, #tpu.memory_space<vmem_shared>>)
      } else {
      }
      %lt3A_245 = arith.constant 80 : i32
      %lt3A_246 = arith.cmpi slt, %add3A_214, %lt3A_245 : i32
      %convert_element_type3A_247 = arith.extui %lt3A_246 : i1 to i32
      %cond3A_248 = arith.constant 0 : i32
      %cond3A_249 = arith.cmpi ne, %convert_element_type3A_247, %cond3A_248 : i32
      scf.if %cond3A_249 {
        %dma_start3A_455 = arith.constant 3 : i32
        %dma_start3A_456 = arith.constant 0 : i32
        %dma_start3A_457 = arith.constant 0 : i32
        %dma_start3A_458 = tpu.memref_slice %arg9[%dma_start3A_455, %dma_start3A_456, %dma_start3A_457] : memref<8x128x16xf32, #tpu.memory_space<vmem>> -> memref<1x128x16xf32, #tpu.memory_space<vmem>>
        %dma_start3A_459 = tpu.memref_squeeze %dma_start3A_458 : memref<1x128x16xf32, #tpu.memory_space<vmem>> -> memref<128x16xf32, #tpu.memory_space<vmem>>
        %dma_start3A_460 = arith.constant 0 : i32
        %dma_start3A_461 = tpu.memref_slice %arg7[%add3A_214, %dma_start3A_460] : memref<80x128xi32, #tpu.memory_space<vmem>> -> memref<1x128xi32, #tpu.memory_space<vmem>>
        %dma_start3A_462 = tpu.memref_squeeze %dma_start3A_461 : memref<1x128xi32, #tpu.memory_space<vmem>> -> memref<128xi32, #tpu.memory_space<vmem>>
        %dma_start3A_463 = arith.constant 0 : i32
        %dma_start3A_464 = arith.constant 0 : i32
        %dma_start3A_465 = tpu.memref_slice %arg14[%dma_start3A_463, %dma_start3A_464] : memref<10112x16xf32, #tpu.memory_space<vmem_shared>> -> memref<10112x16xf32, #tpu.memory_space<vmem_shared>>
        tpu.enqueue_indirect_dma source(%dma_start3A_465 : memref<10112x16xf32, #tpu.memory_space<vmem_shared>>) target(%dma_start3A_459 : memref<128x16xf32, #tpu.memory_space<vmem>>) offsets(%dma_start3A_462 : memref<128xi32, #tpu.memory_space<vmem>>) semaphore(%arg18 : memref<!tpu.dma_semaphore, #tpu.memory_space<semaphore_mem>>)
      } else {
      }
      %mul3A_250 = arith.constant 8 : i32
      %mul3A_251 = arith.muli %scan3A_128, %mul3A_250 : i32
      %add3A_252 = arith.constant 3 : i32
      %add3A_253 = arith.addi %mul3A_251, %add3A_252 : i32
      %add3A_254 = arith.constant 1 : i32
      %add3A_255 = arith.addi %add3A_253, %add3A_254 : i32
      %dma_wait3A_256 = arith.constant 3 : i32
      %dma_wait3A_257 = arith.constant 0 : i32
      %dma_wait3A_258 = arith.constant 0 : i32
      %dma_wait3A_259 = tpu.memref_slice %arg9[%dma_wait3A_256, %dma_wait3A_257, %dma_wait3A_258] : memref<8x128x16xf32, #tpu.memory_space<vmem>> -> memref<1x128x16xf32, #tpu.memory_space<vmem>>
      %dma_wait3A_260 = tpu.memref_squeeze %dma_wait3A_259 : memref<1x128x16xf32, #tpu.memory_space<vmem>> -> memref<128x16xf32, #tpu.memory_space<vmem>>
      %dma_wait3A_261 = arith.constant 0 : i32
      %dma_wait3A_262 = tpu.memref_slice %arg7[%add3A_253, %dma_wait3A_261] : memref<80x128xi32, #tpu.memory_space<vmem>> -> memref<1x128xi32, #tpu.memory_space<vmem>>
      %dma_wait3A_263 = tpu.memref_squeeze %dma_wait3A_262 : memref<1x128xi32, #tpu.memory_space<vmem>> -> memref<128xi32, #tpu.memory_space<vmem>>
      %dma_wait3A_264 = arith.constant 0 : i32
      %dma_wait3A_265 = arith.constant 0 : i32
      %dma_wait3A_266 = tpu.memref_slice %arg14[%dma_wait3A_264, %dma_wait3A_265] : memref<10112x16xf32, #tpu.memory_space<vmem_shared>> -> memref<10112x16xf32, #tpu.memory_space<vmem_shared>>
      tpu.wait_indirect_dma semaphore(%arg18 : memref<!tpu.dma_semaphore, #tpu.memory_space<semaphore_mem>>) src(%dma_wait3A_266 : memref<10112x16xf32, #tpu.memory_space<vmem_shared>>) dst(%dma_wait3A_260 : memref<128x16xf32, #tpu.memory_space<vmem>>)
      %dma_start3A_267 = arith.constant 3 : i32
      %dma_start3A_268 = arith.constant 0 : i32
      %dma_start3A_269 = arith.constant 0 : i32
      %dma_start3A_270 = tpu.memref_slice %arg9[%dma_start3A_267, %dma_start3A_268, %dma_start3A_269] : memref<8x128x16xf32, #tpu.memory_space<vmem>> -> memref<1x128x16xf32, #tpu.memory_space<vmem>>
      %dma_start3A_271 = tpu.memref_squeeze %dma_start3A_270 : memref<1x128x16xf32, #tpu.memory_space<vmem>> -> memref<128x16xf32, #tpu.memory_space<vmem>>
      %dma_start3A_272 = arith.constant 0 : i32
      %dma_start3A_273 = tpu.memref_slice %arg8[%add3A_253, %dma_start3A_272] : memref<80x128xi32, #tpu.memory_space<vmem>> -> memref<1x128xi32, #tpu.memory_space<vmem>>
      %dma_start3A_274 = tpu.memref_squeeze %dma_start3A_273 : memref<1x128xi32, #tpu.memory_space<vmem>> -> memref<128xi32, #tpu.memory_space<vmem>>
      %dma_start3A_275 = arith.constant 0 : i32
      %dma_start3A_276 = arith.constant 0 : i32
      %dma_start3A_277 = tpu.memref_slice %arg13[%dma_start3A_275, %dma_start3A_276] : memref<10112x16xf32, #tpu.memory_space<vmem_shared>> -> memref<10112x16xf32, #tpu.memory_space<vmem_shared>>
      tpu.enqueue_indirect_dma source(%dma_start3A_271 : memref<128x16xf32, #tpu.memory_space<vmem>>) target(%dma_start3A_277 : memref<10112x16xf32, #tpu.memory_space<vmem_shared>>) offsets(%dma_start3A_274 : memref<128xi32, #tpu.memory_space<vmem>>) semaphore(%arg26 : memref<!tpu.dma_semaphore, #tpu.memory_space<semaphore_mem>>) {add = true}
      %ge3A_278 = arith.constant 8 : i32
      %ge3A_279 = arith.cmpi sge, %add3A_255, %ge3A_278 : i32
      %lt3A_280 = arith.constant 80 : i32
      %lt3A_281 = arith.cmpi slt, %add3A_255, %lt3A_280 : i32
      %and3A_282 = arith.andi %ge3A_279, %lt3A_281 : i1
      %convert_element_type3A_283 = arith.extui %and3A_282 : i1 to i32
      %cond3A_284 = arith.constant 0 : i32
      %cond3A_285 = arith.cmpi ne, %convert_element_type3A_283, %cond3A_284 : i32
      scf.if %cond3A_285 {
        %sub3A = arith.constant 8 : i32
        %sub3A_455 = arith.subi %add3A_255, %sub3A : i32
        %dma_wait3A_456 = arith.constant 4 : i32
        %dma_wait3A_457 = arith.constant 0 : i32
        %dma_wait3A_458 = arith.constant 0 : i32
        %dma_wait3A_459 = tpu.memref_slice %arg9[%dma_wait3A_456, %dma_wait3A_457, %dma_wait3A_458] : memref<8x128x16xf32, #tpu.memory_space<vmem>> -> memref<1x128x16xf32, #tpu.memory_space<vmem>>
        %dma_wait3A_460 = tpu.memref_squeeze %dma_wait3A_459 : memref<1x128x16xf32, #tpu.memory_space<vmem>> -> memref<128x16xf32, #tpu.memory_space<vmem>>
        %dma_wait3A_461 = arith.constant 0 : i32
        %dma_wait3A_462 = tpu.memref_slice %arg8[%sub3A_455, %dma_wait3A_461] : memref<80x128xi32, #tpu.memory_space<vmem>> -> memref<1x128xi32, #tpu.memory_space<vmem>>
        %dma_wait3A_463 = tpu.memref_squeeze %dma_wait3A_462 : memref<1x128xi32, #tpu.memory_space<vmem>> -> memref<128xi32, #tpu.memory_space<vmem>>
        %dma_wait3A_464 = arith.constant 0 : i32
        %dma_wait3A_465 = arith.constant 0 : i32
        %dma_wait3A_466 = tpu.memref_slice %arg13[%dma_wait3A_464, %dma_wait3A_465] : memref<10112x16xf32, #tpu.memory_space<vmem_shared>> -> memref<10112x16xf32, #tpu.memory_space<vmem_shared>>
        tpu.wait_indirect_dma semaphore(%arg27 : memref<!tpu.dma_semaphore, #tpu.memory_space<semaphore_mem>>) src(%dma_wait3A_460 : memref<128x16xf32, #tpu.memory_space<vmem>>) dst(%dma_wait3A_466 : memref<10112x16xf32, #tpu.memory_space<vmem_shared>>)
      } else {
      }
      %lt3A_286 = arith.constant 80 : i32
      %lt3A_287 = arith.cmpi slt, %add3A_255, %lt3A_286 : i32
      %convert_element_type3A_288 = arith.extui %lt3A_287 : i1 to i32
      %cond3A_289 = arith.constant 0 : i32
      %cond3A_290 = arith.cmpi ne, %convert_element_type3A_288, %cond3A_289 : i32
      scf.if %cond3A_290 {
        %dma_start3A_455 = arith.constant 4 : i32
        %dma_start3A_456 = arith.constant 0 : i32
        %dma_start3A_457 = arith.constant 0 : i32
        %dma_start3A_458 = tpu.memref_slice %arg9[%dma_start3A_455, %dma_start3A_456, %dma_start3A_457] : memref<8x128x16xf32, #tpu.memory_space<vmem>> -> memref<1x128x16xf32, #tpu.memory_space<vmem>>
        %dma_start3A_459 = tpu.memref_squeeze %dma_start3A_458 : memref<1x128x16xf32, #tpu.memory_space<vmem>> -> memref<128x16xf32, #tpu.memory_space<vmem>>
        %dma_start3A_460 = arith.constant 0 : i32
        %dma_start3A_461 = tpu.memref_slice %arg7[%add3A_255, %dma_start3A_460] : memref<80x128xi32, #tpu.memory_space<vmem>> -> memref<1x128xi32, #tpu.memory_space<vmem>>
        %dma_start3A_462 = tpu.memref_squeeze %dma_start3A_461 : memref<1x128xi32, #tpu.memory_space<vmem>> -> memref<128xi32, #tpu.memory_space<vmem>>
        %dma_start3A_463 = arith.constant 0 : i32
        %dma_start3A_464 = arith.constant 0 : i32
        %dma_start3A_465 = tpu.memref_slice %arg14[%dma_start3A_463, %dma_start3A_464] : memref<10112x16xf32, #tpu.memory_space<vmem_shared>> -> memref<10112x16xf32, #tpu.memory_space<vmem_shared>>
        tpu.enqueue_indirect_dma source(%dma_start3A_465 : memref<10112x16xf32, #tpu.memory_space<vmem_shared>>) target(%dma_start3A_459 : memref<128x16xf32, #tpu.memory_space<vmem>>) offsets(%dma_start3A_462 : memref<128xi32, #tpu.memory_space<vmem>>) semaphore(%arg19 : memref<!tpu.dma_semaphore, #tpu.memory_space<semaphore_mem>>)
      } else {
      }
      %mul3A_291 = arith.constant 8 : i32
      %mul3A_292 = arith.muli %scan3A_128, %mul3A_291 : i32
      %add3A_293 = arith.constant 4 : i32
      %add3A_294 = arith.addi %mul3A_292, %add3A_293 : i32
      %add3A_295 = arith.constant 1 : i32
      %add3A_296 = arith.addi %add3A_294, %add3A_295 : i32
      %dma_wait3A_297 = arith.constant 4 : i32
      %dma_wait3A_298 = arith.constant 0 : i32
      %dma_wait3A_299 = arith.constant 0 : i32
      %dma_wait3A_300 = tpu.memref_slice %arg9[%dma_wait3A_297, %dma_wait3A_298, %dma_wait3A_299] : memref<8x128x16xf32, #tpu.memory_space<vmem>> -> memref<1x128x16xf32, #tpu.memory_space<vmem>>
      %dma_wait3A_301 = tpu.memref_squeeze %dma_wait3A_300 : memref<1x128x16xf32, #tpu.memory_space<vmem>> -> memref<128x16xf32, #tpu.memory_space<vmem>>
      %dma_wait3A_302 = arith.constant 0 : i32
      %dma_wait3A_303 = tpu.memref_slice %arg7[%add3A_294, %dma_wait3A_302] : memref<80x128xi32, #tpu.memory_space<vmem>> -> memref<1x128xi32, #tpu.memory_space<vmem>>
      %dma_wait3A_304 = tpu.memref_squeeze %dma_wait3A_303 : memref<1x128xi32, #tpu.memory_space<vmem>> -> memref<128xi32, #tpu.memory_space<vmem>>
      %dma_wait3A_305 = arith.constant 0 : i32
      %dma_wait3A_306 = arith.constant 0 : i32
      %dma_wait3A_307 = tpu.memref_slice %arg14[%dma_wait3A_305, %dma_wait3A_306] : memref<10112x16xf32, #tpu.memory_space<vmem_shared>> -> memref<10112x16xf32, #tpu.memory_space<vmem_shared>>
      tpu.wait_indirect_dma semaphore(%arg19 : memref<!tpu.dma_semaphore, #tpu.memory_space<semaphore_mem>>) src(%dma_wait3A_307 : memref<10112x16xf32, #tpu.memory_space<vmem_shared>>) dst(%dma_wait3A_301 : memref<128x16xf32, #tpu.memory_space<vmem>>)
      %dma_start3A_308 = arith.constant 4 : i32
      %dma_start3A_309 = arith.constant 0 : i32
      %dma_start3A_310 = arith.constant 0 : i32
      %dma_start3A_311 = tpu.memref_slice %arg9[%dma_start3A_308, %dma_start3A_309, %dma_start3A_310] : memref<8x128x16xf32, #tpu.memory_space<vmem>> -> memref<1x128x16xf32, #tpu.memory_space<vmem>>
      %dma_start3A_312 = tpu.memref_squeeze %dma_start3A_311 : memref<1x128x16xf32, #tpu.memory_space<vmem>> -> memref<128x16xf32, #tpu.memory_space<vmem>>
      %dma_start3A_313 = arith.constant 0 : i32
      %dma_start3A_314 = tpu.memref_slice %arg8[%add3A_294, %dma_start3A_313] : memref<80x128xi32, #tpu.memory_space<vmem>> -> memref<1x128xi32, #tpu.memory_space<vmem>>
      %dma_start3A_315 = tpu.memref_squeeze %dma_start3A_314 : memref<1x128xi32, #tpu.memory_space<vmem>> -> memref<128xi32, #tpu.memory_space<vmem>>
      %dma_start3A_316 = arith.constant 0 : i32
      %dma_start3A_317 = arith.constant 0 : i32
      %dma_start3A_318 = tpu.memref_slice %arg13[%dma_start3A_316, %dma_start3A_317] : memref<10112x16xf32, #tpu.memory_space<vmem_shared>> -> memref<10112x16xf32, #tpu.memory_space<vmem_shared>>
      tpu.enqueue_indirect_dma source(%dma_start3A_312 : memref<128x16xf32, #tpu.memory_space<vmem>>) target(%dma_start3A_318 : memref<10112x16xf32, #tpu.memory_space<vmem_shared>>) offsets(%dma_start3A_315 : memref<128xi32, #tpu.memory_space<vmem>>) semaphore(%arg27 : memref<!tpu.dma_semaphore, #tpu.memory_space<semaphore_mem>>) {add = true}
      %ge3A_319 = arith.constant 8 : i32
      %ge3A_320 = arith.cmpi sge, %add3A_296, %ge3A_319 : i32
      %lt3A_321 = arith.constant 80 : i32
      %lt3A_322 = arith.cmpi slt, %add3A_296, %lt3A_321 : i32
      %and3A_323 = arith.andi %ge3A_320, %lt3A_322 : i1
      %convert_element_type3A_324 = arith.extui %and3A_323 : i1 to i32
      %cond3A_325 = arith.constant 0 : i32
      %cond3A_326 = arith.cmpi ne, %convert_element_type3A_324, %cond3A_325 : i32
      scf.if %cond3A_326 {
        %sub3A = arith.constant 8 : i32
        %sub3A_455 = arith.subi %add3A_296, %sub3A : i32
        %dma_wait3A_456 = arith.constant 5 : i32
        %dma_wait3A_457 = arith.constant 0 : i32
        %dma_wait3A_458 = arith.constant 0 : i32
        %dma_wait3A_459 = tpu.memref_slice %arg9[%dma_wait3A_456, %dma_wait3A_457, %dma_wait3A_458] : memref<8x128x16xf32, #tpu.memory_space<vmem>> -> memref<1x128x16xf32, #tpu.memory_space<vmem>>
        %dma_wait3A_460 = tpu.memref_squeeze %dma_wait3A_459 : memref<1x128x16xf32, #tpu.memory_space<vmem>> -> memref<128x16xf32, #tpu.memory_space<vmem>>
        %dma_wait3A_461 = arith.constant 0 : i32
        %dma_wait3A_462 = tpu.memref_slice %arg8[%sub3A_455, %dma_wait3A_461] : memref<80x128xi32, #tpu.memory_space<vmem>> -> memref<1x128xi32, #tpu.memory_space<vmem>>
        %dma_wait3A_463 = tpu.memref_squeeze %dma_wait3A_462 : memref<1x128xi32, #tpu.memory_space<vmem>> -> memref<128xi32, #tpu.memory_space<vmem>>
        %dma_wait3A_464 = arith.constant 0 : i32
        %dma_wait3A_465 = arith.constant 0 : i32
        %dma_wait3A_466 = tpu.memref_slice %arg13[%dma_wait3A_464, %dma_wait3A_465] : memref<10112x16xf32, #tpu.memory_space<vmem_shared>> -> memref<10112x16xf32, #tpu.memory_space<vmem_shared>>
        tpu.wait_indirect_dma semaphore(%arg28 : memref<!tpu.dma_semaphore, #tpu.memory_space<semaphore_mem>>) src(%dma_wait3A_460 : memref<128x16xf32, #tpu.memory_space<vmem>>) dst(%dma_wait3A_466 : memref<10112x16xf32, #tpu.memory_space<vmem_shared>>)
      } else {
      }
      %lt3A_327 = arith.constant 80 : i32
      %lt3A_328 = arith.cmpi slt, %add3A_296, %lt3A_327 : i32
      %convert_element_type3A_329 = arith.extui %lt3A_328 : i1 to i32
      %cond3A_330 = arith.constant 0 : i32
      %cond3A_331 = arith.cmpi ne, %convert_element_type3A_329, %cond3A_330 : i32
      scf.if %cond3A_331 {
        %dma_start3A_455 = arith.constant 5 : i32
        %dma_start3A_456 = arith.constant 0 : i32
        %dma_start3A_457 = arith.constant 0 : i32
        %dma_start3A_458 = tpu.memref_slice %arg9[%dma_start3A_455, %dma_start3A_456, %dma_start3A_457] : memref<8x128x16xf32, #tpu.memory_space<vmem>> -> memref<1x128x16xf32, #tpu.memory_space<vmem>>
        %dma_start3A_459 = tpu.memref_squeeze %dma_start3A_458 : memref<1x128x16xf32, #tpu.memory_space<vmem>> -> memref<128x16xf32, #tpu.memory_space<vmem>>
        %dma_start3A_460 = arith.constant 0 : i32
        %dma_start3A_461 = tpu.memref_slice %arg7[%add3A_296, %dma_start3A_460] : memref<80x128xi32, #tpu.memory_space<vmem>> -> memref<1x128xi32, #tpu.memory_space<vmem>>
        %dma_start3A_462 = tpu.memref_squeeze %dma_start3A_461 : memref<1x128xi32, #tpu.memory_space<vmem>> -> memref<128xi32, #tpu.memory_space<vmem>>
        %dma_start3A_463 = arith.constant 0 : i32
        %dma_start3A_464 = arith.constant 0 : i32
        %dma_start3A_465 = tpu.memref_slice %arg14[%dma_start3A_463, %dma_start3A_464] : memref<10112x16xf32, #tpu.memory_space<vmem_shared>> -> memref<10112x16xf32, #tpu.memory_space<vmem_shared>>
        tpu.enqueue_indirect_dma source(%dma_start3A_465 : memref<10112x16xf32, #tpu.memory_space<vmem_shared>>) target(%dma_start3A_459 : memref<128x16xf32, #tpu.memory_space<vmem>>) offsets(%dma_start3A_462 : memref<128xi32, #tpu.memory_space<vmem>>) semaphore(%arg20 : memref<!tpu.dma_semaphore, #tpu.memory_space<semaphore_mem>>)
      } else {
      }
      %mul3A_332 = arith.constant 8 : i32
      %mul3A_333 = arith.muli %scan3A_128, %mul3A_332 : i32
      %add3A_334 = arith.constant 5 : i32
      %add3A_335 = arith.addi %mul3A_333, %add3A_334 : i32
      %add3A_336 = arith.constant 1 : i32
      %add3A_337 = arith.addi %add3A_335, %add3A_336 : i32
      %dma_wait3A_338 = arith.constant 5 : i32
      %dma_wait3A_339 = arith.constant 0 : i32
      %dma_wait3A_340 = arith.constant 0 : i32
      %dma_wait3A_341 = tpu.memref_slice %arg9[%dma_wait3A_338, %dma_wait3A_339, %dma_wait3A_340] : memref<8x128x16xf32, #tpu.memory_space<vmem>> -> memref<1x128x16xf32, #tpu.memory_space<vmem>>
      %dma_wait3A_342 = tpu.memref_squeeze %dma_wait3A_341 : memref<1x128x16xf32, #tpu.memory_space<vmem>> -> memref<128x16xf32, #tpu.memory_space<vmem>>
      %dma_wait3A_343 = arith.constant 0 : i32
      %dma_wait3A_344 = tpu.memref_slice %arg7[%add3A_335, %dma_wait3A_343] : memref<80x128xi32, #tpu.memory_space<vmem>> -> memref<1x128xi32, #tpu.memory_space<vmem>>
      %dma_wait3A_345 = tpu.memref_squeeze %dma_wait3A_344 : memref<1x128xi32, #tpu.memory_space<vmem>> -> memref<128xi32, #tpu.memory_space<vmem>>
      %dma_wait3A_346 = arith.constant 0 : i32
      %dma_wait3A_347 = arith.constant 0 : i32
      %dma_wait3A_348 = tpu.memref_slice %arg14[%dma_wait3A_346, %dma_wait3A_347] : memref<10112x16xf32, #tpu.memory_space<vmem_shared>> -> memref<10112x16xf32, #tpu.memory_space<vmem_shared>>
      tpu.wait_indirect_dma semaphore(%arg20 : memref<!tpu.dma_semaphore, #tpu.memory_space<semaphore_mem>>) src(%dma_wait3A_348 : memref<10112x16xf32, #tpu.memory_space<vmem_shared>>) dst(%dma_wait3A_342 : memref<128x16xf32, #tpu.memory_space<vmem>>)
      %dma_start3A_349 = arith.constant 5 : i32
      %dma_start3A_350 = arith.constant 0 : i32
      %dma_start3A_351 = arith.constant 0 : i32
      %dma_start3A_352 = tpu.memref_slice %arg9[%dma_start3A_349, %dma_start3A_350, %dma_start3A_351] : memref<8x128x16xf32, #tpu.memory_space<vmem>> -> memref<1x128x16xf32, #tpu.memory_space<vmem>>
      %dma_start3A_353 = tpu.memref_squeeze %dma_start3A_352 : memref<1x128x16xf32, #tpu.memory_space<vmem>> -> memref<128x16xf32, #tpu.memory_space<vmem>>
      %dma_start3A_354 = arith.constant 0 : i32
      %dma_start3A_355 = tpu.memref_slice %arg8[%add3A_335, %dma_start3A_354] : memref<80x128xi32, #tpu.memory_space<vmem>> -> memref<1x128xi32, #tpu.memory_space<vmem>>
      %dma_start3A_356 = tpu.memref_squeeze %dma_start3A_355 : memref<1x128xi32, #tpu.memory_space<vmem>> -> memref<128xi32, #tpu.memory_space<vmem>>
      %dma_start3A_357 = arith.constant 0 : i32
      %dma_start3A_358 = arith.constant 0 : i32
      %dma_start3A_359 = tpu.memref_slice %arg13[%dma_start3A_357, %dma_start3A_358] : memref<10112x16xf32, #tpu.memory_space<vmem_shared>> -> memref<10112x16xf32, #tpu.memory_space<vmem_shared>>
      tpu.enqueue_indirect_dma source(%dma_start3A_353 : memref<128x16xf32, #tpu.memory_space<vmem>>) target(%dma_start3A_359 : memref<10112x16xf32, #tpu.memory_space<vmem_shared>>) offsets(%dma_start3A_356 : memref<128xi32, #tpu.memory_space<vmem>>) semaphore(%arg28 : memref<!tpu.dma_semaphore, #tpu.memory_space<semaphore_mem>>) {add = true}
      %ge3A_360 = arith.constant 8 : i32
      %ge3A_361 = arith.cmpi sge, %add3A_337, %ge3A_360 : i32
      %lt3A_362 = arith.constant 80 : i32
      %lt3A_363 = arith.cmpi slt, %add3A_337, %lt3A_362 : i32
      %and3A_364 = arith.andi %ge3A_361, %lt3A_363 : i1
      %convert_element_type3A_365 = arith.extui %and3A_364 : i1 to i32
      %cond3A_366 = arith.constant 0 : i32
      %cond3A_367 = arith.cmpi ne, %convert_element_type3A_365, %cond3A_366 : i32
      scf.if %cond3A_367 {
        %sub3A = arith.constant 8 : i32
        %sub3A_455 = arith.subi %add3A_337, %sub3A : i32
        %dma_wait3A_456 = arith.constant 6 : i32
        %dma_wait3A_457 = arith.constant 0 : i32
        %dma_wait3A_458 = arith.constant 0 : i32
        %dma_wait3A_459 = tpu.memref_slice %arg9[%dma_wait3A_456, %dma_wait3A_457, %dma_wait3A_458] : memref<8x128x16xf32, #tpu.memory_space<vmem>> -> memref<1x128x16xf32, #tpu.memory_space<vmem>>
        %dma_wait3A_460 = tpu.memref_squeeze %dma_wait3A_459 : memref<1x128x16xf32, #tpu.memory_space<vmem>> -> memref<128x16xf32, #tpu.memory_space<vmem>>
        %dma_wait3A_461 = arith.constant 0 : i32
        %dma_wait3A_462 = tpu.memref_slice %arg8[%sub3A_455, %dma_wait3A_461] : memref<80x128xi32, #tpu.memory_space<vmem>> -> memref<1x128xi32, #tpu.memory_space<vmem>>
        %dma_wait3A_463 = tpu.memref_squeeze %dma_wait3A_462 : memref<1x128xi32, #tpu.memory_space<vmem>> -> memref<128xi32, #tpu.memory_space<vmem>>
        %dma_wait3A_464 = arith.constant 0 : i32
        %dma_wait3A_465 = arith.constant 0 : i32
        %dma_wait3A_466 = tpu.memref_slice %arg13[%dma_wait3A_464, %dma_wait3A_465] : memref<10112x16xf32, #tpu.memory_space<vmem_shared>> -> memref<10112x16xf32, #tpu.memory_space<vmem_shared>>
        tpu.wait_indirect_dma semaphore(%arg29 : memref<!tpu.dma_semaphore, #tpu.memory_space<semaphore_mem>>) src(%dma_wait3A_460 : memref<128x16xf32, #tpu.memory_space<vmem>>) dst(%dma_wait3A_466 : memref<10112x16xf32, #tpu.memory_space<vmem_shared>>)
      } else {
      }
      %lt3A_368 = arith.constant 80 : i32
      %lt3A_369 = arith.cmpi slt, %add3A_337, %lt3A_368 : i32
      %convert_element_type3A_370 = arith.extui %lt3A_369 : i1 to i32
      %cond3A_371 = arith.constant 0 : i32
      %cond3A_372 = arith.cmpi ne, %convert_element_type3A_370, %cond3A_371 : i32
      scf.if %cond3A_372 {
        %dma_start3A_455 = arith.constant 6 : i32
        %dma_start3A_456 = arith.constant 0 : i32
        %dma_start3A_457 = arith.constant 0 : i32
        %dma_start3A_458 = tpu.memref_slice %arg9[%dma_start3A_455, %dma_start3A_456, %dma_start3A_457] : memref<8x128x16xf32, #tpu.memory_space<vmem>> -> memref<1x128x16xf32, #tpu.memory_space<vmem>>
        %dma_start3A_459 = tpu.memref_squeeze %dma_start3A_458 : memref<1x128x16xf32, #tpu.memory_space<vmem>> -> memref<128x16xf32, #tpu.memory_space<vmem>>
        %dma_start3A_460 = arith.constant 0 : i32
        %dma_start3A_461 = tpu.memref_slice %arg7[%add3A_337, %dma_start3A_460] : memref<80x128xi32, #tpu.memory_space<vmem>> -> memref<1x128xi32, #tpu.memory_space<vmem>>
        %dma_start3A_462 = tpu.memref_squeeze %dma_start3A_461 : memref<1x128xi32, #tpu.memory_space<vmem>> -> memref<128xi32, #tpu.memory_space<vmem>>
        %dma_start3A_463 = arith.constant 0 : i32
        %dma_start3A_464 = arith.constant 0 : i32
        %dma_start3A_465 = tpu.memref_slice %arg14[%dma_start3A_463, %dma_start3A_464] : memref<10112x16xf32, #tpu.memory_space<vmem_shared>> -> memref<10112x16xf32, #tpu.memory_space<vmem_shared>>
        tpu.enqueue_indirect_dma source(%dma_start3A_465 : memref<10112x16xf32, #tpu.memory_space<vmem_shared>>) target(%dma_start3A_459 : memref<128x16xf32, #tpu.memory_space<vmem>>) offsets(%dma_start3A_462 : memref<128xi32, #tpu.memory_space<vmem>>) semaphore(%arg21 : memref<!tpu.dma_semaphore, #tpu.memory_space<semaphore_mem>>)
      } else {
      }
      %mul3A_373 = arith.constant 8 : i32
      %mul3A_374 = arith.muli %scan3A_128, %mul3A_373 : i32
      %add3A_375 = arith.constant 6 : i32
      %add3A_376 = arith.addi %mul3A_374, %add3A_375 : i32
      %add3A_377 = arith.constant 1 : i32
      %add3A_378 = arith.addi %add3A_376, %add3A_377 : i32
      %dma_wait3A_379 = arith.constant 6 : i32
      %dma_wait3A_380 = arith.constant 0 : i32
      %dma_wait3A_381 = arith.constant 0 : i32
      %dma_wait3A_382 = tpu.memref_slice %arg9[%dma_wait3A_379, %dma_wait3A_380, %dma_wait3A_381] : memref<8x128x16xf32, #tpu.memory_space<vmem>> -> memref<1x128x16xf32, #tpu.memory_space<vmem>>
      %dma_wait3A_383 = tpu.memref_squeeze %dma_wait3A_382 : memref<1x128x16xf32, #tpu.memory_space<vmem>> -> memref<128x16xf32, #tpu.memory_space<vmem>>
      %dma_wait3A_384 = arith.constant 0 : i32
      %dma_wait3A_385 = tpu.memref_slice %arg7[%add3A_376, %dma_wait3A_384] : memref<80x128xi32, #tpu.memory_space<vmem>> -> memref<1x128xi32, #tpu.memory_space<vmem>>
      %dma_wait3A_386 = tpu.memref_squeeze %dma_wait3A_385 : memref<1x128xi32, #tpu.memory_space<vmem>> -> memref<128xi32, #tpu.memory_space<vmem>>
      %dma_wait3A_387 = arith.constant 0 : i32
      %dma_wait3A_388 = arith.constant 0 : i32
      %dma_wait3A_389 = tpu.memref_slice %arg14[%dma_wait3A_387, %dma_wait3A_388] : memref<10112x16xf32, #tpu.memory_space<vmem_shared>> -> memref<10112x16xf32, #tpu.memory_space<vmem_shared>>
      tpu.wait_indirect_dma semaphore(%arg21 : memref<!tpu.dma_semaphore, #tpu.memory_space<semaphore_mem>>) src(%dma_wait3A_389 : memref<10112x16xf32, #tpu.memory_space<vmem_shared>>) dst(%dma_wait3A_383 : memref<128x16xf32, #tpu.memory_space<vmem>>)
      %dma_start3A_390 = arith.constant 6 : i32
      %dma_start3A_391 = arith.constant 0 : i32
      %dma_start3A_392 = arith.constant 0 : i32
      %dma_start3A_393 = tpu.memref_slice %arg9[%dma_start3A_390, %dma_start3A_391, %dma_start3A_392] : memref<8x128x16xf32, #tpu.memory_space<vmem>> -> memref<1x128x16xf32, #tpu.memory_space<vmem>>
      %dma_start3A_394 = tpu.memref_squeeze %dma_start3A_393 : memref<1x128x16xf32, #tpu.memory_space<vmem>> -> memref<128x16xf32, #tpu.memory_space<vmem>>
      %dma_start3A_395 = arith.constant 0 : i32
      %dma_start3A_396 = tpu.memref_slice %arg8[%add3A_376, %dma_start3A_395] : memref<80x128xi32, #tpu.memory_space<vmem>> -> memref<1x128xi32, #tpu.memory_space<vmem>>
      %dma_start3A_397 = tpu.memref_squeeze %dma_start3A_396 : memref<1x128xi32, #tpu.memory_space<vmem>> -> memref<128xi32, #tpu.memory_space<vmem>>
      %dma_start3A_398 = arith.constant 0 : i32
      %dma_start3A_399 = arith.constant 0 : i32
      %dma_start3A_400 = tpu.memref_slice %arg13[%dma_start3A_398, %dma_start3A_399] : memref<10112x16xf32, #tpu.memory_space<vmem_shared>> -> memref<10112x16xf32, #tpu.memory_space<vmem_shared>>
      tpu.enqueue_indirect_dma source(%dma_start3A_394 : memref<128x16xf32, #tpu.memory_space<vmem>>) target(%dma_start3A_400 : memref<10112x16xf32, #tpu.memory_space<vmem_shared>>) offsets(%dma_start3A_397 : memref<128xi32, #tpu.memory_space<vmem>>) semaphore(%arg29 : memref<!tpu.dma_semaphore, #tpu.memory_space<semaphore_mem>>) {add = true}
      %ge3A_401 = arith.constant 8 : i32
      %ge3A_402 = arith.cmpi sge, %add3A_378, %ge3A_401 : i32
      %lt3A_403 = arith.constant 80 : i32
      %lt3A_404 = arith.cmpi slt, %add3A_378, %lt3A_403 : i32
      %and3A_405 = arith.andi %ge3A_402, %lt3A_404 : i1
      %convert_element_type3A_406 = arith.extui %and3A_405 : i1 to i32
      %cond3A_407 = arith.constant 0 : i32
      %cond3A_408 = arith.cmpi ne, %convert_element_type3A_406, %cond3A_407 : i32
      scf.if %cond3A_408 {
        %sub3A = arith.constant 8 : i32
        %sub3A_455 = arith.subi %add3A_378, %sub3A : i32
        %dma_wait3A_456 = arith.constant 7 : i32
        %dma_wait3A_457 = arith.constant 0 : i32
        %dma_wait3A_458 = arith.constant 0 : i32
        %dma_wait3A_459 = tpu.memref_slice %arg9[%dma_wait3A_456, %dma_wait3A_457, %dma_wait3A_458] : memref<8x128x16xf32, #tpu.memory_space<vmem>> -> memref<1x128x16xf32, #tpu.memory_space<vmem>>
        %dma_wait3A_460 = tpu.memref_squeeze %dma_wait3A_459 : memref<1x128x16xf32, #tpu.memory_space<vmem>> -> memref<128x16xf32, #tpu.memory_space<vmem>>
        %dma_wait3A_461 = arith.constant 0 : i32
        %dma_wait3A_462 = tpu.memref_slice %arg8[%sub3A_455, %dma_wait3A_461] : memref<80x128xi32, #tpu.memory_space<vmem>> -> memref<1x128xi32, #tpu.memory_space<vmem>>
        %dma_wait3A_463 = tpu.memref_squeeze %dma_wait3A_462 : memref<1x128xi32, #tpu.memory_space<vmem>> -> memref<128xi32, #tpu.memory_space<vmem>>
        %dma_wait3A_464 = arith.constant 0 : i32
        %dma_wait3A_465 = arith.constant 0 : i32
        %dma_wait3A_466 = tpu.memref_slice %arg13[%dma_wait3A_464, %dma_wait3A_465] : memref<10112x16xf32, #tpu.memory_space<vmem_shared>> -> memref<10112x16xf32, #tpu.memory_space<vmem_shared>>
        tpu.wait_indirect_dma semaphore(%arg30 : memref<!tpu.dma_semaphore, #tpu.memory_space<semaphore_mem>>) src(%dma_wait3A_460 : memref<128x16xf32, #tpu.memory_space<vmem>>) dst(%dma_wait3A_466 : memref<10112x16xf32, #tpu.memory_space<vmem_shared>>)
      } else {
      }
      %lt3A_409 = arith.constant 80 : i32
      %lt3A_410 = arith.cmpi slt, %add3A_378, %lt3A_409 : i32
      %convert_element_type3A_411 = arith.extui %lt3A_410 : i1 to i32
      %cond3A_412 = arith.constant 0 : i32
      %cond3A_413 = arith.cmpi ne, %convert_element_type3A_411, %cond3A_412 : i32
      scf.if %cond3A_413 {
        %dma_start3A_455 = arith.constant 7 : i32
        %dma_start3A_456 = arith.constant 0 : i32
        %dma_start3A_457 = arith.constant 0 : i32
        %dma_start3A_458 = tpu.memref_slice %arg9[%dma_start3A_455, %dma_start3A_456, %dma_start3A_457] : memref<8x128x16xf32, #tpu.memory_space<vmem>> -> memref<1x128x16xf32, #tpu.memory_space<vmem>>
        %dma_start3A_459 = tpu.memref_squeeze %dma_start3A_458 : memref<1x128x16xf32, #tpu.memory_space<vmem>> -> memref<128x16xf32, #tpu.memory_space<vmem>>
        %dma_start3A_460 = arith.constant 0 : i32
        %dma_start3A_461 = tpu.memref_slice %arg7[%add3A_378, %dma_start3A_460] : memref<80x128xi32, #tpu.memory_space<vmem>> -> memref<1x128xi32, #tpu.memory_space<vmem>>
        %dma_start3A_462 = tpu.memref_squeeze %dma_start3A_461 : memref<1x128xi32, #tpu.memory_space<vmem>> -> memref<128xi32, #tpu.memory_space<vmem>>
        %dma_start3A_463 = arith.constant 0 : i32
        %dma_start3A_464 = arith.constant 0 : i32
        %dma_start3A_465 = tpu.memref_slice %arg14[%dma_start3A_463, %dma_start3A_464] : memref<10112x16xf32, #tpu.memory_space<vmem_shared>> -> memref<10112x16xf32, #tpu.memory_space<vmem_shared>>
        tpu.enqueue_indirect_dma source(%dma_start3A_465 : memref<10112x16xf32, #tpu.memory_space<vmem_shared>>) target(%dma_start3A_459 : memref<128x16xf32, #tpu.memory_space<vmem>>) offsets(%dma_start3A_462 : memref<128xi32, #tpu.memory_space<vmem>>) semaphore(%arg22 : memref<!tpu.dma_semaphore, #tpu.memory_space<semaphore_mem>>)
      } else {
      }
      %mul3A_414 = arith.constant 8 : i32
      %mul3A_415 = arith.muli %scan3A_128, %mul3A_414 : i32
      %add3A_416 = arith.constant 7 : i32
      %add3A_417 = arith.addi %mul3A_415, %add3A_416 : i32
      %add3A_418 = arith.constant 1 : i32
      %add3A_419 = arith.addi %add3A_417, %add3A_418 : i32
      %dma_wait3A_420 = arith.constant 7 : i32
      %dma_wait3A_421 = arith.constant 0 : i32
      %dma_wait3A_422 = arith.constant 0 : i32
      %dma_wait3A_423 = tpu.memref_slice %arg9[%dma_wait3A_420, %dma_wait3A_421, %dma_wait3A_422] : memref<8x128x16xf32, #tpu.memory_space<vmem>> -> memref<1x128x16xf32, #tpu.memory_space<vmem>>
      %dma_wait3A_424 = tpu.memref_squeeze %dma_wait3A_423 : memref<1x128x16xf32, #tpu.memory_space<vmem>> -> memref<128x16xf32, #tpu.memory_space<vmem>>
      %dma_wait3A_425 = arith.constant 0 : i32
      %dma_wait3A_426 = tpu.memref_slice %arg7[%add3A_417, %dma_wait3A_425] : memref<80x128xi32, #tpu.memory_space<vmem>> -> memref<1x128xi32, #tpu.memory_space<vmem>>
      %dma_wait3A_427 = tpu.memref_squeeze %dma_wait3A_426 : memref<1x128xi32, #tpu.memory_space<vmem>> -> memref<128xi32, #tpu.memory_space<vmem>>
      %dma_wait3A_428 = arith.constant 0 : i32
      %dma_wait3A_429 = arith.constant 0 : i32
      %dma_wait3A_430 = tpu.memref_slice %arg14[%dma_wait3A_428, %dma_wait3A_429] : memref<10112x16xf32, #tpu.memory_space<vmem_shared>> -> memref<10112x16xf32, #tpu.memory_space<vmem_shared>>
      tpu.wait_indirect_dma semaphore(%arg22 : memref<!tpu.dma_semaphore, #tpu.memory_space<semaphore_mem>>) src(%dma_wait3A_430 : memref<10112x16xf32, #tpu.memory_space<vmem_shared>>) dst(%dma_wait3A_424 : memref<128x16xf32, #tpu.memory_space<vmem>>)
      %dma_start3A_431 = arith.constant 7 : i32
      %dma_start3A_432 = arith.constant 0 : i32
      %dma_start3A_433 = arith.constant 0 : i32
      %dma_start3A_434 = tpu.memref_slice %arg9[%dma_start3A_431, %dma_start3A_432, %dma_start3A_433] : memref<8x128x16xf32, #tpu.memory_space<vmem>> -> memref<1x128x16xf32, #tpu.memory_space<vmem>>
      %dma_start3A_435 = tpu.memref_squeeze %dma_start3A_434 : memref<1x128x16xf32, #tpu.memory_space<vmem>> -> memref<128x16xf32, #tpu.memory_space<vmem>>
      %dma_start3A_436 = arith.constant 0 : i32
      %dma_start3A_437 = tpu.memref_slice %arg8[%add3A_417, %dma_start3A_436] : memref<80x128xi32, #tpu.memory_space<vmem>> -> memref<1x128xi32, #tpu.memory_space<vmem>>
      %dma_start3A_438 = tpu.memref_squeeze %dma_start3A_437 : memref<1x128xi32, #tpu.memory_space<vmem>> -> memref<128xi32, #tpu.memory_space<vmem>>
      %dma_start3A_439 = arith.constant 0 : i32
      %dma_start3A_440 = arith.constant 0 : i32
      %dma_start3A_441 = tpu.memref_slice %arg13[%dma_start3A_439, %dma_start3A_440] : memref<10112x16xf32, #tpu.memory_space<vmem_shared>> -> memref<10112x16xf32, #tpu.memory_space<vmem_shared>>
      tpu.enqueue_indirect_dma source(%dma_start3A_435 : memref<128x16xf32, #tpu.memory_space<vmem>>) target(%dma_start3A_441 : memref<10112x16xf32, #tpu.memory_space<vmem_shared>>) offsets(%dma_start3A_438 : memref<128xi32, #tpu.memory_space<vmem>>) semaphore(%arg30 : memref<!tpu.dma_semaphore, #tpu.memory_space<semaphore_mem>>) {add = true}
      %ge3A_442 = arith.constant 8 : i32
      %ge3A_443 = arith.cmpi sge, %add3A_419, %ge3A_442 : i32
      %lt3A_444 = arith.constant 80 : i32
      %lt3A_445 = arith.cmpi slt, %add3A_419, %lt3A_444 : i32
      %and3A_446 = arith.andi %ge3A_443, %lt3A_445 : i1
      %convert_element_type3A_447 = arith.extui %and3A_446 : i1 to i32
      %cond3A_448 = arith.constant 0 : i32
      %cond3A_449 = arith.cmpi ne, %convert_element_type3A_447, %cond3A_448 : i32
      scf.if %cond3A_449 {
        %sub3A = arith.constant 8 : i32
        %sub3A_455 = arith.subi %add3A_419, %sub3A : i32
        %dma_wait3A_456 = arith.constant 0 : i32
        %dma_wait3A_457 = arith.constant 0 : i32
        %dma_wait3A_458 = arith.constant 0 : i32
        %dma_wait3A_459 = tpu.memref_slice %arg9[%dma_wait3A_456, %dma_wait3A_457, %dma_wait3A_458] : memref<8x128x16xf32, #tpu.memory_space<vmem>> -> memref<1x128x16xf32, #tpu.memory_space<vmem>>
        %dma_wait3A_460 = tpu.memref_squeeze %dma_wait3A_459 : memref<1x128x16xf32, #tpu.memory_space<vmem>> -> memref<128x16xf32, #tpu.memory_space<vmem>>
        %dma_wait3A_461 = arith.constant 0 : i32
        %dma_wait3A_462 = tpu.memref_slice %arg8[%sub3A_455, %dma_wait3A_461] : memref<80x128xi32, #tpu.memory_space<vmem>> -> memref<1x128xi32, #tpu.memory_space<vmem>>
        %dma_wait3A_463 = tpu.memref_squeeze %dma_wait3A_462 : memref<1x128xi32, #tpu.memory_space<vmem>> -> memref<128xi32, #tpu.memory_space<vmem>>
        %dma_wait3A_464 = arith.constant 0 : i32
        %dma_wait3A_465 = arith.constant 0 : i32
        %dma_wait3A_466 = tpu.memref_slice %arg13[%dma_wait3A_464, %dma_wait3A_465] : memref<10112x16xf32, #tpu.memory_space<vmem_shared>> -> memref<10112x16xf32, #tpu.memory_space<vmem_shared>>
        tpu.wait_indirect_dma semaphore(%arg23 : memref<!tpu.dma_semaphore, #tpu.memory_space<semaphore_mem>>) src(%dma_wait3A_460 : memref<128x16xf32, #tpu.memory_space<vmem>>) dst(%dma_wait3A_466 : memref<10112x16xf32, #tpu.memory_space<vmem_shared>>)
      } else {
      }
      %lt3A_450 = arith.constant 80 : i32
      %lt3A_451 = arith.cmpi slt, %add3A_419, %lt3A_450 : i32
      %convert_element_type3A_452 = arith.extui %lt3A_451 : i1 to i32
      %cond3A_453 = arith.constant 0 : i32
      %cond3A_454 = arith.cmpi ne, %convert_element_type3A_452, %cond3A_453 : i32
      scf.if %cond3A_454 {
        %dma_start3A_455 = arith.constant 0 : i32
        %dma_start3A_456 = arith.constant 0 : i32
        %dma_start3A_457 = arith.constant 0 : i32
        %dma_start3A_458 = tpu.memref_slice %arg9[%dma_start3A_455, %dma_start3A_456, %dma_start3A_457] : memref<8x128x16xf32, #tpu.memory_space<vmem>> -> memref<1x128x16xf32, #tpu.memory_space<vmem>>
        %dma_start3A_459 = tpu.memref_squeeze %dma_start3A_458 : memref<1x128x16xf32, #tpu.memory_space<vmem>> -> memref<128x16xf32, #tpu.memory_space<vmem>>
        %dma_start3A_460 = arith.constant 0 : i32
        %dma_start3A_461 = tpu.memref_slice %arg7[%add3A_419, %dma_start3A_460] : memref<80x128xi32, #tpu.memory_space<vmem>> -> memref<1x128xi32, #tpu.memory_space<vmem>>
        %dma_start3A_462 = tpu.memref_squeeze %dma_start3A_461 : memref<1x128xi32, #tpu.memory_space<vmem>> -> memref<128xi32, #tpu.memory_space<vmem>>
        %dma_start3A_463 = arith.constant 0 : i32
        %dma_start3A_464 = arith.constant 0 : i32
        %dma_start3A_465 = tpu.memref_slice %arg14[%dma_start3A_463, %dma_start3A_464] : memref<10112x16xf32, #tpu.memory_space<vmem_shared>> -> memref<10112x16xf32, #tpu.memory_space<vmem_shared>>
        tpu.enqueue_indirect_dma source(%dma_start3A_465 : memref<10112x16xf32, #tpu.memory_space<vmem_shared>>) target(%dma_start3A_459 : memref<128x16xf32, #tpu.memory_space<vmem>>) offsets(%dma_start3A_462 : memref<128xi32, #tpu.memory_space<vmem>>) semaphore(%arg15 : memref<!tpu.dma_semaphore, #tpu.memory_space<semaphore_mem>>)
      } else {
      }
    }
    %scan3A_31 = arith.constant 10 : i32
    %dma_wait3A = arith.constant 0 : i32
    %dma_wait3A_32 = arith.constant 72 : i32
    %dma_wait3A_33 = arith.constant 0 : i32
    %dma_wait3A_34 = arith.constant 0 : i32
    %dma_wait3A_35 = tpu.memref_slice %arg9[%dma_wait3A, %dma_wait3A_33, %dma_wait3A_34] : memref<8x128x16xf32, #tpu.memory_space<vmem>> -> memref<1x128x16xf32, #tpu.memory_space<vmem>>
    %dma_wait3A_36 = tpu.memref_squeeze %dma_wait3A_35 : memref<1x128x16xf32, #tpu.memory_space<vmem>> -> memref<128x16xf32, #tpu.memory_space<vmem>>
    %dma_wait3A_37 = arith.constant 0 : i32
    %dma_wait3A_38 = tpu.memref_slice %arg8[%dma_wait3A_32, %dma_wait3A_37] : memref<80x128xi32, #tpu.memory_space<vmem>> -> memref<1x128xi32, #tpu.memory_space<vmem>>
    %dma_wait3A_39 = tpu.memref_squeeze %dma_wait3A_38 : memref<1x128xi32, #tpu.memory_space<vmem>> -> memref<128xi32, #tpu.memory_space<vmem>>
    %dma_wait3A_40 = arith.constant 0 : i32
    %dma_wait3A_41 = arith.constant 0 : i32
    %dma_wait3A_42 = tpu.memref_slice %arg13[%dma_wait3A_40, %dma_wait3A_41] : memref<10112x16xf32, #tpu.memory_space<vmem_shared>> -> memref<10112x16xf32, #tpu.memory_space<vmem_shared>>
    tpu.wait_indirect_dma semaphore(%arg23 : memref<!tpu.dma_semaphore, #tpu.memory_space<semaphore_mem>>) src(%dma_wait3A_36 : memref<128x16xf32, #tpu.memory_space<vmem>>) dst(%dma_wait3A_42 : memref<10112x16xf32, #tpu.memory_space<vmem_shared>>)
    %dma_wait3A_43 = arith.constant 1 : i32
    %dma_wait3A_44 = arith.constant 73 : i32
    %dma_wait3A_45 = arith.constant 0 : i32
    %dma_wait3A_46 = arith.constant 0 : i32
    %dma_wait3A_47 = tpu.memref_slice %arg9[%dma_wait3A_43, %dma_wait3A_45, %dma_wait3A_46] : memref<8x128x16xf32, #tpu.memory_space<vmem>> -> memref<1x128x16xf32, #tpu.memory_space<vmem>>
    %dma_wait3A_48 = tpu.memref_squeeze %dma_wait3A_47 : memref<1x128x16xf32, #tpu.memory_space<vmem>> -> memref<128x16xf32, #tpu.memory_space<vmem>>
    %dma_wait3A_49 = arith.constant 0 : i32
    %dma_wait3A_50 = tpu.memref_slice %arg8[%dma_wait3A_44, %dma_wait3A_49] : memref<80x128xi32, #tpu.memory_space<vmem>> -> memref<1x128xi32, #tpu.memory_space<vmem>>
    %dma_wait3A_51 = tpu.memref_squeeze %dma_wait3A_50 : memref<1x128xi32, #tpu.memory_space<vmem>> -> memref<128xi32, #tpu.memory_space<vmem>>
    %dma_wait3A_52 = arith.constant 0 : i32
    %dma_wait3A_53 = arith.constant 0 : i32
    %dma_wait3A_54 = tpu.memref_slice %arg13[%dma_wait3A_52, %dma_wait3A_53] : memref<10112x16xf32, #tpu.memory_space<vmem_shared>> -> memref<10112x16xf32, #tpu.memory_space<vmem_shared>>
    tpu.wait_indirect_dma semaphore(%arg24 : memref<!tpu.dma_semaphore, #tpu.memory_space<semaphore_mem>>) src(%dma_wait3A_48 : memref<128x16xf32, #tpu.memory_space<vmem>>) dst(%dma_wait3A_54 : memref<10112x16xf32, #tpu.memory_space<vmem_shared>>)
    %dma_wait3A_55 = arith.constant 2 : i32
    %dma_wait3A_56 = arith.constant 74 : i32
    %dma_wait3A_57 = arith.constant 0 : i32
    %dma_wait3A_58 = arith.constant 0 : i32
    %dma_wait3A_59 = tpu.memref_slice %arg9[%dma_wait3A_55, %dma_wait3A_57, %dma_wait3A_58] : memref<8x128x16xf32, #tpu.memory_space<vmem>> -> memref<1x128x16xf32, #tpu.memory_space<vmem>>
    %dma_wait3A_60 = tpu.memref_squeeze %dma_wait3A_59 : memref<1x128x16xf32, #tpu.memory_space<vmem>> -> memref<128x16xf32, #tpu.memory_space<vmem>>
    %dma_wait3A_61 = arith.constant 0 : i32
    %dma_wait3A_62 = tpu.memref_slice %arg8[%dma_wait3A_56, %dma_wait3A_61] : memref<80x128xi32, #tpu.memory_space<vmem>> -> memref<1x128xi32, #tpu.memory_space<vmem>>
    %dma_wait3A_63 = tpu.memref_squeeze %dma_wait3A_62 : memref<1x128xi32, #tpu.memory_space<vmem>> -> memref<128xi32, #tpu.memory_space<vmem>>
    %dma_wait3A_64 = arith.constant 0 : i32
    %dma_wait3A_65 = arith.constant 0 : i32
    %dma_wait3A_66 = tpu.memref_slice %arg13[%dma_wait3A_64, %dma_wait3A_65] : memref<10112x16xf32, #tpu.memory_space<vmem_shared>> -> memref<10112x16xf32, #tpu.memory_space<vmem_shared>>
    tpu.wait_indirect_dma semaphore(%arg25 : memref<!tpu.dma_semaphore, #tpu.memory_space<semaphore_mem>>) src(%dma_wait3A_60 : memref<128x16xf32, #tpu.memory_space<vmem>>) dst(%dma_wait3A_66 : memref<10112x16xf32, #tpu.memory_space<vmem_shared>>)
    %dma_wait3A_67 = arith.constant 3 : i32
    %dma_wait3A_68 = arith.constant 75 : i32
    %dma_wait3A_69 = arith.constant 0 : i32
    %dma_wait3A_70 = arith.constant 0 : i32
    %dma_wait3A_71 = tpu.memref_slice %arg9[%dma_wait3A_67, %dma_wait3A_69, %dma_wait3A_70] : memref<8x128x16xf32, #tpu.memory_space<vmem>> -> memref<1x128x16xf32, #tpu.memory_space<vmem>>
    %dma_wait3A_72 = tpu.memref_squeeze %dma_wait3A_71 : memref<1x128x16xf32, #tpu.memory_space<vmem>> -> memref<128x16xf32, #tpu.memory_space<vmem>>
    %dma_wait3A_73 = arith.constant 0 : i32
    %dma_wait3A_74 = tpu.memref_slice %arg8[%dma_wait3A_68, %dma_wait3A_73] : memref<80x128xi32, #tpu.memory_space<vmem>> -> memref<1x128xi32, #tpu.memory_space<vmem>>
    %dma_wait3A_75 = tpu.memref_squeeze %dma_wait3A_74 : memref<1x128xi32, #tpu.memory_space<vmem>> -> memref<128xi32, #tpu.memory_space<vmem>>
    %dma_wait3A_76 = arith.constant 0 : i32
    %dma_wait3A_77 = arith.constant 0 : i32
    %dma_wait3A_78 = tpu.memref_slice %arg13[%dma_wait3A_76, %dma_wait3A_77] : memref<10112x16xf32, #tpu.memory_space<vmem_shared>> -> memref<10112x16xf32, #tpu.memory_space<vmem_shared>>
    tpu.wait_indirect_dma semaphore(%arg26 : memref<!tpu.dma_semaphore, #tpu.memory_space<semaphore_mem>>) src(%dma_wait3A_72 : memref<128x16xf32, #tpu.memory_space<vmem>>) dst(%dma_wait3A_78 : memref<10112x16xf32, #tpu.memory_space<vmem_shared>>)
    %dma_wait3A_79 = arith.constant 4 : i32
    %dma_wait3A_80 = arith.constant 76 : i32
    %dma_wait3A_81 = arith.constant 0 : i32
    %dma_wait3A_82 = arith.constant 0 : i32
    %dma_wait3A_83 = tpu.memref_slice %arg9[%dma_wait3A_79, %dma_wait3A_81, %dma_wait3A_82] : memref<8x128x16xf32, #tpu.memory_space<vmem>> -> memref<1x128x16xf32, #tpu.memory_space<vmem>>
    %dma_wait3A_84 = tpu.memref_squeeze %dma_wait3A_83 : memref<1x128x16xf32, #tpu.memory_space<vmem>> -> memref<128x16xf32, #tpu.memory_space<vmem>>
    %dma_wait3A_85 = arith.constant 0 : i32
    %dma_wait3A_86 = tpu.memref_slice %arg8[%dma_wait3A_80, %dma_wait3A_85] : memref<80x128xi32, #tpu.memory_space<vmem>> -> memref<1x128xi32, #tpu.memory_space<vmem>>
    %dma_wait3A_87 = tpu.memref_squeeze %dma_wait3A_86 : memref<1x128xi32, #tpu.memory_space<vmem>> -> memref<128xi32, #tpu.memory_space<vmem>>
    %dma_wait3A_88 = arith.constant 0 : i32
    %dma_wait3A_89 = arith.constant 0 : i32
    %dma_wait3A_90 = tpu.memref_slice %arg13[%dma_wait3A_88, %dma_wait3A_89] : memref<10112x16xf32, #tpu.memory_space<vmem_shared>> -> memref<10112x16xf32, #tpu.memory_space<vmem_shared>>
    tpu.wait_indirect_dma semaphore(%arg27 : memref<!tpu.dma_semaphore, #tpu.memory_space<semaphore_mem>>) src(%dma_wait3A_84 : memref<128x16xf32, #tpu.memory_space<vmem>>) dst(%dma_wait3A_90 : memref<10112x16xf32, #tpu.memory_space<vmem_shared>>)
    %dma_wait3A_91 = arith.constant 5 : i32
    %dma_wait3A_92 = arith.constant 77 : i32
    %dma_wait3A_93 = arith.constant 0 : i32
    %dma_wait3A_94 = arith.constant 0 : i32
    %dma_wait3A_95 = tpu.memref_slice %arg9[%dma_wait3A_91, %dma_wait3A_93, %dma_wait3A_94] : memref<8x128x16xf32, #tpu.memory_space<vmem>> -> memref<1x128x16xf32, #tpu.memory_space<vmem>>
    %dma_wait3A_96 = tpu.memref_squeeze %dma_wait3A_95 : memref<1x128x16xf32, #tpu.memory_space<vmem>> -> memref<128x16xf32, #tpu.memory_space<vmem>>
    %dma_wait3A_97 = arith.constant 0 : i32
    %dma_wait3A_98 = tpu.memref_slice %arg8[%dma_wait3A_92, %dma_wait3A_97] : memref<80x128xi32, #tpu.memory_space<vmem>> -> memref<1x128xi32, #tpu.memory_space<vmem>>
    %dma_wait3A_99 = tpu.memref_squeeze %dma_wait3A_98 : memref<1x128xi32, #tpu.memory_space<vmem>> -> memref<128xi32, #tpu.memory_space<vmem>>
    %dma_wait3A_100 = arith.constant 0 : i32
    %dma_wait3A_101 = arith.constant 0 : i32
    %dma_wait3A_102 = tpu.memref_slice %arg13[%dma_wait3A_100, %dma_wait3A_101] : memref<10112x16xf32, #tpu.memory_space<vmem_shared>> -> memref<10112x16xf32, #tpu.memory_space<vmem_shared>>
    tpu.wait_indirect_dma semaphore(%arg28 : memref<!tpu.dma_semaphore, #tpu.memory_space<semaphore_mem>>) src(%dma_wait3A_96 : memref<128x16xf32, #tpu.memory_space<vmem>>) dst(%dma_wait3A_102 : memref<10112x16xf32, #tpu.memory_space<vmem_shared>>)
    %dma_wait3A_103 = arith.constant 6 : i32
    %dma_wait3A_104 = arith.constant 78 : i32
    %dma_wait3A_105 = arith.constant 0 : i32
    %dma_wait3A_106 = arith.constant 0 : i32
    %dma_wait3A_107 = tpu.memref_slice %arg9[%dma_wait3A_103, %dma_wait3A_105, %dma_wait3A_106] : memref<8x128x16xf32, #tpu.memory_space<vmem>> -> memref<1x128x16xf32, #tpu.memory_space<vmem>>
    %dma_wait3A_108 = tpu.memref_squeeze %dma_wait3A_107 : memref<1x128x16xf32, #tpu.memory_space<vmem>> -> memref<128x16xf32, #tpu.memory_space<vmem>>
    %dma_wait3A_109 = arith.constant 0 : i32
    %dma_wait3A_110 = tpu.memref_slice %arg8[%dma_wait3A_104, %dma_wait3A_109] : memref<80x128xi32, #tpu.memory_space<vmem>> -> memref<1x128xi32, #tpu.memory_space<vmem>>
    %dma_wait3A_111 = tpu.memref_squeeze %dma_wait3A_110 : memref<1x128xi32, #tpu.memory_space<vmem>> -> memref<128xi32, #tpu.memory_space<vmem>>
    %dma_wait3A_112 = arith.constant 0 : i32
    %dma_wait3A_113 = arith.constant 0 : i32
    %dma_wait3A_114 = tpu.memref_slice %arg13[%dma_wait3A_112, %dma_wait3A_113] : memref<10112x16xf32, #tpu.memory_space<vmem_shared>> -> memref<10112x16xf32, #tpu.memory_space<vmem_shared>>
    tpu.wait_indirect_dma semaphore(%arg29 : memref<!tpu.dma_semaphore, #tpu.memory_space<semaphore_mem>>) src(%dma_wait3A_108 : memref<128x16xf32, #tpu.memory_space<vmem>>) dst(%dma_wait3A_114 : memref<10112x16xf32, #tpu.memory_space<vmem_shared>>)
    %dma_wait3A_115 = arith.constant 7 : i32
    %dma_wait3A_116 = arith.constant 79 : i32
    %dma_wait3A_117 = arith.constant 0 : i32
    %dma_wait3A_118 = arith.constant 0 : i32
    %dma_wait3A_119 = tpu.memref_slice %arg9[%dma_wait3A_115, %dma_wait3A_117, %dma_wait3A_118] : memref<8x128x16xf32, #tpu.memory_space<vmem>> -> memref<1x128x16xf32, #tpu.memory_space<vmem>>
    %dma_wait3A_120 = tpu.memref_squeeze %dma_wait3A_119 : memref<1x128x16xf32, #tpu.memory_space<vmem>> -> memref<128x16xf32, #tpu.memory_space<vmem>>
    %dma_wait3A_121 = arith.constant 0 : i32
    %dma_wait3A_122 = tpu.memref_slice %arg8[%dma_wait3A_116, %dma_wait3A_121] : memref<80x128xi32, #tpu.memory_space<vmem>> -> memref<1x128xi32, #tpu.memory_space<vmem>>
    %dma_wait3A_123 = tpu.memref_squeeze %dma_wait3A_122 : memref<1x128xi32, #tpu.memory_space<vmem>> -> memref<128xi32, #tpu.memory_space<vmem>>
    %dma_wait3A_124 = arith.constant 0 : i32
    %dma_wait3A_125 = arith.constant 0 : i32
    %dma_wait3A_126 = tpu.memref_slice %arg13[%dma_wait3A_124, %dma_wait3A_125] : memref<10112x16xf32, #tpu.memory_space<vmem_shared>> -> memref<10112x16xf32, #tpu.memory_space<vmem_shared>>
    tpu.wait_indirect_dma semaphore(%arg30 : memref<!tpu.dma_semaphore, #tpu.memory_space<semaphore_mem>>) src(%dma_wait3A_120 : memref<128x16xf32, #tpu.memory_space<vmem>>) dst(%dma_wait3A_126 : memref<10112x16xf32, #tpu.memory_space<vmem_shared>>)
    %barrier3A_127 = arith.constant 0 : index
    tpu.barrier barrier_id(%barrier3A_127)
    "tpu.region"() ({
      %run_scoped3A_128 = tpu.sem_alloc : memref<!tpu.dma_semaphore, #tpu.memory_space<semaphore_mem>>
      %dma_start3A_129 = arith.constant 0 : i32
      %dma_start3A_130 = tpu.memref_slice %arg6[%arg0, %mul3A_8, %dma_start3A_129] : memref<2x10112x16xf32, #tpu.memory_space<hbm>> -> memref<1x632x16xf32, #tpu.memory_space<hbm>>
      %dma_start3A_131 = tpu.memref_squeeze %dma_start3A_130 : memref<1x632x16xf32, #tpu.memory_space<hbm>> -> memref<632x16xf32, #tpu.memory_space<hbm>>
      %dma_start3A_132 = arith.constant 0 : i32
      %dma_start3A_133 = tpu.memref_slice %arg13[%mul3A_8, %dma_start3A_132] : memref<10112x16xf32, #tpu.memory_space<vmem_shared>> -> memref<632x16xf32, #tpu.memory_space<vmem_shared>>
      tpu.enqueue_dma source(%dma_start3A_133 : memref<632x16xf32, #tpu.memory_space<vmem_shared>>) target(%dma_start3A_131 : memref<632x16xf32, #tpu.memory_space<hbm>>) target_semaphore(%run_scoped3A_128 : memref<!tpu.dma_semaphore, #tpu.memory_space<semaphore_mem>>)
      %dma_wait3A_134 = arith.constant 0 : i32
      %dma_wait3A_135 = tpu.memref_slice %arg6[%arg0, %mul3A_8, %dma_wait3A_134] : memref<2x10112x16xf32, #tpu.memory_space<hbm>> -> memref<1x632x16xf32, #tpu.memory_space<hbm>>
      %dma_wait3A_136 = tpu.memref_squeeze %dma_wait3A_135 : memref<1x632x16xf32, #tpu.memory_space<hbm>> -> memref<632x16xf32, #tpu.memory_space<hbm>>
      %dma_wait3A_137 = arith.constant 0 : i32
      %dma_wait3A_138 = tpu.memref_slice %arg13[%mul3A_8, %dma_wait3A_137] : memref<10112x16xf32, #tpu.memory_space<vmem_shared>> -> memref<632x16xf32, #tpu.memory_space<vmem_shared>>
      tpu.wait_dma2 semaphore(%run_scoped3A_128 : memref<!tpu.dma_semaphore, #tpu.memory_space<semaphore_mem>>) src(%dma_wait3A_138 : memref<632x16xf32, #tpu.memory_space<vmem_shared>>) dst(%dma_wait3A_136 : memref<632x16xf32, #tpu.memory_space<hbm>>)
      tpu.yield
    }) : () -> ()
    return
  }
}

#map = affine_map<(d0, d1) -> (0, 0)>
#map1 = affine_map<(d0, d1) -> (0, 0, 0)>
#map2 = affine_map<(d0, d1) -> (0)>
module attributes {stable_mosaic.version = 14 : i64} {
  func.func @agg2(%arg0: i32, %arg1: i32, %arg2: memref<10112x16xf32, #tpu.memory_space<hbm>>, %arg3: memref<2x10112x16xf32, #tpu.memory_space<hbm>>, %arg4: memref<2x10112x16xf32, #tpu.memory_space<hbm>>, %arg5: memref<16xf32, #tpu.memory_space<hbm>>, %arg6: memref<2x2500x128xi32, #tpu.memory_space<hbm>>, %arg7: memref<632x16xf32, #tpu.memory_space<hbm>>, %arg8: memref<2x10112x16xf32, #tpu.memory_space<hbm>>, %arg9: memref<10112x16xf32, #tpu.memory_space<hbm>>, %arg10: memref<10112x16xf32, #tpu.memory_space<hbm>>, %arg11: memref<80x128xi32, #tpu.memory_space<vmem>>, %arg12: memref<80x128xi32, #tpu.memory_space<vmem>>, %arg13: memref<8x128x16xf32, #tpu.memory_space<vmem>>, %arg14: memref<632x16xf32, #tpu.memory_space<vmem>>, %arg15: memref<632x16xf32, #tpu.memory_space<vmem>>, %arg16: memref<632x16xf32, #tpu.memory_space<vmem>>, %arg17: memref<632x16xf32, #tpu.memory_space<vmem>>, %arg18: memref<632x16xf32, #tpu.memory_space<vmem>>, %arg19: memref<16xf32, #tpu.memory_space<vmem>>, %arg20: memref<10112x16xf32, #tpu.memory_space<vmem_shared>>, %arg21: memref<10112x16xf32, #tpu.memory_space<vmem_shared>>, %arg22: memref<!tpu.dma_semaphore, #tpu.memory_space<semaphore_mem>>, %arg23: memref<!tpu.dma_semaphore, #tpu.memory_space<semaphore_mem>>, %arg24: memref<!tpu.dma_semaphore, #tpu.memory_space<semaphore_mem>>, %arg25: memref<!tpu.dma_semaphore, #tpu.memory_space<semaphore_mem>>, %arg26: memref<!tpu.dma_semaphore, #tpu.memory_space<semaphore_mem>>, %arg27: memref<!tpu.dma_semaphore, #tpu.memory_space<semaphore_mem>>, %arg28: memref<!tpu.dma_semaphore, #tpu.memory_space<semaphore_mem>>, %arg29: memref<!tpu.dma_semaphore, #tpu.memory_space<semaphore_mem>>, %arg30: memref<!tpu.dma_semaphore, #tpu.memory_space<semaphore_mem>>, %arg31: memref<!tpu.dma_semaphore, #tpu.memory_space<semaphore_mem>>, %arg32: memref<!tpu.dma_semaphore, #tpu.memory_space<semaphore_mem>>, %arg33: memref<!tpu.dma_semaphore, #tpu.memory_space<semaphore_mem>>, %arg34: memref<!tpu.dma_semaphore, #tpu.memory_space<semaphore_mem>>, %arg35: memref<!tpu.dma_semaphore, #tpu.memory_space<semaphore_mem>>, %arg36: memref<!tpu.dma_semaphore, #tpu.memory_space<semaphore_mem>>, %arg37: memref<!tpu.dma_semaphore, #tpu.memory_space<semaphore_mem>>) attributes {dimension_semantics = [#tpu.dimension_semantics<core_parallel>, #tpu.dimension_semantics<subcore_parallel>], iteration_bounds = array<i64: 2, 16>, scalar_prefetch = 0 : i64, scratch_operands = 27 : i64, tpu.core_type = #tpu.core_type<sc_vector_subcore>, window_params = [{transform_indices = #map}, {transform_indices = #map1}, {transform_indices = #map1}, {transform_indices = #map2}, {transform_indices = #map1}, {transform_indices = #map}, {transform_indices = #map1}, {transform_indices = #map}, {transform_indices = #map}]} {
    %mul3A = arith.constant 2 : i32
    %mul3A_0 = arith.muli %arg1, %mul3A : i32
    %add3A = arith.addi %mul3A_0, %arg0 : i32
    %lt3A = arith.constant 31 : i32
    %lt3A_1 = arith.cmpi slt, %add3A, %lt3A : i32
    %convert_element_type3A = arith.extui %lt3A_1 : i1 to i32
    %cond3A = arith.constant 0 : i32
    %cond3A_2 = arith.cmpi ne, %convert_element_type3A, %cond3A : i32
    scf.if %cond3A_2 {
      %mul3A_136 = arith.constant 80 : i32
      %mul3A_137 = arith.muli %add3A, %mul3A_136 : i32
      %run_scoped3A_138 = arith.constant 0 : i32
      "tpu.region"() ({
        %run_scoped3A_142 = tpu.sem_alloc : memref<!tpu.dma_semaphore, #tpu.memory_space<semaphore_mem>>
        %dma_start3A_143 = arith.constant 0 : i32
        %dma_start3A_144 = tpu.memref_slice %arg6[%run_scoped3A_138, %mul3A_137, %dma_start3A_143] : memref<2x2500x128xi32, #tpu.memory_space<hbm>> -> memref<1x80x128xi32, #tpu.memory_space<hbm>>
        %dma_start3A_145 = tpu.memref_squeeze %dma_start3A_144 : memref<1x80x128xi32, #tpu.memory_space<hbm>> -> memref<80x128xi32, #tpu.memory_space<hbm>>
        %dma_start3A_146 = arith.constant 0 : i32
        %dma_start3A_147 = tpu.memref_slice %arg6[%run_scoped3A_138, %mul3A_137, %dma_start3A_146] : memref<2x2500x128xi32, #tpu.memory_space<hbm>> -> memref<1x80x128xi32, #tpu.memory_space<hbm>>
        %dma_start3A_148 = tpu.memref_squeeze %dma_start3A_147 : memref<1x80x128xi32, #tpu.memory_space<hbm>> -> memref<80x128xi32, #tpu.memory_space<hbm>>
        tpu.enqueue_dma source(%dma_start3A_148 : memref<80x128xi32, #tpu.memory_space<hbm>>) target(%arg11 : memref<80x128xi32, #tpu.memory_space<vmem>>) target_semaphore(%run_scoped3A_142 : memref<!tpu.dma_semaphore, #tpu.memory_space<semaphore_mem>>)
        %dma_wait3A_149 = arith.constant 0 : i32
        %dma_wait3A_150 = tpu.memref_slice %arg6[%run_scoped3A_138, %mul3A_137, %dma_wait3A_149] : memref<2x2500x128xi32, #tpu.memory_space<hbm>> -> memref<1x80x128xi32, #tpu.memory_space<hbm>>
        %dma_wait3A_151 = tpu.memref_squeeze %dma_wait3A_150 : memref<1x80x128xi32, #tpu.memory_space<hbm>> -> memref<80x128xi32, #tpu.memory_space<hbm>>
        %dma_wait3A_152 = arith.constant 0 : i32
        %dma_wait3A_153 = tpu.memref_slice %arg6[%run_scoped3A_138, %mul3A_137, %dma_wait3A_152] : memref<2x2500x128xi32, #tpu.memory_space<hbm>> -> memref<1x80x128xi32, #tpu.memory_space<hbm>>
        %dma_wait3A_154 = tpu.memref_squeeze %dma_wait3A_153 : memref<1x80x128xi32, #tpu.memory_space<hbm>> -> memref<80x128xi32, #tpu.memory_space<hbm>>
        tpu.wait_dma2 semaphore(%run_scoped3A_142 : memref<!tpu.dma_semaphore, #tpu.memory_space<semaphore_mem>>) src(%dma_wait3A_154 : memref<80x128xi32, #tpu.memory_space<hbm>>) dst(%arg11 : memref<80x128xi32, #tpu.memory_space<vmem>>)
        tpu.yield
      }) : () -> ()
      %mul3A_139 = arith.constant 80 : i32
      %mul3A_140 = arith.muli %add3A, %mul3A_139 : i32
      %run_scoped3A_141 = arith.constant 1 : i32
      "tpu.region"() ({
        %run_scoped3A_142 = tpu.sem_alloc : memref<!tpu.dma_semaphore, #tpu.memory_space<semaphore_mem>>
        %dma_start3A_143 = arith.constant 0 : i32
        %dma_start3A_144 = tpu.memref_slice %arg6[%run_scoped3A_141, %mul3A_140, %dma_start3A_143] : memref<2x2500x128xi32, #tpu.memory_space<hbm>> -> memref<1x80x128xi32, #tpu.memory_space<hbm>>
        %dma_start3A_145 = tpu.memref_squeeze %dma_start3A_144 : memref<1x80x128xi32, #tpu.memory_space<hbm>> -> memref<80x128xi32, #tpu.memory_space<hbm>>
        %dma_start3A_146 = arith.constant 0 : i32
        %dma_start3A_147 = tpu.memref_slice %arg6[%run_scoped3A_141, %mul3A_140, %dma_start3A_146] : memref<2x2500x128xi32, #tpu.memory_space<hbm>> -> memref<1x80x128xi32, #tpu.memory_space<hbm>>
        %dma_start3A_148 = tpu.memref_squeeze %dma_start3A_147 : memref<1x80x128xi32, #tpu.memory_space<hbm>> -> memref<80x128xi32, #tpu.memory_space<hbm>>
        tpu.enqueue_dma source(%dma_start3A_148 : memref<80x128xi32, #tpu.memory_space<hbm>>) target(%arg12 : memref<80x128xi32, #tpu.memory_space<vmem>>) target_semaphore(%run_scoped3A_142 : memref<!tpu.dma_semaphore, #tpu.memory_space<semaphore_mem>>)
        %dma_wait3A_149 = arith.constant 0 : i32
        %dma_wait3A_150 = tpu.memref_slice %arg6[%run_scoped3A_141, %mul3A_140, %dma_wait3A_149] : memref<2x2500x128xi32, #tpu.memory_space<hbm>> -> memref<1x80x128xi32, #tpu.memory_space<hbm>>
        %dma_wait3A_151 = tpu.memref_squeeze %dma_wait3A_150 : memref<1x80x128xi32, #tpu.memory_space<hbm>> -> memref<80x128xi32, #tpu.memory_space<hbm>>
        %dma_wait3A_152 = arith.constant 0 : i32
        %dma_wait3A_153 = tpu.memref_slice %arg6[%run_scoped3A_141, %mul3A_140, %dma_wait3A_152] : memref<2x2500x128xi32, #tpu.memory_space<hbm>> -> memref<1x80x128xi32, #tpu.memory_space<hbm>>
        %dma_wait3A_154 = tpu.memref_squeeze %dma_wait3A_153 : memref<1x80x128xi32, #tpu.memory_space<hbm>> -> memref<80x128xi32, #tpu.memory_space<hbm>>
        tpu.wait_dma2 semaphore(%run_scoped3A_142 : memref<!tpu.dma_semaphore, #tpu.memory_space<semaphore_mem>>) src(%dma_wait3A_154 : memref<80x128xi32, #tpu.memory_space<hbm>>) dst(%arg12 : memref<80x128xi32, #tpu.memory_space<vmem>>)
        tpu.yield
      }) : () -> ()
    } else {
    }
    %eq3A = arith.constant 31 : i32
    %eq3A_3 = arith.cmpi eq, %add3A, %eq3A : i32
    %convert_element_type3A_4 = arith.extui %eq3A_3 : i1 to i32
    %cond3A_5 = arith.constant 0 : i32
    %cond3A_6 = arith.cmpi ne, %convert_element_type3A_4, %cond3A_5 : i32
    scf.if %cond3A_6 {
      %run_scoped3A_136 = arith.constant 0 : i32
      "tpu.region"() ({
        %run_scoped3A_147 = tpu.sem_alloc : memref<!tpu.dma_semaphore, #tpu.memory_space<semaphore_mem>>
        %dma_start3A_148 = arith.constant 0 : i32
        %dma_start3A_149 = arith.constant 0 : i32
        %dma_start3A_150 = tpu.memref_slice %arg11[%dma_start3A_148, %dma_start3A_149] : memref<80x128xi32, #tpu.memory_space<vmem>> -> memref<20x128xi32, #tpu.memory_space<vmem>>
        %dma_start3A_151 = arith.constant 2480 : i32
        %dma_start3A_152 = arith.constant 0 : i32
        %dma_start3A_153 = tpu.memref_slice %arg6[%run_scoped3A_136, %dma_start3A_151, %dma_start3A_152] : memref<2x2500x128xi32, #tpu.memory_space<hbm>> -> memref<1x20x128xi32, #tpu.memory_space<hbm>>
        %dma_start3A_154 = tpu.memref_squeeze %dma_start3A_153 : memref<1x20x128xi32, #tpu.memory_space<hbm>> -> memref<20x128xi32, #tpu.memory_space<hbm>>
        %dma_start3A_155 = arith.constant 0 : i32
        %dma_start3A_156 = arith.constant 0 : i32
        %dma_start3A_157 = tpu.memref_slice %arg11[%dma_start3A_155, %dma_start3A_156] : memref<80x128xi32, #tpu.memory_space<vmem>> -> memref<20x128xi32, #tpu.memory_space<vmem>>
        %dma_start3A_158 = arith.constant 2480 : i32
        %dma_start3A_159 = arith.constant 0 : i32
        %dma_start3A_160 = tpu.memref_slice %arg6[%run_scoped3A_136, %dma_start3A_158, %dma_start3A_159] : memref<2x2500x128xi32, #tpu.memory_space<hbm>> -> memref<1x20x128xi32, #tpu.memory_space<hbm>>
        %dma_start3A_161 = tpu.memref_squeeze %dma_start3A_160 : memref<1x20x128xi32, #tpu.memory_space<hbm>> -> memref<20x128xi32, #tpu.memory_space<hbm>>
        tpu.enqueue_dma source(%dma_start3A_161 : memref<20x128xi32, #tpu.memory_space<hbm>>) target(%dma_start3A_157 : memref<20x128xi32, #tpu.memory_space<vmem>>) target_semaphore(%run_scoped3A_147 : memref<!tpu.dma_semaphore, #tpu.memory_space<semaphore_mem>>)
        %dma_wait3A_162 = arith.constant 0 : i32
        %dma_wait3A_163 = arith.constant 0 : i32
        %dma_wait3A_164 = tpu.memref_slice %arg11[%dma_wait3A_162, %dma_wait3A_163] : memref<80x128xi32, #tpu.memory_space<vmem>> -> memref<20x128xi32, #tpu.memory_space<vmem>>
        %dma_wait3A_165 = arith.constant 2480 : i32
        %dma_wait3A_166 = arith.constant 0 : i32
        %dma_wait3A_167 = tpu.memref_slice %arg6[%run_scoped3A_136, %dma_wait3A_165, %dma_wait3A_166] : memref<2x2500x128xi32, #tpu.memory_space<hbm>> -> memref<1x20x128xi32, #tpu.memory_space<hbm>>
        %dma_wait3A_168 = tpu.memref_squeeze %dma_wait3A_167 : memref<1x20x128xi32, #tpu.memory_space<hbm>> -> memref<20x128xi32, #tpu.memory_space<hbm>>
        %dma_wait3A_169 = arith.constant 0 : i32
        %dma_wait3A_170 = arith.constant 0 : i32
        %dma_wait3A_171 = tpu.memref_slice %arg11[%dma_wait3A_169, %dma_wait3A_170] : memref<80x128xi32, #tpu.memory_space<vmem>> -> memref<20x128xi32, #tpu.memory_space<vmem>>
        %dma_wait3A_172 = arith.constant 2480 : i32
        %dma_wait3A_173 = arith.constant 0 : i32
        %dma_wait3A_174 = tpu.memref_slice %arg6[%run_scoped3A_136, %dma_wait3A_172, %dma_wait3A_173] : memref<2x2500x128xi32, #tpu.memory_space<hbm>> -> memref<1x20x128xi32, #tpu.memory_space<hbm>>
        %dma_wait3A_175 = tpu.memref_squeeze %dma_wait3A_174 : memref<1x20x128xi32, #tpu.memory_space<hbm>> -> memref<20x128xi32, #tpu.memory_space<hbm>>
        tpu.wait_dma2 semaphore(%run_scoped3A_147 : memref<!tpu.dma_semaphore, #tpu.memory_space<semaphore_mem>>) src(%dma_wait3A_175 : memref<20x128xi32, #tpu.memory_space<hbm>>) dst(%dma_wait3A_171 : memref<20x128xi32, #tpu.memory_space<vmem>>)
        tpu.yield
      }) : () -> ()
      %run_scoped3A_137 = arith.constant 1 : i32
      "tpu.region"() ({
        %run_scoped3A_147 = tpu.sem_alloc : memref<!tpu.dma_semaphore, #tpu.memory_space<semaphore_mem>>
        %dma_start3A_148 = arith.constant 0 : i32
        %dma_start3A_149 = arith.constant 0 : i32
        %dma_start3A_150 = tpu.memref_slice %arg12[%dma_start3A_148, %dma_start3A_149] : memref<80x128xi32, #tpu.memory_space<vmem>> -> memref<20x128xi32, #tpu.memory_space<vmem>>
        %dma_start3A_151 = arith.constant 2480 : i32
        %dma_start3A_152 = arith.constant 0 : i32
        %dma_start3A_153 = tpu.memref_slice %arg6[%run_scoped3A_137, %dma_start3A_151, %dma_start3A_152] : memref<2x2500x128xi32, #tpu.memory_space<hbm>> -> memref<1x20x128xi32, #tpu.memory_space<hbm>>
        %dma_start3A_154 = tpu.memref_squeeze %dma_start3A_153 : memref<1x20x128xi32, #tpu.memory_space<hbm>> -> memref<20x128xi32, #tpu.memory_space<hbm>>
        %dma_start3A_155 = arith.constant 0 : i32
        %dma_start3A_156 = arith.constant 0 : i32
        %dma_start3A_157 = tpu.memref_slice %arg12[%dma_start3A_155, %dma_start3A_156] : memref<80x128xi32, #tpu.memory_space<vmem>> -> memref<20x128xi32, #tpu.memory_space<vmem>>
        %dma_start3A_158 = arith.constant 2480 : i32
        %dma_start3A_159 = arith.constant 0 : i32
        %dma_start3A_160 = tpu.memref_slice %arg6[%run_scoped3A_137, %dma_start3A_158, %dma_start3A_159] : memref<2x2500x128xi32, #tpu.memory_space<hbm>> -> memref<1x20x128xi32, #tpu.memory_space<hbm>>
        %dma_start3A_161 = tpu.memref_squeeze %dma_start3A_160 : memref<1x20x128xi32, #tpu.memory_space<hbm>> -> memref<20x128xi32, #tpu.memory_space<hbm>>
        tpu.enqueue_dma source(%dma_start3A_161 : memref<20x128xi32, #tpu.memory_space<hbm>>) target(%dma_start3A_157 : memref<20x128xi32, #tpu.memory_space<vmem>>) target_semaphore(%run_scoped3A_147 : memref<!tpu.dma_semaphore, #tpu.memory_space<semaphore_mem>>)
        %dma_wait3A_162 = arith.constant 0 : i32
        %dma_wait3A_163 = arith.constant 0 : i32
        %dma_wait3A_164 = tpu.memref_slice %arg12[%dma_wait3A_162, %dma_wait3A_163] : memref<80x128xi32, #tpu.memory_space<vmem>> -> memref<20x128xi32, #tpu.memory_space<vmem>>
        %dma_wait3A_165 = arith.constant 2480 : i32
        %dma_wait3A_166 = arith.constant 0 : i32
        %dma_wait3A_167 = tpu.memref_slice %arg6[%run_scoped3A_137, %dma_wait3A_165, %dma_wait3A_166] : memref<2x2500x128xi32, #tpu.memory_space<hbm>> -> memref<1x20x128xi32, #tpu.memory_space<hbm>>
        %dma_wait3A_168 = tpu.memref_squeeze %dma_wait3A_167 : memref<1x20x128xi32, #tpu.memory_space<hbm>> -> memref<20x128xi32, #tpu.memory_space<hbm>>
        %dma_wait3A_169 = arith.constant 0 : i32
        %dma_wait3A_170 = arith.constant 0 : i32
        %dma_wait3A_171 = tpu.memref_slice %arg12[%dma_wait3A_169, %dma_wait3A_170] : memref<80x128xi32, #tpu.memory_space<vmem>> -> memref<20x128xi32, #tpu.memory_space<vmem>>
        %dma_wait3A_172 = arith.constant 2480 : i32
        %dma_wait3A_173 = arith.constant 0 : i32
        %dma_wait3A_174 = tpu.memref_slice %arg6[%run_scoped3A_137, %dma_wait3A_172, %dma_wait3A_173] : memref<2x2500x128xi32, #tpu.memory_space<hbm>> -> memref<1x20x128xi32, #tpu.memory_space<hbm>>
        %dma_wait3A_175 = tpu.memref_squeeze %dma_wait3A_174 : memref<1x20x128xi32, #tpu.memory_space<hbm>> -> memref<20x128xi32, #tpu.memory_space<hbm>>
        tpu.wait_dma2 semaphore(%run_scoped3A_147 : memref<!tpu.dma_semaphore, #tpu.memory_space<semaphore_mem>>) src(%dma_wait3A_175 : memref<20x128xi32, #tpu.memory_space<hbm>>) dst(%dma_wait3A_171 : memref<20x128xi32, #tpu.memory_space<vmem>>)
        tpu.yield
      }) : () -> ()
      %broadcast_in_dim3A = arith.constant 0 : i32
      %broadcast_in_dim3A_138 = vector.broadcast %broadcast_in_dim3A : i32 to vector<16xi32>
      %broadcast_in_dim3A_139 = arith.constant 10000 : i32
      %broadcast_in_dim3A_140 = vector.broadcast %broadcast_in_dim3A_139 : i32 to vector<16xi32>
      %scan3A_141 = arith.constant 0 : i32
      %scan3A_142 = arith.constant 20 : i32
      %scan3A_143 = arith.constant 60 : i32
      %scan3A_144 = arith.addi %scan3A_142, %scan3A_143 : i32
      %scan3A_145 = arith.constant 1 : i32
      scf.for %scan3A_147 = %scan3A_142 to %scan3A_144 step %scan3A_145  : i32 {
        %swap3A = arith.index_cast %scan3A_147 : i32 to index
        %swap3A_148 = arith.constant 0 : index
        %swap3A_149 = tpu.vector_load %arg11[%swap3A, %swap3A_148] {strides = array<i32>} : memref<80x128xi32, #tpu.memory_space<vmem>>, vector<16xi32>,
        tpu.vector_store %arg11[%swap3A, %swap3A_148], %broadcast_in_dim3A_138 {strides = array<i32>} : memref<80x128xi32, #tpu.memory_space<vmem>>, vector<16xi32>,
        %swap3A_150 = arith.index_cast %scan3A_147 : i32 to index
        %swap3A_151 = arith.constant 0 : index
        %swap3A_152 = tpu.vector_load %arg12[%swap3A_150, %swap3A_151] {strides = array<i32>} : memref<80x128xi32, #tpu.memory_space<vmem>>, vector<16xi32>,
        tpu.vector_store %arg12[%swap3A_150, %swap3A_151], %broadcast_in_dim3A_140 {strides = array<i32>} : memref<80x128xi32, #tpu.memory_space<vmem>>, vector<16xi32>,
        %swap3A_153 = arith.index_cast %scan3A_147 : i32 to index
        %swap3A_154 = arith.constant 16 : index
        %swap3A_155 = tpu.vector_load %arg11[%swap3A_153, %swap3A_154] {strides = array<i32>} : memref<80x128xi32, #tpu.memory_space<vmem>>, vector<16xi32>,
        tpu.vector_store %arg11[%swap3A_153, %swap3A_154], %broadcast_in_dim3A_138 {strides = array<i32>} : memref<80x128xi32, #tpu.memory_space<vmem>>, vector<16xi32>,
        %swap3A_156 = arith.index_cast %scan3A_147 : i32 to index
        %swap3A_157 = arith.constant 16 : index
        %swap3A_158 = tpu.vector_load %arg12[%swap3A_156, %swap3A_157] {strides = array<i32>} : memref<80x128xi32, #tpu.memory_space<vmem>>, vector<16xi32>,
        tpu.vector_store %arg12[%swap3A_156, %swap3A_157], %broadcast_in_dim3A_140 {strides = array<i32>} : memref<80x128xi32, #tpu.memory_space<vmem>>, vector<16xi32>,
        %swap3A_159 = arith.index_cast %scan3A_147 : i32 to index
        %swap3A_160 = arith.constant 32 : index
        %swap3A_161 = tpu.vector_load %arg11[%swap3A_159, %swap3A_160] {strides = array<i32>} : memref<80x128xi32, #tpu.memory_space<vmem>>, vector<16xi32>,
        tpu.vector_store %arg11[%swap3A_159, %swap3A_160], %broadcast_in_dim3A_138 {strides = array<i32>} : memref<80x128xi32, #tpu.memory_space<vmem>>, vector<16xi32>,
        %swap3A_162 = arith.index_cast %scan3A_147 : i32 to index
        %swap3A_163 = arith.constant 32 : index
        %swap3A_164 = tpu.vector_load %arg12[%swap3A_162, %swap3A_163] {strides = array<i32>} : memref<80x128xi32, #tpu.memory_space<vmem>>, vector<16xi32>,
        tpu.vector_store %arg12[%swap3A_162, %swap3A_163], %broadcast_in_dim3A_140 {strides = array<i32>} : memref<80x128xi32, #tpu.memory_space<vmem>>, vector<16xi32>,
        %swap3A_165 = arith.index_cast %scan3A_147 : i32 to index
        %swap3A_166 = arith.constant 48 : index
        %swap3A_167 = tpu.vector_load %arg11[%swap3A_165, %swap3A_166] {strides = array<i32>} : memref<80x128xi32, #tpu.memory_space<vmem>>, vector<16xi32>,
        tpu.vector_store %arg11[%swap3A_165, %swap3A_166], %broadcast_in_dim3A_138 {strides = array<i32>} : memref<80x128xi32, #tpu.memory_space<vmem>>, vector<16xi32>,
        %swap3A_168 = arith.index_cast %scan3A_147 : i32 to index
        %swap3A_169 = arith.constant 48 : index
        %swap3A_170 = tpu.vector_load %arg12[%swap3A_168, %swap3A_169] {strides = array<i32>} : memref<80x128xi32, #tpu.memory_space<vmem>>, vector<16xi32>,
        tpu.vector_store %arg12[%swap3A_168, %swap3A_169], %broadcast_in_dim3A_140 {strides = array<i32>} : memref<80x128xi32, #tpu.memory_space<vmem>>, vector<16xi32>,
        %swap3A_171 = arith.index_cast %scan3A_147 : i32 to index
        %swap3A_172 = arith.constant 64 : index
        %swap3A_173 = tpu.vector_load %arg11[%swap3A_171, %swap3A_172] {strides = array<i32>} : memref<80x128xi32, #tpu.memory_space<vmem>>, vector<16xi32>,
        tpu.vector_store %arg11[%swap3A_171, %swap3A_172], %broadcast_in_dim3A_138 {strides = array<i32>} : memref<80x128xi32, #tpu.memory_space<vmem>>, vector<16xi32>,
        %swap3A_174 = arith.index_cast %scan3A_147 : i32 to index
        %swap3A_175 = arith.constant 64 : index
        %swap3A_176 = tpu.vector_load %arg12[%swap3A_174, %swap3A_175] {strides = array<i32>} : memref<80x128xi32, #tpu.memory_space<vmem>>, vector<16xi32>,
        tpu.vector_store %arg12[%swap3A_174, %swap3A_175], %broadcast_in_dim3A_140 {strides = array<i32>} : memref<80x128xi32, #tpu.memory_space<vmem>>, vector<16xi32>,
        %swap3A_177 = arith.index_cast %scan3A_147 : i32 to index
        %swap3A_178 = arith.constant 80 : index
        %swap3A_179 = tpu.vector_load %arg11[%swap3A_177, %swap3A_178] {strides = array<i32>} : memref<80x128xi32, #tpu.memory_space<vmem>>, vector<16xi32>,
        tpu.vector_store %arg11[%swap3A_177, %swap3A_178], %broadcast_in_dim3A_138 {strides = array<i32>} : memref<80x128xi32, #tpu.memory_space<vmem>>, vector<16xi32>,
        %swap3A_180 = arith.index_cast %scan3A_147 : i32 to index
        %swap3A_181 = arith.constant 80 : index
        %swap3A_182 = tpu.vector_load %arg12[%swap3A_180, %swap3A_181] {strides = array<i32>} : memref<80x128xi32, #tpu.memory_space<vmem>>, vector<16xi32>,
        tpu.vector_store %arg12[%swap3A_180, %swap3A_181], %broadcast_in_dim3A_140 {strides = array<i32>} : memref<80x128xi32, #tpu.memory_space<vmem>>, vector<16xi32>,
        %swap3A_183 = arith.index_cast %scan3A_147 : i32 to index
        %swap3A_184 = arith.constant 96 : index
        %swap3A_185 = tpu.vector_load %arg11[%swap3A_183, %swap3A_184] {strides = array<i32>} : memref<80x128xi32, #tpu.memory_space<vmem>>, vector<16xi32>,
        tpu.vector_store %arg11[%swap3A_183, %swap3A_184], %broadcast_in_dim3A_138 {strides = array<i32>} : memref<80x128xi32, #tpu.memory_space<vmem>>, vector<16xi32>,
        %swap3A_186 = arith.index_cast %scan3A_147 : i32 to index
        %swap3A_187 = arith.constant 96 : index
        %swap3A_188 = tpu.vector_load %arg12[%swap3A_186, %swap3A_187] {strides = array<i32>} : memref<80x128xi32, #tpu.memory_space<vmem>>, vector<16xi32>,
        tpu.vector_store %arg12[%swap3A_186, %swap3A_187], %broadcast_in_dim3A_140 {strides = array<i32>} : memref<80x128xi32, #tpu.memory_space<vmem>>, vector<16xi32>,
        %swap3A_189 = arith.index_cast %scan3A_147 : i32 to index
        %swap3A_190 = arith.constant 112 : index
        %swap3A_191 = tpu.vector_load %arg11[%swap3A_189, %swap3A_190] {strides = array<i32>} : memref<80x128xi32, #tpu.memory_space<vmem>>, vector<16xi32>,
        tpu.vector_store %arg11[%swap3A_189, %swap3A_190], %broadcast_in_dim3A_138 {strides = array<i32>} : memref<80x128xi32, #tpu.memory_space<vmem>>, vector<16xi32>,
        %swap3A_192 = arith.index_cast %scan3A_147 : i32 to index
        %swap3A_193 = arith.constant 112 : index
        %swap3A_194 = tpu.vector_load %arg12[%swap3A_192, %swap3A_193] {strides = array<i32>} : memref<80x128xi32, #tpu.memory_space<vmem>>, vector<16xi32>,
        tpu.vector_store %arg12[%swap3A_192, %swap3A_193], %broadcast_in_dim3A_140 {strides = array<i32>} : memref<80x128xi32, #tpu.memory_space<vmem>>, vector<16xi32>,
      }
      %scan3A_146 = arith.constant 60 : i32
    } else {
    }
    %mul3A_7 = arith.constant 632 : i32
    %mul3A_8 = arith.muli %arg1, %mul3A_7 : i32
    "tpu.region"() ({
      %run_scoped3A_136 = tpu.sem_alloc : memref<!tpu.dma_semaphore, #tpu.memory_space<semaphore_mem>>
      %dma_start3A_137 = arith.constant 0 : i32
      %dma_start3A_138 = tpu.memref_slice %arg20[%mul3A_8, %dma_start3A_137] : memref<10112x16xf32, #tpu.memory_space<vmem_shared>> -> memref<632x16xf32, #tpu.memory_space<vmem_shared>>
      tpu.enqueue_dma source(%arg7 : memref<632x16xf32, #tpu.memory_space<hbm>>) target(%dma_start3A_138 : memref<632x16xf32, #tpu.memory_space<vmem_shared>>) target_semaphore(%run_scoped3A_136 : memref<!tpu.dma_semaphore, #tpu.memory_space<semaphore_mem>>)
      %dma_wait3A_139 = arith.constant 0 : i32
      %dma_wait3A_140 = tpu.memref_slice %arg20[%mul3A_8, %dma_wait3A_139] : memref<10112x16xf32, #tpu.memory_space<vmem_shared>> -> memref<632x16xf32, #tpu.memory_space<vmem_shared>>
      tpu.wait_dma2 semaphore(%run_scoped3A_136 : memref<!tpu.dma_semaphore, #tpu.memory_space<semaphore_mem>>) src(%arg7 : memref<632x16xf32, #tpu.memory_space<hbm>>) dst(%dma_wait3A_140 : memref<632x16xf32, #tpu.memory_space<vmem_shared>>)
      tpu.yield
    }) : () -> ()
    "tpu.region"() ({
      %run_scoped3A_136 = tpu.sem_alloc : memref<!tpu.dma_semaphore, #tpu.memory_space<semaphore_mem>>
      %dma_start3A_137 = arith.constant 0 : i32
      %dma_start3A_138 = tpu.memref_slice %arg2[%mul3A_8, %dma_start3A_137] : memref<10112x16xf32, #tpu.memory_space<hbm>> -> memref<632x16xf32, #tpu.memory_space<hbm>>
      %dma_start3A_139 = arith.constant 0 : i32
      %dma_start3A_140 = tpu.memref_slice %arg2[%mul3A_8, %dma_start3A_139] : memref<10112x16xf32, #tpu.memory_space<hbm>> -> memref<632x16xf32, #tpu.memory_space<hbm>>
      tpu.enqueue_dma source(%dma_start3A_140 : memref<632x16xf32, #tpu.memory_space<hbm>>) target(%arg14 : memref<632x16xf32, #tpu.memory_space<vmem>>) target_semaphore(%run_scoped3A_136 : memref<!tpu.dma_semaphore, #tpu.memory_space<semaphore_mem>>)
      %dma_wait3A_141 = arith.constant 0 : i32
      %dma_wait3A_142 = tpu.memref_slice %arg2[%mul3A_8, %dma_wait3A_141] : memref<10112x16xf32, #tpu.memory_space<hbm>> -> memref<632x16xf32, #tpu.memory_space<hbm>>
      %dma_wait3A_143 = arith.constant 0 : i32
      %dma_wait3A_144 = tpu.memref_slice %arg2[%mul3A_8, %dma_wait3A_143] : memref<10112x16xf32, #tpu.memory_space<hbm>> -> memref<632x16xf32, #tpu.memory_space<hbm>>
      tpu.wait_dma2 semaphore(%run_scoped3A_136 : memref<!tpu.dma_semaphore, #tpu.memory_space<semaphore_mem>>) src(%dma_wait3A_144 : memref<632x16xf32, #tpu.memory_space<hbm>>) dst(%arg14 : memref<632x16xf32, #tpu.memory_space<vmem>>)
      tpu.yield
    }) : () -> ()
    %run_scoped3A = arith.constant 0 : i32
    "tpu.region"() ({
      %run_scoped3A_136 = tpu.sem_alloc : memref<!tpu.dma_semaphore, #tpu.memory_space<semaphore_mem>>
      %dma_start3A_137 = arith.constant 0 : i32
      %dma_start3A_138 = tpu.memref_slice %arg3[%run_scoped3A, %mul3A_8, %dma_start3A_137] : memref<2x10112x16xf32, #tpu.memory_space<hbm>> -> memref<1x632x16xf32, #tpu.memory_space<hbm>>
      %dma_start3A_139 = tpu.memref_squeeze %dma_start3A_138 : memref<1x632x16xf32, #tpu.memory_space<hbm>> -> memref<632x16xf32, #tpu.memory_space<hbm>>
      %dma_start3A_140 = arith.constant 0 : i32
      %dma_start3A_141 = tpu.memref_slice %arg3[%run_scoped3A, %mul3A_8, %dma_start3A_140] : memref<2x10112x16xf32, #tpu.memory_space<hbm>> -> memref<1x632x16xf32, #tpu.memory_space<hbm>>
      %dma_start3A_142 = tpu.memref_squeeze %dma_start3A_141 : memref<1x632x16xf32, #tpu.memory_space<hbm>> -> memref<632x16xf32, #tpu.memory_space<hbm>>
      tpu.enqueue_dma source(%dma_start3A_142 : memref<632x16xf32, #tpu.memory_space<hbm>>) target(%arg15 : memref<632x16xf32, #tpu.memory_space<vmem>>) target_semaphore(%run_scoped3A_136 : memref<!tpu.dma_semaphore, #tpu.memory_space<semaphore_mem>>)
      %dma_wait3A_143 = arith.constant 0 : i32
      %dma_wait3A_144 = tpu.memref_slice %arg3[%run_scoped3A, %mul3A_8, %dma_wait3A_143] : memref<2x10112x16xf32, #tpu.memory_space<hbm>> -> memref<1x632x16xf32, #tpu.memory_space<hbm>>
      %dma_wait3A_145 = tpu.memref_squeeze %dma_wait3A_144 : memref<1x632x16xf32, #tpu.memory_space<hbm>> -> memref<632x16xf32, #tpu.memory_space<hbm>>
      %dma_wait3A_146 = arith.constant 0 : i32
      %dma_wait3A_147 = tpu.memref_slice %arg3[%run_scoped3A, %mul3A_8, %dma_wait3A_146] : memref<2x10112x16xf32, #tpu.memory_space<hbm>> -> memref<1x632x16xf32, #tpu.memory_space<hbm>>
      %dma_wait3A_148 = tpu.memref_squeeze %dma_wait3A_147 : memref<1x632x16xf32, #tpu.memory_space<hbm>> -> memref<632x16xf32, #tpu.memory_space<hbm>>
      tpu.wait_dma2 semaphore(%run_scoped3A_136 : memref<!tpu.dma_semaphore, #tpu.memory_space<semaphore_mem>>) src(%dma_wait3A_148 : memref<632x16xf32, #tpu.memory_space<hbm>>) dst(%arg15 : memref<632x16xf32, #tpu.memory_space<vmem>>)
      tpu.yield
    }) : () -> ()
    %run_scoped3A_9 = arith.constant 1 : i32
    "tpu.region"() ({
      %run_scoped3A_136 = tpu.sem_alloc : memref<!tpu.dma_semaphore, #tpu.memory_space<semaphore_mem>>
      %dma_start3A_137 = arith.constant 0 : i32
      %dma_start3A_138 = tpu.memref_slice %arg3[%run_scoped3A_9, %mul3A_8, %dma_start3A_137] : memref<2x10112x16xf32, #tpu.memory_space<hbm>> -> memref<1x632x16xf32, #tpu.memory_space<hbm>>
      %dma_start3A_139 = tpu.memref_squeeze %dma_start3A_138 : memref<1x632x16xf32, #tpu.memory_space<hbm>> -> memref<632x16xf32, #tpu.memory_space<hbm>>
      %dma_start3A_140 = arith.constant 0 : i32
      %dma_start3A_141 = tpu.memref_slice %arg3[%run_scoped3A_9, %mul3A_8, %dma_start3A_140] : memref<2x10112x16xf32, #tpu.memory_space<hbm>> -> memref<1x632x16xf32, #tpu.memory_space<hbm>>
      %dma_start3A_142 = tpu.memref_squeeze %dma_start3A_141 : memref<1x632x16xf32, #tpu.memory_space<hbm>> -> memref<632x16xf32, #tpu.memory_space<hbm>>
      tpu.enqueue_dma source(%dma_start3A_142 : memref<632x16xf32, #tpu.memory_space<hbm>>) target(%arg16 : memref<632x16xf32, #tpu.memory_space<vmem>>) target_semaphore(%run_scoped3A_136 : memref<!tpu.dma_semaphore, #tpu.memory_space<semaphore_mem>>)
      %dma_wait3A_143 = arith.constant 0 : i32
      %dma_wait3A_144 = tpu.memref_slice %arg3[%run_scoped3A_9, %mul3A_8, %dma_wait3A_143] : memref<2x10112x16xf32, #tpu.memory_space<hbm>> -> memref<1x632x16xf32, #tpu.memory_space<hbm>>
      %dma_wait3A_145 = tpu.memref_squeeze %dma_wait3A_144 : memref<1x632x16xf32, #tpu.memory_space<hbm>> -> memref<632x16xf32, #tpu.memory_space<hbm>>
      %dma_wait3A_146 = arith.constant 0 : i32
      %dma_wait3A_147 = tpu.memref_slice %arg3[%run_scoped3A_9, %mul3A_8, %dma_wait3A_146] : memref<2x10112x16xf32, #tpu.memory_space<hbm>> -> memref<1x632x16xf32, #tpu.memory_space<hbm>>
      %dma_wait3A_148 = tpu.memref_squeeze %dma_wait3A_147 : memref<1x632x16xf32, #tpu.memory_space<hbm>> -> memref<632x16xf32, #tpu.memory_space<hbm>>
      tpu.wait_dma2 semaphore(%run_scoped3A_136 : memref<!tpu.dma_semaphore, #tpu.memory_space<semaphore_mem>>) src(%dma_wait3A_148 : memref<632x16xf32, #tpu.memory_space<hbm>>) dst(%arg16 : memref<632x16xf32, #tpu.memory_space<vmem>>)
      tpu.yield
    }) : () -> ()
    %run_scoped3A_10 = arith.constant 0 : i32
    "tpu.region"() ({
      %run_scoped3A_136 = tpu.sem_alloc : memref<!tpu.dma_semaphore, #tpu.memory_space<semaphore_mem>>
      %dma_start3A_137 = arith.constant 0 : i32
      %dma_start3A_138 = tpu.memref_slice %arg4[%run_scoped3A_10, %mul3A_8, %dma_start3A_137] : memref<2x10112x16xf32, #tpu.memory_space<hbm>> -> memref<1x632x16xf32, #tpu.memory_space<hbm>>
      %dma_start3A_139 = tpu.memref_squeeze %dma_start3A_138 : memref<1x632x16xf32, #tpu.memory_space<hbm>> -> memref<632x16xf32, #tpu.memory_space<hbm>>
      %dma_start3A_140 = arith.constant 0 : i32
      %dma_start3A_141 = tpu.memref_slice %arg4[%run_scoped3A_10, %mul3A_8, %dma_start3A_140] : memref<2x10112x16xf32, #tpu.memory_space<hbm>> -> memref<1x632x16xf32, #tpu.memory_space<hbm>>
      %dma_start3A_142 = tpu.memref_squeeze %dma_start3A_141 : memref<1x632x16xf32, #tpu.memory_space<hbm>> -> memref<632x16xf32, #tpu.memory_space<hbm>>
      tpu.enqueue_dma source(%dma_start3A_142 : memref<632x16xf32, #tpu.memory_space<hbm>>) target(%arg17 : memref<632x16xf32, #tpu.memory_space<vmem>>) target_semaphore(%run_scoped3A_136 : memref<!tpu.dma_semaphore, #tpu.memory_space<semaphore_mem>>)
      %dma_wait3A_143 = arith.constant 0 : i32
      %dma_wait3A_144 = tpu.memref_slice %arg4[%run_scoped3A_10, %mul3A_8, %dma_wait3A_143] : memref<2x10112x16xf32, #tpu.memory_space<hbm>> -> memref<1x632x16xf32, #tpu.memory_space<hbm>>
      %dma_wait3A_145 = tpu.memref_squeeze %dma_wait3A_144 : memref<1x632x16xf32, #tpu.memory_space<hbm>> -> memref<632x16xf32, #tpu.memory_space<hbm>>
      %dma_wait3A_146 = arith.constant 0 : i32
      %dma_wait3A_147 = tpu.memref_slice %arg4[%run_scoped3A_10, %mul3A_8, %dma_wait3A_146] : memref<2x10112x16xf32, #tpu.memory_space<hbm>> -> memref<1x632x16xf32, #tpu.memory_space<hbm>>
      %dma_wait3A_148 = tpu.memref_squeeze %dma_wait3A_147 : memref<1x632x16xf32, #tpu.memory_space<hbm>> -> memref<632x16xf32, #tpu.memory_space<hbm>>
      tpu.wait_dma2 semaphore(%run_scoped3A_136 : memref<!tpu.dma_semaphore, #tpu.memory_space<semaphore_mem>>) src(%dma_wait3A_148 : memref<632x16xf32, #tpu.memory_space<hbm>>) dst(%arg17 : memref<632x16xf32, #tpu.memory_space<vmem>>)
      tpu.yield
    }) : () -> ()
    %run_scoped3A_11 = arith.constant 1 : i32
    "tpu.region"() ({
      %run_scoped3A_136 = tpu.sem_alloc : memref<!tpu.dma_semaphore, #tpu.memory_space<semaphore_mem>>
      %dma_start3A_137 = arith.constant 0 : i32
      %dma_start3A_138 = tpu.memref_slice %arg4[%run_scoped3A_11, %mul3A_8, %dma_start3A_137] : memref<2x10112x16xf32, #tpu.memory_space<hbm>> -> memref<1x632x16xf32, #tpu.memory_space<hbm>>
      %dma_start3A_139 = tpu.memref_squeeze %dma_start3A_138 : memref<1x632x16xf32, #tpu.memory_space<hbm>> -> memref<632x16xf32, #tpu.memory_space<hbm>>
      %dma_start3A_140 = arith.constant 0 : i32
      %dma_start3A_141 = tpu.memref_slice %arg4[%run_scoped3A_11, %mul3A_8, %dma_start3A_140] : memref<2x10112x16xf32, #tpu.memory_space<hbm>> -> memref<1x632x16xf32, #tpu.memory_space<hbm>>
      %dma_start3A_142 = tpu.memref_squeeze %dma_start3A_141 : memref<1x632x16xf32, #tpu.memory_space<hbm>> -> memref<632x16xf32, #tpu.memory_space<hbm>>
      tpu.enqueue_dma source(%dma_start3A_142 : memref<632x16xf32, #tpu.memory_space<hbm>>) target(%arg18 : memref<632x16xf32, #tpu.memory_space<vmem>>) target_semaphore(%run_scoped3A_136 : memref<!tpu.dma_semaphore, #tpu.memory_space<semaphore_mem>>)
      %dma_wait3A_143 = arith.constant 0 : i32
      %dma_wait3A_144 = tpu.memref_slice %arg4[%run_scoped3A_11, %mul3A_8, %dma_wait3A_143] : memref<2x10112x16xf32, #tpu.memory_space<hbm>> -> memref<1x632x16xf32, #tpu.memory_space<hbm>>
      %dma_wait3A_145 = tpu.memref_squeeze %dma_wait3A_144 : memref<1x632x16xf32, #tpu.memory_space<hbm>> -> memref<632x16xf32, #tpu.memory_space<hbm>>
      %dma_wait3A_146 = arith.constant 0 : i32
      %dma_wait3A_147 = tpu.memref_slice %arg4[%run_scoped3A_11, %mul3A_8, %dma_wait3A_146] : memref<2x10112x16xf32, #tpu.memory_space<hbm>> -> memref<1x632x16xf32, #tpu.memory_space<hbm>>
      %dma_wait3A_148 = tpu.memref_squeeze %dma_wait3A_147 : memref<1x632x16xf32, #tpu.memory_space<hbm>> -> memref<632x16xf32, #tpu.memory_space<hbm>>
      tpu.wait_dma2 semaphore(%run_scoped3A_136 : memref<!tpu.dma_semaphore, #tpu.memory_space<semaphore_mem>>) src(%dma_wait3A_148 : memref<632x16xf32, #tpu.memory_space<hbm>>) dst(%arg18 : memref<632x16xf32, #tpu.memory_space<vmem>>)
      tpu.yield
    }) : () -> ()
    "tpu.region"() ({
      %run_scoped3A_136 = tpu.sem_alloc : memref<!tpu.dma_semaphore, #tpu.memory_space<semaphore_mem>>
      tpu.enqueue_dma source(%arg5 : memref<16xf32, #tpu.memory_space<hbm>>) target(%arg19 : memref<16xf32, #tpu.memory_space<vmem>>) target_semaphore(%run_scoped3A_136 : memref<!tpu.dma_semaphore, #tpu.memory_space<semaphore_mem>>)
      tpu.wait_dma2 semaphore(%run_scoped3A_136 : memref<!tpu.dma_semaphore, #tpu.memory_space<semaphore_mem>>) src(%arg5 : memref<16xf32, #tpu.memory_space<hbm>>) dst(%arg19 : memref<16xf32, #tpu.memory_space<vmem>>)
      tpu.yield
    }) : () -> ()
    %get3A = arith.constant 0 : index
    %get3A_12 = tpu.vector_load %arg19[%get3A] {strides = array<i32>} : memref<16xf32, #tpu.memory_space<vmem>>, vector<16xf32>,
    %scan3A = arith.constant 0 : i32
    %scan3A_13 = arith.constant 0 : i32
    %scan3A_14 = arith.constant 158 : i32
    %scan3A_15 = arith.addi %scan3A_13, %scan3A_14 : i32
    %scan3A_16 = arith.constant 1 : i32
    scf.for %scan3A_136 = %scan3A_13 to %scan3A_15 step %scan3A_16  : i32 {
      %mul3A_137 = arith.constant 4 : i32
      %mul3A_138 = arith.muli %scan3A_136, %mul3A_137 : i32
      %add3A_139 = arith.constant 0 : i32
      %add3A_140 = arith.addi %mul3A_138, %add3A_139 : i32
      %get3A_141 = arith.index_cast %add3A_140 : i32 to index
      %get3A_142 = arith.constant 0 : index
      %get3A_143 = tpu.vector_load %arg15[%get3A_141, %get3A_142] {strides = array<i32>} : memref<632x16xf32, #tpu.memory_space<vmem>>, vector<16xf32>,
      %get3A_144 = arith.index_cast %add3A_140 : i32 to index
      %get3A_145 = arith.constant 0 : index
      %get3A_146 = tpu.vector_load %arg16[%get3A_144, %get3A_145] {strides = array<i32>} : memref<632x16xf32, #tpu.memory_space<vmem>>, vector<16xf32>,
      %add3A_147 = arith.addf %get3A_143, %get3A_146 : vector<16xf32>
      %add3A_148 = arith.constant 1.000000e+00 : f32
      %add3A_149 = vector.broadcast %add3A_148 : f32 to vector<16xf32>
      %add3A_150 = arith.addf %add3A_147, %add3A_149 : vector<16xf32>
      %bitcast3A = vector.bitcast %add3A_150 : vector<16xf32> to vector<16xi32>
      %shift_right_arithmetic3A = arith.constant 1 : i32
      %shift_right_arithmetic3A_151 = vector.broadcast %shift_right_arithmetic3A : i32 to vector<16xi32>
      %shift_right_arithmetic3A_152 = arith.shrsi %bitcast3A, %shift_right_arithmetic3A_151 : vector<16xi32>
      %sub3A = arith.constant 1597463007 : i32
      %sub3A_153 = vector.broadcast %sub3A : i32 to vector<16xi32>
      %sub3A_154 = arith.subi %sub3A_153, %shift_right_arithmetic3A_152 : vector<16xi32>
      %bitcast3A_155 = vector.bitcast %sub3A_154 : vector<16xi32> to vector<16xf32>
      %mul3A_156 = arith.constant 5.000000e-01 : f32
      %mul3A_157 = vector.broadcast %mul3A_156 : f32 to vector<16xf32>
      %mul3A_158 = arith.mulf %mul3A_157, %add3A_150 : vector<16xf32>
      %mul3A_159 = arith.mulf %mul3A_158, %bitcast3A_155 : vector<16xf32>
      %mul3A_160 = arith.mulf %mul3A_159, %bitcast3A_155 : vector<16xf32>
      %sub3A_161 = arith.constant 1.500000e+00 : f32
      %sub3A_162 = vector.broadcast %sub3A_161 : f32 to vector<16xf32>
      %sub3A_163 = arith.subf %sub3A_162, %mul3A_160 : vector<16xf32>
      %mul3A_164 = arith.mulf %bitcast3A_155, %sub3A_163 : vector<16xf32>
      %mul3A_165 = arith.constant 5.000000e-01 : f32
      %mul3A_166 = vector.broadcast %mul3A_165 : f32 to vector<16xf32>
      %mul3A_167 = arith.mulf %mul3A_166, %add3A_150 : vector<16xf32>
      %mul3A_168 = arith.mulf %mul3A_167, %mul3A_164 : vector<16xf32>
      %mul3A_169 = arith.mulf %mul3A_168, %mul3A_164 : vector<16xf32>
      %sub3A_170 = arith.constant 1.500000e+00 : f32
      %sub3A_171 = vector.broadcast %sub3A_170 : f32 to vector<16xf32>
      %sub3A_172 = arith.subf %sub3A_171, %mul3A_169 : vector<16xf32>
      %mul3A_173 = arith.mulf %mul3A_164, %sub3A_172 : vector<16xf32>
      %mul3A_174 = arith.constant 5.000000e-01 : f32
      %mul3A_175 = vector.broadcast %mul3A_174 : f32 to vector<16xf32>
      %mul3A_176 = arith.mulf %mul3A_175, %add3A_150 : vector<16xf32>
      %mul3A_177 = arith.mulf %mul3A_176, %mul3A_173 : vector<16xf32>
      %mul3A_178 = arith.mulf %mul3A_177, %mul3A_173 : vector<16xf32>
      %sub3A_179 = arith.constant 1.500000e+00 : f32
      %sub3A_180 = vector.broadcast %sub3A_179 : f32 to vector<16xf32>
      %sub3A_181 = arith.subf %sub3A_180, %mul3A_178 : vector<16xf32>
      %mul3A_182 = arith.mulf %mul3A_173, %sub3A_181 : vector<16xf32>
      %get3A_183 = arith.index_cast %add3A_140 : i32 to index
      %get3A_184 = arith.constant 0 : index
      %get3A_185 = tpu.vector_load %arg17[%get3A_183, %get3A_184] {strides = array<i32>} : memref<632x16xf32, #tpu.memory_space<vmem>>, vector<16xf32>,
      %get3A_186 = arith.index_cast %add3A_140 : i32 to index
      %get3A_187 = arith.constant 0 : index
      %get3A_188 = tpu.vector_load %arg18[%get3A_186, %get3A_187] {strides = array<i32>} : memref<632x16xf32, #tpu.memory_space<vmem>>, vector<16xf32>,
      %add3A_189 = arith.addf %get3A_185, %get3A_188 : vector<16xf32>
      %mul3A_190 = arith.mulf %mul3A_182, %add3A_189 : vector<16xf32>
      %mul3A_191 = arith.mulf %mul3A_182, %mul3A_182 : vector<16xf32>
      %get3A_192 = arith.index_cast %add3A_140 : i32 to index
      %get3A_193 = arith.constant 0 : index
      %get3A_194 = tpu.vector_load %arg14[%get3A_192, %get3A_193] {strides = array<i32>} : memref<632x16xf32, #tpu.memory_space<vmem>>, vector<16xf32>,
      %mul3A_195 = arith.mulf %mul3A_191, %get3A_194 : vector<16xf32>
      %add3A_196 = arith.addf %mul3A_190, %mul3A_195 : vector<16xf32>
      %add3A_197 = arith.addf %add3A_196, %get3A_12 : vector<16xf32>
      %max3A = arith.constant 0.000000e+00 : f32
      %max3A_198 = vector.broadcast %max3A : f32 to vector<16xf32>
      %max3A_199 = arith.maximumf %add3A_197, %max3A_198 : vector<16xf32>
      %swap3A = arith.index_cast %add3A_140 : i32 to index
      %swap3A_200 = arith.constant 0 : index
      %swap3A_201 = tpu.vector_load %arg17[%swap3A, %swap3A_200] {strides = array<i32>} : memref<632x16xf32, #tpu.memory_space<vmem>>, vector<16xf32>,
      tpu.vector_store %arg17[%swap3A, %swap3A_200], %max3A_199 {strides = array<i32>} : memref<632x16xf32, #tpu.memory_space<vmem>>, vector<16xf32>,
      %mul3A_202 = arith.mulf %max3A_199, %mul3A_182 : vector<16xf32>
      %swap3A_203 = arith.index_cast %add3A_140 : i32 to index
      %swap3A_204 = arith.constant 0 : index
      %swap3A_205 = tpu.vector_load %arg14[%swap3A_203, %swap3A_204] {strides = array<i32>} : memref<632x16xf32, #tpu.memory_space<vmem>>, vector<16xf32>,
      tpu.vector_store %arg14[%swap3A_203, %swap3A_204], %mul3A_202 {strides = array<i32>} : memref<632x16xf32, #tpu.memory_space<vmem>>, vector<16xf32>,
      %swap3A_206 = arith.index_cast %add3A_140 : i32 to index
      %swap3A_207 = arith.constant 0 : index
      %swap3A_208 = tpu.vector_load %arg15[%swap3A_206, %swap3A_207] {strides = array<i32>} : memref<632x16xf32, #tpu.memory_space<vmem>>, vector<16xf32>,
      tpu.vector_store %arg15[%swap3A_206, %swap3A_207], %mul3A_182 {strides = array<i32>} : memref<632x16xf32, #tpu.memory_space<vmem>>, vector<16xf32>,
      %mul3A_209 = arith.constant 4 : i32
      %mul3A_210 = arith.muli %scan3A_136, %mul3A_209 : i32
      %add3A_211 = arith.constant 1 : i32
      %add3A_212 = arith.addi %mul3A_210, %add3A_211 : i32
      %get3A_213 = arith.index_cast %add3A_212 : i32 to index
      %get3A_214 = arith.constant 0 : index
      %get3A_215 = tpu.vector_load %arg15[%get3A_213, %get3A_214] {strides = array<i32>} : memref<632x16xf32, #tpu.memory_space<vmem>>, vector<16xf32>,
      %get3A_216 = arith.index_cast %add3A_212 : i32 to index
      %get3A_217 = arith.constant 0 : index
      %get3A_218 = tpu.vector_load %arg16[%get3A_216, %get3A_217] {strides = array<i32>} : memref<632x16xf32, #tpu.memory_space<vmem>>, vector<16xf32>,
      %add3A_219 = arith.addf %get3A_215, %get3A_218 : vector<16xf32>
      %add3A_220 = arith.constant 1.000000e+00 : f32
      %add3A_221 = vector.broadcast %add3A_220 : f32 to vector<16xf32>
      %add3A_222 = arith.addf %add3A_219, %add3A_221 : vector<16xf32>
      %bitcast3A_223 = vector.bitcast %add3A_222 : vector<16xf32> to vector<16xi32>
      %shift_right_arithmetic3A_224 = arith.constant 1 : i32
      %shift_right_arithmetic3A_225 = vector.broadcast %shift_right_arithmetic3A_224 : i32 to vector<16xi32>
      %shift_right_arithmetic3A_226 = arith.shrsi %bitcast3A_223, %shift_right_arithmetic3A_225 : vector<16xi32>
      %sub3A_227 = arith.constant 1597463007 : i32
      %sub3A_228 = vector.broadcast %sub3A_227 : i32 to vector<16xi32>
      %sub3A_229 = arith.subi %sub3A_228, %shift_right_arithmetic3A_226 : vector<16xi32>
      %bitcast3A_230 = vector.bitcast %sub3A_229 : vector<16xi32> to vector<16xf32>
      %mul3A_231 = arith.constant 5.000000e-01 : f32
      %mul3A_232 = vector.broadcast %mul3A_231 : f32 to vector<16xf32>
      %mul3A_233 = arith.mulf %mul3A_232, %add3A_222 : vector<16xf32>
      %mul3A_234 = arith.mulf %mul3A_233, %bitcast3A_230 : vector<16xf32>
      %mul3A_235 = arith.mulf %mul3A_234, %bitcast3A_230 : vector<16xf32>
      %sub3A_236 = arith.constant 1.500000e+00 : f32
      %sub3A_237 = vector.broadcast %sub3A_236 : f32 to vector<16xf32>
      %sub3A_238 = arith.subf %sub3A_237, %mul3A_235 : vector<16xf32>
      %mul3A_239 = arith.mulf %bitcast3A_230, %sub3A_238 : vector<16xf32>
      %mul3A_240 = arith.constant 5.000000e-01 : f32
      %mul3A_241 = vector.broadcast %mul3A_240 : f32 to vector<16xf32>
      %mul3A_242 = arith.mulf %mul3A_241, %add3A_222 : vector<16xf32>
      %mul3A_243 = arith.mulf %mul3A_242, %mul3A_239 : vector<16xf32>
      %mul3A_244 = arith.mulf %mul3A_243, %mul3A_239 : vector<16xf32>
      %sub3A_245 = arith.constant 1.500000e+00 : f32
      %sub3A_246 = vector.broadcast %sub3A_245 : f32 to vector<16xf32>
      %sub3A_247 = arith.subf %sub3A_246, %mul3A_244 : vector<16xf32>
      %mul3A_248 = arith.mulf %mul3A_239, %sub3A_247 : vector<16xf32>
      %mul3A_249 = arith.constant 5.000000e-01 : f32
      %mul3A_250 = vector.broadcast %mul3A_249 : f32 to vector<16xf32>
      %mul3A_251 = arith.mulf %mul3A_250, %add3A_222 : vector<16xf32>
      %mul3A_252 = arith.mulf %mul3A_251, %mul3A_248 : vector<16xf32>
      %mul3A_253 = arith.mulf %mul3A_252, %mul3A_248 : vector<16xf32>
      %sub3A_254 = arith.constant 1.500000e+00 : f32
      %sub3A_255 = vector.broadcast %sub3A_254 : f32 to vector<16xf32>
      %sub3A_256 = arith.subf %sub3A_255, %mul3A_253 : vector<16xf32>
      %mul3A_257 = arith.mulf %mul3A_248, %sub3A_256 : vector<16xf32>
      %get3A_258 = arith.index_cast %add3A_212 : i32 to index
      %get3A_259 = arith.constant 0 : index
      %get3A_260 = tpu.vector_load %arg17[%get3A_258, %get3A_259] {strides = array<i32>} : memref<632x16xf32, #tpu.memory_space<vmem>>, vector<16xf32>,
      %get3A_261 = arith.index_cast %add3A_212 : i32 to index
      %get3A_262 = arith.constant 0 : index
      %get3A_263 = tpu.vector_load %arg18[%get3A_261, %get3A_262] {strides = array<i32>} : memref<632x16xf32, #tpu.memory_space<vmem>>, vector<16xf32>,
      %add3A_264 = arith.addf %get3A_260, %get3A_263 : vector<16xf32>
      %mul3A_265 = arith.mulf %mul3A_257, %add3A_264 : vector<16xf32>
      %mul3A_266 = arith.mulf %mul3A_257, %mul3A_257 : vector<16xf32>
      %get3A_267 = arith.index_cast %add3A_212 : i32 to index
      %get3A_268 = arith.constant 0 : index
      %get3A_269 = tpu.vector_load %arg14[%get3A_267, %get3A_268] {strides = array<i32>} : memref<632x16xf32, #tpu.memory_space<vmem>>, vector<16xf32>,
      %mul3A_270 = arith.mulf %mul3A_266, %get3A_269 : vector<16xf32>
      %add3A_271 = arith.addf %mul3A_265, %mul3A_270 : vector<16xf32>
      %add3A_272 = arith.addf %add3A_271, %get3A_12 : vector<16xf32>
      %max3A_273 = arith.constant 0.000000e+00 : f32
      %max3A_274 = vector.broadcast %max3A_273 : f32 to vector<16xf32>
      %max3A_275 = arith.maximumf %add3A_272, %max3A_274 : vector<16xf32>
      %swap3A_276 = arith.index_cast %add3A_212 : i32 to index
      %swap3A_277 = arith.constant 0 : index
      %swap3A_278 = tpu.vector_load %arg17[%swap3A_276, %swap3A_277] {strides = array<i32>} : memref<632x16xf32, #tpu.memory_space<vmem>>, vector<16xf32>,
      tpu.vector_store %arg17[%swap3A_276, %swap3A_277], %max3A_275 {strides = array<i32>} : memref<632x16xf32, #tpu.memory_space<vmem>>, vector<16xf32>,
      %mul3A_279 = arith.mulf %max3A_275, %mul3A_257 : vector<16xf32>
      %swap3A_280 = arith.index_cast %add3A_212 : i32 to index
      %swap3A_281 = arith.constant 0 : index
      %swap3A_282 = tpu.vector_load %arg14[%swap3A_280, %swap3A_281] {strides = array<i32>} : memref<632x16xf32, #tpu.memory_space<vmem>>, vector<16xf32>,
      tpu.vector_store %arg14[%swap3A_280, %swap3A_281], %mul3A_279 {strides = array<i32>} : memref<632x16xf32, #tpu.memory_space<vmem>>, vector<16xf32>,
      %swap3A_283 = arith.index_cast %add3A_212 : i32 to index
      %swap3A_284 = arith.constant 0 : index
      %swap3A_285 = tpu.vector_load %arg15[%swap3A_283, %swap3A_284] {strides = array<i32>} : memref<632x16xf32, #tpu.memory_space<vmem>>, vector<16xf32>,
      tpu.vector_store %arg15[%swap3A_283, %swap3A_284], %mul3A_257 {strides = array<i32>} : memref<632x16xf32, #tpu.memory_space<vmem>>, vector<16xf32>,
      %mul3A_286 = arith.constant 4 : i32
      %mul3A_287 = arith.muli %scan3A_136, %mul3A_286 : i32
      %add3A_288 = arith.constant 2 : i32
      %add3A_289 = arith.addi %mul3A_287, %add3A_288 : i32
      %get3A_290 = arith.index_cast %add3A_289 : i32 to index
      %get3A_291 = arith.constant 0 : index
      %get3A_292 = tpu.vector_load %arg15[%get3A_290, %get3A_291] {strides = array<i32>} : memref<632x16xf32, #tpu.memory_space<vmem>>, vector<16xf32>,
      %get3A_293 = arith.index_cast %add3A_289 : i32 to index
      %get3A_294 = arith.constant 0 : index
      %get3A_295 = tpu.vector_load %arg16[%get3A_293, %get3A_294] {strides = array<i32>} : memref<632x16xf32, #tpu.memory_space<vmem>>, vector<16xf32>,
      %add3A_296 = arith.addf %get3A_292, %get3A_295 : vector<16xf32>
      %add3A_297 = arith.constant 1.000000e+00 : f32
      %add3A_298 = vector.broadcast %add3A_297 : f32 to vector<16xf32>
      %add3A_299 = arith.addf %add3A_296, %add3A_298 : vector<16xf32>
      %bitcast3A_300 = vector.bitcast %add3A_299 : vector<16xf32> to vector<16xi32>
      %shift_right_arithmetic3A_301 = arith.constant 1 : i32
      %shift_right_arithmetic3A_302 = vector.broadcast %shift_right_arithmetic3A_301 : i32 to vector<16xi32>
      %shift_right_arithmetic3A_303 = arith.shrsi %bitcast3A_300, %shift_right_arithmetic3A_302 : vector<16xi32>
      %sub3A_304 = arith.constant 1597463007 : i32
      %sub3A_305 = vector.broadcast %sub3A_304 : i32 to vector<16xi32>
      %sub3A_306 = arith.subi %sub3A_305, %shift_right_arithmetic3A_303 : vector<16xi32>
      %bitcast3A_307 = vector.bitcast %sub3A_306 : vector<16xi32> to vector<16xf32>
      %mul3A_308 = arith.constant 5.000000e-01 : f32
      %mul3A_309 = vector.broadcast %mul3A_308 : f32 to vector<16xf32>
      %mul3A_310 = arith.mulf %mul3A_309, %add3A_299 : vector<16xf32>
      %mul3A_311 = arith.mulf %mul3A_310, %bitcast3A_307 : vector<16xf32>
      %mul3A_312 = arith.mulf %mul3A_311, %bitcast3A_307 : vector<16xf32>
      %sub3A_313 = arith.constant 1.500000e+00 : f32
      %sub3A_314 = vector.broadcast %sub3A_313 : f32 to vector<16xf32>
      %sub3A_315 = arith.subf %sub3A_314, %mul3A_312 : vector<16xf32>
      %mul3A_316 = arith.mulf %bitcast3A_307, %sub3A_315 : vector<16xf32>
      %mul3A_317 = arith.constant 5.000000e-01 : f32
      %mul3A_318 = vector.broadcast %mul3A_317 : f32 to vector<16xf32>
      %mul3A_319 = arith.mulf %mul3A_318, %add3A_299 : vector<16xf32>
      %mul3A_320 = arith.mulf %mul3A_319, %mul3A_316 : vector<16xf32>
      %mul3A_321 = arith.mulf %mul3A_320, %mul3A_316 : vector<16xf32>
      %sub3A_322 = arith.constant 1.500000e+00 : f32
      %sub3A_323 = vector.broadcast %sub3A_322 : f32 to vector<16xf32>
      %sub3A_324 = arith.subf %sub3A_323, %mul3A_321 : vector<16xf32>
      %mul3A_325 = arith.mulf %mul3A_316, %sub3A_324 : vector<16xf32>
      %mul3A_326 = arith.constant 5.000000e-01 : f32
      %mul3A_327 = vector.broadcast %mul3A_326 : f32 to vector<16xf32>
      %mul3A_328 = arith.mulf %mul3A_327, %add3A_299 : vector<16xf32>
      %mul3A_329 = arith.mulf %mul3A_328, %mul3A_325 : vector<16xf32>
      %mul3A_330 = arith.mulf %mul3A_329, %mul3A_325 : vector<16xf32>
      %sub3A_331 = arith.constant 1.500000e+00 : f32
      %sub3A_332 = vector.broadcast %sub3A_331 : f32 to vector<16xf32>
      %sub3A_333 = arith.subf %sub3A_332, %mul3A_330 : vector<16xf32>
      %mul3A_334 = arith.mulf %mul3A_325, %sub3A_333 : vector<16xf32>
      %get3A_335 = arith.index_cast %add3A_289 : i32 to index
      %get3A_336 = arith.constant 0 : index
      %get3A_337 = tpu.vector_load %arg17[%get3A_335, %get3A_336] {strides = array<i32>} : memref<632x16xf32, #tpu.memory_space<vmem>>, vector<16xf32>,
      %get3A_338 = arith.index_cast %add3A_289 : i32 to index
      %get3A_339 = arith.constant 0 : index
      %get3A_340 = tpu.vector_load %arg18[%get3A_338, %get3A_339] {strides = array<i32>} : memref<632x16xf32, #tpu.memory_space<vmem>>, vector<16xf32>,
      %add3A_341 = arith.addf %get3A_337, %get3A_340 : vector<16xf32>
      %mul3A_342 = arith.mulf %mul3A_334, %add3A_341 : vector<16xf32>
      %mul3A_343 = arith.mulf %mul3A_334, %mul3A_334 : vector<16xf32>
      %get3A_344 = arith.index_cast %add3A_289 : i32 to index
      %get3A_345 = arith.constant 0 : index
      %get3A_346 = tpu.vector_load %arg14[%get3A_344, %get3A_345] {strides = array<i32>} : memref<632x16xf32, #tpu.memory_space<vmem>>, vector<16xf32>,
      %mul3A_347 = arith.mulf %mul3A_343, %get3A_346 : vector<16xf32>
      %add3A_348 = arith.addf %mul3A_342, %mul3A_347 : vector<16xf32>
      %add3A_349 = arith.addf %add3A_348, %get3A_12 : vector<16xf32>
      %max3A_350 = arith.constant 0.000000e+00 : f32
      %max3A_351 = vector.broadcast %max3A_350 : f32 to vector<16xf32>
      %max3A_352 = arith.maximumf %add3A_349, %max3A_351 : vector<16xf32>
      %swap3A_353 = arith.index_cast %add3A_289 : i32 to index
      %swap3A_354 = arith.constant 0 : index
      %swap3A_355 = tpu.vector_load %arg17[%swap3A_353, %swap3A_354] {strides = array<i32>} : memref<632x16xf32, #tpu.memory_space<vmem>>, vector<16xf32>,
      tpu.vector_store %arg17[%swap3A_353, %swap3A_354], %max3A_352 {strides = array<i32>} : memref<632x16xf32, #tpu.memory_space<vmem>>, vector<16xf32>,
      %mul3A_356 = arith.mulf %max3A_352, %mul3A_334 : vector<16xf32>
      %swap3A_357 = arith.index_cast %add3A_289 : i32 to index
      %swap3A_358 = arith.constant 0 : index
      %swap3A_359 = tpu.vector_load %arg14[%swap3A_357, %swap3A_358] {strides = array<i32>} : memref<632x16xf32, #tpu.memory_space<vmem>>, vector<16xf32>,
      tpu.vector_store %arg14[%swap3A_357, %swap3A_358], %mul3A_356 {strides = array<i32>} : memref<632x16xf32, #tpu.memory_space<vmem>>, vector<16xf32>,
      %swap3A_360 = arith.index_cast %add3A_289 : i32 to index
      %swap3A_361 = arith.constant 0 : index
      %swap3A_362 = tpu.vector_load %arg15[%swap3A_360, %swap3A_361] {strides = array<i32>} : memref<632x16xf32, #tpu.memory_space<vmem>>, vector<16xf32>,
      tpu.vector_store %arg15[%swap3A_360, %swap3A_361], %mul3A_334 {strides = array<i32>} : memref<632x16xf32, #tpu.memory_space<vmem>>, vector<16xf32>,
      %mul3A_363 = arith.constant 4 : i32
      %mul3A_364 = arith.muli %scan3A_136, %mul3A_363 : i32
      %add3A_365 = arith.constant 3 : i32
      %add3A_366 = arith.addi %mul3A_364, %add3A_365 : i32
      %get3A_367 = arith.index_cast %add3A_366 : i32 to index
      %get3A_368 = arith.constant 0 : index
      %get3A_369 = tpu.vector_load %arg15[%get3A_367, %get3A_368] {strides = array<i32>} : memref<632x16xf32, #tpu.memory_space<vmem>>, vector<16xf32>,
      %get3A_370 = arith.index_cast %add3A_366 : i32 to index
      %get3A_371 = arith.constant 0 : index
      %get3A_372 = tpu.vector_load %arg16[%get3A_370, %get3A_371] {strides = array<i32>} : memref<632x16xf32, #tpu.memory_space<vmem>>, vector<16xf32>,
      %add3A_373 = arith.addf %get3A_369, %get3A_372 : vector<16xf32>
      %add3A_374 = arith.constant 1.000000e+00 : f32
      %add3A_375 = vector.broadcast %add3A_374 : f32 to vector<16xf32>
      %add3A_376 = arith.addf %add3A_373, %add3A_375 : vector<16xf32>
      %bitcast3A_377 = vector.bitcast %add3A_376 : vector<16xf32> to vector<16xi32>
      %shift_right_arithmetic3A_378 = arith.constant 1 : i32
      %shift_right_arithmetic3A_379 = vector.broadcast %shift_right_arithmetic3A_378 : i32 to vector<16xi32>
      %shift_right_arithmetic3A_380 = arith.shrsi %bitcast3A_377, %shift_right_arithmetic3A_379 : vector<16xi32>
      %sub3A_381 = arith.constant 1597463007 : i32
      %sub3A_382 = vector.broadcast %sub3A_381 : i32 to vector<16xi32>
      %sub3A_383 = arith.subi %sub3A_382, %shift_right_arithmetic3A_380 : vector<16xi32>
      %bitcast3A_384 = vector.bitcast %sub3A_383 : vector<16xi32> to vector<16xf32>
      %mul3A_385 = arith.constant 5.000000e-01 : f32
      %mul3A_386 = vector.broadcast %mul3A_385 : f32 to vector<16xf32>
      %mul3A_387 = arith.mulf %mul3A_386, %add3A_376 : vector<16xf32>
      %mul3A_388 = arith.mulf %mul3A_387, %bitcast3A_384 : vector<16xf32>
      %mul3A_389 = arith.mulf %mul3A_388, %bitcast3A_384 : vector<16xf32>
      %sub3A_390 = arith.constant 1.500000e+00 : f32
      %sub3A_391 = vector.broadcast %sub3A_390 : f32 to vector<16xf32>
      %sub3A_392 = arith.subf %sub3A_391, %mul3A_389 : vector<16xf32>
      %mul3A_393 = arith.mulf %bitcast3A_384, %sub3A_392 : vector<16xf32>
      %mul3A_394 = arith.constant 5.000000e-01 : f32
      %mul3A_395 = vector.broadcast %mul3A_394 : f32 to vector<16xf32>
      %mul3A_396 = arith.mulf %mul3A_395, %add3A_376 : vector<16xf32>
      %mul3A_397 = arith.mulf %mul3A_396, %mul3A_393 : vector<16xf32>
      %mul3A_398 = arith.mulf %mul3A_397, %mul3A_393 : vector<16xf32>
      %sub3A_399 = arith.constant 1.500000e+00 : f32
      %sub3A_400 = vector.broadcast %sub3A_399 : f32 to vector<16xf32>
      %sub3A_401 = arith.subf %sub3A_400, %mul3A_398 : vector<16xf32>
      %mul3A_402 = arith.mulf %mul3A_393, %sub3A_401 : vector<16xf32>
      %mul3A_403 = arith.constant 5.000000e-01 : f32
      %mul3A_404 = vector.broadcast %mul3A_403 : f32 to vector<16xf32>
      %mul3A_405 = arith.mulf %mul3A_404, %add3A_376 : vector<16xf32>
      %mul3A_406 = arith.mulf %mul3A_405, %mul3A_402 : vector<16xf32>
      %mul3A_407 = arith.mulf %mul3A_406, %mul3A_402 : vector<16xf32>
      %sub3A_408 = arith.constant 1.500000e+00 : f32
      %sub3A_409 = vector.broadcast %sub3A_408 : f32 to vector<16xf32>
      %sub3A_410 = arith.subf %sub3A_409, %mul3A_407 : vector<16xf32>
      %mul3A_411 = arith.mulf %mul3A_402, %sub3A_410 : vector<16xf32>
      %get3A_412 = arith.index_cast %add3A_366 : i32 to index
      %get3A_413 = arith.constant 0 : index
      %get3A_414 = tpu.vector_load %arg17[%get3A_412, %get3A_413] {strides = array<i32>} : memref<632x16xf32, #tpu.memory_space<vmem>>, vector<16xf32>,
      %get3A_415 = arith.index_cast %add3A_366 : i32 to index
      %get3A_416 = arith.constant 0 : index
      %get3A_417 = tpu.vector_load %arg18[%get3A_415, %get3A_416] {strides = array<i32>} : memref<632x16xf32, #tpu.memory_space<vmem>>, vector<16xf32>,
      %add3A_418 = arith.addf %get3A_414, %get3A_417 : vector<16xf32>
      %mul3A_419 = arith.mulf %mul3A_411, %add3A_418 : vector<16xf32>
      %mul3A_420 = arith.mulf %mul3A_411, %mul3A_411 : vector<16xf32>
      %get3A_421 = arith.index_cast %add3A_366 : i32 to index
      %get3A_422 = arith.constant 0 : index
      %get3A_423 = tpu.vector_load %arg14[%get3A_421, %get3A_422] {strides = array<i32>} : memref<632x16xf32, #tpu.memory_space<vmem>>, vector<16xf32>,
      %mul3A_424 = arith.mulf %mul3A_420, %get3A_423 : vector<16xf32>
      %add3A_425 = arith.addf %mul3A_419, %mul3A_424 : vector<16xf32>
      %add3A_426 = arith.addf %add3A_425, %get3A_12 : vector<16xf32>
      %max3A_427 = arith.constant 0.000000e+00 : f32
      %max3A_428 = vector.broadcast %max3A_427 : f32 to vector<16xf32>
      %max3A_429 = arith.maximumf %add3A_426, %max3A_428 : vector<16xf32>
      %swap3A_430 = arith.index_cast %add3A_366 : i32 to index
      %swap3A_431 = arith.constant 0 : index
      %swap3A_432 = tpu.vector_load %arg17[%swap3A_430, %swap3A_431] {strides = array<i32>} : memref<632x16xf32, #tpu.memory_space<vmem>>, vector<16xf32>,
      tpu.vector_store %arg17[%swap3A_430, %swap3A_431], %max3A_429 {strides = array<i32>} : memref<632x16xf32, #tpu.memory_space<vmem>>, vector<16xf32>,
      %mul3A_433 = arith.mulf %max3A_429, %mul3A_411 : vector<16xf32>
      %swap3A_434 = arith.index_cast %add3A_366 : i32 to index
      %swap3A_435 = arith.constant 0 : index
      %swap3A_436 = tpu.vector_load %arg14[%swap3A_434, %swap3A_435] {strides = array<i32>} : memref<632x16xf32, #tpu.memory_space<vmem>>, vector<16xf32>,
      tpu.vector_store %arg14[%swap3A_434, %swap3A_435], %mul3A_433 {strides = array<i32>} : memref<632x16xf32, #tpu.memory_space<vmem>>, vector<16xf32>,
      %swap3A_437 = arith.index_cast %add3A_366 : i32 to index
      %swap3A_438 = arith.constant 0 : index
      %swap3A_439 = tpu.vector_load %arg15[%swap3A_437, %swap3A_438] {strides = array<i32>} : memref<632x16xf32, #tpu.memory_space<vmem>>, vector<16xf32>,
      tpu.vector_store %arg15[%swap3A_437, %swap3A_438], %mul3A_411 {strides = array<i32>} : memref<632x16xf32, #tpu.memory_space<vmem>>, vector<16xf32>,
    }
    %scan3A_17 = arith.constant 158 : i32
    "tpu.region"() ({
      %run_scoped3A_136 = tpu.sem_alloc : memref<!tpu.dma_semaphore, #tpu.memory_space<semaphore_mem>>
      %dma_start3A_137 = arith.constant 0 : i32
      %dma_start3A_138 = tpu.memref_slice %arg21[%mul3A_8, %dma_start3A_137] : memref<10112x16xf32, #tpu.memory_space<vmem_shared>> -> memref<632x16xf32, #tpu.memory_space<vmem_shared>>
      %dma_start3A_139 = arith.constant 0 : i32
      %dma_start3A_140 = tpu.memref_slice %arg21[%mul3A_8, %dma_start3A_139] : memref<10112x16xf32, #tpu.memory_space<vmem_shared>> -> memref<632x16xf32, #tpu.memory_space<vmem_shared>>
      tpu.enqueue_dma source(%arg14 : memref<632x16xf32, #tpu.memory_space<vmem>>) target(%dma_start3A_140 : memref<632x16xf32, #tpu.memory_space<vmem_shared>>) target_semaphore(%run_scoped3A_136 : memref<!tpu.dma_semaphore, #tpu.memory_space<semaphore_mem>>)
      %dma_wait3A_141 = arith.constant 0 : i32
      %dma_wait3A_142 = tpu.memref_slice %arg21[%mul3A_8, %dma_wait3A_141] : memref<10112x16xf32, #tpu.memory_space<vmem_shared>> -> memref<632x16xf32, #tpu.memory_space<vmem_shared>>
      %dma_wait3A_143 = arith.constant 0 : i32
      %dma_wait3A_144 = tpu.memref_slice %arg21[%mul3A_8, %dma_wait3A_143] : memref<10112x16xf32, #tpu.memory_space<vmem_shared>> -> memref<632x16xf32, #tpu.memory_space<vmem_shared>>
      tpu.wait_dma2 semaphore(%run_scoped3A_136 : memref<!tpu.dma_semaphore, #tpu.memory_space<semaphore_mem>>) src(%arg14 : memref<632x16xf32, #tpu.memory_space<vmem>>) dst(%dma_wait3A_144 : memref<632x16xf32, #tpu.memory_space<vmem_shared>>)
      tpu.yield
    }) : () -> ()
    %eq3A_18 = arith.constant 0 : i32
    %eq3A_19 = arith.cmpi eq, %arg0, %eq3A_18 : i32
    %convert_element_type3A_20 = arith.extui %eq3A_19 : i1 to i32
    %cond3A_21 = arith.constant 0 : i32
    %cond3A_22 = arith.cmpi ne, %convert_element_type3A_20, %cond3A_21 : i32
    scf.if %cond3A_22 {
      "tpu.region"() ({
        %run_scoped3A_136 = tpu.sem_alloc : memref<!tpu.dma_semaphore, #tpu.memory_space<semaphore_mem>>
        %dma_start3A_137 = arith.constant 0 : i32
        %dma_start3A_138 = tpu.memref_slice %arg9[%mul3A_8, %dma_start3A_137] : memref<10112x16xf32, #tpu.memory_space<hbm>> -> memref<632x16xf32, #tpu.memory_space<hbm>>
        %dma_start3A_139 = arith.constant 0 : i32
        %dma_start3A_140 = tpu.memref_slice %arg9[%mul3A_8, %dma_start3A_139] : memref<10112x16xf32, #tpu.memory_space<hbm>> -> memref<632x16xf32, #tpu.memory_space<hbm>>
        tpu.enqueue_dma source(%arg17 : memref<632x16xf32, #tpu.memory_space<vmem>>) target(%dma_start3A_140 : memref<632x16xf32, #tpu.memory_space<hbm>>) target_semaphore(%run_scoped3A_136 : memref<!tpu.dma_semaphore, #tpu.memory_space<semaphore_mem>>)
        %dma_wait3A_141 = arith.constant 0 : i32
        %dma_wait3A_142 = tpu.memref_slice %arg9[%mul3A_8, %dma_wait3A_141] : memref<10112x16xf32, #tpu.memory_space<hbm>> -> memref<632x16xf32, #tpu.memory_space<hbm>>
        %dma_wait3A_143 = arith.constant 0 : i32
        %dma_wait3A_144 = tpu.memref_slice %arg9[%mul3A_8, %dma_wait3A_143] : memref<10112x16xf32, #tpu.memory_space<hbm>> -> memref<632x16xf32, #tpu.memory_space<hbm>>
        tpu.wait_dma2 semaphore(%run_scoped3A_136 : memref<!tpu.dma_semaphore, #tpu.memory_space<semaphore_mem>>) src(%arg17 : memref<632x16xf32, #tpu.memory_space<vmem>>) dst(%dma_wait3A_144 : memref<632x16xf32, #tpu.memory_space<hbm>>)
        tpu.yield
      }) : () -> ()
      "tpu.region"() ({
        %run_scoped3A_136 = tpu.sem_alloc : memref<!tpu.dma_semaphore, #tpu.memory_space<semaphore_mem>>
        %dma_start3A_137 = arith.constant 0 : i32
        %dma_start3A_138 = tpu.memref_slice %arg10[%mul3A_8, %dma_start3A_137] : memref<10112x16xf32, #tpu.memory_space<hbm>> -> memref<632x16xf32, #tpu.memory_space<hbm>>
        %dma_start3A_139 = arith.constant 0 : i32
        %dma_start3A_140 = tpu.memref_slice %arg10[%mul3A_8, %dma_start3A_139] : memref<10112x16xf32, #tpu.memory_space<hbm>> -> memref<632x16xf32, #tpu.memory_space<hbm>>
        tpu.enqueue_dma source(%arg15 : memref<632x16xf32, #tpu.memory_space<vmem>>) target(%dma_start3A_140 : memref<632x16xf32, #tpu.memory_space<hbm>>) target_semaphore(%run_scoped3A_136 : memref<!tpu.dma_semaphore, #tpu.memory_space<semaphore_mem>>)
        %dma_wait3A_141 = arith.constant 0 : i32
        %dma_wait3A_142 = tpu.memref_slice %arg10[%mul3A_8, %dma_wait3A_141] : memref<10112x16xf32, #tpu.memory_space<hbm>> -> memref<632x16xf32, #tpu.memory_space<hbm>>
        %dma_wait3A_143 = arith.constant 0 : i32
        %dma_wait3A_144 = tpu.memref_slice %arg10[%mul3A_8, %dma_wait3A_143] : memref<10112x16xf32, #tpu.memory_space<hbm>> -> memref<632x16xf32, #tpu.memory_space<hbm>>
        tpu.wait_dma2 semaphore(%run_scoped3A_136 : memref<!tpu.dma_semaphore, #tpu.memory_space<semaphore_mem>>) src(%arg15 : memref<632x16xf32, #tpu.memory_space<vmem>>) dst(%dma_wait3A_144 : memref<632x16xf32, #tpu.memory_space<hbm>>)
        tpu.yield
      }) : () -> ()
    } else {
    }
    %barrier3A = arith.constant 0 : index
    tpu.barrier barrier_id(%barrier3A)
    %dma_start3A = arith.constant 0 : i32
    %dma_start3A_23 = arith.constant 0 : i32
    %dma_start3A_24 = arith.constant 0 : i32
    %dma_start3A_25 = arith.constant 0 : i32
    %dma_start3A_26 = tpu.memref_slice %arg13[%dma_start3A_23, %dma_start3A_24, %dma_start3A_25] : memref<8x128x16xf32, #tpu.memory_space<vmem>> -> memref<1x128x16xf32, #tpu.memory_space<vmem>>
    %dma_start3A_27 = tpu.memref_squeeze %dma_start3A_26 : memref<1x128x16xf32, #tpu.memory_space<vmem>> -> memref<128x16xf32, #tpu.memory_space<vmem>>
    %dma_start3A_28 = arith.constant 0 : i32
    %dma_start3A_29 = tpu.memref_slice %arg11[%dma_start3A, %dma_start3A_28] : memref<80x128xi32, #tpu.memory_space<vmem>> -> memref<1x128xi32, #tpu.memory_space<vmem>>
    %dma_start3A_30 = tpu.memref_squeeze %dma_start3A_29 : memref<1x128xi32, #tpu.memory_space<vmem>> -> memref<128xi32, #tpu.memory_space<vmem>>
    %dma_start3A_31 = arith.constant 0 : i32
    %dma_start3A_32 = arith.constant 0 : i32
    %dma_start3A_33 = tpu.memref_slice %arg21[%dma_start3A_31, %dma_start3A_32] : memref<10112x16xf32, #tpu.memory_space<vmem_shared>> -> memref<10112x16xf32, #tpu.memory_space<vmem_shared>>
    tpu.enqueue_indirect_dma source(%dma_start3A_33 : memref<10112x16xf32, #tpu.memory_space<vmem_shared>>) target(%dma_start3A_27 : memref<128x16xf32, #tpu.memory_space<vmem>>) offsets(%dma_start3A_30 : memref<128xi32, #tpu.memory_space<vmem>>) semaphore(%arg22 : memref<!tpu.dma_semaphore, #tpu.memory_space<semaphore_mem>>)
    %scan3A_34 = arith.constant 0 : i32
    %scan3A_35 = arith.constant 0 : i32
    %scan3A_36 = arith.constant 10 : i32
    %scan3A_37 = arith.addi %scan3A_35, %scan3A_36 : i32
    %scan3A_38 = arith.constant 1 : i32
    scf.for %scan3A_136 = %scan3A_35 to %scan3A_37 step %scan3A_38  : i32 {
      %mul3A_137 = arith.constant 8 : i32
      %mul3A_138 = arith.muli %scan3A_136, %mul3A_137 : i32
      %add3A_139 = arith.constant 0 : i32
      %add3A_140 = arith.addi %mul3A_138, %add3A_139 : i32
      %add3A_141 = arith.constant 1 : i32
      %add3A_142 = arith.addi %add3A_140, %add3A_141 : i32
      %dma_wait3A_143 = arith.constant 0 : i32
      %dma_wait3A_144 = arith.constant 0 : i32
      %dma_wait3A_145 = arith.constant 0 : i32
      %dma_wait3A_146 = tpu.memref_slice %arg13[%dma_wait3A_143, %dma_wait3A_144, %dma_wait3A_145] : memref<8x128x16xf32, #tpu.memory_space<vmem>> -> memref<1x128x16xf32, #tpu.memory_space<vmem>>
      %dma_wait3A_147 = tpu.memref_squeeze %dma_wait3A_146 : memref<1x128x16xf32, #tpu.memory_space<vmem>> -> memref<128x16xf32, #tpu.memory_space<vmem>>
      %dma_wait3A_148 = arith.constant 0 : i32
      %dma_wait3A_149 = tpu.memref_slice %arg11[%add3A_140, %dma_wait3A_148] : memref<80x128xi32, #tpu.memory_space<vmem>> -> memref<1x128xi32, #tpu.memory_space<vmem>>
      %dma_wait3A_150 = tpu.memref_squeeze %dma_wait3A_149 : memref<1x128xi32, #tpu.memory_space<vmem>> -> memref<128xi32, #tpu.memory_space<vmem>>
      %dma_wait3A_151 = arith.constant 0 : i32
      %dma_wait3A_152 = arith.constant 0 : i32
      %dma_wait3A_153 = tpu.memref_slice %arg21[%dma_wait3A_151, %dma_wait3A_152] : memref<10112x16xf32, #tpu.memory_space<vmem_shared>> -> memref<10112x16xf32, #tpu.memory_space<vmem_shared>>
      tpu.wait_indirect_dma semaphore(%arg22 : memref<!tpu.dma_semaphore, #tpu.memory_space<semaphore_mem>>) src(%dma_wait3A_153 : memref<10112x16xf32, #tpu.memory_space<vmem_shared>>) dst(%dma_wait3A_147 : memref<128x16xf32, #tpu.memory_space<vmem>>)
      %dma_start3A_154 = arith.constant 0 : i32
      %dma_start3A_155 = arith.constant 0 : i32
      %dma_start3A_156 = arith.constant 0 : i32
      %dma_start3A_157 = tpu.memref_slice %arg13[%dma_start3A_154, %dma_start3A_155, %dma_start3A_156] : memref<8x128x16xf32, #tpu.memory_space<vmem>> -> memref<1x128x16xf32, #tpu.memory_space<vmem>>
      %dma_start3A_158 = tpu.memref_squeeze %dma_start3A_157 : memref<1x128x16xf32, #tpu.memory_space<vmem>> -> memref<128x16xf32, #tpu.memory_space<vmem>>
      %dma_start3A_159 = arith.constant 0 : i32
      %dma_start3A_160 = tpu.memref_slice %arg12[%add3A_140, %dma_start3A_159] : memref<80x128xi32, #tpu.memory_space<vmem>> -> memref<1x128xi32, #tpu.memory_space<vmem>>
      %dma_start3A_161 = tpu.memref_squeeze %dma_start3A_160 : memref<1x128xi32, #tpu.memory_space<vmem>> -> memref<128xi32, #tpu.memory_space<vmem>>
      %dma_start3A_162 = arith.constant 0 : i32
      %dma_start3A_163 = arith.constant 0 : i32
      %dma_start3A_164 = tpu.memref_slice %arg20[%dma_start3A_162, %dma_start3A_163] : memref<10112x16xf32, #tpu.memory_space<vmem_shared>> -> memref<10112x16xf32, #tpu.memory_space<vmem_shared>>
      tpu.enqueue_indirect_dma source(%dma_start3A_158 : memref<128x16xf32, #tpu.memory_space<vmem>>) target(%dma_start3A_164 : memref<10112x16xf32, #tpu.memory_space<vmem_shared>>) offsets(%dma_start3A_161 : memref<128xi32, #tpu.memory_space<vmem>>) semaphore(%arg30 : memref<!tpu.dma_semaphore, #tpu.memory_space<semaphore_mem>>) {add = true}
      %ge3A = arith.constant 8 : i32
      %ge3A_165 = arith.cmpi sge, %add3A_142, %ge3A : i32
      %lt3A_166 = arith.constant 80 : i32
      %lt3A_167 = arith.cmpi slt, %add3A_142, %lt3A_166 : i32
      %and3A = arith.andi %ge3A_165, %lt3A_167 : i1
      %convert_element_type3A_168 = arith.extui %and3A : i1 to i32
      %cond3A_169 = arith.constant 0 : i32
      %cond3A_170 = arith.cmpi ne, %convert_element_type3A_168, %cond3A_169 : i32
      scf.if %cond3A_170 {
        %sub3A = arith.constant 8 : i32
        %sub3A_463 = arith.subi %add3A_142, %sub3A : i32
        %dma_wait3A_464 = arith.constant 1 : i32
        %dma_wait3A_465 = arith.constant 0 : i32
        %dma_wait3A_466 = arith.constant 0 : i32
        %dma_wait3A_467 = tpu.memref_slice %arg13[%dma_wait3A_464, %dma_wait3A_465, %dma_wait3A_466] : memref<8x128x16xf32, #tpu.memory_space<vmem>> -> memref<1x128x16xf32, #tpu.memory_space<vmem>>
        %dma_wait3A_468 = tpu.memref_squeeze %dma_wait3A_467 : memref<1x128x16xf32, #tpu.memory_space<vmem>> -> memref<128x16xf32, #tpu.memory_space<vmem>>
        %dma_wait3A_469 = arith.constant 0 : i32
        %dma_wait3A_470 = tpu.memref_slice %arg12[%sub3A_463, %dma_wait3A_469] : memref<80x128xi32, #tpu.memory_space<vmem>> -> memref<1x128xi32, #tpu.memory_space<vmem>>
        %dma_wait3A_471 = tpu.memref_squeeze %dma_wait3A_470 : memref<1x128xi32, #tpu.memory_space<vmem>> -> memref<128xi32, #tpu.memory_space<vmem>>
        %dma_wait3A_472 = arith.constant 0 : i32
        %dma_wait3A_473 = arith.constant 0 : i32
        %dma_wait3A_474 = tpu.memref_slice %arg20[%dma_wait3A_472, %dma_wait3A_473] : memref<10112x16xf32, #tpu.memory_space<vmem_shared>> -> memref<10112x16xf32, #tpu.memory_space<vmem_shared>>
        tpu.wait_indirect_dma semaphore(%arg31 : memref<!tpu.dma_semaphore, #tpu.memory_space<semaphore_mem>>) src(%dma_wait3A_468 : memref<128x16xf32, #tpu.memory_space<vmem>>) dst(%dma_wait3A_474 : memref<10112x16xf32, #tpu.memory_space<vmem_shared>>)
      } else {
      }
      %lt3A_171 = arith.constant 80 : i32
      %lt3A_172 = arith.cmpi slt, %add3A_142, %lt3A_171 : i32
      %convert_element_type3A_173 = arith.extui %lt3A_172 : i1 to i32
      %cond3A_174 = arith.constant 0 : i32
      %cond3A_175 = arith.cmpi ne, %convert_element_type3A_173, %cond3A_174 : i32
      scf.if %cond3A_175 {
        %dma_start3A_463 = arith.constant 1 : i32
        %dma_start3A_464 = arith.constant 0 : i32
        %dma_start3A_465 = arith.constant 0 : i32
        %dma_start3A_466 = tpu.memref_slice %arg13[%dma_start3A_463, %dma_start3A_464, %dma_start3A_465] : memref<8x128x16xf32, #tpu.memory_space<vmem>> -> memref<1x128x16xf32, #tpu.memory_space<vmem>>
        %dma_start3A_467 = tpu.memref_squeeze %dma_start3A_466 : memref<1x128x16xf32, #tpu.memory_space<vmem>> -> memref<128x16xf32, #tpu.memory_space<vmem>>
        %dma_start3A_468 = arith.constant 0 : i32
        %dma_start3A_469 = tpu.memref_slice %arg11[%add3A_142, %dma_start3A_468] : memref<80x128xi32, #tpu.memory_space<vmem>> -> memref<1x128xi32, #tpu.memory_space<vmem>>
        %dma_start3A_470 = tpu.memref_squeeze %dma_start3A_469 : memref<1x128xi32, #tpu.memory_space<vmem>> -> memref<128xi32, #tpu.memory_space<vmem>>
        %dma_start3A_471 = arith.constant 0 : i32
        %dma_start3A_472 = arith.constant 0 : i32
        %dma_start3A_473 = tpu.memref_slice %arg21[%dma_start3A_471, %dma_start3A_472] : memref<10112x16xf32, #tpu.memory_space<vmem_shared>> -> memref<10112x16xf32, #tpu.memory_space<vmem_shared>>
        tpu.enqueue_indirect_dma source(%dma_start3A_473 : memref<10112x16xf32, #tpu.memory_space<vmem_shared>>) target(%dma_start3A_467 : memref<128x16xf32, #tpu.memory_space<vmem>>) offsets(%dma_start3A_470 : memref<128xi32, #tpu.memory_space<vmem>>) semaphore(%arg23 : memref<!tpu.dma_semaphore, #tpu.memory_space<semaphore_mem>>)
      } else {
      }
      %mul3A_176 = arith.constant 8 : i32
      %mul3A_177 = arith.muli %scan3A_136, %mul3A_176 : i32
      %add3A_178 = arith.constant 1 : i32
      %add3A_179 = arith.addi %mul3A_177, %add3A_178 : i32
      %add3A_180 = arith.constant 1 : i32
      %add3A_181 = arith.addi %add3A_179, %add3A_180 : i32
      %dma_wait3A_182 = arith.constant 1 : i32
      %dma_wait3A_183 = arith.constant 0 : i32
      %dma_wait3A_184 = arith.constant 0 : i32
      %dma_wait3A_185 = tpu.memref_slice %arg13[%dma_wait3A_182, %dma_wait3A_183, %dma_wait3A_184] : memref<8x128x16xf32, #tpu.memory_space<vmem>> -> memref<1x128x16xf32, #tpu.memory_space<vmem>>
      %dma_wait3A_186 = tpu.memref_squeeze %dma_wait3A_185 : memref<1x128x16xf32, #tpu.memory_space<vmem>> -> memref<128x16xf32, #tpu.memory_space<vmem>>
      %dma_wait3A_187 = arith.constant 0 : i32
      %dma_wait3A_188 = tpu.memref_slice %arg11[%add3A_179, %dma_wait3A_187] : memref<80x128xi32, #tpu.memory_space<vmem>> -> memref<1x128xi32, #tpu.memory_space<vmem>>
      %dma_wait3A_189 = tpu.memref_squeeze %dma_wait3A_188 : memref<1x128xi32, #tpu.memory_space<vmem>> -> memref<128xi32, #tpu.memory_space<vmem>>
      %dma_wait3A_190 = arith.constant 0 : i32
      %dma_wait3A_191 = arith.constant 0 : i32
      %dma_wait3A_192 = tpu.memref_slice %arg21[%dma_wait3A_190, %dma_wait3A_191] : memref<10112x16xf32, #tpu.memory_space<vmem_shared>> -> memref<10112x16xf32, #tpu.memory_space<vmem_shared>>
      tpu.wait_indirect_dma semaphore(%arg23 : memref<!tpu.dma_semaphore, #tpu.memory_space<semaphore_mem>>) src(%dma_wait3A_192 : memref<10112x16xf32, #tpu.memory_space<vmem_shared>>) dst(%dma_wait3A_186 : memref<128x16xf32, #tpu.memory_space<vmem>>)
      %dma_start3A_193 = arith.constant 1 : i32
      %dma_start3A_194 = arith.constant 0 : i32
      %dma_start3A_195 = arith.constant 0 : i32
      %dma_start3A_196 = tpu.memref_slice %arg13[%dma_start3A_193, %dma_start3A_194, %dma_start3A_195] : memref<8x128x16xf32, #tpu.memory_space<vmem>> -> memref<1x128x16xf32, #tpu.memory_space<vmem>>
      %dma_start3A_197 = tpu.memref_squeeze %dma_start3A_196 : memref<1x128x16xf32, #tpu.memory_space<vmem>> -> memref<128x16xf32, #tpu.memory_space<vmem>>
      %dma_start3A_198 = arith.constant 0 : i32
      %dma_start3A_199 = tpu.memref_slice %arg12[%add3A_179, %dma_start3A_198] : memref<80x128xi32, #tpu.memory_space<vmem>> -> memref<1x128xi32, #tpu.memory_space<vmem>>
      %dma_start3A_200 = tpu.memref_squeeze %dma_start3A_199 : memref<1x128xi32, #tpu.memory_space<vmem>> -> memref<128xi32, #tpu.memory_space<vmem>>
      %dma_start3A_201 = arith.constant 0 : i32
      %dma_start3A_202 = arith.constant 0 : i32
      %dma_start3A_203 = tpu.memref_slice %arg20[%dma_start3A_201, %dma_start3A_202] : memref<10112x16xf32, #tpu.memory_space<vmem_shared>> -> memref<10112x16xf32, #tpu.memory_space<vmem_shared>>
      tpu.enqueue_indirect_dma source(%dma_start3A_197 : memref<128x16xf32, #tpu.memory_space<vmem>>) target(%dma_start3A_203 : memref<10112x16xf32, #tpu.memory_space<vmem_shared>>) offsets(%dma_start3A_200 : memref<128xi32, #tpu.memory_space<vmem>>) semaphore(%arg31 : memref<!tpu.dma_semaphore, #tpu.memory_space<semaphore_mem>>) {add = true}
      %ge3A_204 = arith.constant 8 : i32
      %ge3A_205 = arith.cmpi sge, %add3A_181, %ge3A_204 : i32
      %lt3A_206 = arith.constant 80 : i32
      %lt3A_207 = arith.cmpi slt, %add3A_181, %lt3A_206 : i32
      %and3A_208 = arith.andi %ge3A_205, %lt3A_207 : i1
      %convert_element_type3A_209 = arith.extui %and3A_208 : i1 to i32
      %cond3A_210 = arith.constant 0 : i32
      %cond3A_211 = arith.cmpi ne, %convert_element_type3A_209, %cond3A_210 : i32
      scf.if %cond3A_211 {
        %sub3A = arith.constant 8 : i32
        %sub3A_463 = arith.subi %add3A_181, %sub3A : i32
        %dma_wait3A_464 = arith.constant 2 : i32
        %dma_wait3A_465 = arith.constant 0 : i32
        %dma_wait3A_466 = arith.constant 0 : i32
        %dma_wait3A_467 = tpu.memref_slice %arg13[%dma_wait3A_464, %dma_wait3A_465, %dma_wait3A_466] : memref<8x128x16xf32, #tpu.memory_space<vmem>> -> memref<1x128x16xf32, #tpu.memory_space<vmem>>
        %dma_wait3A_468 = tpu.memref_squeeze %dma_wait3A_467 : memref<1x128x16xf32, #tpu.memory_space<vmem>> -> memref<128x16xf32, #tpu.memory_space<vmem>>
        %dma_wait3A_469 = arith.constant 0 : i32
        %dma_wait3A_470 = tpu.memref_slice %arg12[%sub3A_463, %dma_wait3A_469] : memref<80x128xi32, #tpu.memory_space<vmem>> -> memref<1x128xi32, #tpu.memory_space<vmem>>
        %dma_wait3A_471 = tpu.memref_squeeze %dma_wait3A_470 : memref<1x128xi32, #tpu.memory_space<vmem>> -> memref<128xi32, #tpu.memory_space<vmem>>
        %dma_wait3A_472 = arith.constant 0 : i32
        %dma_wait3A_473 = arith.constant 0 : i32
        %dma_wait3A_474 = tpu.memref_slice %arg20[%dma_wait3A_472, %dma_wait3A_473] : memref<10112x16xf32, #tpu.memory_space<vmem_shared>> -> memref<10112x16xf32, #tpu.memory_space<vmem_shared>>
        tpu.wait_indirect_dma semaphore(%arg32 : memref<!tpu.dma_semaphore, #tpu.memory_space<semaphore_mem>>) src(%dma_wait3A_468 : memref<128x16xf32, #tpu.memory_space<vmem>>) dst(%dma_wait3A_474 : memref<10112x16xf32, #tpu.memory_space<vmem_shared>>)
      } else {
      }
      %lt3A_212 = arith.constant 80 : i32
      %lt3A_213 = arith.cmpi slt, %add3A_181, %lt3A_212 : i32
      %convert_element_type3A_214 = arith.extui %lt3A_213 : i1 to i32
      %cond3A_215 = arith.constant 0 : i32
      %cond3A_216 = arith.cmpi ne, %convert_element_type3A_214, %cond3A_215 : i32
      scf.if %cond3A_216 {
        %dma_start3A_463 = arith.constant 2 : i32
        %dma_start3A_464 = arith.constant 0 : i32
        %dma_start3A_465 = arith.constant 0 : i32
        %dma_start3A_466 = tpu.memref_slice %arg13[%dma_start3A_463, %dma_start3A_464, %dma_start3A_465] : memref<8x128x16xf32, #tpu.memory_space<vmem>> -> memref<1x128x16xf32, #tpu.memory_space<vmem>>
        %dma_start3A_467 = tpu.memref_squeeze %dma_start3A_466 : memref<1x128x16xf32, #tpu.memory_space<vmem>> -> memref<128x16xf32, #tpu.memory_space<vmem>>
        %dma_start3A_468 = arith.constant 0 : i32
        %dma_start3A_469 = tpu.memref_slice %arg11[%add3A_181, %dma_start3A_468] : memref<80x128xi32, #tpu.memory_space<vmem>> -> memref<1x128xi32, #tpu.memory_space<vmem>>
        %dma_start3A_470 = tpu.memref_squeeze %dma_start3A_469 : memref<1x128xi32, #tpu.memory_space<vmem>> -> memref<128xi32, #tpu.memory_space<vmem>>
        %dma_start3A_471 = arith.constant 0 : i32
        %dma_start3A_472 = arith.constant 0 : i32
        %dma_start3A_473 = tpu.memref_slice %arg21[%dma_start3A_471, %dma_start3A_472] : memref<10112x16xf32, #tpu.memory_space<vmem_shared>> -> memref<10112x16xf32, #tpu.memory_space<vmem_shared>>
        tpu.enqueue_indirect_dma source(%dma_start3A_473 : memref<10112x16xf32, #tpu.memory_space<vmem_shared>>) target(%dma_start3A_467 : memref<128x16xf32, #tpu.memory_space<vmem>>) offsets(%dma_start3A_470 : memref<128xi32, #tpu.memory_space<vmem>>) semaphore(%arg24 : memref<!tpu.dma_semaphore, #tpu.memory_space<semaphore_mem>>)
      } else {
      }
      %mul3A_217 = arith.constant 8 : i32
      %mul3A_218 = arith.muli %scan3A_136, %mul3A_217 : i32
      %add3A_219 = arith.constant 2 : i32
      %add3A_220 = arith.addi %mul3A_218, %add3A_219 : i32
      %add3A_221 = arith.constant 1 : i32
      %add3A_222 = arith.addi %add3A_220, %add3A_221 : i32
      %dma_wait3A_223 = arith.constant 2 : i32
      %dma_wait3A_224 = arith.constant 0 : i32
      %dma_wait3A_225 = arith.constant 0 : i32
      %dma_wait3A_226 = tpu.memref_slice %arg13[%dma_wait3A_223, %dma_wait3A_224, %dma_wait3A_225] : memref<8x128x16xf32, #tpu.memory_space<vmem>> -> memref<1x128x16xf32, #tpu.memory_space<vmem>>
      %dma_wait3A_227 = tpu.memref_squeeze %dma_wait3A_226 : memref<1x128x16xf32, #tpu.memory_space<vmem>> -> memref<128x16xf32, #tpu.memory_space<vmem>>
      %dma_wait3A_228 = arith.constant 0 : i32
      %dma_wait3A_229 = tpu.memref_slice %arg11[%add3A_220, %dma_wait3A_228] : memref<80x128xi32, #tpu.memory_space<vmem>> -> memref<1x128xi32, #tpu.memory_space<vmem>>
      %dma_wait3A_230 = tpu.memref_squeeze %dma_wait3A_229 : memref<1x128xi32, #tpu.memory_space<vmem>> -> memref<128xi32, #tpu.memory_space<vmem>>
      %dma_wait3A_231 = arith.constant 0 : i32
      %dma_wait3A_232 = arith.constant 0 : i32
      %dma_wait3A_233 = tpu.memref_slice %arg21[%dma_wait3A_231, %dma_wait3A_232] : memref<10112x16xf32, #tpu.memory_space<vmem_shared>> -> memref<10112x16xf32, #tpu.memory_space<vmem_shared>>
      tpu.wait_indirect_dma semaphore(%arg24 : memref<!tpu.dma_semaphore, #tpu.memory_space<semaphore_mem>>) src(%dma_wait3A_233 : memref<10112x16xf32, #tpu.memory_space<vmem_shared>>) dst(%dma_wait3A_227 : memref<128x16xf32, #tpu.memory_space<vmem>>)
      %dma_start3A_234 = arith.constant 2 : i32
      %dma_start3A_235 = arith.constant 0 : i32
      %dma_start3A_236 = arith.constant 0 : i32
      %dma_start3A_237 = tpu.memref_slice %arg13[%dma_start3A_234, %dma_start3A_235, %dma_start3A_236] : memref<8x128x16xf32, #tpu.memory_space<vmem>> -> memref<1x128x16xf32, #tpu.memory_space<vmem>>
      %dma_start3A_238 = tpu.memref_squeeze %dma_start3A_237 : memref<1x128x16xf32, #tpu.memory_space<vmem>> -> memref<128x16xf32, #tpu.memory_space<vmem>>
      %dma_start3A_239 = arith.constant 0 : i32
      %dma_start3A_240 = tpu.memref_slice %arg12[%add3A_220, %dma_start3A_239] : memref<80x128xi32, #tpu.memory_space<vmem>> -> memref<1x128xi32, #tpu.memory_space<vmem>>
      %dma_start3A_241 = tpu.memref_squeeze %dma_start3A_240 : memref<1x128xi32, #tpu.memory_space<vmem>> -> memref<128xi32, #tpu.memory_space<vmem>>
      %dma_start3A_242 = arith.constant 0 : i32
      %dma_start3A_243 = arith.constant 0 : i32
      %dma_start3A_244 = tpu.memref_slice %arg20[%dma_start3A_242, %dma_start3A_243] : memref<10112x16xf32, #tpu.memory_space<vmem_shared>> -> memref<10112x16xf32, #tpu.memory_space<vmem_shared>>
      tpu.enqueue_indirect_dma source(%dma_start3A_238 : memref<128x16xf32, #tpu.memory_space<vmem>>) target(%dma_start3A_244 : memref<10112x16xf32, #tpu.memory_space<vmem_shared>>) offsets(%dma_start3A_241 : memref<128xi32, #tpu.memory_space<vmem>>) semaphore(%arg32 : memref<!tpu.dma_semaphore, #tpu.memory_space<semaphore_mem>>) {add = true}
      %ge3A_245 = arith.constant 8 : i32
      %ge3A_246 = arith.cmpi sge, %add3A_222, %ge3A_245 : i32
      %lt3A_247 = arith.constant 80 : i32
      %lt3A_248 = arith.cmpi slt, %add3A_222, %lt3A_247 : i32
      %and3A_249 = arith.andi %ge3A_246, %lt3A_248 : i1
      %convert_element_type3A_250 = arith.extui %and3A_249 : i1 to i32
      %cond3A_251 = arith.constant 0 : i32
      %cond3A_252 = arith.cmpi ne, %convert_element_type3A_250, %cond3A_251 : i32
      scf.if %cond3A_252 {
        %sub3A = arith.constant 8 : i32
        %sub3A_463 = arith.subi %add3A_222, %sub3A : i32
        %dma_wait3A_464 = arith.constant 3 : i32
        %dma_wait3A_465 = arith.constant 0 : i32
        %dma_wait3A_466 = arith.constant 0 : i32
        %dma_wait3A_467 = tpu.memref_slice %arg13[%dma_wait3A_464, %dma_wait3A_465, %dma_wait3A_466] : memref<8x128x16xf32, #tpu.memory_space<vmem>> -> memref<1x128x16xf32, #tpu.memory_space<vmem>>
        %dma_wait3A_468 = tpu.memref_squeeze %dma_wait3A_467 : memref<1x128x16xf32, #tpu.memory_space<vmem>> -> memref<128x16xf32, #tpu.memory_space<vmem>>
        %dma_wait3A_469 = arith.constant 0 : i32
        %dma_wait3A_470 = tpu.memref_slice %arg12[%sub3A_463, %dma_wait3A_469] : memref<80x128xi32, #tpu.memory_space<vmem>> -> memref<1x128xi32, #tpu.memory_space<vmem>>
        %dma_wait3A_471 = tpu.memref_squeeze %dma_wait3A_470 : memref<1x128xi32, #tpu.memory_space<vmem>> -> memref<128xi32, #tpu.memory_space<vmem>>
        %dma_wait3A_472 = arith.constant 0 : i32
        %dma_wait3A_473 = arith.constant 0 : i32
        %dma_wait3A_474 = tpu.memref_slice %arg20[%dma_wait3A_472, %dma_wait3A_473] : memref<10112x16xf32, #tpu.memory_space<vmem_shared>> -> memref<10112x16xf32, #tpu.memory_space<vmem_shared>>
        tpu.wait_indirect_dma semaphore(%arg33 : memref<!tpu.dma_semaphore, #tpu.memory_space<semaphore_mem>>) src(%dma_wait3A_468 : memref<128x16xf32, #tpu.memory_space<vmem>>) dst(%dma_wait3A_474 : memref<10112x16xf32, #tpu.memory_space<vmem_shared>>)
      } else {
      }
      %lt3A_253 = arith.constant 80 : i32
      %lt3A_254 = arith.cmpi slt, %add3A_222, %lt3A_253 : i32
      %convert_element_type3A_255 = arith.extui %lt3A_254 : i1 to i32
      %cond3A_256 = arith.constant 0 : i32
      %cond3A_257 = arith.cmpi ne, %convert_element_type3A_255, %cond3A_256 : i32
      scf.if %cond3A_257 {
        %dma_start3A_463 = arith.constant 3 : i32
        %dma_start3A_464 = arith.constant 0 : i32
        %dma_start3A_465 = arith.constant 0 : i32
        %dma_start3A_466 = tpu.memref_slice %arg13[%dma_start3A_463, %dma_start3A_464, %dma_start3A_465] : memref<8x128x16xf32, #tpu.memory_space<vmem>> -> memref<1x128x16xf32, #tpu.memory_space<vmem>>
        %dma_start3A_467 = tpu.memref_squeeze %dma_start3A_466 : memref<1x128x16xf32, #tpu.memory_space<vmem>> -> memref<128x16xf32, #tpu.memory_space<vmem>>
        %dma_start3A_468 = arith.constant 0 : i32
        %dma_start3A_469 = tpu.memref_slice %arg11[%add3A_222, %dma_start3A_468] : memref<80x128xi32, #tpu.memory_space<vmem>> -> memref<1x128xi32, #tpu.memory_space<vmem>>
        %dma_start3A_470 = tpu.memref_squeeze %dma_start3A_469 : memref<1x128xi32, #tpu.memory_space<vmem>> -> memref<128xi32, #tpu.memory_space<vmem>>
        %dma_start3A_471 = arith.constant 0 : i32
        %dma_start3A_472 = arith.constant 0 : i32
        %dma_start3A_473 = tpu.memref_slice %arg21[%dma_start3A_471, %dma_start3A_472] : memref<10112x16xf32, #tpu.memory_space<vmem_shared>> -> memref<10112x16xf32, #tpu.memory_space<vmem_shared>>
        tpu.enqueue_indirect_dma source(%dma_start3A_473 : memref<10112x16xf32, #tpu.memory_space<vmem_shared>>) target(%dma_start3A_467 : memref<128x16xf32, #tpu.memory_space<vmem>>) offsets(%dma_start3A_470 : memref<128xi32, #tpu.memory_space<vmem>>) semaphore(%arg25 : memref<!tpu.dma_semaphore, #tpu.memory_space<semaphore_mem>>)
      } else {
      }
      %mul3A_258 = arith.constant 8 : i32
      %mul3A_259 = arith.muli %scan3A_136, %mul3A_258 : i32
      %add3A_260 = arith.constant 3 : i32
      %add3A_261 = arith.addi %mul3A_259, %add3A_260 : i32
      %add3A_262 = arith.constant 1 : i32
      %add3A_263 = arith.addi %add3A_261, %add3A_262 : i32
      %dma_wait3A_264 = arith.constant 3 : i32
      %dma_wait3A_265 = arith.constant 0 : i32
      %dma_wait3A_266 = arith.constant 0 : i32
      %dma_wait3A_267 = tpu.memref_slice %arg13[%dma_wait3A_264, %dma_wait3A_265, %dma_wait3A_266] : memref<8x128x16xf32, #tpu.memory_space<vmem>> -> memref<1x128x16xf32, #tpu.memory_space<vmem>>
      %dma_wait3A_268 = tpu.memref_squeeze %dma_wait3A_267 : memref<1x128x16xf32, #tpu.memory_space<vmem>> -> memref<128x16xf32, #tpu.memory_space<vmem>>
      %dma_wait3A_269 = arith.constant 0 : i32
      %dma_wait3A_270 = tpu.memref_slice %arg11[%add3A_261, %dma_wait3A_269] : memref<80x128xi32, #tpu.memory_space<vmem>> -> memref<1x128xi32, #tpu.memory_space<vmem>>
      %dma_wait3A_271 = tpu.memref_squeeze %dma_wait3A_270 : memref<1x128xi32, #tpu.memory_space<vmem>> -> memref<128xi32, #tpu.memory_space<vmem>>
      %dma_wait3A_272 = arith.constant 0 : i32
      %dma_wait3A_273 = arith.constant 0 : i32
      %dma_wait3A_274 = tpu.memref_slice %arg21[%dma_wait3A_272, %dma_wait3A_273] : memref<10112x16xf32, #tpu.memory_space<vmem_shared>> -> memref<10112x16xf32, #tpu.memory_space<vmem_shared>>
      tpu.wait_indirect_dma semaphore(%arg25 : memref<!tpu.dma_semaphore, #tpu.memory_space<semaphore_mem>>) src(%dma_wait3A_274 : memref<10112x16xf32, #tpu.memory_space<vmem_shared>>) dst(%dma_wait3A_268 : memref<128x16xf32, #tpu.memory_space<vmem>>)
      %dma_start3A_275 = arith.constant 3 : i32
      %dma_start3A_276 = arith.constant 0 : i32
      %dma_start3A_277 = arith.constant 0 : i32
      %dma_start3A_278 = tpu.memref_slice %arg13[%dma_start3A_275, %dma_start3A_276, %dma_start3A_277] : memref<8x128x16xf32, #tpu.memory_space<vmem>> -> memref<1x128x16xf32, #tpu.memory_space<vmem>>
      %dma_start3A_279 = tpu.memref_squeeze %dma_start3A_278 : memref<1x128x16xf32, #tpu.memory_space<vmem>> -> memref<128x16xf32, #tpu.memory_space<vmem>>
      %dma_start3A_280 = arith.constant 0 : i32
      %dma_start3A_281 = tpu.memref_slice %arg12[%add3A_261, %dma_start3A_280] : memref<80x128xi32, #tpu.memory_space<vmem>> -> memref<1x128xi32, #tpu.memory_space<vmem>>
      %dma_start3A_282 = tpu.memref_squeeze %dma_start3A_281 : memref<1x128xi32, #tpu.memory_space<vmem>> -> memref<128xi32, #tpu.memory_space<vmem>>
      %dma_start3A_283 = arith.constant 0 : i32
      %dma_start3A_284 = arith.constant 0 : i32
      %dma_start3A_285 = tpu.memref_slice %arg20[%dma_start3A_283, %dma_start3A_284] : memref<10112x16xf32, #tpu.memory_space<vmem_shared>> -> memref<10112x16xf32, #tpu.memory_space<vmem_shared>>
      tpu.enqueue_indirect_dma source(%dma_start3A_279 : memref<128x16xf32, #tpu.memory_space<vmem>>) target(%dma_start3A_285 : memref<10112x16xf32, #tpu.memory_space<vmem_shared>>) offsets(%dma_start3A_282 : memref<128xi32, #tpu.memory_space<vmem>>) semaphore(%arg33 : memref<!tpu.dma_semaphore, #tpu.memory_space<semaphore_mem>>) {add = true}
      %ge3A_286 = arith.constant 8 : i32
      %ge3A_287 = arith.cmpi sge, %add3A_263, %ge3A_286 : i32
      %lt3A_288 = arith.constant 80 : i32
      %lt3A_289 = arith.cmpi slt, %add3A_263, %lt3A_288 : i32
      %and3A_290 = arith.andi %ge3A_287, %lt3A_289 : i1
      %convert_element_type3A_291 = arith.extui %and3A_290 : i1 to i32
      %cond3A_292 = arith.constant 0 : i32
      %cond3A_293 = arith.cmpi ne, %convert_element_type3A_291, %cond3A_292 : i32
      scf.if %cond3A_293 {
        %sub3A = arith.constant 8 : i32
        %sub3A_463 = arith.subi %add3A_263, %sub3A : i32
        %dma_wait3A_464 = arith.constant 4 : i32
        %dma_wait3A_465 = arith.constant 0 : i32
        %dma_wait3A_466 = arith.constant 0 : i32
        %dma_wait3A_467 = tpu.memref_slice %arg13[%dma_wait3A_464, %dma_wait3A_465, %dma_wait3A_466] : memref<8x128x16xf32, #tpu.memory_space<vmem>> -> memref<1x128x16xf32, #tpu.memory_space<vmem>>
        %dma_wait3A_468 = tpu.memref_squeeze %dma_wait3A_467 : memref<1x128x16xf32, #tpu.memory_space<vmem>> -> memref<128x16xf32, #tpu.memory_space<vmem>>
        %dma_wait3A_469 = arith.constant 0 : i32
        %dma_wait3A_470 = tpu.memref_slice %arg12[%sub3A_463, %dma_wait3A_469] : memref<80x128xi32, #tpu.memory_space<vmem>> -> memref<1x128xi32, #tpu.memory_space<vmem>>
        %dma_wait3A_471 = tpu.memref_squeeze %dma_wait3A_470 : memref<1x128xi32, #tpu.memory_space<vmem>> -> memref<128xi32, #tpu.memory_space<vmem>>
        %dma_wait3A_472 = arith.constant 0 : i32
        %dma_wait3A_473 = arith.constant 0 : i32
        %dma_wait3A_474 = tpu.memref_slice %arg20[%dma_wait3A_472, %dma_wait3A_473] : memref<10112x16xf32, #tpu.memory_space<vmem_shared>> -> memref<10112x16xf32, #tpu.memory_space<vmem_shared>>
        tpu.wait_indirect_dma semaphore(%arg34 : memref<!tpu.dma_semaphore, #tpu.memory_space<semaphore_mem>>) src(%dma_wait3A_468 : memref<128x16xf32, #tpu.memory_space<vmem>>) dst(%dma_wait3A_474 : memref<10112x16xf32, #tpu.memory_space<vmem_shared>>)
      } else {
      }
      %lt3A_294 = arith.constant 80 : i32
      %lt3A_295 = arith.cmpi slt, %add3A_263, %lt3A_294 : i32
      %convert_element_type3A_296 = arith.extui %lt3A_295 : i1 to i32
      %cond3A_297 = arith.constant 0 : i32
      %cond3A_298 = arith.cmpi ne, %convert_element_type3A_296, %cond3A_297 : i32
      scf.if %cond3A_298 {
        %dma_start3A_463 = arith.constant 4 : i32
        %dma_start3A_464 = arith.constant 0 : i32
        %dma_start3A_465 = arith.constant 0 : i32
        %dma_start3A_466 = tpu.memref_slice %arg13[%dma_start3A_463, %dma_start3A_464, %dma_start3A_465] : memref<8x128x16xf32, #tpu.memory_space<vmem>> -> memref<1x128x16xf32, #tpu.memory_space<vmem>>
        %dma_start3A_467 = tpu.memref_squeeze %dma_start3A_466 : memref<1x128x16xf32, #tpu.memory_space<vmem>> -> memref<128x16xf32, #tpu.memory_space<vmem>>
        %dma_start3A_468 = arith.constant 0 : i32
        %dma_start3A_469 = tpu.memref_slice %arg11[%add3A_263, %dma_start3A_468] : memref<80x128xi32, #tpu.memory_space<vmem>> -> memref<1x128xi32, #tpu.memory_space<vmem>>
        %dma_start3A_470 = tpu.memref_squeeze %dma_start3A_469 : memref<1x128xi32, #tpu.memory_space<vmem>> -> memref<128xi32, #tpu.memory_space<vmem>>
        %dma_start3A_471 = arith.constant 0 : i32
        %dma_start3A_472 = arith.constant 0 : i32
        %dma_start3A_473 = tpu.memref_slice %arg21[%dma_start3A_471, %dma_start3A_472] : memref<10112x16xf32, #tpu.memory_space<vmem_shared>> -> memref<10112x16xf32, #tpu.memory_space<vmem_shared>>
        tpu.enqueue_indirect_dma source(%dma_start3A_473 : memref<10112x16xf32, #tpu.memory_space<vmem_shared>>) target(%dma_start3A_467 : memref<128x16xf32, #tpu.memory_space<vmem>>) offsets(%dma_start3A_470 : memref<128xi32, #tpu.memory_space<vmem>>) semaphore(%arg26 : memref<!tpu.dma_semaphore, #tpu.memory_space<semaphore_mem>>)
      } else {
      }
      %mul3A_299 = arith.constant 8 : i32
      %mul3A_300 = arith.muli %scan3A_136, %mul3A_299 : i32
      %add3A_301 = arith.constant 4 : i32
      %add3A_302 = arith.addi %mul3A_300, %add3A_301 : i32
      %add3A_303 = arith.constant 1 : i32
      %add3A_304 = arith.addi %add3A_302, %add3A_303 : i32
      %dma_wait3A_305 = arith.constant 4 : i32
      %dma_wait3A_306 = arith.constant 0 : i32
      %dma_wait3A_307 = arith.constant 0 : i32
      %dma_wait3A_308 = tpu.memref_slice %arg13[%dma_wait3A_305, %dma_wait3A_306, %dma_wait3A_307] : memref<8x128x16xf32, #tpu.memory_space<vmem>> -> memref<1x128x16xf32, #tpu.memory_space<vmem>>
      %dma_wait3A_309 = tpu.memref_squeeze %dma_wait3A_308 : memref<1x128x16xf32, #tpu.memory_space<vmem>> -> memref<128x16xf32, #tpu.memory_space<vmem>>
      %dma_wait3A_310 = arith.constant 0 : i32
      %dma_wait3A_311 = tpu.memref_slice %arg11[%add3A_302, %dma_wait3A_310] : memref<80x128xi32, #tpu.memory_space<vmem>> -> memref<1x128xi32, #tpu.memory_space<vmem>>
      %dma_wait3A_312 = tpu.memref_squeeze %dma_wait3A_311 : memref<1x128xi32, #tpu.memory_space<vmem>> -> memref<128xi32, #tpu.memory_space<vmem>>
      %dma_wait3A_313 = arith.constant 0 : i32
      %dma_wait3A_314 = arith.constant 0 : i32
      %dma_wait3A_315 = tpu.memref_slice %arg21[%dma_wait3A_313, %dma_wait3A_314] : memref<10112x16xf32, #tpu.memory_space<vmem_shared>> -> memref<10112x16xf32, #tpu.memory_space<vmem_shared>>
      tpu.wait_indirect_dma semaphore(%arg26 : memref<!tpu.dma_semaphore, #tpu.memory_space<semaphore_mem>>) src(%dma_wait3A_315 : memref<10112x16xf32, #tpu.memory_space<vmem_shared>>) dst(%dma_wait3A_309 : memref<128x16xf32, #tpu.memory_space<vmem>>)
      %dma_start3A_316 = arith.constant 4 : i32
      %dma_start3A_317 = arith.constant 0 : i32
      %dma_start3A_318 = arith.constant 0 : i32
      %dma_start3A_319 = tpu.memref_slice %arg13[%dma_start3A_316, %dma_start3A_317, %dma_start3A_318] : memref<8x128x16xf32, #tpu.memory_space<vmem>> -> memref<1x128x16xf32, #tpu.memory_space<vmem>>
      %dma_start3A_320 = tpu.memref_squeeze %dma_start3A_319 : memref<1x128x16xf32, #tpu.memory_space<vmem>> -> memref<128x16xf32, #tpu.memory_space<vmem>>
      %dma_start3A_321 = arith.constant 0 : i32
      %dma_start3A_322 = tpu.memref_slice %arg12[%add3A_302, %dma_start3A_321] : memref<80x128xi32, #tpu.memory_space<vmem>> -> memref<1x128xi32, #tpu.memory_space<vmem>>
      %dma_start3A_323 = tpu.memref_squeeze %dma_start3A_322 : memref<1x128xi32, #tpu.memory_space<vmem>> -> memref<128xi32, #tpu.memory_space<vmem>>
      %dma_start3A_324 = arith.constant 0 : i32
      %dma_start3A_325 = arith.constant 0 : i32
      %dma_start3A_326 = tpu.memref_slice %arg20[%dma_start3A_324, %dma_start3A_325] : memref<10112x16xf32, #tpu.memory_space<vmem_shared>> -> memref<10112x16xf32, #tpu.memory_space<vmem_shared>>
      tpu.enqueue_indirect_dma source(%dma_start3A_320 : memref<128x16xf32, #tpu.memory_space<vmem>>) target(%dma_start3A_326 : memref<10112x16xf32, #tpu.memory_space<vmem_shared>>) offsets(%dma_start3A_323 : memref<128xi32, #tpu.memory_space<vmem>>) semaphore(%arg34 : memref<!tpu.dma_semaphore, #tpu.memory_space<semaphore_mem>>) {add = true}
      %ge3A_327 = arith.constant 8 : i32
      %ge3A_328 = arith.cmpi sge, %add3A_304, %ge3A_327 : i32
      %lt3A_329 = arith.constant 80 : i32
      %lt3A_330 = arith.cmpi slt, %add3A_304, %lt3A_329 : i32
      %and3A_331 = arith.andi %ge3A_328, %lt3A_330 : i1
      %convert_element_type3A_332 = arith.extui %and3A_331 : i1 to i32
      %cond3A_333 = arith.constant 0 : i32
      %cond3A_334 = arith.cmpi ne, %convert_element_type3A_332, %cond3A_333 : i32
      scf.if %cond3A_334 {
        %sub3A = arith.constant 8 : i32
        %sub3A_463 = arith.subi %add3A_304, %sub3A : i32
        %dma_wait3A_464 = arith.constant 5 : i32
        %dma_wait3A_465 = arith.constant 0 : i32
        %dma_wait3A_466 = arith.constant 0 : i32
        %dma_wait3A_467 = tpu.memref_slice %arg13[%dma_wait3A_464, %dma_wait3A_465, %dma_wait3A_466] : memref<8x128x16xf32, #tpu.memory_space<vmem>> -> memref<1x128x16xf32, #tpu.memory_space<vmem>>
        %dma_wait3A_468 = tpu.memref_squeeze %dma_wait3A_467 : memref<1x128x16xf32, #tpu.memory_space<vmem>> -> memref<128x16xf32, #tpu.memory_space<vmem>>
        %dma_wait3A_469 = arith.constant 0 : i32
        %dma_wait3A_470 = tpu.memref_slice %arg12[%sub3A_463, %dma_wait3A_469] : memref<80x128xi32, #tpu.memory_space<vmem>> -> memref<1x128xi32, #tpu.memory_space<vmem>>
        %dma_wait3A_471 = tpu.memref_squeeze %dma_wait3A_470 : memref<1x128xi32, #tpu.memory_space<vmem>> -> memref<128xi32, #tpu.memory_space<vmem>>
        %dma_wait3A_472 = arith.constant 0 : i32
        %dma_wait3A_473 = arith.constant 0 : i32
        %dma_wait3A_474 = tpu.memref_slice %arg20[%dma_wait3A_472, %dma_wait3A_473] : memref<10112x16xf32, #tpu.memory_space<vmem_shared>> -> memref<10112x16xf32, #tpu.memory_space<vmem_shared>>
        tpu.wait_indirect_dma semaphore(%arg35 : memref<!tpu.dma_semaphore, #tpu.memory_space<semaphore_mem>>) src(%dma_wait3A_468 : memref<128x16xf32, #tpu.memory_space<vmem>>) dst(%dma_wait3A_474 : memref<10112x16xf32, #tpu.memory_space<vmem_shared>>)
      } else {
      }
      %lt3A_335 = arith.constant 80 : i32
      %lt3A_336 = arith.cmpi slt, %add3A_304, %lt3A_335 : i32
      %convert_element_type3A_337 = arith.extui %lt3A_336 : i1 to i32
      %cond3A_338 = arith.constant 0 : i32
      %cond3A_339 = arith.cmpi ne, %convert_element_type3A_337, %cond3A_338 : i32
      scf.if %cond3A_339 {
        %dma_start3A_463 = arith.constant 5 : i32
        %dma_start3A_464 = arith.constant 0 : i32
        %dma_start3A_465 = arith.constant 0 : i32
        %dma_start3A_466 = tpu.memref_slice %arg13[%dma_start3A_463, %dma_start3A_464, %dma_start3A_465] : memref<8x128x16xf32, #tpu.memory_space<vmem>> -> memref<1x128x16xf32, #tpu.memory_space<vmem>>
        %dma_start3A_467 = tpu.memref_squeeze %dma_start3A_466 : memref<1x128x16xf32, #tpu.memory_space<vmem>> -> memref<128x16xf32, #tpu.memory_space<vmem>>
        %dma_start3A_468 = arith.constant 0 : i32
        %dma_start3A_469 = tpu.memref_slice %arg11[%add3A_304, %dma_start3A_468] : memref<80x128xi32, #tpu.memory_space<vmem>> -> memref<1x128xi32, #tpu.memory_space<vmem>>
        %dma_start3A_470 = tpu.memref_squeeze %dma_start3A_469 : memref<1x128xi32, #tpu.memory_space<vmem>> -> memref<128xi32, #tpu.memory_space<vmem>>
        %dma_start3A_471 = arith.constant 0 : i32
        %dma_start3A_472 = arith.constant 0 : i32
        %dma_start3A_473 = tpu.memref_slice %arg21[%dma_start3A_471, %dma_start3A_472] : memref<10112x16xf32, #tpu.memory_space<vmem_shared>> -> memref<10112x16xf32, #tpu.memory_space<vmem_shared>>
        tpu.enqueue_indirect_dma source(%dma_start3A_473 : memref<10112x16xf32, #tpu.memory_space<vmem_shared>>) target(%dma_start3A_467 : memref<128x16xf32, #tpu.memory_space<vmem>>) offsets(%dma_start3A_470 : memref<128xi32, #tpu.memory_space<vmem>>) semaphore(%arg27 : memref<!tpu.dma_semaphore, #tpu.memory_space<semaphore_mem>>)
      } else {
      }
      %mul3A_340 = arith.constant 8 : i32
      %mul3A_341 = arith.muli %scan3A_136, %mul3A_340 : i32
      %add3A_342 = arith.constant 5 : i32
      %add3A_343 = arith.addi %mul3A_341, %add3A_342 : i32
      %add3A_344 = arith.constant 1 : i32
      %add3A_345 = arith.addi %add3A_343, %add3A_344 : i32
      %dma_wait3A_346 = arith.constant 5 : i32
      %dma_wait3A_347 = arith.constant 0 : i32
      %dma_wait3A_348 = arith.constant 0 : i32
      %dma_wait3A_349 = tpu.memref_slice %arg13[%dma_wait3A_346, %dma_wait3A_347, %dma_wait3A_348] : memref<8x128x16xf32, #tpu.memory_space<vmem>> -> memref<1x128x16xf32, #tpu.memory_space<vmem>>
      %dma_wait3A_350 = tpu.memref_squeeze %dma_wait3A_349 : memref<1x128x16xf32, #tpu.memory_space<vmem>> -> memref<128x16xf32, #tpu.memory_space<vmem>>
      %dma_wait3A_351 = arith.constant 0 : i32
      %dma_wait3A_352 = tpu.memref_slice %arg11[%add3A_343, %dma_wait3A_351] : memref<80x128xi32, #tpu.memory_space<vmem>> -> memref<1x128xi32, #tpu.memory_space<vmem>>
      %dma_wait3A_353 = tpu.memref_squeeze %dma_wait3A_352 : memref<1x128xi32, #tpu.memory_space<vmem>> -> memref<128xi32, #tpu.memory_space<vmem>>
      %dma_wait3A_354 = arith.constant 0 : i32
      %dma_wait3A_355 = arith.constant 0 : i32
      %dma_wait3A_356 = tpu.memref_slice %arg21[%dma_wait3A_354, %dma_wait3A_355] : memref<10112x16xf32, #tpu.memory_space<vmem_shared>> -> memref<10112x16xf32, #tpu.memory_space<vmem_shared>>
      tpu.wait_indirect_dma semaphore(%arg27 : memref<!tpu.dma_semaphore, #tpu.memory_space<semaphore_mem>>) src(%dma_wait3A_356 : memref<10112x16xf32, #tpu.memory_space<vmem_shared>>) dst(%dma_wait3A_350 : memref<128x16xf32, #tpu.memory_space<vmem>>)
      %dma_start3A_357 = arith.constant 5 : i32
      %dma_start3A_358 = arith.constant 0 : i32
      %dma_start3A_359 = arith.constant 0 : i32
      %dma_start3A_360 = tpu.memref_slice %arg13[%dma_start3A_357, %dma_start3A_358, %dma_start3A_359] : memref<8x128x16xf32, #tpu.memory_space<vmem>> -> memref<1x128x16xf32, #tpu.memory_space<vmem>>
      %dma_start3A_361 = tpu.memref_squeeze %dma_start3A_360 : memref<1x128x16xf32, #tpu.memory_space<vmem>> -> memref<128x16xf32, #tpu.memory_space<vmem>>
      %dma_start3A_362 = arith.constant 0 : i32
      %dma_start3A_363 = tpu.memref_slice %arg12[%add3A_343, %dma_start3A_362] : memref<80x128xi32, #tpu.memory_space<vmem>> -> memref<1x128xi32, #tpu.memory_space<vmem>>
      %dma_start3A_364 = tpu.memref_squeeze %dma_start3A_363 : memref<1x128xi32, #tpu.memory_space<vmem>> -> memref<128xi32, #tpu.memory_space<vmem>>
      %dma_start3A_365 = arith.constant 0 : i32
      %dma_start3A_366 = arith.constant 0 : i32
      %dma_start3A_367 = tpu.memref_slice %arg20[%dma_start3A_365, %dma_start3A_366] : memref<10112x16xf32, #tpu.memory_space<vmem_shared>> -> memref<10112x16xf32, #tpu.memory_space<vmem_shared>>
      tpu.enqueue_indirect_dma source(%dma_start3A_361 : memref<128x16xf32, #tpu.memory_space<vmem>>) target(%dma_start3A_367 : memref<10112x16xf32, #tpu.memory_space<vmem_shared>>) offsets(%dma_start3A_364 : memref<128xi32, #tpu.memory_space<vmem>>) semaphore(%arg35 : memref<!tpu.dma_semaphore, #tpu.memory_space<semaphore_mem>>) {add = true}
      %ge3A_368 = arith.constant 8 : i32
      %ge3A_369 = arith.cmpi sge, %add3A_345, %ge3A_368 : i32
      %lt3A_370 = arith.constant 80 : i32
      %lt3A_371 = arith.cmpi slt, %add3A_345, %lt3A_370 : i32
      %and3A_372 = arith.andi %ge3A_369, %lt3A_371 : i1
      %convert_element_type3A_373 = arith.extui %and3A_372 : i1 to i32
      %cond3A_374 = arith.constant 0 : i32
      %cond3A_375 = arith.cmpi ne, %convert_element_type3A_373, %cond3A_374 : i32
      scf.if %cond3A_375 {
        %sub3A = arith.constant 8 : i32
        %sub3A_463 = arith.subi %add3A_345, %sub3A : i32
        %dma_wait3A_464 = arith.constant 6 : i32
        %dma_wait3A_465 = arith.constant 0 : i32
        %dma_wait3A_466 = arith.constant 0 : i32
        %dma_wait3A_467 = tpu.memref_slice %arg13[%dma_wait3A_464, %dma_wait3A_465, %dma_wait3A_466] : memref<8x128x16xf32, #tpu.memory_space<vmem>> -> memref<1x128x16xf32, #tpu.memory_space<vmem>>
        %dma_wait3A_468 = tpu.memref_squeeze %dma_wait3A_467 : memref<1x128x16xf32, #tpu.memory_space<vmem>> -> memref<128x16xf32, #tpu.memory_space<vmem>>
        %dma_wait3A_469 = arith.constant 0 : i32
        %dma_wait3A_470 = tpu.memref_slice %arg12[%sub3A_463, %dma_wait3A_469] : memref<80x128xi32, #tpu.memory_space<vmem>> -> memref<1x128xi32, #tpu.memory_space<vmem>>
        %dma_wait3A_471 = tpu.memref_squeeze %dma_wait3A_470 : memref<1x128xi32, #tpu.memory_space<vmem>> -> memref<128xi32, #tpu.memory_space<vmem>>
        %dma_wait3A_472 = arith.constant 0 : i32
        %dma_wait3A_473 = arith.constant 0 : i32
        %dma_wait3A_474 = tpu.memref_slice %arg20[%dma_wait3A_472, %dma_wait3A_473] : memref<10112x16xf32, #tpu.memory_space<vmem_shared>> -> memref<10112x16xf32, #tpu.memory_space<vmem_shared>>
        tpu.wait_indirect_dma semaphore(%arg36 : memref<!tpu.dma_semaphore, #tpu.memory_space<semaphore_mem>>) src(%dma_wait3A_468 : memref<128x16xf32, #tpu.memory_space<vmem>>) dst(%dma_wait3A_474 : memref<10112x16xf32, #tpu.memory_space<vmem_shared>>)
      } else {
      }
      %lt3A_376 = arith.constant 80 : i32
      %lt3A_377 = arith.cmpi slt, %add3A_345, %lt3A_376 : i32
      %convert_element_type3A_378 = arith.extui %lt3A_377 : i1 to i32
      %cond3A_379 = arith.constant 0 : i32
      %cond3A_380 = arith.cmpi ne, %convert_element_type3A_378, %cond3A_379 : i32
      scf.if %cond3A_380 {
        %dma_start3A_463 = arith.constant 6 : i32
        %dma_start3A_464 = arith.constant 0 : i32
        %dma_start3A_465 = arith.constant 0 : i32
        %dma_start3A_466 = tpu.memref_slice %arg13[%dma_start3A_463, %dma_start3A_464, %dma_start3A_465] : memref<8x128x16xf32, #tpu.memory_space<vmem>> -> memref<1x128x16xf32, #tpu.memory_space<vmem>>
        %dma_start3A_467 = tpu.memref_squeeze %dma_start3A_466 : memref<1x128x16xf32, #tpu.memory_space<vmem>> -> memref<128x16xf32, #tpu.memory_space<vmem>>
        %dma_start3A_468 = arith.constant 0 : i32
        %dma_start3A_469 = tpu.memref_slice %arg11[%add3A_345, %dma_start3A_468] : memref<80x128xi32, #tpu.memory_space<vmem>> -> memref<1x128xi32, #tpu.memory_space<vmem>>
        %dma_start3A_470 = tpu.memref_squeeze %dma_start3A_469 : memref<1x128xi32, #tpu.memory_space<vmem>> -> memref<128xi32, #tpu.memory_space<vmem>>
        %dma_start3A_471 = arith.constant 0 : i32
        %dma_start3A_472 = arith.constant 0 : i32
        %dma_start3A_473 = tpu.memref_slice %arg21[%dma_start3A_471, %dma_start3A_472] : memref<10112x16xf32, #tpu.memory_space<vmem_shared>> -> memref<10112x16xf32, #tpu.memory_space<vmem_shared>>
        tpu.enqueue_indirect_dma source(%dma_start3A_473 : memref<10112x16xf32, #tpu.memory_space<vmem_shared>>) target(%dma_start3A_467 : memref<128x16xf32, #tpu.memory_space<vmem>>) offsets(%dma_start3A_470 : memref<128xi32, #tpu.memory_space<vmem>>) semaphore(%arg28 : memref<!tpu.dma_semaphore, #tpu.memory_space<semaphore_mem>>)
      } else {
      }
      %mul3A_381 = arith.constant 8 : i32
      %mul3A_382 = arith.muli %scan3A_136, %mul3A_381 : i32
      %add3A_383 = arith.constant 6 : i32
      %add3A_384 = arith.addi %mul3A_382, %add3A_383 : i32
      %add3A_385 = arith.constant 1 : i32
      %add3A_386 = arith.addi %add3A_384, %add3A_385 : i32
      %dma_wait3A_387 = arith.constant 6 : i32
      %dma_wait3A_388 = arith.constant 0 : i32
      %dma_wait3A_389 = arith.constant 0 : i32
      %dma_wait3A_390 = tpu.memref_slice %arg13[%dma_wait3A_387, %dma_wait3A_388, %dma_wait3A_389] : memref<8x128x16xf32, #tpu.memory_space<vmem>> -> memref<1x128x16xf32, #tpu.memory_space<vmem>>
      %dma_wait3A_391 = tpu.memref_squeeze %dma_wait3A_390 : memref<1x128x16xf32, #tpu.memory_space<vmem>> -> memref<128x16xf32, #tpu.memory_space<vmem>>
      %dma_wait3A_392 = arith.constant 0 : i32
      %dma_wait3A_393 = tpu.memref_slice %arg11[%add3A_384, %dma_wait3A_392] : memref<80x128xi32, #tpu.memory_space<vmem>> -> memref<1x128xi32, #tpu.memory_space<vmem>>
      %dma_wait3A_394 = tpu.memref_squeeze %dma_wait3A_393 : memref<1x128xi32, #tpu.memory_space<vmem>> -> memref<128xi32, #tpu.memory_space<vmem>>
      %dma_wait3A_395 = arith.constant 0 : i32
      %dma_wait3A_396 = arith.constant 0 : i32
      %dma_wait3A_397 = tpu.memref_slice %arg21[%dma_wait3A_395, %dma_wait3A_396] : memref<10112x16xf32, #tpu.memory_space<vmem_shared>> -> memref<10112x16xf32, #tpu.memory_space<vmem_shared>>
      tpu.wait_indirect_dma semaphore(%arg28 : memref<!tpu.dma_semaphore, #tpu.memory_space<semaphore_mem>>) src(%dma_wait3A_397 : memref<10112x16xf32, #tpu.memory_space<vmem_shared>>) dst(%dma_wait3A_391 : memref<128x16xf32, #tpu.memory_space<vmem>>)
      %dma_start3A_398 = arith.constant 6 : i32
      %dma_start3A_399 = arith.constant 0 : i32
      %dma_start3A_400 = arith.constant 0 : i32
      %dma_start3A_401 = tpu.memref_slice %arg13[%dma_start3A_398, %dma_start3A_399, %dma_start3A_400] : memref<8x128x16xf32, #tpu.memory_space<vmem>> -> memref<1x128x16xf32, #tpu.memory_space<vmem>>
      %dma_start3A_402 = tpu.memref_squeeze %dma_start3A_401 : memref<1x128x16xf32, #tpu.memory_space<vmem>> -> memref<128x16xf32, #tpu.memory_space<vmem>>
      %dma_start3A_403 = arith.constant 0 : i32
      %dma_start3A_404 = tpu.memref_slice %arg12[%add3A_384, %dma_start3A_403] : memref<80x128xi32, #tpu.memory_space<vmem>> -> memref<1x128xi32, #tpu.memory_space<vmem>>
      %dma_start3A_405 = tpu.memref_squeeze %dma_start3A_404 : memref<1x128xi32, #tpu.memory_space<vmem>> -> memref<128xi32, #tpu.memory_space<vmem>>
      %dma_start3A_406 = arith.constant 0 : i32
      %dma_start3A_407 = arith.constant 0 : i32
      %dma_start3A_408 = tpu.memref_slice %arg20[%dma_start3A_406, %dma_start3A_407] : memref<10112x16xf32, #tpu.memory_space<vmem_shared>> -> memref<10112x16xf32, #tpu.memory_space<vmem_shared>>
      tpu.enqueue_indirect_dma source(%dma_start3A_402 : memref<128x16xf32, #tpu.memory_space<vmem>>) target(%dma_start3A_408 : memref<10112x16xf32, #tpu.memory_space<vmem_shared>>) offsets(%dma_start3A_405 : memref<128xi32, #tpu.memory_space<vmem>>) semaphore(%arg36 : memref<!tpu.dma_semaphore, #tpu.memory_space<semaphore_mem>>) {add = true}
      %ge3A_409 = arith.constant 8 : i32
      %ge3A_410 = arith.cmpi sge, %add3A_386, %ge3A_409 : i32
      %lt3A_411 = arith.constant 80 : i32
      %lt3A_412 = arith.cmpi slt, %add3A_386, %lt3A_411 : i32
      %and3A_413 = arith.andi %ge3A_410, %lt3A_412 : i1
      %convert_element_type3A_414 = arith.extui %and3A_413 : i1 to i32
      %cond3A_415 = arith.constant 0 : i32
      %cond3A_416 = arith.cmpi ne, %convert_element_type3A_414, %cond3A_415 : i32
      scf.if %cond3A_416 {
        %sub3A = arith.constant 8 : i32
        %sub3A_463 = arith.subi %add3A_386, %sub3A : i32
        %dma_wait3A_464 = arith.constant 7 : i32
        %dma_wait3A_465 = arith.constant 0 : i32
        %dma_wait3A_466 = arith.constant 0 : i32
        %dma_wait3A_467 = tpu.memref_slice %arg13[%dma_wait3A_464, %dma_wait3A_465, %dma_wait3A_466] : memref<8x128x16xf32, #tpu.memory_space<vmem>> -> memref<1x128x16xf32, #tpu.memory_space<vmem>>
        %dma_wait3A_468 = tpu.memref_squeeze %dma_wait3A_467 : memref<1x128x16xf32, #tpu.memory_space<vmem>> -> memref<128x16xf32, #tpu.memory_space<vmem>>
        %dma_wait3A_469 = arith.constant 0 : i32
        %dma_wait3A_470 = tpu.memref_slice %arg12[%sub3A_463, %dma_wait3A_469] : memref<80x128xi32, #tpu.memory_space<vmem>> -> memref<1x128xi32, #tpu.memory_space<vmem>>
        %dma_wait3A_471 = tpu.memref_squeeze %dma_wait3A_470 : memref<1x128xi32, #tpu.memory_space<vmem>> -> memref<128xi32, #tpu.memory_space<vmem>>
        %dma_wait3A_472 = arith.constant 0 : i32
        %dma_wait3A_473 = arith.constant 0 : i32
        %dma_wait3A_474 = tpu.memref_slice %arg20[%dma_wait3A_472, %dma_wait3A_473] : memref<10112x16xf32, #tpu.memory_space<vmem_shared>> -> memref<10112x16xf32, #tpu.memory_space<vmem_shared>>
        tpu.wait_indirect_dma semaphore(%arg37 : memref<!tpu.dma_semaphore, #tpu.memory_space<semaphore_mem>>) src(%dma_wait3A_468 : memref<128x16xf32, #tpu.memory_space<vmem>>) dst(%dma_wait3A_474 : memref<10112x16xf32, #tpu.memory_space<vmem_shared>>)
      } else {
      }
      %lt3A_417 = arith.constant 80 : i32
      %lt3A_418 = arith.cmpi slt, %add3A_386, %lt3A_417 : i32
      %convert_element_type3A_419 = arith.extui %lt3A_418 : i1 to i32
      %cond3A_420 = arith.constant 0 : i32
      %cond3A_421 = arith.cmpi ne, %convert_element_type3A_419, %cond3A_420 : i32
      scf.if %cond3A_421 {
        %dma_start3A_463 = arith.constant 7 : i32
        %dma_start3A_464 = arith.constant 0 : i32
        %dma_start3A_465 = arith.constant 0 : i32
        %dma_start3A_466 = tpu.memref_slice %arg13[%dma_start3A_463, %dma_start3A_464, %dma_start3A_465] : memref<8x128x16xf32, #tpu.memory_space<vmem>> -> memref<1x128x16xf32, #tpu.memory_space<vmem>>
        %dma_start3A_467 = tpu.memref_squeeze %dma_start3A_466 : memref<1x128x16xf32, #tpu.memory_space<vmem>> -> memref<128x16xf32, #tpu.memory_space<vmem>>
        %dma_start3A_468 = arith.constant 0 : i32
        %dma_start3A_469 = tpu.memref_slice %arg11[%add3A_386, %dma_start3A_468] : memref<80x128xi32, #tpu.memory_space<vmem>> -> memref<1x128xi32, #tpu.memory_space<vmem>>
        %dma_start3A_470 = tpu.memref_squeeze %dma_start3A_469 : memref<1x128xi32, #tpu.memory_space<vmem>> -> memref<128xi32, #tpu.memory_space<vmem>>
        %dma_start3A_471 = arith.constant 0 : i32
        %dma_start3A_472 = arith.constant 0 : i32
        %dma_start3A_473 = tpu.memref_slice %arg21[%dma_start3A_471, %dma_start3A_472] : memref<10112x16xf32, #tpu.memory_space<vmem_shared>> -> memref<10112x16xf32, #tpu.memory_space<vmem_shared>>
        tpu.enqueue_indirect_dma source(%dma_start3A_473 : memref<10112x16xf32, #tpu.memory_space<vmem_shared>>) target(%dma_start3A_467 : memref<128x16xf32, #tpu.memory_space<vmem>>) offsets(%dma_start3A_470 : memref<128xi32, #tpu.memory_space<vmem>>) semaphore(%arg29 : memref<!tpu.dma_semaphore, #tpu.memory_space<semaphore_mem>>)
      } else {
      }
      %mul3A_422 = arith.constant 8 : i32
      %mul3A_423 = arith.muli %scan3A_136, %mul3A_422 : i32
      %add3A_424 = arith.constant 7 : i32
      %add3A_425 = arith.addi %mul3A_423, %add3A_424 : i32
      %add3A_426 = arith.constant 1 : i32
      %add3A_427 = arith.addi %add3A_425, %add3A_426 : i32
      %dma_wait3A_428 = arith.constant 7 : i32
      %dma_wait3A_429 = arith.constant 0 : i32
      %dma_wait3A_430 = arith.constant 0 : i32
      %dma_wait3A_431 = tpu.memref_slice %arg13[%dma_wait3A_428, %dma_wait3A_429, %dma_wait3A_430] : memref<8x128x16xf32, #tpu.memory_space<vmem>> -> memref<1x128x16xf32, #tpu.memory_space<vmem>>
      %dma_wait3A_432 = tpu.memref_squeeze %dma_wait3A_431 : memref<1x128x16xf32, #tpu.memory_space<vmem>> -> memref<128x16xf32, #tpu.memory_space<vmem>>
      %dma_wait3A_433 = arith.constant 0 : i32
      %dma_wait3A_434 = tpu.memref_slice %arg11[%add3A_425, %dma_wait3A_433] : memref<80x128xi32, #tpu.memory_space<vmem>> -> memref<1x128xi32, #tpu.memory_space<vmem>>
      %dma_wait3A_435 = tpu.memref_squeeze %dma_wait3A_434 : memref<1x128xi32, #tpu.memory_space<vmem>> -> memref<128xi32, #tpu.memory_space<vmem>>
      %dma_wait3A_436 = arith.constant 0 : i32
      %dma_wait3A_437 = arith.constant 0 : i32
      %dma_wait3A_438 = tpu.memref_slice %arg21[%dma_wait3A_436, %dma_wait3A_437] : memref<10112x16xf32, #tpu.memory_space<vmem_shared>> -> memref<10112x16xf32, #tpu.memory_space<vmem_shared>>
      tpu.wait_indirect_dma semaphore(%arg29 : memref<!tpu.dma_semaphore, #tpu.memory_space<semaphore_mem>>) src(%dma_wait3A_438 : memref<10112x16xf32, #tpu.memory_space<vmem_shared>>) dst(%dma_wait3A_432 : memref<128x16xf32, #tpu.memory_space<vmem>>)
      %dma_start3A_439 = arith.constant 7 : i32
      %dma_start3A_440 = arith.constant 0 : i32
      %dma_start3A_441 = arith.constant 0 : i32
      %dma_start3A_442 = tpu.memref_slice %arg13[%dma_start3A_439, %dma_start3A_440, %dma_start3A_441] : memref<8x128x16xf32, #tpu.memory_space<vmem>> -> memref<1x128x16xf32, #tpu.memory_space<vmem>>
      %dma_start3A_443 = tpu.memref_squeeze %dma_start3A_442 : memref<1x128x16xf32, #tpu.memory_space<vmem>> -> memref<128x16xf32, #tpu.memory_space<vmem>>
      %dma_start3A_444 = arith.constant 0 : i32
      %dma_start3A_445 = tpu.memref_slice %arg12[%add3A_425, %dma_start3A_444] : memref<80x128xi32, #tpu.memory_space<vmem>> -> memref<1x128xi32, #tpu.memory_space<vmem>>
      %dma_start3A_446 = tpu.memref_squeeze %dma_start3A_445 : memref<1x128xi32, #tpu.memory_space<vmem>> -> memref<128xi32, #tpu.memory_space<vmem>>
      %dma_start3A_447 = arith.constant 0 : i32
      %dma_start3A_448 = arith.constant 0 : i32
      %dma_start3A_449 = tpu.memref_slice %arg20[%dma_start3A_447, %dma_start3A_448] : memref<10112x16xf32, #tpu.memory_space<vmem_shared>> -> memref<10112x16xf32, #tpu.memory_space<vmem_shared>>
      tpu.enqueue_indirect_dma source(%dma_start3A_443 : memref<128x16xf32, #tpu.memory_space<vmem>>) target(%dma_start3A_449 : memref<10112x16xf32, #tpu.memory_space<vmem_shared>>) offsets(%dma_start3A_446 : memref<128xi32, #tpu.memory_space<vmem>>) semaphore(%arg37 : memref<!tpu.dma_semaphore, #tpu.memory_space<semaphore_mem>>) {add = true}
      %ge3A_450 = arith.constant 8 : i32
      %ge3A_451 = arith.cmpi sge, %add3A_427, %ge3A_450 : i32
      %lt3A_452 = arith.constant 80 : i32
      %lt3A_453 = arith.cmpi slt, %add3A_427, %lt3A_452 : i32
      %and3A_454 = arith.andi %ge3A_451, %lt3A_453 : i1
      %convert_element_type3A_455 = arith.extui %and3A_454 : i1 to i32
      %cond3A_456 = arith.constant 0 : i32
      %cond3A_457 = arith.cmpi ne, %convert_element_type3A_455, %cond3A_456 : i32
      scf.if %cond3A_457 {
        %sub3A = arith.constant 8 : i32
        %sub3A_463 = arith.subi %add3A_427, %sub3A : i32
        %dma_wait3A_464 = arith.constant 0 : i32
        %dma_wait3A_465 = arith.constant 0 : i32
        %dma_wait3A_466 = arith.constant 0 : i32
        %dma_wait3A_467 = tpu.memref_slice %arg13[%dma_wait3A_464, %dma_wait3A_465, %dma_wait3A_466] : memref<8x128x16xf32, #tpu.memory_space<vmem>> -> memref<1x128x16xf32, #tpu.memory_space<vmem>>
        %dma_wait3A_468 = tpu.memref_squeeze %dma_wait3A_467 : memref<1x128x16xf32, #tpu.memory_space<vmem>> -> memref<128x16xf32, #tpu.memory_space<vmem>>
        %dma_wait3A_469 = arith.constant 0 : i32
        %dma_wait3A_470 = tpu.memref_slice %arg12[%sub3A_463, %dma_wait3A_469] : memref<80x128xi32, #tpu.memory_space<vmem>> -> memref<1x128xi32, #tpu.memory_space<vmem>>
        %dma_wait3A_471 = tpu.memref_squeeze %dma_wait3A_470 : memref<1x128xi32, #tpu.memory_space<vmem>> -> memref<128xi32, #tpu.memory_space<vmem>>
        %dma_wait3A_472 = arith.constant 0 : i32
        %dma_wait3A_473 = arith.constant 0 : i32
        %dma_wait3A_474 = tpu.memref_slice %arg20[%dma_wait3A_472, %dma_wait3A_473] : memref<10112x16xf32, #tpu.memory_space<vmem_shared>> -> memref<10112x16xf32, #tpu.memory_space<vmem_shared>>
        tpu.wait_indirect_dma semaphore(%arg30 : memref<!tpu.dma_semaphore, #tpu.memory_space<semaphore_mem>>) src(%dma_wait3A_468 : memref<128x16xf32, #tpu.memory_space<vmem>>) dst(%dma_wait3A_474 : memref<10112x16xf32, #tpu.memory_space<vmem_shared>>)
      } else {
      }
      %lt3A_458 = arith.constant 80 : i32
      %lt3A_459 = arith.cmpi slt, %add3A_427, %lt3A_458 : i32
      %convert_element_type3A_460 = arith.extui %lt3A_459 : i1 to i32
      %cond3A_461 = arith.constant 0 : i32
      %cond3A_462 = arith.cmpi ne, %convert_element_type3A_460, %cond3A_461 : i32
      scf.if %cond3A_462 {
        %dma_start3A_463 = arith.constant 0 : i32
        %dma_start3A_464 = arith.constant 0 : i32
        %dma_start3A_465 = arith.constant 0 : i32
        %dma_start3A_466 = tpu.memref_slice %arg13[%dma_start3A_463, %dma_start3A_464, %dma_start3A_465] : memref<8x128x16xf32, #tpu.memory_space<vmem>> -> memref<1x128x16xf32, #tpu.memory_space<vmem>>
        %dma_start3A_467 = tpu.memref_squeeze %dma_start3A_466 : memref<1x128x16xf32, #tpu.memory_space<vmem>> -> memref<128x16xf32, #tpu.memory_space<vmem>>
        %dma_start3A_468 = arith.constant 0 : i32
        %dma_start3A_469 = tpu.memref_slice %arg11[%add3A_427, %dma_start3A_468] : memref<80x128xi32, #tpu.memory_space<vmem>> -> memref<1x128xi32, #tpu.memory_space<vmem>>
        %dma_start3A_470 = tpu.memref_squeeze %dma_start3A_469 : memref<1x128xi32, #tpu.memory_space<vmem>> -> memref<128xi32, #tpu.memory_space<vmem>>
        %dma_start3A_471 = arith.constant 0 : i32
        %dma_start3A_472 = arith.constant 0 : i32
        %dma_start3A_473 = tpu.memref_slice %arg21[%dma_start3A_471, %dma_start3A_472] : memref<10112x16xf32, #tpu.memory_space<vmem_shared>> -> memref<10112x16xf32, #tpu.memory_space<vmem_shared>>
        tpu.enqueue_indirect_dma source(%dma_start3A_473 : memref<10112x16xf32, #tpu.memory_space<vmem_shared>>) target(%dma_start3A_467 : memref<128x16xf32, #tpu.memory_space<vmem>>) offsets(%dma_start3A_470 : memref<128xi32, #tpu.memory_space<vmem>>) semaphore(%arg22 : memref<!tpu.dma_semaphore, #tpu.memory_space<semaphore_mem>>)
      } else {
      }
    }
    %scan3A_39 = arith.constant 10 : i32
    %dma_wait3A = arith.constant 0 : i32
    %dma_wait3A_40 = arith.constant 72 : i32
    %dma_wait3A_41 = arith.constant 0 : i32
    %dma_wait3A_42 = arith.constant 0 : i32
    %dma_wait3A_43 = tpu.memref_slice %arg13[%dma_wait3A, %dma_wait3A_41, %dma_wait3A_42] : memref<8x128x16xf32, #tpu.memory_space<vmem>> -> memref<1x128x16xf32, #tpu.memory_space<vmem>>
    %dma_wait3A_44 = tpu.memref_squeeze %dma_wait3A_43 : memref<1x128x16xf32, #tpu.memory_space<vmem>> -> memref<128x16xf32, #tpu.memory_space<vmem>>
    %dma_wait3A_45 = arith.constant 0 : i32
    %dma_wait3A_46 = tpu.memref_slice %arg12[%dma_wait3A_40, %dma_wait3A_45] : memref<80x128xi32, #tpu.memory_space<vmem>> -> memref<1x128xi32, #tpu.memory_space<vmem>>
    %dma_wait3A_47 = tpu.memref_squeeze %dma_wait3A_46 : memref<1x128xi32, #tpu.memory_space<vmem>> -> memref<128xi32, #tpu.memory_space<vmem>>
    %dma_wait3A_48 = arith.constant 0 : i32
    %dma_wait3A_49 = arith.constant 0 : i32
    %dma_wait3A_50 = tpu.memref_slice %arg20[%dma_wait3A_48, %dma_wait3A_49] : memref<10112x16xf32, #tpu.memory_space<vmem_shared>> -> memref<10112x16xf32, #tpu.memory_space<vmem_shared>>
    tpu.wait_indirect_dma semaphore(%arg30 : memref<!tpu.dma_semaphore, #tpu.memory_space<semaphore_mem>>) src(%dma_wait3A_44 : memref<128x16xf32, #tpu.memory_space<vmem>>) dst(%dma_wait3A_50 : memref<10112x16xf32, #tpu.memory_space<vmem_shared>>)
    %dma_wait3A_51 = arith.constant 1 : i32
    %dma_wait3A_52 = arith.constant 73 : i32
    %dma_wait3A_53 = arith.constant 0 : i32
    %dma_wait3A_54 = arith.constant 0 : i32
    %dma_wait3A_55 = tpu.memref_slice %arg13[%dma_wait3A_51, %dma_wait3A_53, %dma_wait3A_54] : memref<8x128x16xf32, #tpu.memory_space<vmem>> -> memref<1x128x16xf32, #tpu.memory_space<vmem>>
    %dma_wait3A_56 = tpu.memref_squeeze %dma_wait3A_55 : memref<1x128x16xf32, #tpu.memory_space<vmem>> -> memref<128x16xf32, #tpu.memory_space<vmem>>
    %dma_wait3A_57 = arith.constant 0 : i32
    %dma_wait3A_58 = tpu.memref_slice %arg12[%dma_wait3A_52, %dma_wait3A_57] : memref<80x128xi32, #tpu.memory_space<vmem>> -> memref<1x128xi32, #tpu.memory_space<vmem>>
    %dma_wait3A_59 = tpu.memref_squeeze %dma_wait3A_58 : memref<1x128xi32, #tpu.memory_space<vmem>> -> memref<128xi32, #tpu.memory_space<vmem>>
    %dma_wait3A_60 = arith.constant 0 : i32
    %dma_wait3A_61 = arith.constant 0 : i32
    %dma_wait3A_62 = tpu.memref_slice %arg20[%dma_wait3A_60, %dma_wait3A_61] : memref<10112x16xf32, #tpu.memory_space<vmem_shared>> -> memref<10112x16xf32, #tpu.memory_space<vmem_shared>>
    tpu.wait_indirect_dma semaphore(%arg31 : memref<!tpu.dma_semaphore, #tpu.memory_space<semaphore_mem>>) src(%dma_wait3A_56 : memref<128x16xf32, #tpu.memory_space<vmem>>) dst(%dma_wait3A_62 : memref<10112x16xf32, #tpu.memory_space<vmem_shared>>)
    %dma_wait3A_63 = arith.constant 2 : i32
    %dma_wait3A_64 = arith.constant 74 : i32
    %dma_wait3A_65 = arith.constant 0 : i32
    %dma_wait3A_66 = arith.constant 0 : i32
    %dma_wait3A_67 = tpu.memref_slice %arg13[%dma_wait3A_63, %dma_wait3A_65, %dma_wait3A_66] : memref<8x128x16xf32, #tpu.memory_space<vmem>> -> memref<1x128x16xf32, #tpu.memory_space<vmem>>
    %dma_wait3A_68 = tpu.memref_squeeze %dma_wait3A_67 : memref<1x128x16xf32, #tpu.memory_space<vmem>> -> memref<128x16xf32, #tpu.memory_space<vmem>>
    %dma_wait3A_69 = arith.constant 0 : i32
    %dma_wait3A_70 = tpu.memref_slice %arg12[%dma_wait3A_64, %dma_wait3A_69] : memref<80x128xi32, #tpu.memory_space<vmem>> -> memref<1x128xi32, #tpu.memory_space<vmem>>
    %dma_wait3A_71 = tpu.memref_squeeze %dma_wait3A_70 : memref<1x128xi32, #tpu.memory_space<vmem>> -> memref<128xi32, #tpu.memory_space<vmem>>
    %dma_wait3A_72 = arith.constant 0 : i32
    %dma_wait3A_73 = arith.constant 0 : i32
    %dma_wait3A_74 = tpu.memref_slice %arg20[%dma_wait3A_72, %dma_wait3A_73] : memref<10112x16xf32, #tpu.memory_space<vmem_shared>> -> memref<10112x16xf32, #tpu.memory_space<vmem_shared>>
    tpu.wait_indirect_dma semaphore(%arg32 : memref<!tpu.dma_semaphore, #tpu.memory_space<semaphore_mem>>) src(%dma_wait3A_68 : memref<128x16xf32, #tpu.memory_space<vmem>>) dst(%dma_wait3A_74 : memref<10112x16xf32, #tpu.memory_space<vmem_shared>>)
    %dma_wait3A_75 = arith.constant 3 : i32
    %dma_wait3A_76 = arith.constant 75 : i32
    %dma_wait3A_77 = arith.constant 0 : i32
    %dma_wait3A_78 = arith.constant 0 : i32
    %dma_wait3A_79 = tpu.memref_slice %arg13[%dma_wait3A_75, %dma_wait3A_77, %dma_wait3A_78] : memref<8x128x16xf32, #tpu.memory_space<vmem>> -> memref<1x128x16xf32, #tpu.memory_space<vmem>>
    %dma_wait3A_80 = tpu.memref_squeeze %dma_wait3A_79 : memref<1x128x16xf32, #tpu.memory_space<vmem>> -> memref<128x16xf32, #tpu.memory_space<vmem>>
    %dma_wait3A_81 = arith.constant 0 : i32
    %dma_wait3A_82 = tpu.memref_slice %arg12[%dma_wait3A_76, %dma_wait3A_81] : memref<80x128xi32, #tpu.memory_space<vmem>> -> memref<1x128xi32, #tpu.memory_space<vmem>>
    %dma_wait3A_83 = tpu.memref_squeeze %dma_wait3A_82 : memref<1x128xi32, #tpu.memory_space<vmem>> -> memref<128xi32, #tpu.memory_space<vmem>>
    %dma_wait3A_84 = arith.constant 0 : i32
    %dma_wait3A_85 = arith.constant 0 : i32
    %dma_wait3A_86 = tpu.memref_slice %arg20[%dma_wait3A_84, %dma_wait3A_85] : memref<10112x16xf32, #tpu.memory_space<vmem_shared>> -> memref<10112x16xf32, #tpu.memory_space<vmem_shared>>
    tpu.wait_indirect_dma semaphore(%arg33 : memref<!tpu.dma_semaphore, #tpu.memory_space<semaphore_mem>>) src(%dma_wait3A_80 : memref<128x16xf32, #tpu.memory_space<vmem>>) dst(%dma_wait3A_86 : memref<10112x16xf32, #tpu.memory_space<vmem_shared>>)
    %dma_wait3A_87 = arith.constant 4 : i32
    %dma_wait3A_88 = arith.constant 76 : i32
    %dma_wait3A_89 = arith.constant 0 : i32
    %dma_wait3A_90 = arith.constant 0 : i32
    %dma_wait3A_91 = tpu.memref_slice %arg13[%dma_wait3A_87, %dma_wait3A_89, %dma_wait3A_90] : memref<8x128x16xf32, #tpu.memory_space<vmem>> -> memref<1x128x16xf32, #tpu.memory_space<vmem>>
    %dma_wait3A_92 = tpu.memref_squeeze %dma_wait3A_91 : memref<1x128x16xf32, #tpu.memory_space<vmem>> -> memref<128x16xf32, #tpu.memory_space<vmem>>
    %dma_wait3A_93 = arith.constant 0 : i32
    %dma_wait3A_94 = tpu.memref_slice %arg12[%dma_wait3A_88, %dma_wait3A_93] : memref<80x128xi32, #tpu.memory_space<vmem>> -> memref<1x128xi32, #tpu.memory_space<vmem>>
    %dma_wait3A_95 = tpu.memref_squeeze %dma_wait3A_94 : memref<1x128xi32, #tpu.memory_space<vmem>> -> memref<128xi32, #tpu.memory_space<vmem>>
    %dma_wait3A_96 = arith.constant 0 : i32
    %dma_wait3A_97 = arith.constant 0 : i32
    %dma_wait3A_98 = tpu.memref_slice %arg20[%dma_wait3A_96, %dma_wait3A_97] : memref<10112x16xf32, #tpu.memory_space<vmem_shared>> -> memref<10112x16xf32, #tpu.memory_space<vmem_shared>>
    tpu.wait_indirect_dma semaphore(%arg34 : memref<!tpu.dma_semaphore, #tpu.memory_space<semaphore_mem>>) src(%dma_wait3A_92 : memref<128x16xf32, #tpu.memory_space<vmem>>) dst(%dma_wait3A_98 : memref<10112x16xf32, #tpu.memory_space<vmem_shared>>)
    %dma_wait3A_99 = arith.constant 5 : i32
    %dma_wait3A_100 = arith.constant 77 : i32
    %dma_wait3A_101 = arith.constant 0 : i32
    %dma_wait3A_102 = arith.constant 0 : i32
    %dma_wait3A_103 = tpu.memref_slice %arg13[%dma_wait3A_99, %dma_wait3A_101, %dma_wait3A_102] : memref<8x128x16xf32, #tpu.memory_space<vmem>> -> memref<1x128x16xf32, #tpu.memory_space<vmem>>
    %dma_wait3A_104 = tpu.memref_squeeze %dma_wait3A_103 : memref<1x128x16xf32, #tpu.memory_space<vmem>> -> memref<128x16xf32, #tpu.memory_space<vmem>>
    %dma_wait3A_105 = arith.constant 0 : i32
    %dma_wait3A_106 = tpu.memref_slice %arg12[%dma_wait3A_100, %dma_wait3A_105] : memref<80x128xi32, #tpu.memory_space<vmem>> -> memref<1x128xi32, #tpu.memory_space<vmem>>
    %dma_wait3A_107 = tpu.memref_squeeze %dma_wait3A_106 : memref<1x128xi32, #tpu.memory_space<vmem>> -> memref<128xi32, #tpu.memory_space<vmem>>
    %dma_wait3A_108 = arith.constant 0 : i32
    %dma_wait3A_109 = arith.constant 0 : i32
    %dma_wait3A_110 = tpu.memref_slice %arg20[%dma_wait3A_108, %dma_wait3A_109] : memref<10112x16xf32, #tpu.memory_space<vmem_shared>> -> memref<10112x16xf32, #tpu.memory_space<vmem_shared>>
    tpu.wait_indirect_dma semaphore(%arg35 : memref<!tpu.dma_semaphore, #tpu.memory_space<semaphore_mem>>) src(%dma_wait3A_104 : memref<128x16xf32, #tpu.memory_space<vmem>>) dst(%dma_wait3A_110 : memref<10112x16xf32, #tpu.memory_space<vmem_shared>>)
    %dma_wait3A_111 = arith.constant 6 : i32
    %dma_wait3A_112 = arith.constant 78 : i32
    %dma_wait3A_113 = arith.constant 0 : i32
    %dma_wait3A_114 = arith.constant 0 : i32
    %dma_wait3A_115 = tpu.memref_slice %arg13[%dma_wait3A_111, %dma_wait3A_113, %dma_wait3A_114] : memref<8x128x16xf32, #tpu.memory_space<vmem>> -> memref<1x128x16xf32, #tpu.memory_space<vmem>>
    %dma_wait3A_116 = tpu.memref_squeeze %dma_wait3A_115 : memref<1x128x16xf32, #tpu.memory_space<vmem>> -> memref<128x16xf32, #tpu.memory_space<vmem>>
    %dma_wait3A_117 = arith.constant 0 : i32
    %dma_wait3A_118 = tpu.memref_slice %arg12[%dma_wait3A_112, %dma_wait3A_117] : memref<80x128xi32, #tpu.memory_space<vmem>> -> memref<1x128xi32, #tpu.memory_space<vmem>>
    %dma_wait3A_119 = tpu.memref_squeeze %dma_wait3A_118 : memref<1x128xi32, #tpu.memory_space<vmem>> -> memref<128xi32, #tpu.memory_space<vmem>>
    %dma_wait3A_120 = arith.constant 0 : i32
    %dma_wait3A_121 = arith.constant 0 : i32
    %dma_wait3A_122 = tpu.memref_slice %arg20[%dma_wait3A_120, %dma_wait3A_121] : memref<10112x16xf32, #tpu.memory_space<vmem_shared>> -> memref<10112x16xf32, #tpu.memory_space<vmem_shared>>
    tpu.wait_indirect_dma semaphore(%arg36 : memref<!tpu.dma_semaphore, #tpu.memory_space<semaphore_mem>>) src(%dma_wait3A_116 : memref<128x16xf32, #tpu.memory_space<vmem>>) dst(%dma_wait3A_122 : memref<10112x16xf32, #tpu.memory_space<vmem_shared>>)
    %dma_wait3A_123 = arith.constant 7 : i32
    %dma_wait3A_124 = arith.constant 79 : i32
    %dma_wait3A_125 = arith.constant 0 : i32
    %dma_wait3A_126 = arith.constant 0 : i32
    %dma_wait3A_127 = tpu.memref_slice %arg13[%dma_wait3A_123, %dma_wait3A_125, %dma_wait3A_126] : memref<8x128x16xf32, #tpu.memory_space<vmem>> -> memref<1x128x16xf32, #tpu.memory_space<vmem>>
    %dma_wait3A_128 = tpu.memref_squeeze %dma_wait3A_127 : memref<1x128x16xf32, #tpu.memory_space<vmem>> -> memref<128x16xf32, #tpu.memory_space<vmem>>
    %dma_wait3A_129 = arith.constant 0 : i32
    %dma_wait3A_130 = tpu.memref_slice %arg12[%dma_wait3A_124, %dma_wait3A_129] : memref<80x128xi32, #tpu.memory_space<vmem>> -> memref<1x128xi32, #tpu.memory_space<vmem>>
    %dma_wait3A_131 = tpu.memref_squeeze %dma_wait3A_130 : memref<1x128xi32, #tpu.memory_space<vmem>> -> memref<128xi32, #tpu.memory_space<vmem>>
    %dma_wait3A_132 = arith.constant 0 : i32
    %dma_wait3A_133 = arith.constant 0 : i32
    %dma_wait3A_134 = tpu.memref_slice %arg20[%dma_wait3A_132, %dma_wait3A_133] : memref<10112x16xf32, #tpu.memory_space<vmem_shared>> -> memref<10112x16xf32, #tpu.memory_space<vmem_shared>>
    tpu.wait_indirect_dma semaphore(%arg37 : memref<!tpu.dma_semaphore, #tpu.memory_space<semaphore_mem>>) src(%dma_wait3A_128 : memref<128x16xf32, #tpu.memory_space<vmem>>) dst(%dma_wait3A_134 : memref<10112x16xf32, #tpu.memory_space<vmem_shared>>)
    %barrier3A_135 = arith.constant 0 : index
    tpu.barrier barrier_id(%barrier3A_135)
    "tpu.region"() ({
      %run_scoped3A_136 = tpu.sem_alloc : memref<!tpu.dma_semaphore, #tpu.memory_space<semaphore_mem>>
      %dma_start3A_137 = arith.constant 0 : i32
      %dma_start3A_138 = tpu.memref_slice %arg8[%arg0, %mul3A_8, %dma_start3A_137] : memref<2x10112x16xf32, #tpu.memory_space<hbm>> -> memref<1x632x16xf32, #tpu.memory_space<hbm>>
      %dma_start3A_139 = tpu.memref_squeeze %dma_start3A_138 : memref<1x632x16xf32, #tpu.memory_space<hbm>> -> memref<632x16xf32, #tpu.memory_space<hbm>>
      %dma_start3A_140 = arith.constant 0 : i32
      %dma_start3A_141 = tpu.memref_slice %arg20[%mul3A_8, %dma_start3A_140] : memref<10112x16xf32, #tpu.memory_space<vmem_shared>> -> memref<632x16xf32, #tpu.memory_space<vmem_shared>>
      tpu.enqueue_dma source(%dma_start3A_141 : memref<632x16xf32, #tpu.memory_space<vmem_shared>>) target(%dma_start3A_139 : memref<632x16xf32, #tpu.memory_space<hbm>>) target_semaphore(%run_scoped3A_136 : memref<!tpu.dma_semaphore, #tpu.memory_space<semaphore_mem>>)
      %dma_wait3A_142 = arith.constant 0 : i32
      %dma_wait3A_143 = tpu.memref_slice %arg8[%arg0, %mul3A_8, %dma_wait3A_142] : memref<2x10112x16xf32, #tpu.memory_space<hbm>> -> memref<1x632x16xf32, #tpu.memory_space<hbm>>
      %dma_wait3A_144 = tpu.memref_squeeze %dma_wait3A_143 : memref<1x632x16xf32, #tpu.memory_space<hbm>> -> memref<632x16xf32, #tpu.memory_space<hbm>>
      %dma_wait3A_145 = arith.constant 0 : i32
      %dma_wait3A_146 = tpu.memref_slice %arg20[%mul3A_8, %dma_wait3A_145] : memref<10112x16xf32, #tpu.memory_space<vmem_shared>> -> memref<632x16xf32, #tpu.memory_space<vmem_shared>>
      tpu.wait_dma2 semaphore(%run_scoped3A_136 : memref<!tpu.dma_semaphore, #tpu.memory_space<semaphore_mem>>) src(%dma_wait3A_146 : memref<632x16xf32, #tpu.memory_space<vmem_shared>>) dst(%dma_wait3A_144 : memref<632x16xf32, #tpu.memory_space<hbm>>)
      tpu.yield
    }) : () -> ()
    return
  }
}

#map = affine_map<(d0, d1) -> (0, 0, 0)>
#map1 = affine_map<(d0, d1) -> (0, 0)>
module attributes {stable_mosaic.version = 14 : i64} {
  func.func @deg(%arg0: i32, %arg1: i32, %arg2: memref<2x2500x128xi32, #tpu.memory_space<hbm>>, %arg3: memref<128x16xf32, #tpu.memory_space<hbm>>, %arg4: memref<632x16xf32, #tpu.memory_space<hbm>>, %arg5: memref<2x10112x16xf32, #tpu.memory_space<hbm>>, %arg6: memref<80x128xi32, #tpu.memory_space<vmem>>, %arg7: memref<80x128xi32, #tpu.memory_space<vmem>>, %arg8: memref<128x16xf32, #tpu.memory_space<vmem>>, %arg9: memref<10112x16xf32, #tpu.memory_space<vmem_shared>>, %arg10: memref<!tpu.dma_semaphore, #tpu.memory_space<semaphore_mem>>, %arg11: memref<!tpu.dma_semaphore, #tpu.memory_space<semaphore_mem>>, %arg12: memref<!tpu.dma_semaphore, #tpu.memory_space<semaphore_mem>>, %arg13: memref<!tpu.dma_semaphore, #tpu.memory_space<semaphore_mem>>, %arg14: memref<!tpu.dma_semaphore, #tpu.memory_space<semaphore_mem>>, %arg15: memref<!tpu.dma_semaphore, #tpu.memory_space<semaphore_mem>>, %arg16: memref<!tpu.dma_semaphore, #tpu.memory_space<semaphore_mem>>, %arg17: memref<!tpu.dma_semaphore, #tpu.memory_space<semaphore_mem>>) attributes {dimension_semantics = [#tpu.dimension_semantics<core_parallel>, #tpu.dimension_semantics<subcore_parallel>], iteration_bounds = array<i64: 2, 16>, scalar_prefetch = 0 : i64, scratch_operands = 12 : i64, tpu.core_type = #tpu.core_type<sc_vector_subcore>, window_params = [{transform_indices = #map}, {transform_indices = #map1}, {transform_indices = #map1}, {transform_indices = #map}]} {
    %mul3A = arith.constant 2 : i32
    %mul3A_0 = arith.muli %arg1, %mul3A : i32
    %add3A = arith.addi %mul3A_0, %arg0 : i32
    %lt3A = arith.constant 31 : i32
    %lt3A_1 = arith.cmpi slt, %add3A, %lt3A : i32
    %convert_element_type3A = arith.extui %lt3A_1 : i1 to i32
    %cond3A = arith.constant 0 : i32
    %cond3A_2 = arith.cmpi ne, %convert_element_type3A, %cond3A : i32
    scf.if %cond3A_2 {
      %mul3A_74 = arith.constant 80 : i32
      %mul3A_75 = arith.muli %add3A, %mul3A_74 : i32
      %run_scoped3A = arith.constant 0 : i32
      "tpu.region"() ({
        %run_scoped3A_79 = tpu.sem_alloc : memref<!tpu.dma_semaphore, #tpu.memory_space<semaphore_mem>>
        %dma_start3A_80 = arith.constant 0 : i32
        %dma_start3A_81 = tpu.memref_slice %arg2[%run_scoped3A, %mul3A_75, %dma_start3A_80] : memref<2x2500x128xi32, #tpu.memory_space<hbm>> -> memref<1x80x128xi32, #tpu.memory_space<hbm>>
        %dma_start3A_82 = tpu.memref_squeeze %dma_start3A_81 : memref<1x80x128xi32, #tpu.memory_space<hbm>> -> memref<80x128xi32, #tpu.memory_space<hbm>>
        %dma_start3A_83 = arith.constant 0 : i32
        %dma_start3A_84 = tpu.memref_slice %arg2[%run_scoped3A, %mul3A_75, %dma_start3A_83] : memref<2x2500x128xi32, #tpu.memory_space<hbm>> -> memref<1x80x128xi32, #tpu.memory_space<hbm>>
        %dma_start3A_85 = tpu.memref_squeeze %dma_start3A_84 : memref<1x80x128xi32, #tpu.memory_space<hbm>> -> memref<80x128xi32, #tpu.memory_space<hbm>>
        tpu.enqueue_dma source(%dma_start3A_85 : memref<80x128xi32, #tpu.memory_space<hbm>>) target(%arg6 : memref<80x128xi32, #tpu.memory_space<vmem>>) target_semaphore(%run_scoped3A_79 : memref<!tpu.dma_semaphore, #tpu.memory_space<semaphore_mem>>)
        %dma_wait3A = arith.constant 0 : i32
        %dma_wait3A_86 = tpu.memref_slice %arg2[%run_scoped3A, %mul3A_75, %dma_wait3A] : memref<2x2500x128xi32, #tpu.memory_space<hbm>> -> memref<1x80x128xi32, #tpu.memory_space<hbm>>
        %dma_wait3A_87 = tpu.memref_squeeze %dma_wait3A_86 : memref<1x80x128xi32, #tpu.memory_space<hbm>> -> memref<80x128xi32, #tpu.memory_space<hbm>>
        %dma_wait3A_88 = arith.constant 0 : i32
        %dma_wait3A_89 = tpu.memref_slice %arg2[%run_scoped3A, %mul3A_75, %dma_wait3A_88] : memref<2x2500x128xi32, #tpu.memory_space<hbm>> -> memref<1x80x128xi32, #tpu.memory_space<hbm>>
        %dma_wait3A_90 = tpu.memref_squeeze %dma_wait3A_89 : memref<1x80x128xi32, #tpu.memory_space<hbm>> -> memref<80x128xi32, #tpu.memory_space<hbm>>
        tpu.wait_dma2 semaphore(%run_scoped3A_79 : memref<!tpu.dma_semaphore, #tpu.memory_space<semaphore_mem>>) src(%dma_wait3A_90 : memref<80x128xi32, #tpu.memory_space<hbm>>) dst(%arg6 : memref<80x128xi32, #tpu.memory_space<vmem>>)
        tpu.yield
      }) : () -> ()
      %mul3A_76 = arith.constant 80 : i32
      %mul3A_77 = arith.muli %add3A, %mul3A_76 : i32
      %run_scoped3A_78 = arith.constant 1 : i32
      "tpu.region"() ({
        %run_scoped3A_79 = tpu.sem_alloc : memref<!tpu.dma_semaphore, #tpu.memory_space<semaphore_mem>>
        %dma_start3A_80 = arith.constant 0 : i32
        %dma_start3A_81 = tpu.memref_slice %arg2[%run_scoped3A_78, %mul3A_77, %dma_start3A_80] : memref<2x2500x128xi32, #tpu.memory_space<hbm>> -> memref<1x80x128xi32, #tpu.memory_space<hbm>>
        %dma_start3A_82 = tpu.memref_squeeze %dma_start3A_81 : memref<1x80x128xi32, #tpu.memory_space<hbm>> -> memref<80x128xi32, #tpu.memory_space<hbm>>
        %dma_start3A_83 = arith.constant 0 : i32
        %dma_start3A_84 = tpu.memref_slice %arg2[%run_scoped3A_78, %mul3A_77, %dma_start3A_83] : memref<2x2500x128xi32, #tpu.memory_space<hbm>> -> memref<1x80x128xi32, #tpu.memory_space<hbm>>
        %dma_start3A_85 = tpu.memref_squeeze %dma_start3A_84 : memref<1x80x128xi32, #tpu.memory_space<hbm>> -> memref<80x128xi32, #tpu.memory_space<hbm>>
        tpu.enqueue_dma source(%dma_start3A_85 : memref<80x128xi32, #tpu.memory_space<hbm>>) target(%arg7 : memref<80x128xi32, #tpu.memory_space<vmem>>) target_semaphore(%run_scoped3A_79 : memref<!tpu.dma_semaphore, #tpu.memory_space<semaphore_mem>>)
        %dma_wait3A = arith.constant 0 : i32
        %dma_wait3A_86 = tpu.memref_slice %arg2[%run_scoped3A_78, %mul3A_77, %dma_wait3A] : memref<2x2500x128xi32, #tpu.memory_space<hbm>> -> memref<1x80x128xi32, #tpu.memory_space<hbm>>
        %dma_wait3A_87 = tpu.memref_squeeze %dma_wait3A_86 : memref<1x80x128xi32, #tpu.memory_space<hbm>> -> memref<80x128xi32, #tpu.memory_space<hbm>>
        %dma_wait3A_88 = arith.constant 0 : i32
        %dma_wait3A_89 = tpu.memref_slice %arg2[%run_scoped3A_78, %mul3A_77, %dma_wait3A_88] : memref<2x2500x128xi32, #tpu.memory_space<hbm>> -> memref<1x80x128xi32, #tpu.memory_space<hbm>>
        %dma_wait3A_90 = tpu.memref_squeeze %dma_wait3A_89 : memref<1x80x128xi32, #tpu.memory_space<hbm>> -> memref<80x128xi32, #tpu.memory_space<hbm>>
        tpu.wait_dma2 semaphore(%run_scoped3A_79 : memref<!tpu.dma_semaphore, #tpu.memory_space<semaphore_mem>>) src(%dma_wait3A_90 : memref<80x128xi32, #tpu.memory_space<hbm>>) dst(%arg7 : memref<80x128xi32, #tpu.memory_space<vmem>>)
        tpu.yield
      }) : () -> ()
    } else {
    }
    %eq3A = arith.constant 31 : i32
    %eq3A_3 = arith.cmpi eq, %add3A, %eq3A : i32
    %convert_element_type3A_4 = arith.extui %eq3A_3 : i1 to i32
    %cond3A_5 = arith.constant 0 : i32
    %cond3A_6 = arith.cmpi ne, %convert_element_type3A_4, %cond3A_5 : i32
    scf.if %cond3A_6 {
      %run_scoped3A = arith.constant 0 : i32
      "tpu.region"() ({
        %run_scoped3A_84 = tpu.sem_alloc : memref<!tpu.dma_semaphore, #tpu.memory_space<semaphore_mem>>
        %dma_start3A_85 = arith.constant 0 : i32
        %dma_start3A_86 = arith.constant 0 : i32
        %dma_start3A_87 = tpu.memref_slice %arg6[%dma_start3A_85, %dma_start3A_86] : memref<80x128xi32, #tpu.memory_space<vmem>> -> memref<20x128xi32, #tpu.memory_space<vmem>>
        %dma_start3A_88 = arith.constant 2480 : i32
        %dma_start3A_89 = arith.constant 0 : i32
        %dma_start3A_90 = tpu.memref_slice %arg2[%run_scoped3A, %dma_start3A_88, %dma_start3A_89] : memref<2x2500x128xi32, #tpu.memory_space<hbm>> -> memref<1x20x128xi32, #tpu.memory_space<hbm>>
        %dma_start3A_91 = tpu.memref_squeeze %dma_start3A_90 : memref<1x20x128xi32, #tpu.memory_space<hbm>> -> memref<20x128xi32, #tpu.memory_space<hbm>>
        %dma_start3A_92 = arith.constant 0 : i32
        %dma_start3A_93 = arith.constant 0 : i32
        %dma_start3A_94 = tpu.memref_slice %arg6[%dma_start3A_92, %dma_start3A_93] : memref<80x128xi32, #tpu.memory_space<vmem>> -> memref<20x128xi32, #tpu.memory_space<vmem>>
        %dma_start3A_95 = arith.constant 2480 : i32
        %dma_start3A_96 = arith.constant 0 : i32
        %dma_start3A_97 = tpu.memref_slice %arg2[%run_scoped3A, %dma_start3A_95, %dma_start3A_96] : memref<2x2500x128xi32, #tpu.memory_space<hbm>> -> memref<1x20x128xi32, #tpu.memory_space<hbm>>
        %dma_start3A_98 = tpu.memref_squeeze %dma_start3A_97 : memref<1x20x128xi32, #tpu.memory_space<hbm>> -> memref<20x128xi32, #tpu.memory_space<hbm>>
        tpu.enqueue_dma source(%dma_start3A_98 : memref<20x128xi32, #tpu.memory_space<hbm>>) target(%dma_start3A_94 : memref<20x128xi32, #tpu.memory_space<vmem>>) target_semaphore(%run_scoped3A_84 : memref<!tpu.dma_semaphore, #tpu.memory_space<semaphore_mem>>)
        %dma_wait3A = arith.constant 0 : i32
        %dma_wait3A_99 = arith.constant 0 : i32
        %dma_wait3A_100 = tpu.memref_slice %arg6[%dma_wait3A, %dma_wait3A_99] : memref<80x128xi32, #tpu.memory_space<vmem>> -> memref<20x128xi32, #tpu.memory_space<vmem>>
        %dma_wait3A_101 = arith.constant 2480 : i32
        %dma_wait3A_102 = arith.constant 0 : i32
        %dma_wait3A_103 = tpu.memref_slice %arg2[%run_scoped3A, %dma_wait3A_101, %dma_wait3A_102] : memref<2x2500x128xi32, #tpu.memory_space<hbm>> -> memref<1x20x128xi32, #tpu.memory_space<hbm>>
        %dma_wait3A_104 = tpu.memref_squeeze %dma_wait3A_103 : memref<1x20x128xi32, #tpu.memory_space<hbm>> -> memref<20x128xi32, #tpu.memory_space<hbm>>
        %dma_wait3A_105 = arith.constant 0 : i32
        %dma_wait3A_106 = arith.constant 0 : i32
        %dma_wait3A_107 = tpu.memref_slice %arg6[%dma_wait3A_105, %dma_wait3A_106] : memref<80x128xi32, #tpu.memory_space<vmem>> -> memref<20x128xi32, #tpu.memory_space<vmem>>
        %dma_wait3A_108 = arith.constant 2480 : i32
        %dma_wait3A_109 = arith.constant 0 : i32
        %dma_wait3A_110 = tpu.memref_slice %arg2[%run_scoped3A, %dma_wait3A_108, %dma_wait3A_109] : memref<2x2500x128xi32, #tpu.memory_space<hbm>> -> memref<1x20x128xi32, #tpu.memory_space<hbm>>
        %dma_wait3A_111 = tpu.memref_squeeze %dma_wait3A_110 : memref<1x20x128xi32, #tpu.memory_space<hbm>> -> memref<20x128xi32, #tpu.memory_space<hbm>>
        tpu.wait_dma2 semaphore(%run_scoped3A_84 : memref<!tpu.dma_semaphore, #tpu.memory_space<semaphore_mem>>) src(%dma_wait3A_111 : memref<20x128xi32, #tpu.memory_space<hbm>>) dst(%dma_wait3A_107 : memref<20x128xi32, #tpu.memory_space<vmem>>)
        tpu.yield
      }) : () -> ()
      %run_scoped3A_74 = arith.constant 1 : i32
      "tpu.region"() ({
        %run_scoped3A_84 = tpu.sem_alloc : memref<!tpu.dma_semaphore, #tpu.memory_space<semaphore_mem>>
        %dma_start3A_85 = arith.constant 0 : i32
        %dma_start3A_86 = arith.constant 0 : i32
        %dma_start3A_87 = tpu.memref_slice %arg7[%dma_start3A_85, %dma_start3A_86] : memref<80x128xi32, #tpu.memory_space<vmem>> -> memref<20x128xi32, #tpu.memory_space<vmem>>
        %dma_start3A_88 = arith.constant 2480 : i32
        %dma_start3A_89 = arith.constant 0 : i32
        %dma_start3A_90 = tpu.memref_slice %arg2[%run_scoped3A_74, %dma_start3A_88, %dma_start3A_89] : memref<2x2500x128xi32, #tpu.memory_space<hbm>> -> memref<1x20x128xi32, #tpu.memory_space<hbm>>
        %dma_start3A_91 = tpu.memref_squeeze %dma_start3A_90 : memref<1x20x128xi32, #tpu.memory_space<hbm>> -> memref<20x128xi32, #tpu.memory_space<hbm>>
        %dma_start3A_92 = arith.constant 0 : i32
        %dma_start3A_93 = arith.constant 0 : i32
        %dma_start3A_94 = tpu.memref_slice %arg7[%dma_start3A_92, %dma_start3A_93] : memref<80x128xi32, #tpu.memory_space<vmem>> -> memref<20x128xi32, #tpu.memory_space<vmem>>
        %dma_start3A_95 = arith.constant 2480 : i32
        %dma_start3A_96 = arith.constant 0 : i32
        %dma_start3A_97 = tpu.memref_slice %arg2[%run_scoped3A_74, %dma_start3A_95, %dma_start3A_96] : memref<2x2500x128xi32, #tpu.memory_space<hbm>> -> memref<1x20x128xi32, #tpu.memory_space<hbm>>
        %dma_start3A_98 = tpu.memref_squeeze %dma_start3A_97 : memref<1x20x128xi32, #tpu.memory_space<hbm>> -> memref<20x128xi32, #tpu.memory_space<hbm>>
        tpu.enqueue_dma source(%dma_start3A_98 : memref<20x128xi32, #tpu.memory_space<hbm>>) target(%dma_start3A_94 : memref<20x128xi32, #tpu.memory_space<vmem>>) target_semaphore(%run_scoped3A_84 : memref<!tpu.dma_semaphore, #tpu.memory_space<semaphore_mem>>)
        %dma_wait3A = arith.constant 0 : i32
        %dma_wait3A_99 = arith.constant 0 : i32
        %dma_wait3A_100 = tpu.memref_slice %arg7[%dma_wait3A, %dma_wait3A_99] : memref<80x128xi32, #tpu.memory_space<vmem>> -> memref<20x128xi32, #tpu.memory_space<vmem>>
        %dma_wait3A_101 = arith.constant 2480 : i32
        %dma_wait3A_102 = arith.constant 0 : i32
        %dma_wait3A_103 = tpu.memref_slice %arg2[%run_scoped3A_74, %dma_wait3A_101, %dma_wait3A_102] : memref<2x2500x128xi32, #tpu.memory_space<hbm>> -> memref<1x20x128xi32, #tpu.memory_space<hbm>>
        %dma_wait3A_104 = tpu.memref_squeeze %dma_wait3A_103 : memref<1x20x128xi32, #tpu.memory_space<hbm>> -> memref<20x128xi32, #tpu.memory_space<hbm>>
        %dma_wait3A_105 = arith.constant 0 : i32
        %dma_wait3A_106 = arith.constant 0 : i32
        %dma_wait3A_107 = tpu.memref_slice %arg7[%dma_wait3A_105, %dma_wait3A_106] : memref<80x128xi32, #tpu.memory_space<vmem>> -> memref<20x128xi32, #tpu.memory_space<vmem>>
        %dma_wait3A_108 = arith.constant 2480 : i32
        %dma_wait3A_109 = arith.constant 0 : i32
        %dma_wait3A_110 = tpu.memref_slice %arg2[%run_scoped3A_74, %dma_wait3A_108, %dma_wait3A_109] : memref<2x2500x128xi32, #tpu.memory_space<hbm>> -> memref<1x20x128xi32, #tpu.memory_space<hbm>>
        %dma_wait3A_111 = tpu.memref_squeeze %dma_wait3A_110 : memref<1x20x128xi32, #tpu.memory_space<hbm>> -> memref<20x128xi32, #tpu.memory_space<hbm>>
        tpu.wait_dma2 semaphore(%run_scoped3A_84 : memref<!tpu.dma_semaphore, #tpu.memory_space<semaphore_mem>>) src(%dma_wait3A_111 : memref<20x128xi32, #tpu.memory_space<hbm>>) dst(%dma_wait3A_107 : memref<20x128xi32, #tpu.memory_space<vmem>>)
        tpu.yield
      }) : () -> ()
      %broadcast_in_dim3A = arith.constant 0 : i32
      %broadcast_in_dim3A_75 = vector.broadcast %broadcast_in_dim3A : i32 to vector<16xi32>
      %broadcast_in_dim3A_76 = arith.constant 10000 : i32
      %broadcast_in_dim3A_77 = vector.broadcast %broadcast_in_dim3A_76 : i32 to vector<16xi32>
      %scan3A_78 = arith.constant 0 : i32
      %scan3A_79 = arith.constant 20 : i32
      %scan3A_80 = arith.constant 60 : i32
      %scan3A_81 = arith.addi %scan3A_79, %scan3A_80 : i32
      %scan3A_82 = arith.constant 1 : i32
      scf.for %scan3A_84 = %scan3A_79 to %scan3A_81 step %scan3A_82  : i32 {
        %swap3A = arith.index_cast %scan3A_84 : i32 to index
        %swap3A_85 = arith.constant 0 : index
        %swap3A_86 = tpu.vector_load %arg6[%swap3A, %swap3A_85] {strides = array<i32>} : memref<80x128xi32, #tpu.memory_space<vmem>>, vector<16xi32>,
        tpu.vector_store %arg6[%swap3A, %swap3A_85], %broadcast_in_dim3A_75 {strides = array<i32>} : memref<80x128xi32, #tpu.memory_space<vmem>>, vector<16xi32>,
        %swap3A_87 = arith.index_cast %scan3A_84 : i32 to index
        %swap3A_88 = arith.constant 0 : index
        %swap3A_89 = tpu.vector_load %arg7[%swap3A_87, %swap3A_88] {strides = array<i32>} : memref<80x128xi32, #tpu.memory_space<vmem>>, vector<16xi32>,
        tpu.vector_store %arg7[%swap3A_87, %swap3A_88], %broadcast_in_dim3A_77 {strides = array<i32>} : memref<80x128xi32, #tpu.memory_space<vmem>>, vector<16xi32>,
        %swap3A_90 = arith.index_cast %scan3A_84 : i32 to index
        %swap3A_91 = arith.constant 16 : index
        %swap3A_92 = tpu.vector_load %arg6[%swap3A_90, %swap3A_91] {strides = array<i32>} : memref<80x128xi32, #tpu.memory_space<vmem>>, vector<16xi32>,
        tpu.vector_store %arg6[%swap3A_90, %swap3A_91], %broadcast_in_dim3A_75 {strides = array<i32>} : memref<80x128xi32, #tpu.memory_space<vmem>>, vector<16xi32>,
        %swap3A_93 = arith.index_cast %scan3A_84 : i32 to index
        %swap3A_94 = arith.constant 16 : index
        %swap3A_95 = tpu.vector_load %arg7[%swap3A_93, %swap3A_94] {strides = array<i32>} : memref<80x128xi32, #tpu.memory_space<vmem>>, vector<16xi32>,
        tpu.vector_store %arg7[%swap3A_93, %swap3A_94], %broadcast_in_dim3A_77 {strides = array<i32>} : memref<80x128xi32, #tpu.memory_space<vmem>>, vector<16xi32>,
        %swap3A_96 = arith.index_cast %scan3A_84 : i32 to index
        %swap3A_97 = arith.constant 32 : index
        %swap3A_98 = tpu.vector_load %arg6[%swap3A_96, %swap3A_97] {strides = array<i32>} : memref<80x128xi32, #tpu.memory_space<vmem>>, vector<16xi32>,
        tpu.vector_store %arg6[%swap3A_96, %swap3A_97], %broadcast_in_dim3A_75 {strides = array<i32>} : memref<80x128xi32, #tpu.memory_space<vmem>>, vector<16xi32>,
        %swap3A_99 = arith.index_cast %scan3A_84 : i32 to index
        %swap3A_100 = arith.constant 32 : index
        %swap3A_101 = tpu.vector_load %arg7[%swap3A_99, %swap3A_100] {strides = array<i32>} : memref<80x128xi32, #tpu.memory_space<vmem>>, vector<16xi32>,
        tpu.vector_store %arg7[%swap3A_99, %swap3A_100], %broadcast_in_dim3A_77 {strides = array<i32>} : memref<80x128xi32, #tpu.memory_space<vmem>>, vector<16xi32>,
        %swap3A_102 = arith.index_cast %scan3A_84 : i32 to index
        %swap3A_103 = arith.constant 48 : index
        %swap3A_104 = tpu.vector_load %arg6[%swap3A_102, %swap3A_103] {strides = array<i32>} : memref<80x128xi32, #tpu.memory_space<vmem>>, vector<16xi32>,
        tpu.vector_store %arg6[%swap3A_102, %swap3A_103], %broadcast_in_dim3A_75 {strides = array<i32>} : memref<80x128xi32, #tpu.memory_space<vmem>>, vector<16xi32>,
        %swap3A_105 = arith.index_cast %scan3A_84 : i32 to index
        %swap3A_106 = arith.constant 48 : index
        %swap3A_107 = tpu.vector_load %arg7[%swap3A_105, %swap3A_106] {strides = array<i32>} : memref<80x128xi32, #tpu.memory_space<vmem>>, vector<16xi32>,
        tpu.vector_store %arg7[%swap3A_105, %swap3A_106], %broadcast_in_dim3A_77 {strides = array<i32>} : memref<80x128xi32, #tpu.memory_space<vmem>>, vector<16xi32>,
        %swap3A_108 = arith.index_cast %scan3A_84 : i32 to index
        %swap3A_109 = arith.constant 64 : index
        %swap3A_110 = tpu.vector_load %arg6[%swap3A_108, %swap3A_109] {strides = array<i32>} : memref<80x128xi32, #tpu.memory_space<vmem>>, vector<16xi32>,
        tpu.vector_store %arg6[%swap3A_108, %swap3A_109], %broadcast_in_dim3A_75 {strides = array<i32>} : memref<80x128xi32, #tpu.memory_space<vmem>>, vector<16xi32>,
        %swap3A_111 = arith.index_cast %scan3A_84 : i32 to index
        %swap3A_112 = arith.constant 64 : index
        %swap3A_113 = tpu.vector_load %arg7[%swap3A_111, %swap3A_112] {strides = array<i32>} : memref<80x128xi32, #tpu.memory_space<vmem>>, vector<16xi32>,
        tpu.vector_store %arg7[%swap3A_111, %swap3A_112], %broadcast_in_dim3A_77 {strides = array<i32>} : memref<80x128xi32, #tpu.memory_space<vmem>>, vector<16xi32>,
        %swap3A_114 = arith.index_cast %scan3A_84 : i32 to index
        %swap3A_115 = arith.constant 80 : index
        %swap3A_116 = tpu.vector_load %arg6[%swap3A_114, %swap3A_115] {strides = array<i32>} : memref<80x128xi32, #tpu.memory_space<vmem>>, vector<16xi32>,
        tpu.vector_store %arg6[%swap3A_114, %swap3A_115], %broadcast_in_dim3A_75 {strides = array<i32>} : memref<80x128xi32, #tpu.memory_space<vmem>>, vector<16xi32>,
        %swap3A_117 = arith.index_cast %scan3A_84 : i32 to index
        %swap3A_118 = arith.constant 80 : index
        %swap3A_119 = tpu.vector_load %arg7[%swap3A_117, %swap3A_118] {strides = array<i32>} : memref<80x128xi32, #tpu.memory_space<vmem>>, vector<16xi32>,
        tpu.vector_store %arg7[%swap3A_117, %swap3A_118], %broadcast_in_dim3A_77 {strides = array<i32>} : memref<80x128xi32, #tpu.memory_space<vmem>>, vector<16xi32>,
        %swap3A_120 = arith.index_cast %scan3A_84 : i32 to index
        %swap3A_121 = arith.constant 96 : index
        %swap3A_122 = tpu.vector_load %arg6[%swap3A_120, %swap3A_121] {strides = array<i32>} : memref<80x128xi32, #tpu.memory_space<vmem>>, vector<16xi32>,
        tpu.vector_store %arg6[%swap3A_120, %swap3A_121], %broadcast_in_dim3A_75 {strides = array<i32>} : memref<80x128xi32, #tpu.memory_space<vmem>>, vector<16xi32>,
        %swap3A_123 = arith.index_cast %scan3A_84 : i32 to index
        %swap3A_124 = arith.constant 96 : index
        %swap3A_125 = tpu.vector_load %arg7[%swap3A_123, %swap3A_124] {strides = array<i32>} : memref<80x128xi32, #tpu.memory_space<vmem>>, vector<16xi32>,
        tpu.vector_store %arg7[%swap3A_123, %swap3A_124], %broadcast_in_dim3A_77 {strides = array<i32>} : memref<80x128xi32, #tpu.memory_space<vmem>>, vector<16xi32>,
        %swap3A_126 = arith.index_cast %scan3A_84 : i32 to index
        %swap3A_127 = arith.constant 112 : index
        %swap3A_128 = tpu.vector_load %arg6[%swap3A_126, %swap3A_127] {strides = array<i32>} : memref<80x128xi32, #tpu.memory_space<vmem>>, vector<16xi32>,
        tpu.vector_store %arg6[%swap3A_126, %swap3A_127], %broadcast_in_dim3A_75 {strides = array<i32>} : memref<80x128xi32, #tpu.memory_space<vmem>>, vector<16xi32>,
        %swap3A_129 = arith.index_cast %scan3A_84 : i32 to index
        %swap3A_130 = arith.constant 112 : index
        %swap3A_131 = tpu.vector_load %arg7[%swap3A_129, %swap3A_130] {strides = array<i32>} : memref<80x128xi32, #tpu.memory_space<vmem>>, vector<16xi32>,
        tpu.vector_store %arg7[%swap3A_129, %swap3A_130], %broadcast_in_dim3A_77 {strides = array<i32>} : memref<80x128xi32, #tpu.memory_space<vmem>>, vector<16xi32>,
      }
      %scan3A_83 = arith.constant 60 : i32
    } else {
    }
    "tpu.region"() ({
      %run_scoped3A = tpu.sem_alloc : memref<!tpu.dma_semaphore, #tpu.memory_space<semaphore_mem>>
      tpu.enqueue_dma source(%arg3 : memref<128x16xf32, #tpu.memory_space<hbm>>) target(%arg8 : memref<128x16xf32, #tpu.memory_space<vmem>>) target_semaphore(%run_scoped3A : memref<!tpu.dma_semaphore, #tpu.memory_space<semaphore_mem>>)
      tpu.wait_dma2 semaphore(%run_scoped3A : memref<!tpu.dma_semaphore, #tpu.memory_space<semaphore_mem>>) src(%arg3 : memref<128x16xf32, #tpu.memory_space<hbm>>) dst(%arg8 : memref<128x16xf32, #tpu.memory_space<vmem>>)
      tpu.yield
    }) : () -> ()
    %mul3A_7 = arith.constant 632 : i32
    %mul3A_8 = arith.muli %arg1, %mul3A_7 : i32
    "tpu.region"() ({
      %run_scoped3A = tpu.sem_alloc : memref<!tpu.dma_semaphore, #tpu.memory_space<semaphore_mem>>
      %dma_start3A_74 = arith.constant 0 : i32
      %dma_start3A_75 = tpu.memref_slice %arg9[%mul3A_8, %dma_start3A_74] : memref<10112x16xf32, #tpu.memory_space<vmem_shared>> -> memref<632x16xf32, #tpu.memory_space<vmem_shared>>
      tpu.enqueue_dma source(%arg4 : memref<632x16xf32, #tpu.memory_space<hbm>>) target(%dma_start3A_75 : memref<632x16xf32, #tpu.memory_space<vmem_shared>>) target_semaphore(%run_scoped3A : memref<!tpu.dma_semaphore, #tpu.memory_space<semaphore_mem>>)
      %dma_wait3A = arith.constant 0 : i32
      %dma_wait3A_76 = tpu.memref_slice %arg9[%mul3A_8, %dma_wait3A] : memref<10112x16xf32, #tpu.memory_space<vmem_shared>> -> memref<632x16xf32, #tpu.memory_space<vmem_shared>>
      tpu.wait_dma2 semaphore(%run_scoped3A : memref<!tpu.dma_semaphore, #tpu.memory_space<semaphore_mem>>) src(%arg4 : memref<632x16xf32, #tpu.memory_space<hbm>>) dst(%dma_wait3A_76 : memref<632x16xf32, #tpu.memory_space<vmem_shared>>)
      tpu.yield
    }) : () -> ()
    %barrier3A = arith.constant 0 : index
    tpu.barrier barrier_id(%barrier3A)
    %dma_start3A = arith.constant 0 : i32
    %dma_start3A_9 = arith.constant 0 : i32
    %dma_start3A_10 = tpu.memref_slice %arg7[%dma_start3A, %dma_start3A_9] : memref<80x128xi32, #tpu.memory_space<vmem>> -> memref<1x128xi32, #tpu.memory_space<vmem>>
    %dma_start3A_11 = tpu.memref_squeeze %dma_start3A_10 : memref<1x128xi32, #tpu.memory_space<vmem>> -> memref<128xi32, #tpu.memory_space<vmem>>
    %dma_start3A_12 = arith.constant 0 : i32
    %dma_start3A_13 = arith.constant 0 : i32
    %dma_start3A_14 = tpu.memref_slice %arg9[%dma_start3A_12, %dma_start3A_13] : memref<10112x16xf32, #tpu.memory_space<vmem_shared>> -> memref<10112x16xf32, #tpu.memory_space<vmem_shared>>
    tpu.enqueue_indirect_dma source(%arg8 : memref<128x16xf32, #tpu.memory_space<vmem>>) target(%dma_start3A_14 : memref<10112x16xf32, #tpu.memory_space<vmem_shared>>) offsets(%dma_start3A_11 : memref<128xi32, #tpu.memory_space<vmem>>) semaphore(%arg10 : memref<!tpu.dma_semaphore, #tpu.memory_space<semaphore_mem>>) {add = true}
    %dma_start3A_15 = arith.constant 1 : i32
    %dma_start3A_16 = arith.constant 0 : i32
    %dma_start3A_17 = tpu.memref_slice %arg7[%dma_start3A_15, %dma_start3A_16] : memref<80x128xi32, #tpu.memory_space<vmem>> -> memref<1x128xi32, #tpu.memory_space<vmem>>
    %dma_start3A_18 = tpu.memref_squeeze %dma_start3A_17 : memref<1x128xi32, #tpu.memory_space<vmem>> -> memref<128xi32, #tpu.memory_space<vmem>>
    %dma_start3A_19 = arith.constant 0 : i32
    %dma_start3A_20 = arith.constant 0 : i32
    %dma_start3A_21 = tpu.memref_slice %arg9[%dma_start3A_19, %dma_start3A_20] : memref<10112x16xf32, #tpu.memory_space<vmem_shared>> -> memref<10112x16xf32, #tpu.memory_space<vmem_shared>>
    tpu.enqueue_indirect_dma source(%arg8 : memref<128x16xf32, #tpu.memory_space<vmem>>) target(%dma_start3A_21 : memref<10112x16xf32, #tpu.memory_space<vmem_shared>>) offsets(%dma_start3A_18 : memref<128xi32, #tpu.memory_space<vmem>>) semaphore(%arg11 : memref<!tpu.dma_semaphore, #tpu.memory_space<semaphore_mem>>) {add = true}
    %dma_start3A_22 = arith.constant 2 : i32
    %dma_start3A_23 = arith.constant 0 : i32
    %dma_start3A_24 = tpu.memref_slice %arg7[%dma_start3A_22, %dma_start3A_23] : memref<80x128xi32, #tpu.memory_space<vmem>> -> memref<1x128xi32, #tpu.memory_space<vmem>>
    %dma_start3A_25 = tpu.memref_squeeze %dma_start3A_24 : memref<1x128xi32, #tpu.memory_space<vmem>> -> memref<128xi32, #tpu.memory_space<vmem>>
    %dma_start3A_26 = arith.constant 0 : i32
    %dma_start3A_27 = arith.constant 0 : i32
    %dma_start3A_28 = tpu.memref_slice %arg9[%dma_start3A_26, %dma_start3A_27] : memref<10112x16xf32, #tpu.memory_space<vmem_shared>> -> memref<10112x16xf32, #tpu.memory_space<vmem_shared>>
    tpu.enqueue_indirect_dma source(%arg8 : memref<128x16xf32, #tpu.memory_space<vmem>>) target(%dma_start3A_28 : memref<10112x16xf32, #tpu.memory_space<vmem_shared>>) offsets(%dma_start3A_25 : memref<128xi32, #tpu.memory_space<vmem>>) semaphore(%arg12 : memref<!tpu.dma_semaphore, #tpu.memory_space<semaphore_mem>>) {add = true}
    %dma_start3A_29 = arith.constant 3 : i32
    %dma_start3A_30 = arith.constant 0 : i32
    %dma_start3A_31 = tpu.memref_slice %arg7[%dma_start3A_29, %dma_start3A_30] : memref<80x128xi32, #tpu.memory_space<vmem>> -> memref<1x128xi32, #tpu.memory_space<vmem>>
    %dma_start3A_32 = tpu.memref_squeeze %dma_start3A_31 : memref<1x128xi32, #tpu.memory_space<vmem>> -> memref<128xi32, #tpu.memory_space<vmem>>
    %dma_start3A_33 = arith.constant 0 : i32
    %dma_start3A_34 = arith.constant 0 : i32
    %dma_start3A_35 = tpu.memref_slice %arg9[%dma_start3A_33, %dma_start3A_34] : memref<10112x16xf32, #tpu.memory_space<vmem_shared>> -> memref<10112x16xf32, #tpu.memory_space<vmem_shared>>
    tpu.enqueue_indirect_dma source(%arg8 : memref<128x16xf32, #tpu.memory_space<vmem>>) target(%dma_start3A_35 : memref<10112x16xf32, #tpu.memory_space<vmem_shared>>) offsets(%dma_start3A_32 : memref<128xi32, #tpu.memory_space<vmem>>) semaphore(%arg13 : memref<!tpu.dma_semaphore, #tpu.memory_space<semaphore_mem>>) {add = true}
    %dma_start3A_36 = arith.constant 4 : i32
    %dma_start3A_37 = arith.constant 0 : i32
    %dma_start3A_38 = tpu.memref_slice %arg7[%dma_start3A_36, %dma_start3A_37] : memref<80x128xi32, #tpu.memory_space<vmem>> -> memref<1x128xi32, #tpu.memory_space<vmem>>
    %dma_start3A_39 = tpu.memref_squeeze %dma_start3A_38 : memref<1x128xi32, #tpu.memory_space<vmem>> -> memref<128xi32, #tpu.memory_space<vmem>>
    %dma_start3A_40 = arith.constant 0 : i32
    %dma_start3A_41 = arith.constant 0 : i32
    %dma_start3A_42 = tpu.memref_slice %arg9[%dma_start3A_40, %dma_start3A_41] : memref<10112x16xf32, #tpu.memory_space<vmem_shared>> -> memref<10112x16xf32, #tpu.memory_space<vmem_shared>>
    tpu.enqueue_indirect_dma source(%arg8 : memref<128x16xf32, #tpu.memory_space<vmem>>) target(%dma_start3A_42 : memref<10112x16xf32, #tpu.memory_space<vmem_shared>>) offsets(%dma_start3A_39 : memref<128xi32, #tpu.memory_space<vmem>>) semaphore(%arg14 : memref<!tpu.dma_semaphore, #tpu.memory_space<semaphore_mem>>) {add = true}
    %dma_start3A_43 = arith.constant 5 : i32
    %dma_start3A_44 = arith.constant 0 : i32
    %dma_start3A_45 = tpu.memref_slice %arg7[%dma_start3A_43, %dma_start3A_44] : memref<80x128xi32, #tpu.memory_space<vmem>> -> memref<1x128xi32, #tpu.memory_space<vmem>>
    %dma_start3A_46 = tpu.memref_squeeze %dma_start3A_45 : memref<1x128xi32, #tpu.memory_space<vmem>> -> memref<128xi32, #tpu.memory_space<vmem>>
    %dma_start3A_47 = arith.constant 0 : i32
    %dma_start3A_48 = arith.constant 0 : i32
    %dma_start3A_49 = tpu.memref_slice %arg9[%dma_start3A_47, %dma_start3A_48] : memref<10112x16xf32, #tpu.memory_space<vmem_shared>> -> memref<10112x16xf32, #tpu.memory_space<vmem_shared>>
    tpu.enqueue_indirect_dma source(%arg8 : memref<128x16xf32, #tpu.memory_space<vmem>>) target(%dma_start3A_49 : memref<10112x16xf32, #tpu.memory_space<vmem_shared>>) offsets(%dma_start3A_46 : memref<128xi32, #tpu.memory_space<vmem>>) semaphore(%arg15 : memref<!tpu.dma_semaphore, #tpu.memory_space<semaphore_mem>>) {add = true}
    %dma_start3A_50 = arith.constant 6 : i32
    %dma_start3A_51 = arith.constant 0 : i32
    %dma_start3A_52 = tpu.memref_slice %arg7[%dma_start3A_50, %dma_start3A_51] : memref<80x128xi32, #tpu.memory_space<vmem>> -> memref<1x128xi32, #tpu.memory_space<vmem>>
    %dma_start3A_53 = tpu.memref_squeeze %dma_start3A_52 : memref<1x128xi32, #tpu.memory_space<vmem>> -> memref<128xi32, #tpu.memory_space<vmem>>
    %dma_start3A_54 = arith.constant 0 : i32
    %dma_start3A_55 = arith.constant 0 : i32
    %dma_start3A_56 = tpu.memref_slice %arg9[%dma_start3A_54, %dma_start3A_55] : memref<10112x16xf32, #tpu.memory_space<vmem_shared>> -> memref<10112x16xf32, #tpu.memory_space<vmem_shared>>
    tpu.enqueue_indirect_dma source(%arg8 : memref<128x16xf32, #tpu.memory_space<vmem>>) target(%dma_start3A_56 : memref<10112x16xf32, #tpu.memory_space<vmem_shared>>) offsets(%dma_start3A_53 : memref<128xi32, #tpu.memory_space<vmem>>) semaphore(%arg16 : memref<!tpu.dma_semaphore, #tpu.memory_space<semaphore_mem>>) {add = true}
    %dma_start3A_57 = arith.constant 7 : i32
    %dma_start3A_58 = arith.constant 0 : i32
    %dma_start3A_59 = tpu.memref_slice %arg7[%dma_start3A_57, %dma_start3A_58] : memref<80x128xi32, #tpu.memory_space<vmem>> -> memref<1x128xi32, #tpu.memory_space<vmem>>
    %dma_start3A_60 = tpu.memref_squeeze %dma_start3A_59 : memref<1x128xi32, #tpu.memory_space<vmem>> -> memref<128xi32, #tpu.memory_space<vmem>>
    %dma_start3A_61 = arith.constant 0 : i32
    %dma_start3A_62 = arith.constant 0 : i32
    %dma_start3A_63 = tpu.memref_slice %arg9[%dma_start3A_61, %dma_start3A_62] : memref<10112x16xf32, #tpu.memory_space<vmem_shared>> -> memref<10112x16xf32, #tpu.memory_space<vmem_shared>>
    tpu.enqueue_indirect_dma source(%arg8 : memref<128x16xf32, #tpu.memory_space<vmem>>) target(%dma_start3A_63 : memref<10112x16xf32, #tpu.memory_space<vmem_shared>>) offsets(%dma_start3A_60 : memref<128xi32, #tpu.memory_space<vmem>>) semaphore(%arg17 : memref<!tpu.dma_semaphore, #tpu.memory_space<semaphore_mem>>) {add = true}
    %scan3A = arith.constant 0 : i32
    %scan3A_64 = arith.constant 0 : i32
    %scan3A_65 = arith.constant 10 : i32
    %scan3A_66 = arith.addi %scan3A_64, %scan3A_65 : i32
    %scan3A_67 = arith.constant 1 : i32
    scf.for %scan3A_74 = %scan3A_64 to %scan3A_66 step %scan3A_67  : i32 {
      %mul3A_75 = arith.constant 8 : i32
      %mul3A_76 = arith.muli %scan3A_74, %mul3A_75 : i32
      %add3A_77 = arith.constant 0 : i32
      %add3A_78 = arith.addi %mul3A_76, %add3A_77 : i32
      %dma_wait3A = arith.constant 0 : i32
      %dma_wait3A_79 = tpu.memref_slice %arg7[%add3A_78, %dma_wait3A] : memref<80x128xi32, #tpu.memory_space<vmem>> -> memref<1x128xi32, #tpu.memory_space<vmem>>
      %dma_wait3A_80 = tpu.memref_squeeze %dma_wait3A_79 : memref<1x128xi32, #tpu.memory_space<vmem>> -> memref<128xi32, #tpu.memory_space<vmem>>
      %dma_wait3A_81 = arith.constant 0 : i32
      %dma_wait3A_82 = arith.constant 0 : i32
      %dma_wait3A_83 = tpu.memref_slice %arg9[%dma_wait3A_81, %dma_wait3A_82] : memref<10112x16xf32, #tpu.memory_space<vmem_shared>> -> memref<10112x16xf32, #tpu.memory_space<vmem_shared>>
      tpu.wait_indirect_dma semaphore(%arg10 : memref<!tpu.dma_semaphore, #tpu.memory_space<semaphore_mem>>) src(%arg8 : memref<128x16xf32, #tpu.memory_space<vmem>>) dst(%dma_wait3A_83 : memref<10112x16xf32, #tpu.memory_space<vmem_shared>>)
      %mul3A_84 = arith.constant 8 : i32
      %mul3A_85 = arith.muli %scan3A_74, %mul3A_84 : i32
      %add3A_86 = arith.constant 0 : i32
      %add3A_87 = arith.addi %mul3A_85, %add3A_86 : i32
      %add3A_88 = arith.constant 8 : i32
      %add3A_89 = arith.addi %add3A_87, %add3A_88 : i32
      %lt3A_90 = arith.constant 80 : i32
      %lt3A_91 = arith.cmpi slt, %add3A_89, %lt3A_90 : i32
      %convert_element_type3A_92 = arith.extui %lt3A_91 : i1 to i32
      %cond3A_93 = arith.constant 0 : i32
      %cond3A_94 = arith.cmpi ne, %convert_element_type3A_92, %cond3A_93 : i32
      scf.if %cond3A_94 {
        %mul3A_242 = arith.constant 8 : i32
        %mul3A_243 = arith.muli %scan3A_74, %mul3A_242 : i32
        %add3A_244 = arith.constant 0 : i32
        %add3A_245 = arith.addi %mul3A_243, %add3A_244 : i32
        %add3A_246 = arith.constant 8 : i32
        %add3A_247 = arith.addi %add3A_245, %add3A_246 : i32
        %dma_start3A_248 = arith.constant 0 : i32
        %dma_start3A_249 = tpu.memref_slice %arg7[%add3A_247, %dma_start3A_248] : memref<80x128xi32, #tpu.memory_space<vmem>> -> memref<1x128xi32, #tpu.memory_space<vmem>>
        %dma_start3A_250 = tpu.memref_squeeze %dma_start3A_249 : memref<1x128xi32, #tpu.memory_space<vmem>> -> memref<128xi32, #tpu.memory_space<vmem>>
        %dma_start3A_251 = arith.constant 0 : i32
        %dma_start3A_252 = arith.constant 0 : i32
        %dma_start3A_253 = tpu.memref_slice %arg9[%dma_start3A_251, %dma_start3A_252] : memref<10112x16xf32, #tpu.memory_space<vmem_shared>> -> memref<10112x16xf32, #tpu.memory_space<vmem_shared>>
        tpu.enqueue_indirect_dma source(%arg8 : memref<128x16xf32, #tpu.memory_space<vmem>>) target(%dma_start3A_253 : memref<10112x16xf32, #tpu.memory_space<vmem_shared>>) offsets(%dma_start3A_250 : memref<128xi32, #tpu.memory_space<vmem>>) semaphore(%arg10 : memref<!tpu.dma_semaphore, #tpu.memory_space<semaphore_mem>>) {add = true}
      } else {
      }
      %mul3A_95 = arith.constant 8 : i32
      %mul3A_96 = arith.muli %scan3A_74, %mul3A_95 : i32
      %add3A_97 = arith.constant 1 : i32
      %add3A_98 = arith.addi %mul3A_96, %add3A_97 : i32
      %dma_wait3A_99 = arith.constant 0 : i32
      %dma_wait3A_100 = tpu.memref_slice %arg7[%add3A_98, %dma_wait3A_99] : memref<80x128xi32, #tpu.memory_space<vmem>> -> memref<1x128xi32, #tpu.memory_space<vmem>>
      %dma_wait3A_101 = tpu.memref_squeeze %dma_wait3A_100 : memref<1x128xi32, #tpu.memory_space<vmem>> -> memref<128xi32, #tpu.memory_space<vmem>>
      %dma_wait3A_102 = arith.constant 0 : i32
      %dma_wait3A_103 = arith.constant 0 : i32
      %dma_wait3A_104 = tpu.memref_slice %arg9[%dma_wait3A_102, %dma_wait3A_103] : memref<10112x16xf32, #tpu.memory_space<vmem_shared>> -> memref<10112x16xf32, #tpu.memory_space<vmem_shared>>
      tpu.wait_indirect_dma semaphore(%arg11 : memref<!tpu.dma_semaphore, #tpu.memory_space<semaphore_mem>>) src(%arg8 : memref<128x16xf32, #tpu.memory_space<vmem>>) dst(%dma_wait3A_104 : memref<10112x16xf32, #tpu.memory_space<vmem_shared>>)
      %mul3A_105 = arith.constant 8 : i32
      %mul3A_106 = arith.muli %scan3A_74, %mul3A_105 : i32
      %add3A_107 = arith.constant 1 : i32
      %add3A_108 = arith.addi %mul3A_106, %add3A_107 : i32
      %add3A_109 = arith.constant 8 : i32
      %add3A_110 = arith.addi %add3A_108, %add3A_109 : i32
      %lt3A_111 = arith.constant 80 : i32
      %lt3A_112 = arith.cmpi slt, %add3A_110, %lt3A_111 : i32
      %convert_element_type3A_113 = arith.extui %lt3A_112 : i1 to i32
      %cond3A_114 = arith.constant 0 : i32
      %cond3A_115 = arith.cmpi ne, %convert_element_type3A_113, %cond3A_114 : i32
      scf.if %cond3A_115 {
        %mul3A_242 = arith.constant 8 : i32
        %mul3A_243 = arith.muli %scan3A_74, %mul3A_242 : i32
        %add3A_244 = arith.constant 1 : i32
        %add3A_245 = arith.addi %mul3A_243, %add3A_244 : i32
        %add3A_246 = arith.constant 8 : i32
        %add3A_247 = arith.addi %add3A_245, %add3A_246 : i32
        %dma_start3A_248 = arith.constant 0 : i32
        %dma_start3A_249 = tpu.memref_slice %arg7[%add3A_247, %dma_start3A_248] : memref<80x128xi32, #tpu.memory_space<vmem>> -> memref<1x128xi32, #tpu.memory_space<vmem>>
        %dma_start3A_250 = tpu.memref_squeeze %dma_start3A_249 : memref<1x128xi32, #tpu.memory_space<vmem>> -> memref<128xi32, #tpu.memory_space<vmem>>
        %dma_start3A_251 = arith.constant 0 : i32
        %dma_start3A_252 = arith.constant 0 : i32
        %dma_start3A_253 = tpu.memref_slice %arg9[%dma_start3A_251, %dma_start3A_252] : memref<10112x16xf32, #tpu.memory_space<vmem_shared>> -> memref<10112x16xf32, #tpu.memory_space<vmem_shared>>
        tpu.enqueue_indirect_dma source(%arg8 : memref<128x16xf32, #tpu.memory_space<vmem>>) target(%dma_start3A_253 : memref<10112x16xf32, #tpu.memory_space<vmem_shared>>) offsets(%dma_start3A_250 : memref<128xi32, #tpu.memory_space<vmem>>) semaphore(%arg11 : memref<!tpu.dma_semaphore, #tpu.memory_space<semaphore_mem>>) {add = true}
      } else {
      }
      %mul3A_116 = arith.constant 8 : i32
      %mul3A_117 = arith.muli %scan3A_74, %mul3A_116 : i32
      %add3A_118 = arith.constant 2 : i32
      %add3A_119 = arith.addi %mul3A_117, %add3A_118 : i32
      %dma_wait3A_120 = arith.constant 0 : i32
      %dma_wait3A_121 = tpu.memref_slice %arg7[%add3A_119, %dma_wait3A_120] : memref<80x128xi32, #tpu.memory_space<vmem>> -> memref<1x128xi32, #tpu.memory_space<vmem>>
      %dma_wait3A_122 = tpu.memref_squeeze %dma_wait3A_121 : memref<1x128xi32, #tpu.memory_space<vmem>> -> memref<128xi32, #tpu.memory_space<vmem>>
      %dma_wait3A_123 = arith.constant 0 : i32
      %dma_wait3A_124 = arith.constant 0 : i32
      %dma_wait3A_125 = tpu.memref_slice %arg9[%dma_wait3A_123, %dma_wait3A_124] : memref<10112x16xf32, #tpu.memory_space<vmem_shared>> -> memref<10112x16xf32, #tpu.memory_space<vmem_shared>>
      tpu.wait_indirect_dma semaphore(%arg12 : memref<!tpu.dma_semaphore, #tpu.memory_space<semaphore_mem>>) src(%arg8 : memref<128x16xf32, #tpu.memory_space<vmem>>) dst(%dma_wait3A_125 : memref<10112x16xf32, #tpu.memory_space<vmem_shared>>)
      %mul3A_126 = arith.constant 8 : i32
      %mul3A_127 = arith.muli %scan3A_74, %mul3A_126 : i32
      %add3A_128 = arith.constant 2 : i32
      %add3A_129 = arith.addi %mul3A_127, %add3A_128 : i32
      %add3A_130 = arith.constant 8 : i32
      %add3A_131 = arith.addi %add3A_129, %add3A_130 : i32
      %lt3A_132 = arith.constant 80 : i32
      %lt3A_133 = arith.cmpi slt, %add3A_131, %lt3A_132 : i32
      %convert_element_type3A_134 = arith.extui %lt3A_133 : i1 to i32
      %cond3A_135 = arith.constant 0 : i32
      %cond3A_136 = arith.cmpi ne, %convert_element_type3A_134, %cond3A_135 : i32
      scf.if %cond3A_136 {
        %mul3A_242 = arith.constant 8 : i32
        %mul3A_243 = arith.muli %scan3A_74, %mul3A_242 : i32
        %add3A_244 = arith.constant 2 : i32
        %add3A_245 = arith.addi %mul3A_243, %add3A_244 : i32
        %add3A_246 = arith.constant 8 : i32
        %add3A_247 = arith.addi %add3A_245, %add3A_246 : i32
        %dma_start3A_248 = arith.constant 0 : i32
        %dma_start3A_249 = tpu.memref_slice %arg7[%add3A_247, %dma_start3A_248] : memref<80x128xi32, #tpu.memory_space<vmem>> -> memref<1x128xi32, #tpu.memory_space<vmem>>
        %dma_start3A_250 = tpu.memref_squeeze %dma_start3A_249 : memref<1x128xi32, #tpu.memory_space<vmem>> -> memref<128xi32, #tpu.memory_space<vmem>>
        %dma_start3A_251 = arith.constant 0 : i32
        %dma_start3A_252 = arith.constant 0 : i32
        %dma_start3A_253 = tpu.memref_slice %arg9[%dma_start3A_251, %dma_start3A_252] : memref<10112x16xf32, #tpu.memory_space<vmem_shared>> -> memref<10112x16xf32, #tpu.memory_space<vmem_shared>>
        tpu.enqueue_indirect_dma source(%arg8 : memref<128x16xf32, #tpu.memory_space<vmem>>) target(%dma_start3A_253 : memref<10112x16xf32, #tpu.memory_space<vmem_shared>>) offsets(%dma_start3A_250 : memref<128xi32, #tpu.memory_space<vmem>>) semaphore(%arg12 : memref<!tpu.dma_semaphore, #tpu.memory_space<semaphore_mem>>) {add = true}
      } else {
      }
      %mul3A_137 = arith.constant 8 : i32
      %mul3A_138 = arith.muli %scan3A_74, %mul3A_137 : i32
      %add3A_139 = arith.constant 3 : i32
      %add3A_140 = arith.addi %mul3A_138, %add3A_139 : i32
      %dma_wait3A_141 = arith.constant 0 : i32
      %dma_wait3A_142 = tpu.memref_slice %arg7[%add3A_140, %dma_wait3A_141] : memref<80x128xi32, #tpu.memory_space<vmem>> -> memref<1x128xi32, #tpu.memory_space<vmem>>
      %dma_wait3A_143 = tpu.memref_squeeze %dma_wait3A_142 : memref<1x128xi32, #tpu.memory_space<vmem>> -> memref<128xi32, #tpu.memory_space<vmem>>
      %dma_wait3A_144 = arith.constant 0 : i32
      %dma_wait3A_145 = arith.constant 0 : i32
      %dma_wait3A_146 = tpu.memref_slice %arg9[%dma_wait3A_144, %dma_wait3A_145] : memref<10112x16xf32, #tpu.memory_space<vmem_shared>> -> memref<10112x16xf32, #tpu.memory_space<vmem_shared>>
      tpu.wait_indirect_dma semaphore(%arg13 : memref<!tpu.dma_semaphore, #tpu.memory_space<semaphore_mem>>) src(%arg8 : memref<128x16xf32, #tpu.memory_space<vmem>>) dst(%dma_wait3A_146 : memref<10112x16xf32, #tpu.memory_space<vmem_shared>>)
      %mul3A_147 = arith.constant 8 : i32
      %mul3A_148 = arith.muli %scan3A_74, %mul3A_147 : i32
      %add3A_149 = arith.constant 3 : i32
      %add3A_150 = arith.addi %mul3A_148, %add3A_149 : i32
      %add3A_151 = arith.constant 8 : i32
      %add3A_152 = arith.addi %add3A_150, %add3A_151 : i32
      %lt3A_153 = arith.constant 80 : i32
      %lt3A_154 = arith.cmpi slt, %add3A_152, %lt3A_153 : i32
      %convert_element_type3A_155 = arith.extui %lt3A_154 : i1 to i32
      %cond3A_156 = arith.constant 0 : i32
      %cond3A_157 = arith.cmpi ne, %convert_element_type3A_155, %cond3A_156 : i32
      scf.if %cond3A_157 {
        %mul3A_242 = arith.constant 8 : i32
        %mul3A_243 = arith.muli %scan3A_74, %mul3A_242 : i32
        %add3A_244 = arith.constant 3 : i32
        %add3A_245 = arith.addi %mul3A_243, %add3A_244 : i32
        %add3A_246 = arith.constant 8 : i32
        %add3A_247 = arith.addi %add3A_245, %add3A_246 : i32
        %dma_start3A_248 = arith.constant 0 : i32
        %dma_start3A_249 = tpu.memref_slice %arg7[%add3A_247, %dma_start3A_248] : memref<80x128xi32, #tpu.memory_space<vmem>> -> memref<1x128xi32, #tpu.memory_space<vmem>>
        %dma_start3A_250 = tpu.memref_squeeze %dma_start3A_249 : memref<1x128xi32, #tpu.memory_space<vmem>> -> memref<128xi32, #tpu.memory_space<vmem>>
        %dma_start3A_251 = arith.constant 0 : i32
        %dma_start3A_252 = arith.constant 0 : i32
        %dma_start3A_253 = tpu.memref_slice %arg9[%dma_start3A_251, %dma_start3A_252] : memref<10112x16xf32, #tpu.memory_space<vmem_shared>> -> memref<10112x16xf32, #tpu.memory_space<vmem_shared>>
        tpu.enqueue_indirect_dma source(%arg8 : memref<128x16xf32, #tpu.memory_space<vmem>>) target(%dma_start3A_253 : memref<10112x16xf32, #tpu.memory_space<vmem_shared>>) offsets(%dma_start3A_250 : memref<128xi32, #tpu.memory_space<vmem>>) semaphore(%arg13 : memref<!tpu.dma_semaphore, #tpu.memory_space<semaphore_mem>>) {add = true}
      } else {
      }
      %mul3A_158 = arith.constant 8 : i32
      %mul3A_159 = arith.muli %scan3A_74, %mul3A_158 : i32
      %add3A_160 = arith.constant 4 : i32
      %add3A_161 = arith.addi %mul3A_159, %add3A_160 : i32
      %dma_wait3A_162 = arith.constant 0 : i32
      %dma_wait3A_163 = tpu.memref_slice %arg7[%add3A_161, %dma_wait3A_162] : memref<80x128xi32, #tpu.memory_space<vmem>> -> memref<1x128xi32, #tpu.memory_space<vmem>>
      %dma_wait3A_164 = tpu.memref_squeeze %dma_wait3A_163 : memref<1x128xi32, #tpu.memory_space<vmem>> -> memref<128xi32, #tpu.memory_space<vmem>>
      %dma_wait3A_165 = arith.constant 0 : i32
      %dma_wait3A_166 = arith.constant 0 : i32
      %dma_wait3A_167 = tpu.memref_slice %arg9[%dma_wait3A_165, %dma_wait3A_166] : memref<10112x16xf32, #tpu.memory_space<vmem_shared>> -> memref<10112x16xf32, #tpu.memory_space<vmem_shared>>
      tpu.wait_indirect_dma semaphore(%arg14 : memref<!tpu.dma_semaphore, #tpu.memory_space<semaphore_mem>>) src(%arg8 : memref<128x16xf32, #tpu.memory_space<vmem>>) dst(%dma_wait3A_167 : memref<10112x16xf32, #tpu.memory_space<vmem_shared>>)
      %mul3A_168 = arith.constant 8 : i32
      %mul3A_169 = arith.muli %scan3A_74, %mul3A_168 : i32
      %add3A_170 = arith.constant 4 : i32
      %add3A_171 = arith.addi %mul3A_169, %add3A_170 : i32
      %add3A_172 = arith.constant 8 : i32
      %add3A_173 = arith.addi %add3A_171, %add3A_172 : i32
      %lt3A_174 = arith.constant 80 : i32
      %lt3A_175 = arith.cmpi slt, %add3A_173, %lt3A_174 : i32
      %convert_element_type3A_176 = arith.extui %lt3A_175 : i1 to i32
      %cond3A_177 = arith.constant 0 : i32
      %cond3A_178 = arith.cmpi ne, %convert_element_type3A_176, %cond3A_177 : i32
      scf.if %cond3A_178 {
        %mul3A_242 = arith.constant 8 : i32
        %mul3A_243 = arith.muli %scan3A_74, %mul3A_242 : i32
        %add3A_244 = arith.constant 4 : i32
        %add3A_245 = arith.addi %mul3A_243, %add3A_244 : i32
        %add3A_246 = arith.constant 8 : i32
        %add3A_247 = arith.addi %add3A_245, %add3A_246 : i32
        %dma_start3A_248 = arith.constant 0 : i32
        %dma_start3A_249 = tpu.memref_slice %arg7[%add3A_247, %dma_start3A_248] : memref<80x128xi32, #tpu.memory_space<vmem>> -> memref<1x128xi32, #tpu.memory_space<vmem>>
        %dma_start3A_250 = tpu.memref_squeeze %dma_start3A_249 : memref<1x128xi32, #tpu.memory_space<vmem>> -> memref<128xi32, #tpu.memory_space<vmem>>
        %dma_start3A_251 = arith.constant 0 : i32
        %dma_start3A_252 = arith.constant 0 : i32
        %dma_start3A_253 = tpu.memref_slice %arg9[%dma_start3A_251, %dma_start3A_252] : memref<10112x16xf32, #tpu.memory_space<vmem_shared>> -> memref<10112x16xf32, #tpu.memory_space<vmem_shared>>
        tpu.enqueue_indirect_dma source(%arg8 : memref<128x16xf32, #tpu.memory_space<vmem>>) target(%dma_start3A_253 : memref<10112x16xf32, #tpu.memory_space<vmem_shared>>) offsets(%dma_start3A_250 : memref<128xi32, #tpu.memory_space<vmem>>) semaphore(%arg14 : memref<!tpu.dma_semaphore, #tpu.memory_space<semaphore_mem>>) {add = true}
      } else {
      }
      %mul3A_179 = arith.constant 8 : i32
      %mul3A_180 = arith.muli %scan3A_74, %mul3A_179 : i32
      %add3A_181 = arith.constant 5 : i32
      %add3A_182 = arith.addi %mul3A_180, %add3A_181 : i32
      %dma_wait3A_183 = arith.constant 0 : i32
      %dma_wait3A_184 = tpu.memref_slice %arg7[%add3A_182, %dma_wait3A_183] : memref<80x128xi32, #tpu.memory_space<vmem>> -> memref<1x128xi32, #tpu.memory_space<vmem>>
      %dma_wait3A_185 = tpu.memref_squeeze %dma_wait3A_184 : memref<1x128xi32, #tpu.memory_space<vmem>> -> memref<128xi32, #tpu.memory_space<vmem>>
      %dma_wait3A_186 = arith.constant 0 : i32
      %dma_wait3A_187 = arith.constant 0 : i32
      %dma_wait3A_188 = tpu.memref_slice %arg9[%dma_wait3A_186, %dma_wait3A_187] : memref<10112x16xf32, #tpu.memory_space<vmem_shared>> -> memref<10112x16xf32, #tpu.memory_space<vmem_shared>>
      tpu.wait_indirect_dma semaphore(%arg15 : memref<!tpu.dma_semaphore, #tpu.memory_space<semaphore_mem>>) src(%arg8 : memref<128x16xf32, #tpu.memory_space<vmem>>) dst(%dma_wait3A_188 : memref<10112x16xf32, #tpu.memory_space<vmem_shared>>)
      %mul3A_189 = arith.constant 8 : i32
      %mul3A_190 = arith.muli %scan3A_74, %mul3A_189 : i32
      %add3A_191 = arith.constant 5 : i32
      %add3A_192 = arith.addi %mul3A_190, %add3A_191 : i32
      %add3A_193 = arith.constant 8 : i32
      %add3A_194 = arith.addi %add3A_192, %add3A_193 : i32
      %lt3A_195 = arith.constant 80 : i32
      %lt3A_196 = arith.cmpi slt, %add3A_194, %lt3A_195 : i32
      %convert_element_type3A_197 = arith.extui %lt3A_196 : i1 to i32
      %cond3A_198 = arith.constant 0 : i32
      %cond3A_199 = arith.cmpi ne, %convert_element_type3A_197, %cond3A_198 : i32
      scf.if %cond3A_199 {
        %mul3A_242 = arith.constant 8 : i32
        %mul3A_243 = arith.muli %scan3A_74, %mul3A_242 : i32
        %add3A_244 = arith.constant 5 : i32
        %add3A_245 = arith.addi %mul3A_243, %add3A_244 : i32
        %add3A_246 = arith.constant 8 : i32
        %add3A_247 = arith.addi %add3A_245, %add3A_246 : i32
        %dma_start3A_248 = arith.constant 0 : i32
        %dma_start3A_249 = tpu.memref_slice %arg7[%add3A_247, %dma_start3A_248] : memref<80x128xi32, #tpu.memory_space<vmem>> -> memref<1x128xi32, #tpu.memory_space<vmem>>
        %dma_start3A_250 = tpu.memref_squeeze %dma_start3A_249 : memref<1x128xi32, #tpu.memory_space<vmem>> -> memref<128xi32, #tpu.memory_space<vmem>>
        %dma_start3A_251 = arith.constant 0 : i32
        %dma_start3A_252 = arith.constant 0 : i32
        %dma_start3A_253 = tpu.memref_slice %arg9[%dma_start3A_251, %dma_start3A_252] : memref<10112x16xf32, #tpu.memory_space<vmem_shared>> -> memref<10112x16xf32, #tpu.memory_space<vmem_shared>>
        tpu.enqueue_indirect_dma source(%arg8 : memref<128x16xf32, #tpu.memory_space<vmem>>) target(%dma_start3A_253 : memref<10112x16xf32, #tpu.memory_space<vmem_shared>>) offsets(%dma_start3A_250 : memref<128xi32, #tpu.memory_space<vmem>>) semaphore(%arg15 : memref<!tpu.dma_semaphore, #tpu.memory_space<semaphore_mem>>) {add = true}
      } else {
      }
      %mul3A_200 = arith.constant 8 : i32
      %mul3A_201 = arith.muli %scan3A_74, %mul3A_200 : i32
      %add3A_202 = arith.constant 6 : i32
      %add3A_203 = arith.addi %mul3A_201, %add3A_202 : i32
      %dma_wait3A_204 = arith.constant 0 : i32
      %dma_wait3A_205 = tpu.memref_slice %arg7[%add3A_203, %dma_wait3A_204] : memref<80x128xi32, #tpu.memory_space<vmem>> -> memref<1x128xi32, #tpu.memory_space<vmem>>
      %dma_wait3A_206 = tpu.memref_squeeze %dma_wait3A_205 : memref<1x128xi32, #tpu.memory_space<vmem>> -> memref<128xi32, #tpu.memory_space<vmem>>
      %dma_wait3A_207 = arith.constant 0 : i32
      %dma_wait3A_208 = arith.constant 0 : i32
      %dma_wait3A_209 = tpu.memref_slice %arg9[%dma_wait3A_207, %dma_wait3A_208] : memref<10112x16xf32, #tpu.memory_space<vmem_shared>> -> memref<10112x16xf32, #tpu.memory_space<vmem_shared>>
      tpu.wait_indirect_dma semaphore(%arg16 : memref<!tpu.dma_semaphore, #tpu.memory_space<semaphore_mem>>) src(%arg8 : memref<128x16xf32, #tpu.memory_space<vmem>>) dst(%dma_wait3A_209 : memref<10112x16xf32, #tpu.memory_space<vmem_shared>>)
      %mul3A_210 = arith.constant 8 : i32
      %mul3A_211 = arith.muli %scan3A_74, %mul3A_210 : i32
      %add3A_212 = arith.constant 6 : i32
      %add3A_213 = arith.addi %mul3A_211, %add3A_212 : i32
      %add3A_214 = arith.constant 8 : i32
      %add3A_215 = arith.addi %add3A_213, %add3A_214 : i32
      %lt3A_216 = arith.constant 80 : i32
      %lt3A_217 = arith.cmpi slt, %add3A_215, %lt3A_216 : i32
      %convert_element_type3A_218 = arith.extui %lt3A_217 : i1 to i32
      %cond3A_219 = arith.constant 0 : i32
      %cond3A_220 = arith.cmpi ne, %convert_element_type3A_218, %cond3A_219 : i32
      scf.if %cond3A_220 {
        %mul3A_242 = arith.constant 8 : i32
        %mul3A_243 = arith.muli %scan3A_74, %mul3A_242 : i32
        %add3A_244 = arith.constant 6 : i32
        %add3A_245 = arith.addi %mul3A_243, %add3A_244 : i32
        %add3A_246 = arith.constant 8 : i32
        %add3A_247 = arith.addi %add3A_245, %add3A_246 : i32
        %dma_start3A_248 = arith.constant 0 : i32
        %dma_start3A_249 = tpu.memref_slice %arg7[%add3A_247, %dma_start3A_248] : memref<80x128xi32, #tpu.memory_space<vmem>> -> memref<1x128xi32, #tpu.memory_space<vmem>>
        %dma_start3A_250 = tpu.memref_squeeze %dma_start3A_249 : memref<1x128xi32, #tpu.memory_space<vmem>> -> memref<128xi32, #tpu.memory_space<vmem>>
        %dma_start3A_251 = arith.constant 0 : i32
        %dma_start3A_252 = arith.constant 0 : i32
        %dma_start3A_253 = tpu.memref_slice %arg9[%dma_start3A_251, %dma_start3A_252] : memref<10112x16xf32, #tpu.memory_space<vmem_shared>> -> memref<10112x16xf32, #tpu.memory_space<vmem_shared>>
        tpu.enqueue_indirect_dma source(%arg8 : memref<128x16xf32, #tpu.memory_space<vmem>>) target(%dma_start3A_253 : memref<10112x16xf32, #tpu.memory_space<vmem_shared>>) offsets(%dma_start3A_250 : memref<128xi32, #tpu.memory_space<vmem>>) semaphore(%arg16 : memref<!tpu.dma_semaphore, #tpu.memory_space<semaphore_mem>>) {add = true}
      } else {
      }
      %mul3A_221 = arith.constant 8 : i32
      %mul3A_222 = arith.muli %scan3A_74, %mul3A_221 : i32
      %add3A_223 = arith.constant 7 : i32
      %add3A_224 = arith.addi %mul3A_222, %add3A_223 : i32
      %dma_wait3A_225 = arith.constant 0 : i32
      %dma_wait3A_226 = tpu.memref_slice %arg7[%add3A_224, %dma_wait3A_225] : memref<80x128xi32, #tpu.memory_space<vmem>> -> memref<1x128xi32, #tpu.memory_space<vmem>>
      %dma_wait3A_227 = tpu.memref_squeeze %dma_wait3A_226 : memref<1x128xi32, #tpu.memory_space<vmem>> -> memref<128xi32, #tpu.memory_space<vmem>>
      %dma_wait3A_228 = arith.constant 0 : i32
      %dma_wait3A_229 = arith.constant 0 : i32
      %dma_wait3A_230 = tpu.memref_slice %arg9[%dma_wait3A_228, %dma_wait3A_229] : memref<10112x16xf32, #tpu.memory_space<vmem_shared>> -> memref<10112x16xf32, #tpu.memory_space<vmem_shared>>
      tpu.wait_indirect_dma semaphore(%arg17 : memref<!tpu.dma_semaphore, #tpu.memory_space<semaphore_mem>>) src(%arg8 : memref<128x16xf32, #tpu.memory_space<vmem>>) dst(%dma_wait3A_230 : memref<10112x16xf32, #tpu.memory_space<vmem_shared>>)
      %mul3A_231 = arith.constant 8 : i32
      %mul3A_232 = arith.muli %scan3A_74, %mul3A_231 : i32
      %add3A_233 = arith.constant 7 : i32
      %add3A_234 = arith.addi %mul3A_232, %add3A_233 : i32
      %add3A_235 = arith.constant 8 : i32
      %add3A_236 = arith.addi %add3A_234, %add3A_235 : i32
      %lt3A_237 = arith.constant 80 : i32
      %lt3A_238 = arith.cmpi slt, %add3A_236, %lt3A_237 : i32
      %convert_element_type3A_239 = arith.extui %lt3A_238 : i1 to i32
      %cond3A_240 = arith.constant 0 : i32
      %cond3A_241 = arith.cmpi ne, %convert_element_type3A_239, %cond3A_240 : i32
      scf.if %cond3A_241 {
        %mul3A_242 = arith.constant 8 : i32
        %mul3A_243 = arith.muli %scan3A_74, %mul3A_242 : i32
        %add3A_244 = arith.constant 7 : i32
        %add3A_245 = arith.addi %mul3A_243, %add3A_244 : i32
        %add3A_246 = arith.constant 8 : i32
        %add3A_247 = arith.addi %add3A_245, %add3A_246 : i32
        %dma_start3A_248 = arith.constant 0 : i32
        %dma_start3A_249 = tpu.memref_slice %arg7[%add3A_247, %dma_start3A_248] : memref<80x128xi32, #tpu.memory_space<vmem>> -> memref<1x128xi32, #tpu.memory_space<vmem>>
        %dma_start3A_250 = tpu.memref_squeeze %dma_start3A_249 : memref<1x128xi32, #tpu.memory_space<vmem>> -> memref<128xi32, #tpu.memory_space<vmem>>
        %dma_start3A_251 = arith.constant 0 : i32
        %dma_start3A_252 = arith.constant 0 : i32
        %dma_start3A_253 = tpu.memref_slice %arg9[%dma_start3A_251, %dma_start3A_252] : memref<10112x16xf32, #tpu.memory_space<vmem_shared>> -> memref<10112x16xf32, #tpu.memory_space<vmem_shared>>
        tpu.enqueue_indirect_dma source(%arg8 : memref<128x16xf32, #tpu.memory_space<vmem>>) target(%dma_start3A_253 : memref<10112x16xf32, #tpu.memory_space<vmem_shared>>) offsets(%dma_start3A_250 : memref<128xi32, #tpu.memory_space<vmem>>) semaphore(%arg17 : memref<!tpu.dma_semaphore, #tpu.memory_space<semaphore_mem>>) {add = true}
      } else {
      }
    }
    %scan3A_68 = arith.constant 10 : i32
    %barrier3A_69 = arith.constant 0 : index
    tpu.barrier barrier_id(%barrier3A_69)
    %mul3A_70 = arith.constant 632 : i32
    %mul3A_71 = arith.muli %arg1, %mul3A_70 : i32
    %mul3A_72 = arith.constant 632 : i32
    %mul3A_73 = arith.muli %arg1, %mul3A_72 : i32
    "tpu.region"() ({
      %run_scoped3A = tpu.sem_alloc : memref<!tpu.dma_semaphore, #tpu.memory_space<semaphore_mem>>
      %dma_start3A_74 = arith.constant 0 : i32
      %dma_start3A_75 = tpu.memref_slice %arg5[%arg0, %mul3A_73, %dma_start3A_74] : memref<2x10112x16xf32, #tpu.memory_space<hbm>> -> memref<1x632x16xf32, #tpu.memory_space<hbm>>
      %dma_start3A_76 = tpu.memref_squeeze %dma_start3A_75 : memref<1x632x16xf32, #tpu.memory_space<hbm>> -> memref<632x16xf32, #tpu.memory_space<hbm>>
      %dma_start3A_77 = arith.constant 0 : i32
      %dma_start3A_78 = tpu.memref_slice %arg9[%mul3A_71, %dma_start3A_77] : memref<10112x16xf32, #tpu.memory_space<vmem_shared>> -> memref<632x16xf32, #tpu.memory_space<vmem_shared>>
      tpu.enqueue_dma source(%dma_start3A_78 : memref<632x16xf32, #tpu.memory_space<vmem_shared>>) target(%dma_start3A_76 : memref<632x16xf32, #tpu.memory_space<hbm>>) target_semaphore(%run_scoped3A : memref<!tpu.dma_semaphore, #tpu.memory_space<semaphore_mem>>)
      %dma_wait3A = arith.constant 0 : i32
      %dma_wait3A_79 = tpu.memref_slice %arg5[%arg0, %mul3A_73, %dma_wait3A] : memref<2x10112x16xf32, #tpu.memory_space<hbm>> -> memref<1x632x16xf32, #tpu.memory_space<hbm>>
      %dma_wait3A_80 = tpu.memref_squeeze %dma_wait3A_79 : memref<1x632x16xf32, #tpu.memory_space<hbm>> -> memref<632x16xf32, #tpu.memory_space<hbm>>
      %dma_wait3A_81 = arith.constant 0 : i32
      %dma_wait3A_82 = tpu.memref_slice %arg9[%mul3A_71, %dma_wait3A_81] : memref<10112x16xf32, #tpu.memory_space<vmem_shared>> -> memref<632x16xf32, #tpu.memory_space<vmem_shared>>
      tpu.wait_dma2 semaphore(%run_scoped3A : memref<!tpu.dma_semaphore, #tpu.memory_space<semaphore_mem>>) src(%dma_wait3A_82 : memref<632x16xf32, #tpu.memory_space<vmem_shared>>) dst(%dma_wait3A_80 : memref<632x16xf32, #tpu.memory_space<hbm>>)
      tpu.yield
    }) : () -> ()
    return
  }
}

module attributes {stable_mosaic.version = 14 : i64} {
  func.func @body(%arg0: memref<10000x128xf32, #tpu.memory_space<vmem>>, %arg1: memref<128x16xf32, #tpu.memory_space<vmem>>, %arg2: memref<10112x16xf32, #tpu.memory_space<vmem>>) attributes {dimension_semantics = [], scalar_prefetch = 0 : i64, scratch_operands = 0 : i64, tpu.core_type = #tpu.core_type<tc>} {
    %get3A = arith.constant 0 : index
    %get3A_0 = arith.constant 0 : index
    %get3A_1 = vector.load %arg0[%get3A, %get3A_0] : memref<10000x128xf32, #tpu.memory_space<vmem>>, vector<10000x128xf32>
    %get3A_2 = arith.constant 0 : index
    %get3A_3 = arith.constant 0 : index
    %get3A_4 = vector.load %arg1[%get3A_2, %get3A_3] : memref<128x16xf32, #tpu.memory_space<vmem>>, vector<128x16xf32>
    %dot_general3A = arith.constant dense<0.000000e+00> : vector<10000x16xf32>
    %dot_general3A_5 = tpu.matmul %get3A_1, %get3A_4, %dot_general3A {dimension_numbers = #tpu.dot_dimension_numbers<[1], [0], [0], [1], [0, 0, 1, 1], [], []>, transpose_lhs_hint = false} : vector<10000x128xf32>, vector<128x16xf32>, vector<10000x16xf32> -> vector<10000x16xf32>
    %jit3A = arith.constant 0 : i32
    %convert_element_type3A = arith.sitofp %jit3A : i32 to f32
    %pad3A = vector.broadcast %convert_element_type3A : f32 to vector<112x16xf32>
    %pad3A_6 = tpu.concatenate %dot_general3A_5, %pad3A in 0 : vector<10000x16xf32>, vector<112x16xf32> -> vector<10112x16xf32>
    %swap3A = arith.constant 0 : index
    %swap3A_7 = arith.constant 0 : index
    %swap3A_8 = vector.load %arg2[%swap3A, %swap3A_7] : memref<10112x16xf32, #tpu.memory_space<vmem>>, vector<10112x16xf32>
    tpu.vector_store %arg2[%swap3A, %swap3A_7], %pad3A_6 {strides = array<i32>} : memref<10112x16xf32, #tpu.memory_space<vmem>>, vector<10112x16xf32>,
    return
  }
}

module attributes {stable_mosaic.version = 14 : i64} {
  func.func @body(%arg0: memref<2x10112x16xf32, #tpu.memory_space<vmem>>, %arg1: memref<10112x16xf32, #tpu.memory_space<vmem>>, %arg2: memref<10112x16xf32, #tpu.memory_space<vmem>>, %arg3: memref<16x40xf32, #tpu.memory_space<vmem>>, %arg4: memref<1x40xf32, #tpu.memory_space<vmem>>, %arg5: memref<10000x40xf32, #tpu.memory_space<vmem>>) attributes {dimension_semantics = [], scalar_prefetch = 0 : i64, scratch_operands = 0 : i64, tpu.core_type = #tpu.core_type<tc>} {
    %get3A = arith.constant 0 : index
    %get3A_0 = arith.constant 0 : index
    %get3A_1 = vector.load %arg2[%get3A, %get3A_0] : memref<10112x16xf32, #tpu.memory_space<vmem>>, vector<10000x1xf32>
    %get3A_2 = arith.constant 0 : index
    %get3A_3 = arith.constant 0 : index
    %get3A_4 = arith.constant 0 : index
    %get3A_5 = vector.load %arg0[%get3A_2, %get3A_3, %get3A_4] : memref<2x10112x16xf32, #tpu.memory_space<vmem>>, vector<1x10000x16xf32>
    %get3A_6 = vector.shape_cast %get3A_5 : vector<1x10000x16xf32> to vector<10000x16xf32>
    %get3A_7 = arith.constant 1 : index
    %get3A_8 = arith.constant 0 : index
    %get3A_9 = arith.constant 0 : index
    %get3A_10 = vector.load %arg0[%get3A_7, %get3A_8, %get3A_9] : memref<2x10112x16xf32, #tpu.memory_space<vmem>>, vector<1x10000x16xf32>
    %get3A_11 = vector.shape_cast %get3A_10 : vector<1x10000x16xf32> to vector<10000x16xf32>
    %add3A = arith.addf %get3A_6, %get3A_11 : vector<10000x16xf32>
    %mul3A = vector.broadcast %get3A_1 : vector<10000x1xf32> to vector<10000x16xf32>
    %mul3A_12 = arith.mulf %mul3A, %add3A : vector<10000x16xf32>
    %mul3A_13 = arith.mulf %get3A_1, %get3A_1 : vector<10000x1xf32>
    %get3A_14 = arith.constant 0 : index
    %get3A_15 = arith.constant 0 : index
    %get3A_16 = vector.load %arg1[%get3A_14, %get3A_15] : memref<10112x16xf32, #tpu.memory_space<vmem>>, vector<10000x16xf32>
    %mul3A_17 = vector.broadcast %mul3A_13 : vector<10000x1xf32> to vector<10000x16xf32>
    %mul3A_18 = arith.mulf %mul3A_17, %get3A_16 : vector<10000x16xf32>
    %add3A_19 = arith.addf %mul3A_12, %mul3A_18 : vector<10000x16xf32>
    %get3A_20 = arith.constant 0 : index
    %get3A_21 = arith.constant 0 : index
    %get3A_22 = vector.load %arg3[%get3A_20, %get3A_21] : memref<16x40xf32, #tpu.memory_space<vmem>>, vector<16x40xf32>
    %dot_general3A = arith.constant dense<0.000000e+00> : vector<10000x40xf32>
    %dot_general3A_23 = tpu.matmul %add3A_19, %get3A_22, %dot_general3A {dimension_numbers = #tpu.dot_dimension_numbers<[1], [0], [0], [1], [0, 0, 1, 1], [], []>, transpose_lhs_hint = false} : vector<10000x16xf32>, vector<16x40xf32>, vector<10000x40xf32> -> vector<10000x40xf32>
    %get3A_24 = arith.constant 0 : index
    %get3A_25 = arith.constant 0 : index
    %get3A_26 = vector.load %arg4[%get3A_24, %get3A_25] : memref<1x40xf32, #tpu.memory_space<vmem>>, vector<1x40xf32>
    %add3A_27 = vector.broadcast %get3A_26 : vector<1x40xf32> to vector<10000x40xf32>
    %add3A_28 = arith.addf %dot_general3A_23, %add3A_27 : vector<10000x40xf32>
    %swap3A = arith.constant 0 : index
    %swap3A_29 = arith.constant 0 : index
    %swap3A_30 = vector.load %arg5[%swap3A, %swap3A_29] : memref<10000x40xf32, #tpu.memory_space<vmem>>, vector<10000x40xf32>
    tpu.vector_store %arg5[%swap3A, %swap3A_29], %add3A_28 {strides = array<i32>} : memref<10000x40xf32, #tpu.memory_space<vmem>>, vector<10000x40xf32>,
    return
  }
}

</mosaic_0001>

<sc_bundles>
// kernel: kernel.10.cloned.1.call-start
scs
__scs_entry_jumppad:
0x0: {  	(pc) =	sbr.rel $0x88, $3  }
0x1: {  	(tag) =	ssettag $0x0;
	lr =	simm.s32 $0x1  }
0x2: {  	[smem:$0x3F9B] =	sst lr;
	_ =	strace $0xD0000000  }
0x3: {  	_ = 	snop  }
0x4: {  	_ = 	snop  }
0x5: {  	_ = 	snop  }
0x6: {  	_ = 	snop  }
0x7: {  	_ = 	snop  }
__scs_overlays_trampoline_lowered:
0x8: {  	[smem:$0x3FAA] =	sst s0  }
0x9: {  	[smem:$0x3FAB] =	sst s1  }
0xa: {  	[smem:$0x3FAC] =	sst s2  }
0xb: {  	[smem:$0x3FAD] =	sst s3  }
0xc: {  	[smem:$0x3FAE] =	sst s4  }
0xd: {  	[smem:$0x3FAF] =	sst s5  }
0xe: {  	[smem:$0x3FB0] =	sst s6  }
0xf: {  	[smem:$0x3FB1] =	sst s7  }
0x10: {  	[smem:$0x3FB2] =	sst s8  }
0x11: {  	[smem:$0x3FB3] =	sst s9;
	s0 =	simm.s32 @!p0 $0x0  }
0x12: {  	s1 =	sld [smem:$0x3F99];
	s0 =	simm.s32 @p0 $0x1  }
0x13: {  	[smem:$0x3FB4] =	sst s0;
	s0 =	simm.s32 @!p1 $0x0  }
0x14: {  	s2 =	sld [smem:$0x3F98];
	s0 =	simm.s32 @p1 $0x1  }
0x15: {  	[smem:$0x3FB5] =	sst s0;
	s0 =	simm.s32 @!p2 $0x0  }
0x16: {  	s3 =	sld [smem:$0x3FDB];
	s0 =	simm.s32 @p2 $0x1  }
0x17: {  	s4 =	simm.s32 $0x1BF5;
	[smem:$0x3FB7] =	sst s0  }
0x18: {  	s0 =	sld [smem:$0x3F9A];
	_ =	swait.ge [sflag:s4], $0x0  }
0x19: {  	s7 =	sld [smem:$0x3F9B]  }
0x1a: {  	s8 =	sadd.s32 $0xFFFFE003, lr  }
0x1b: {  	s9 =	sadd.s32 $0xFFFFFEF7, lr;
	s5 =	simm.s32 $0xFFFFFFFF;
	p2 =	slt.u32 s8, $0xFFFFF086  }
0x1c: {  	p1 =	slt.u32 s9, $0xF7A;
	s5 =	simm.s32 @!p2 $0x0  }
0x1d: {  	s5 =	simm.s32 @p1 $0x1;
	p0 =	seq.s32 s7, s2  }
0x1e: {  	s7 =	smul.u32 @!p0 $0xF7A, s2;
	p2 =	seq.s32 @!p0 s5, $0x0  }
0x1f: {  	s9 =	smul.u32 $0xF7A, s1;
	s8 =	simm.s32 @!p0 $0x1BF5;
	p2 =	por !p2, p0  }
0x20: {  	[sflag:s8] =	ssyncset.s32 @!p0 $0xFFFFF086;
	s6 =	sadd.s32 @!p0 s3, s7;
	s7 =	simm.s32 @!p0 $0x108  }
0x21: {  	s3 =	sadd.s32 s3, s9;
	s6 =	sadd.s32 @!p0 $0x88, s6;
	s7 =	simm.s32 @p2 $0x1082  }
0x22: {  	[simem:s7], [sflag:s8] =	dma.local @!p0 [hbm:s6], $0xF7A  }
0x23: {  	s9 =	sor.u32 $0xD0000000, s2;
	s6 =	simm.s32 $0x108;
	_ =	swait.ge @!p0 [sflag:s8], $0x0  }
0x24: {  	s3 =	sadd.s32 $0x88, s3;
	s6 =	simm.s32 @!p1 $0x1082;
	[sflag:s4] =	ssyncset.s32 $0xFFFFF086  }
0x25: {  	[simem:s6], [sflag:s4] =	dma.local [hbm:s3], $0xF7A  }
0x26: {  	[smem:$0x3F9B] =	sst s1;
	(tag) =	ssettag s2;
	_ =	strace s9  }
0x27: {  	s1 =	sld [smem:$0x3FAB]  }
0x28: {  	s2 =	sld [smem:$0x3FAC]  }
0x29: {  	s4 =	sld [smem:$0x3FAE]  }
0x2a: {  	p0 =	seq.s32 s5, $0x0;
	s5 =	sld [smem:$0x3FAF]  }
0x2b: {  	s6 =	sld [smem:$0x3FB0]  }
0x2c: {  	s7 =	sld [smem:$0x3FB1]  }
0x2d: {  	s3 =	simm.s32 $0x108;
	s8 =	sld [smem:$0x3FB2]  }
0x2e: {  	s3 =	simm.s32 @!p0 $0x1082;
	s9 =	sld [smem:$0x3FB3]  }
0x2f: {  	lr =	sadd.s32 s0, s3;
	s0 =	sld [smem:$0x3FAA]  }
0x30: {  	s3 =	sld [smem:$0x3FAD]  }
0x31: {  	[smem:$0x3FB6] =	sst s10  }
0x32: {  	s10 =	sld [smem:$0x3FB4];
	_ =	sdelay $0x3  }
0x33: {  	p0 =	seq.s32 s10, $0x1;
	s10 =	sld [smem:$0x3FB6];
	_ =	sdelay $0x3  }
0x34: {  	[smem:$0x3FB6] =	sst s10  }
0x35: {  	s10 =	sld [smem:$0x3FB5];
	_ =	sdelay $0x3  }
0x36: {  	p1 =	seq.s32 s10, $0x1;
	s10 =	sld [smem:$0x3FB6];
	_ =	sdelay $0x3  }
0x37: {  	[smem:$0x3FB6] =	sst s10  }
0x38: {  	s10 =	sld [smem:$0x3FB7]  }
0x39: {  	_ = 	snop;
	(pc) =	sbr.ind lr, $3  }
0x3a: {  	_ = 	snop  }
0x3b: {  	_ = 	snop  }
0x3c: {  	p2 =	seq.s32 s10, $0x1;
	s10 =	sld [smem:$0x3FB6]  }
0x3d: {  	_ =	shalt  }
0x3e: {  	_ =	shalt  }
0x3f: {  	_ =	shalt  }
0x40: {  	_ =	shalt  }
0x41: {  	_ =	shalt  }
0x42: {  	_ =	shalt  }
0x43: {  	_ =	shalt  }
0x44: {  	_ =	shalt  }
0x45: {  	_ =	shalt  }
0x46: {  	_ =	shalt  }
0x47: {  	_ =	shalt  }
0x48: {  	_ =	shalt  }
0x49: {  	_ =	shalt  }
0x4a: {  	_ =	shalt  }
0x4b: {  	_ =	shalt  }
0x4c: {  	_ =	shalt  }
0x4d: {  	_ =	shalt  }
0x4e: {  	_ =	shalt  }
0x4f: {  	_ =	shalt  }
0x50: {  	_ =	shalt  }
0x51: {  	_ =	shalt  }
0x52: {  	_ =	shalt  }
0x53: {  	_ =	shalt  }
0x54: {  	_ =	shalt  }
0x55: {  	_ =	shalt  }
0x56: {  	_ =	shalt  }
0x57: {  	_ =	shalt  }
0x58: {  	_ =	shalt  }
0x59: {  	_ =	shalt  }
0x5a: {  	_ =	shalt  }
0x5b: {  	_ =	shalt  }
0x5c: {  	_ =	shalt  }
0x5d: {  	_ =	shalt  }
0x5e: {  	_ =	shalt  }
0x5f: {  	_ =	shalt  }
0x60: {  	_ =	shalt  }
0x61: {  	_ =	shalt  }
0x62: {  	_ =	shalt  }
0x63: {  	_ =	shalt  }
0x64: {  	_ =	shalt  }
0x65: {  	_ =	shalt  }
0x66: {  	_ =	shalt  }
0x67: {  	_ =	shalt  }
0x68: {  	_ =	shalt  }
0x69: {  	_ =	shalt  }
0x6a: {  	_ =	shalt  }
0x6b: {  	_ =	shalt  }
0x6c: {  	_ =	shalt  }
0x6d: {  	_ =	shalt  }
0x6e: {  	_ =	shalt  }
0x6f: {  	_ =	shalt  }
0x70: {  	_ =	shalt  }
0x71: {  	_ =	shalt  }
0x72: {  	_ =	shalt  }
0x73: {  	_ =	shalt  }
0x74: {  	_ =	shalt  }
0x75: {  	_ =	shalt  }
0x76: {  	_ =	shalt  }
0x77: {  	_ =	shalt  }
0x78: {  	_ =	shalt  }
0x79: {  	_ =	shalt  }
0x7a: {  	_ =	shalt  }
0x7b: {  	_ =	shalt  }
0x7c: {  	_ =	shalt  }
0x7d: {  	_ =	shalt  }
0x7e: {  	_ =	shalt  }
0x7f: {  	_ =	shalt  }
0x80: {  	_ =	shalt  }
0x81: {  	_ =	shalt  }
0x82: {  	_ =	shalt  }
0x83: {  	_ =	shalt  }
0x84: {  	_ =	shalt  }
0x85: {  	_ =	shalt  }
0x86: {  	_ =	shalt  }
0x87: {  	_ =	shalt  }
.Lfunc_end0:
.L_simem_size_0:
called_computation.1_lowered:
.L_overlay_start_0:
0x88: {  	s2 =	sld [smem:$0x3FD9]  }
0x89: {  	s3 =	sld [smem:$0x3FFE];
	_ =	sdelay $0x1  }
0x8a: {  	s1 =	srdreg.scid  }
0x8b: {  	s0 =	sand.u32 $0x1, s1  }
0x8c: {  	s16 =	sshll.u32 s0, $0xA;
	s2 =	sadd.s32 s3, s2  }
0x8d: {  	s2 =	sadd.s32 s2, s16  }
0x8e: {  	[smem:$0x3FC2] =	sst s2  }
0x8f: {  	_ = 	snop  }
0x90: {  	(tm) =	ssettm $0x1  }
0x91: {  	s17 =	sld [smem:$0x3FFB];
	_ =	sdelay $0x3  }
0x92: {  	_ =	strace s17  }
0x93: {  	s2 =	sld [smem:$0x3FFC];
	_ =	sdelay $0x3  }
0x94: {  	_ =	strace s2  }
0x95: {  	s2 =	sld [smem:$0x3FFD];
	_ =	sdelay $0x3  }
0x96: {  	_ =	strace s2  }
0x97: {  	_ =	strace $0x8FFFFFFF  }
0x98: {  	s18 =	sld [smem:$0x3FDB];
	_ =	sdelay $0x1  }
0x99: {  	s19 =	simm.s32 $_scs_section_size  }
0x9a: {  	s4 =	simm.s32 $_size__tile_overlayer_lowered;
	s5 =	simm.s32 $_tile_overlayer_lowered  }
0x9b: {  	s22 =	simm.s32 $0x1BFF;
	s21 =	sshll.u32 s5, $0x1;
	s2 =	sadd.s32 s19, s18  }
0x9c: {  	s6 =	simm.s32 $0x0;
	s20 =	sshll.u32 s4, $0x1;
	s4 =	sadd.s32 s21, s2  }
0x9d: {  	[timem:s6], [sflag:s22] =	dma.local [hbm:s4], s20  }
0x9e: {  	_ =	swait.ge [sflag:s22], s20  }
0x9f: {  	s3 =	ssub.s32 $0x0, s20;
	[sflag:s22] =	ssyncset.done $0x0  }
0xa0: {  	[sflag:s22] =	ssyncadd.s32 s3;
	_ =	sdelay $0x1  }
0xa1: {  	s23 =	simm.s32 $0x1B8B  }
0xa2: {  	_ =	swait.ge [sflag:s23], $0x1  }
0xa3: {  	[sflag:s23] =	ssyncset.done $0x0  }
0xa4: {  	s25 =	simm.s32 $0x1B8E;
	s24 =	sld [smem:$0x3FFE];
	[sflag:s23] =	ssyncadd.s32 $0xFFFFFFFF  }
0xa5: {  	s26 =	simm.s32 $execute0_lowered;
	[smem:$0x3FD2] =	sst s25  }
0xa6: {  	s4 =	sshll.u32 s26, $0x1;
	_ =	strace $0x80000049;
	[dreg:$0x1] =	wrdreg $0xFFFFFFFF  }
0xa7: {  	s28 =	simm.s32 $_size_execute0_lowered;
	s2 =	sadd.s32 s2, s4;
	[dreg:$0x0] =	wrdreg $0x0  }
0xa8: {  	s4 =	sshll.u32 s28, $0x1;
	[dreg:$0x2] =	wrdreg s2  }
0xa9: {  	[dreg:$0x3] =	wrdreg s4  }
0xaa: {  	[dreg:$0x4] =	wrdreg $0xC0  }
0xab: {  	_ =	task [dreg:s6], $0x5FFFF  }
0xac: {  	[dreg:$0x1] =	wrdreg $0xFFFFFFFF  }
0xad: {  	[dreg:$0x0] =	wrdreg $0x60  }
0xae: {  	[dreg:$0x2] =	wrdreg s24  }
0xaf: {  	[dreg:$0x3] =	wrdreg $0x106800  }
0xb0: {  	[dreg:$0x4] =	wrdreg $0x12E000  }
0xb1: {  	[dreg:$0x5] =	wrdreg $0x9  }
0xb2: {  	_ =	task.clear_ibuf [dreg:s6], $0x6FFFF;
	_ =	strace $0x90000049  }
0xb3: {  	s29 =	simm.s32 $0x9;
	_ =	strace $0x8000004B  }
0xb4: {  	_ =	swait.ge [sflag:s29], $0x1  }
0xb5: {  	[sflag:s29] =	ssyncadd.s32 $0xFFFFFFFF  }
0xb6: {  	_ =	strace $0x9000004B  }
0xb7: {  	_ =	sfence  }
0xb8: {  	s30 =	sld [smem:$0x0];
	_ =	sdelay $0x2  }
0xb9: {  	s31 =	sshll.u32 s1, $0xD;
	s1 =	sshrl.u32 s1, $0x2  }
0xba: {  	s3 =	sand.u32 $0x4000, s31;
	s1 =	sadd.s32 s1, s30  }
0xbb: {  	s0 =	sor.u32 s3, s0;
	s1 =	sshll.u32 s1, $0x11  }
0xbc: {  	s0 =	sor.u32 s1, s0  }
0xbd: {  	s0 =	sadd.s32 $0x8F2B, s0  }
0xbe: {  	[sflag:s0] =	ssyncadd.remote.s32 $0x1  }
0xbf: {  	_ =	sfence.sel $0xFFFF  }
0xc0: {  	[dreg:$0x0] =	wrdreg $0xFFFFFFFF;
	(pc) =	sbr.abs _section_cstart, $3  }
0xc1: {  	[dreg:$0x1] =	wrdreg $0xFFFFFFFF  }
0xc2: {  	_ =	task.clear_ibuf [dreg:s6], $0x2FFFF;
	_ =	strace $0x9FFFFFFF  }
0xc3: {  	(tm) =	ssettm $0x7FFFFFFF  }
tec
execute0_lowered:
.L_overlay_start_1:
0x0: {  	(tag) =	ssettag $0x1  }
0x1: {  	s0 =	rddreg [dreg:$0x0]  }
0x2: {  	s10 =	stileid.u32;
	s2 =	rddreg [dreg:$0x1]  }
0x3: {  	s1 =	srdreg.scid;
	s3 =	rddreg [dreg:$0x2]  }
0x4: {  	s7 =	simm.s32 $0x0;
	s16 =	simm.s32 $0x11;
	s28 =	simm.s32 $0x2  }
0x5: {  	s29 =	simm.s32 $0x6800;
	s30 =	simm.s32 $0x4;
	s31 =	simm.s32 $0x7800  }
0x6: {  	s17 =	simm.s32 $0x8800;
	s1 =	sand.u32 $0x1, s1;
	s4 =	sshll.u32 s10, $0x1  }
0x7: {  	s5 =	smul.u32 $0x2780, s10;
	[smem:$0x7FF] =	sst s7;
	s11 =	sadd.s32 $0x15C00, s0  }
0x8: {  	s20 =	sadd.s32 $0xBD00, s0;
	s26 =	sshll.u32 s10, $0x6;
	s10 =	simm.s32 $0xF  }
0x9: {  	s4 =	sor.u32 s1, s4;
	_ =	strace $0x8000004A;
	[dreg:$0x4] =	wrdreg s11  }
0xa: {  	s8 =	smul.u32 $0x27800, s1;
	s1 =	ssub.s32 $0x2, s1;
	[dreg:$0x7] =	wrdreg s20  }
0xb: {  	s11 =	simm.s32 $0x10;
	s20 =	simm.s32 $0x0;
	s6 =	smul.u32 $0x2800, s4  }
0xc: {  	s18 =	sshrl.u32 s5, $0x3;
	s9 =	sshrl.u32 s1, $0x1;
	s21 =	sadd.s32 s5, s2  }
0xd: {  	p0 =	seq.s32 s4, $0x1F;
	s4 =	simm.s32 $0x7;
	s7 =	sadd.s32 s18, s0  }
0xe: {  	s8 =	sadd.s32 s5, s8;
	s1 =	ssub.s32 s1, s9;
	s5 =	sadd.s32 s5, s3  }
0xf: {  	s18 =	sor.u32 $0x1C11, s26;
	s26 =	simm.s32 $0x5800;
	s6 =	sshrl.u32 s6, $0x3  }
0x10: {  	s8 =	sshrl.u32 s8, $0x3;
	s22 =	sadd.s32 $0x20000, s7;
	[dreg:$0xc] =	wrdreg s5  }
0x11: {  	s23 =	sadd.s32 $0x16200, s7;
	s24 =	sadd.s32 $0x1B100, s7;
	[dreg:$0x9] =	wrdreg s22  }
0x12: {  	s1 =	smax.u32 s1, $0x1;
	s6 =	sadd.s32 s6, s0;
	[dreg:$0xa] =	wrdreg s23  }
0x13: {  	s8 =	sadd.s32 s8, s0;
	s0 =	sadd.s32 $0x15940, s0;
	[dreg:$0xb] =	wrdreg s24  }
0x14: {  	[dreg:$0xe] =	wrdreg s1;
	s23 =	simm.s32 $0x80;
	s24 =	simm.s32 $0x5000  }
.Ltmp0:
0x15: {  	s19 =	sadd.s32 $0x2200, s6;
	[dreg:$0x8] =	wrdreg s0;
	(pc) =	sbr.rel .LBB2_1-.Ltmp0, $4  }
0x16: {  	s1 =	simm.s32 $0x6;
	s6 =	sadd.s32 $0xBE40, s6;
	[dreg:$0x5] =	wrdreg s19  }
0x17: {  	s22 =	simm.s32 $0x9;
	s25 =	sadd.s32 $0x25000, s8;
	[dreg:$0x6] =	wrdreg s6  }
0x18: {  	s8 =	simm.s32 $0x9000;
	s0 =	simm.s32 $0x8000;
	[dreg:$0xd] =	wrdreg s25  }
0x19: {  	v0 =	vimm.s32 $0x0;
	v1 =	vimm.s32 $0x2710;
	s19 =	sshrl.u32 s21, $0x3;
	s25 =	simm.s32 $0x1;
	s21 =	simm.s32 $0x8  }
.LBB2_11:
0x1a: {  	s5 =	simm.s32 $0xA  }
0x1b: {  	_ =	swait.ge [sflag:s5], $0x800  }
0x1c: {  	[sflag:s5] =	ssyncset.done $0x0  }
0x1d: {  	s8 =	simm.s32 $0xB;
	[sflag:s5] =	ssyncadd.s32 $0xFFFFF800  }
0x1e: {  	_ =	swait.ge [sflag:s8], $0x800  }
0x1f: {  	[sflag:s8] =	ssyncset.done $0x0  }
0x20: {  	s9 =	simm.s32 $0xC;
	[sflag:s8] =	ssyncadd.s32 $0xFFFFF800  }
0x21: {  	_ =	swait.ge [sflag:s9], $0x800  }
0x22: {  	[sflag:s9] =	ssyncset.done $0x0  }
0x23: {  	s12 =	simm.s32 $0xD;
	[sflag:s9] =	ssyncadd.s32 $0xFFFFF800  }
0x24: {  	_ =	swait.ge [sflag:s12], $0x800  }
0x25: {  	[sflag:s12] =	ssyncset.done $0x0  }
0x26: {  	s13 =	simm.s32 $0xE;
	[sflag:s12] =	ssyncadd.s32 $0xFFFFF800  }
0x27: {  	_ =	swait.ge [sflag:s13], $0x800  }
0x28: {  	[sflag:s13] =	ssyncset.done $0x0  }
0x29: {  	[sflag:s13] =	ssyncadd.s32 $0xFFFFF800  }
0x2a: {  	_ =	swait.ge [sflag:s10], $0x800  }
0x2b: {  	[sflag:s10] =	ssyncset.done $0x0  }
0x2c: {  	[sflag:s10] =	ssyncadd.s32 $0xFFFFF800  }
0x2d: {  	_ =	swait.ge [sflag:s11], $0x800  }
0x2e: {  	[sflag:s11] =	ssyncset.done $0x0  }
0x2f: {  	[sflag:s11] =	ssyncadd.s32 $0xFFFFF800  }
0x30: {  	[bflag:$0x0] =	sbarrier.arrive $0xFFFF  }
0x31: {  	s14 =	rddreg [dreg:$0xd]  }
0x32: {  	[hbm:s14], [sflag:s18] =	dma.local [spmem:s19], $0x4F0  }
0x33: {  	_ =	swait.ge [sflag:s16], $0x4F0  }
0x34: {  	s20 =	sadd.s32 $0x1, s20;
	s15 =	rddreg [dreg:$0xe]  }
0x35: {  	p1 =	sne.s32 s20, s15  }
.Ltmp1:
0x36: {  	_ = 	snop;
	(pc) =	sbr.rel @!p1 .LBB2_12-.Ltmp1, $3  }
0x37: {  	_ =	sdelay $0x1  }
0x38: {  	[sflag:s16] =	ssyncset.done $0x0  }
0x39: {  	s8 =	simm.s32 $0x9000;
	[sflag:s16] =	ssyncadd.s32 $0xFFFFFB10  }
.LBB2_1:
.Ltmp2:
0x3a: {  	(pc) =	sbr.rel @!p0 .LBB2_2-.Ltmp2, $1  }
0x3b: {  	_ =	sdelay $0x3  }
0x3c: {  	s6 =	simm.s32 $0x0;
	s5 =	rddreg [dreg:$0x7]  }
0x3d: {  	[tilespmem:s6], [sflag:$0x11] =	stream.linear.gather [hbm4b:s5+s6], $0xA00, $0x38;
	[tilespmem:$0x15580] =	vst v63  }
0x3e: {  	_ =	swait.ge [sflag:s16], $0xA00  }
0x3f: {  	[sflag:s16] =	ssyncset.done $0x0  }
0x40: {  	s7 =	simm.s32 $0x2800;
	s15 =	rddreg [dreg:$0x8];
	[sflag:s16] =	ssyncadd.s32 $0xFFFFF600  }
0x41: {  	[tilespmem:s7], [sflag:$0x11] =	stream.linear.gather [hbm4b:s15+s6], $0xA00, $0x38;
	[tilespmem:$0x15580] =	vst v63  }
0x42: {  	_ =	swait.ge [sflag:s16], $0xA00  }
0x43: {  	[sflag:s16] =	ssyncset.done $0x0  }
0x44: {  	s12 =	simm.s32 $0x200;
	s6 =	simm.s32 $0x0;
	[sflag:s16] =	ssyncadd.s32 $0xFFFFF600  }
.LBB2_4:
0x45: {  	p1 =	sne.s32 s12, $0x7600;
	[tilespmem:s6+$0x3270] =	vst v1  }
0x46: {  	[tilespmem:s6+$0xA00] =	vst v0  }
0x47: {  	[tilespmem:s6+$0x3200] =	vst v1  }
0x48: {  	[tilespmem:s6+$0xA10] =	vst v0  }
0x49: {  	[tilespmem:s6+$0x3210] =	vst v1  }
0x4a: {  	[tilespmem:s6+$0xA20] =	vst v0  }
0x4b: {  	[tilespmem:s6+$0x3220] =	vst v1  }
0x4c: {  	[tilespmem:s6+$0xA30] =	vst v0  }
0x4d: {  	[tilespmem:s6+$0x3230] =	vst v1  }
0x4e: {  	[tilespmem:s6+$0xA40] =	vst v0  }
0x4f: {  	[tilespmem:s6+$0x3240] =	vst v1  }
.Ltmp3:
0x50: {  	[tilespmem:s6+$0xA50] =	vst v0;
	(pc) =	sbr.rel @p1 .LBB2_4-.Ltmp3, $4  }
0x51: {  	[tilespmem:s6+$0x3250] =	vst v1  }
0x52: {  	[tilespmem:s6+$0xA60] =	vst v0  }
0x53: {  	[tilespmem:s6+$0x3260] =	vst v1  }
0x54: {  	[tilespmem:s6+$0xA70] =	vst v0;
	s6 =	sshra.s32 s12, $0x2;
	s12 =	sadd.s32 $0x200, s12  }
0x55: {  	[tilespmem:s6+$0x3270] =	vst v1  }
0x56: {  	[tilespmem:s6+$0xA00] =	vst v0  }
0x57: {  	[tilespmem:s6+$0x3200] =	vst v1  }
0x58: {  	[tilespmem:s6+$0xA10] =	vst v0  }
0x59: {  	[tilespmem:s6+$0x3210] =	vst v1  }
0x5a: {  	[tilespmem:s6+$0xA20] =	vst v0  }
0x5b: {  	[tilespmem:s6+$0x3220] =	vst v1  }
0x5c: {  	[tilespmem:s6+$0xA30] =	vst v0  }
0x5d: {  	[tilespmem:s6+$0x3230] =	vst v1  }
0x5e: {  	[tilespmem:s6+$0xA40] =	vst v0  }
0x5f: {  	[tilespmem:s6+$0x3240] =	vst v1  }
.Ltmp4:
0x60: {  	[tilespmem:s6+$0xA50] =	vst v0;
	(pc) =	sbr.rel .LBB2_6-.Ltmp4, $4  }
0x61: {  	[tilespmem:s6+$0x3250] =	vst v1  }
0x62: {  	[tilespmem:s6+$0xA60] =	vst v0  }
0x63: {  	[tilespmem:s6+$0x3260] =	vst v1  }
0x64: {  	[tilespmem:s6+$0xA70] =	vst v0  }
.LBB2_2:
0x65: {  	s5 =	simm.s32 $0x0;
	s6 =	rddreg [dreg:$0x5]  }
0x66: {  	[tilespmem:s5], [sflag:$0x11] =	stream.linear.gather [hbm4b:s6+s5], $0x2800, $0x38;
	[tilespmem:$0x15580] =	vst v63  }
0x67: {  	_ =	swait.ge [sflag:s16], $0x2800  }
0x68: {  	[sflag:s16] =	ssyncset.done $0x0  }
0x69: {  	s7 =	simm.s32 $0x2800;
	s15 =	rddreg [dreg:$0x6];
	[sflag:s16] =	ssyncadd.s32 $0xFFFFD800  }
0x6a: {  	[tilespmem:s7], [sflag:$0x11] =	stream.linear.gather [hbm4b:s15+s5], $0x2800, $0x38;
	[tilespmem:$0x15580] =	vst v63  }
0x6b: {  	_ =	swait.ge [sflag:s16], $0x2800  }
0x6c: {  	[sflag:s16] =	ssyncset.done $0x0  }
0x6d: {  	[sflag:s16] =	ssyncadd.s32 $0xFFFFD800  }
.LBB2_6:
0x6e: {  	s5 =	rddreg [dreg:$0x4]  }
0x6f: {  	[spmem:s19], [sflag:s18] =	dma.local [hbm:s5], $0x4F0  }
0x70: {  	_ =	swait.ge [sflag:s16], $0x4F0  }
0x71: {  	[sflag:s16] =	ssyncset.done $0x0  }
0x72: {  	s6 =	simm.s32 $0x0;
	s12 =	rddreg [dreg:$0x9];
	[sflag:s16] =	ssyncadd.s32 $0xFFFFFB10  }
0x73: {  	[tilespmem:s8], [sflag:$0x11] =	stream.linear.gather [hbm4b:s12+s6], $0x2780, $0x38;
	[tilespmem:$0x15580] =	vst v63  }
0x74: {  	_ =	swait.ge [sflag:s16], $0x2780  }
0x75: {  	[sflag:s16] =	ssyncset.done $0x0  }
0x76: {  	s7 =	simm.s32 $0xB780;
	s13 =	rddreg [dreg:$0xa];
	[sflag:s16] =	ssyncadd.s32 $0xFFFFD880  }
0x77: {  	[tilespmem:s7], [sflag:$0x11] =	stream.linear.gather [hbm4b:s13+s6], $0x2780, $0x38;
	[tilespmem:$0x15580] =	vst v63  }
0x78: {  	_ =	swait.ge [sflag:s16], $0x2780  }
0x79: {  	[sflag:s16] =	ssyncset.done $0x0  }
0x7a: {  	s15 =	simm.s32 $0xDF00;
	s14 =	rddreg [dreg:$0xb];
	[sflag:s16] =	ssyncadd.s32 $0xFFFFD880  }
0x7b: {  	[tilespmem:s15], [sflag:$0x11] =	stream.linear.gather [hbm4b:s14+s6], $0x2780, $0x38;
	[tilespmem:$0x15580] =	vst v63  }
0x7c: {  	_ =	swait.ge [sflag:s16], $0x2780  }
0x7d: {  	[sflag:s16] =	ssyncset.done $0x0  }
0x7e: {  	s14 =	simm.s32 $0x0;
	[sflag:s16] =	ssyncadd.s32 $0xFFFFD880  }
0x7f: {  	v2 =	vld [tilespmem:s14+$0xDF10]  }
0x80: {  	v3 =	vld [tilespmem:s14+$0xDF30]  }
0x81: {  	v4 =	vld [tilespmem:s14+$0xB7B0]  }
0x82: {  	v5 =	vld [tilespmem:s14+$0xDF00]  }
0x83: {  	v6 =	vld [tilespmem:s14+$0xB790]  }
0x84: {  	v7 =	vld [tilespmem:s14+$0xB780]  }
0x85: {  	s12 =	simm.s32 $0x40;
	v8 =	vld [tilespmem:s14+$0xB7A0]  }
0x86: {  	v13 =	vld [tilespmem:s12+$0xDF00]  }
0x87: {  	s13 =	simm.s32 $0x80;
	v15 =	vld [tilespmem:s12+$0xB780]  }
0x88: {  	v23 =	vld [tilespmem:s13+$0xDF30];
	v3 =	vadd.f32 v3, v4  }
0x89: {  	v4 =	vld [tilespmem:s14+$0xDF20];
	v2 =	vadd.f32 v2, v6  }
0x8a: {  	v25 =	vld [tilespmem:s13+$0xB7B0];
	v5 =	vadd.f32 v5, v7;
	v3 =	vadd.f32 $1.000000000e+00, v3  }
0x8b: {  	v2 =	vadd.f32 $1.000000000e+00, v2  }
0x8c: {  	v7 =	vld [tilespmem:s12+$0xB7B0];
	v13 =	vadd.f32 v13, v15;
	v5 =	vadd.f32 $1.000000000e+00, v5;
	v6 =	vshra.s32 v3, $0x1  }
0x8d: {  	v14 =	vmul.f32 $5.000000000e-01, v3;
	v3 =	vld [tilespmem:s12+$0xDF30];
	v10 =	vshra.s32 v2, $0x1;
	v12 =	vmul.f32 $5.000000000e-01, v2  }
0x8e: {  	v6 =	vsub.s32 $0x5F3759DF, v6;
	v2 =	vadd.f32 v4, v8;
	v4 =	vsub.s32 $0x5F3759DF, v10  }
0x8f: {  	v23 =	vadd.f32 v23, v25;
	v9 =	vmul.f32 v6, v14;
	v11 =	vmul.f32 v4, v12  }
0x90: {  	v18 =	vmul.f32 $5.000000000e-01, v5;
	v10 =	vshra.s32 v5, $0x1;
	v2 =	vadd.f32 $1.000000000e+00, v2  }
0x91: {  	v16 =	vld [tilespmem:s12+$0xDF20];
	v10 =	vsub.s32 $0x5F3759DF, v10;
	v9 =	vmul.f32 v6, v9;
	v11 =	vmul.f32 v4, v11  }
0x92: {  	v19 =	vld [tilespmem:s12+$0xB790];
	v3 =	vadd.f32 v3, v7;
	v7 =	vshra.s32 v2, $0x1;
	v5 =	vmul.f32 $5.000000000e-01, v2  }
0x93: {  	v8 =	vld [tilespmem:s12+$0xDF10];
	v17 =	vmul.f32 v10, v18;
	v9 =	vsub.f32 $1.500000000e+00, v9;
	v20 =	vsub.s32 $0x5F3759DF, v7  }
0x94: {  	v7 =	vld [tilespmem:s12+$0xB7A0];
	v2 =	vadd.f32 $1.000000000e+00, v3;
	v3 =	vsub.f32 $1.500000000e+00, v11;
	v11 =	vmul.f32 v20, v5  }
0x95: {  	v13 =	vadd.f32 $1.000000000e+00, v13;
	v6 =	vmul.f32 v6, v9;
	v9 =	vmul.f32 v10, v17  }
0x96: {  	v15 =	vshra.s32 v2, $0x1;
	v2 =	vmul.f32 $5.000000000e-01, v2;
	v17 =	vmul.f32 v4, v3  }
0x97: {  	v3 =	vsub.f32 $1.500000000e+00, v9;
	v4 =	vsub.s32 $0x5F3759DF, v15;
	v9 =	vmul.f32 v20, v11  }
0x98: {  	v8 =	vadd.f32 v8, v19;
	v15 =	vmul.f32 v6, v14;
	v11 =	vmul.f32 v4, v2  }
0x99: {  	v7 =	vadd.f32 v16, v7;
	v24 =	vmul.f32 v17, v12;
	v19 =	vmul.f32 v10, v3  }
0x9a: {  	v10 =	vshra.s32 v13, $0x1;
	v9 =	vsub.f32 $1.500000000e+00, v9;
	v3 =	vmul.f32 v4, v11  }
0x9b: {  	v16 =	vadd.f32 $1.000000000e+00, v7;
	v7 =	vadd.f32 $1.000000000e+00, v8;
	v8 =	vmul.f32 v15, v6  }
0x9c: {  	v15 =	vsub.s32 $0x5F3759DF, v10;
	v24 =	vmul.f32 v24, v17;
	v22 =	vmul.f32 v19, v18  }
0x9d: {  	v20 =	vmul.f32 v20, v9;
	v10 =	vsub.f32 $1.500000000e+00, v3;
	v21 =	vshra.s32 v7, $0x1  }
0x9e: {  	v3 =	vmul.f32 $5.000000000e-01, v7;
	v8 =	vsub.f32 $1.500000000e+00, v8;
	v9 =	vmul.f32 $5.000000000e-01, v16  }
0x9f: {  	v7 =	vmul.f32 v4, v10;
	v10 =	vsub.s32 $0x5F3759DF, v21;
	v4 =	vmul.f32 $5.000000000e-01, v13  }
0xa0: {  	v27 =	vld [tilespmem:s13+$0xB780];
	v11 =	vshra.s32 v16, $0x1;
	v22 =	vmul.f32 v22, v19;
	v13 =	vmul.f32 v10, v3  }
0xa1: {  	v11 =	vsub.s32 $0x5F3759DF, v11;
	v21 =	vld [tilespmem:s13+$0xDF00];
	v29 =	vmul.f32 v8, v6;
	v26 =	vmul.f32 v15, v4  }
0xa2: {  	v23 =	vadd.f32 $1.000000000e+00, v23;
	v16 =	vmul.f32 v11, v9;
	v13 =	vmul.f32 v10, v13  }
0xa3: {  	v8 =	vsub.f32 $1.500000000e+00, v24;
	v24 =	vmul.f32 v20, v5;
	v6 =	vmul.f32 v15, v26  }
0xa4: {  	v30 =	vld [tilespmem:s13+$0xB790];
	v22 =	vsub.f32 $1.500000000e+00, v22;
	v16 =	vmul.f32 v11, v16;
	v13 =	vsub.f32 $1.500000000e+00, v13  }
0xa5: {  	v25 =	vld [tilespmem:s13+$0xDF20];
	v28 =	vmul.f32 v7, v2;
	v14 =	vmul.f32 v29, v14;
	v6 =	vsub.f32 $1.500000000e+00, v6  }
0xa6: {  	v10 =	vmul.f32 v10, v13;
	v13 =	vmul.f32 v8, v17;
	v17 =	vadd.f32 v21, v27;
	v27 =	vld [tilespmem:s13+$0xB7A0]  }
0xa7: {  	v26 =	vld [tilespmem:s13+$0xDF10];
	v14 =	vmul.f32 v14, v29;
	v8 =	vmul.f32 v15, v6  }
0xa8: {  	v6 =	vmul.f32 $5.000000000e-01, v23;
	v15 =	vmul.f32 v22, v19;
	v21 =	vadd.f32 $1.000000000e+00, v17  }
0xa9: {  	v31 =	vmul.f32 v13, v12;
	v12 =	vshra.s32 v23, $0x1;
	v23 =	vmul.f32 v24, v20  }
0xaa: {  	v17 =	vmul.f32 v28, v7;
	v28 =	vsub.s32 $0x5F3759DF, v12;
	v24 =	vshra.s32 v21, $0x1  }
0xab: {  	v19 =	vmul.f32 v28, v6;
	v23 =	vsub.f32 $1.500000000e+00, v23;
	v22 =	vadd.f32 v25, v27  }
0xac: {  	v12 =	vsub.s32 $0x5F3759DF, v24;
	v25 =	vadd.f32 v26, v30;
	v26 =	vmul.f32 v15, v18  }
0xad: {  	v24 =	vmul.f32 v31, v13;
	v19 =	vmul.f32 v28, v19;
	v22 =	vadd.f32 $1.000000000e+00, v22  }
0xae: {  	v30 =	vsub.f32 $1.500000000e+00, v14;
	v27 =	vadd.f32 $1.000000000e+00, v25;
	v25 =	vmul.f32 v8, v4  }
0xaf: {  	v18 =	vsub.f32 $1.500000000e+00, v19;
	v19 =	vmul.f32 v23, v20;
	v20 =	vshra.s32 v22, $0x1  }
0xb0: {  	v23 =	vmul.f32 v26, v15;
	v26 =	vld [tilespmem:s14+$0x9030];
	v14 =	vmul.f32 $5.000000000e-01, v27;
	v20 =	vsub.s32 $0x5F3759DF, v20  }
0xb1: {  	s15 =	simm.s32 $0x300;
	v18 =	vmul.f32 v28, v18;
	v28 =	vshra.s32 v27, $0x1;
	v27 =	vmul.f32 v30, v29  }
.LBB2_7:
0xb2: {  	s6 =	sshra.s32 s15, $0x2;
	p1 =	sne.s32 s15, $0x9D00;
	s15 =	sadd.s32 $0x100, s15;
	v29 =	vmul.f32 $5.000000000e-01, v21;
	v21 =	vsub.s32 $0x5F3759DF, v28;
	v28 =	vld [tilespmem:s14+$0x9010];
	v30 =	vmul.f32 v19, v5;
	v5 =	vmovc v9  }
0xb3: {  	v25 =	vmul.f32 v25, v8;
	v24 =	vsub.f32 $1.500000000e+00, v24;
	v31 =	vld [tilespmem:s6+$0xDF10];
	v9 =	vmul.f32 v21, v14  }
0xb4: {  	v33 =	vmul.f32 v10, v3;
	v16 =	vsub.f32 $1.500000000e+00, v16;
	v32 =	vld [tilespmem:s6+$0xDF00];
	v30 =	vmul.f32 v30, v19  }
0xb5: {  	v25 =	vsub.f32 $1.500000000e+00, v25;
	v34 =	vld [tilespmem:s6+$0xDF30];
	v9 =	vmul.f32 v21, v9;
	v26 =	vmul.f32 v27, v26  }
0xb6: {  	v35 =	vmul.f32 v12, v29;
	v36 =	vmul.f32 v11, v16;
	v16 =	vsub.f32 $1.500000000e+00, v17;
	v11 =	vmovc v20;
	v27 =	vld [tilespmem:s6+$0xDF20]  }
0xb7: {  	v17 =	vld [tilespmem:s6+$0xB7B0];
	v20 =	vsub.f32 $1.500000000e+00, v9;
	v9 =	vmul.f32 $5.000000000e-01, v22;
	v22 =	vmul.f32 v33, v10;
	[tilespmem:s14+$0x9030] =	vst v26  }
0xb8: {  	v33 =	vmul.f32 v16, v7;
	v16 =	vmul.f32 v24, v13;
	v24 =	vsub.f32 $1.500000000e+00, v30;
	v7 =	vmovc v18;
	v26 =	vld [tilespmem:s6+$0xB780]  }
0xb9: {  	v13 =	vmul.f32 v12, v35;
	v30 =	vmul.f32 v36, v5;
	v18 =	vld [tilespmem:s6+$0xB790];
	v22 =	vsub.f32 $1.500000000e+00, v22  }
0xba: {  	v23 =	vsub.f32 $1.500000000e+00, v23;
	v20 =	vmul.f32 v21, v20;
	v21 =	vmul.f32 v11, v9;
	v35 =	vld [tilespmem:s6+$0xB7A0]  }
0xbb: {  	v37 =	vsub.f32 $1.500000000e+00, v13;
	v13 =	vmul.f32 v22, v10;
	v22 =	vmul.f32 v16, v28;
	v28 =	vld [tilespmem:s14+$0x9020]  }
0xbc: {  	v23 =	vmul.f32 v23, v15;
	v16 =	vmul.f32 v11, v21;
	v10 =	vmovc v20;
	v17 =	vadd.f32 v34, v17;
	v34 =	vld [tilespmem:s14+$0x9000]  }
0xbd: {  	v20 =	vmul.f32 v7, v6;
	v15 =	vadd.f32 v32, v26;
	v26 =	vmul.f32 v13, v3;
	[tilespmem:s14+$0x9010] =	vst v22  }
0xbe: {  	v19 =	vmul.f32 v24, v19;
	v12 =	vmul.f32 v12, v37;
	v3 =	vmovc v14;
	v22 =	vadd.f32 $1.000000000e+00, v17  }
0xbf: {  	v17 =	vmul.f32 v20, v7;
	v21 =	vadd.f32 $1.000000000e+00, v15;
	v15 =	vmul.f32 v25, v8  }
0xc0: {  	v8 =	vmovc v12;
	v14 =	vshra.s32 v22, $0x1;
	v20 =	vmul.f32 $5.000000000e-01, v22;
	v22 =	vmul.f32 v30, v36  }
0xc1: {  	v19 =	vmul.f32 v19, v28;
	v12 =	vshra.s32 v21, $0x1;
	v14 =	vsub.s32 $0x5F3759DF, v14  }
0xc2: {  	v23 =	vmul.f32 v23, v34;
	v12 =	vsub.s32 $0x5F3759DF, v12;
	v24 =	vmul.f32 v14, v20  }
0xc3: {  	v25 =	vadd.f32 v27, v35;
	v28 =	vmul.f32 v33, v2;
	v2 =	vmovc v6;
	v27 =	vsub.f32 $1.500000000e+00, v22;
	[tilespmem:s14+$0x9020] =	vst v19  }
0xc4: {  	v18 =	vadd.f32 v31, v18;
	v30 =	vmul.f32 v15, v4;
	v19 =	vmul.f32 v14, v24;
	[tilespmem:s14+$0x9000] =	vst v23;
	s14 =	smov.u32 s12;
	s12 =	smov.u32 s13;
	s13 =	smov.u32 s6  }
.Ltmp5:
0xc5: {  	v4 =	vmovc v29;
	v22 =	vadd.f32 $1.000000000e+00, v25;
	v6 =	vmovc v20;
	v24 =	vmul.f32 v26, v13;
	v23 =	vmul.f32 v28, v33;
	(pc) =	sbr.rel @p1 .LBB2_7-.Ltmp5, $4  }
0xc6: {  	v29 =	vadd.f32 $1.000000000e+00, v18;
	v18 =	vsub.f32 $1.500000000e+00, v19;
	v19 =	vmul.f32 v27, v36  }
0xc7: {  	v25 =	vmul.f32 v8, v4;
	v20 =	vshra.s32 v22, $0x1;
	v27 =	vsub.f32 $1.500000000e+00, v23  }
0xc8: {  	v20 =	vsub.s32 $0x5F3759DF, v20;
	v23 =	vmul.f32 v30, v15;
	v18 =	vmul.f32 v14, v18;
	v26 =	vld [tilespmem:s14+$0x9030]  }
0xc9: {  	v28 =	vshra.s32 v29, $0x1;
	v14 =	vmul.f32 $5.000000000e-01, v29;
	v27 =	vmul.f32 v27, v33  }
0xca: {  	v21 =	vmul.f32 $5.000000000e-01, v21;
	v28 =	vsub.s32 $0x5F3759DF, v28;
	v5 =	vmul.f32 v19, v5  }
0xcb: {  	v25 =	vmul.f32 v25, v8;
	v30 =	vmul.f32 v10, v3;
	v16 =	vsub.f32 $1.500000000e+00, v16  }
0xcc: {  	v24 =	vsub.f32 $1.500000000e+00, v24;
	v22 =	vmul.f32 $5.000000000e-01, v22;
	v41 =	vmul.f32 v18, v6  }
0xcd: {  	v61 =	vld [tilespmem:s14+$0x9010];
	v17 =	vsub.f32 $1.500000000e+00, v17;
	v29 =	vmul.f32 v28, v14;
	v5 =	vmul.f32 v5, v19  }
0xce: {  	v31 =	vld [tilespmem:s14+$0x9000];
	v23 =	vsub.f32 $1.500000000e+00, v23;
	v62 =	vmul.f32 v12, v21;
	v11 =	vmul.f32 v11, v16  }
0xcf: {  	v63 =	vld [tilespmem:s14+$0x9020];
	v30 =	vmul.f32 v30, v10;
	v13 =	vmul.f32 v24, v13  }
0xd0: {  	v7 =	vmul.f32 v17, v7;
	v15 =	vmul.f32 v23, v15;
	v5 =	vsub.f32 $1.500000000e+00, v5  }
0xd1: {  	v35 =	vmul.f32 v20, v22;
	v26 =	vmul.f32 v27, v26  }
0xd2: {  	v13 =	vmul.f32 v13, v61;
	v5 =	vmul.f32 v5, v19  }
0xd3: {  	v27 =	vmul.f32 v11, v9;
	[tilespmem:s14+$0x9030] =	vst v26;
	v32 =	vmul.f32 v15, v31  }
0xd4: {  	v2 =	vmul.f32 v7, v2;
	[tilespmem:s14+$0x9010] =	vst v13;
	v5 =	vmul.f32 v5, v63  }
0xd5: {  	v37 =	vsub.f32 $1.500000000e+00, v25;
	v46 =	vmul.f32 v41, v18;
	v36 =	vmul.f32 v27, v11;
	[tilespmem:s14+$0x9000] =	vst v32  }
0xd6: {  	v29 =	vmul.f32 v28, v29;
	v34 =	vsub.f32 $1.500000000e+00, v30;
	v2 =	vmul.f32 v2, v7;
	[tilespmem:s14+$0x9020] =	vst v5  }
0xd7: {  	v33 =	vmul.f32 v12, v62;
	v43 =	vmul.f32 v37, v8;
	v5 =	vsub.f32 $1.500000000e+00, v36;
	v39 =	vld [tilespmem:s12+$0x9030]  }
0xd8: {  	v40 =	vmul.f32 v20, v35;
	v38 =	vmul.f32 v34, v10;
	v2 =	vsub.f32 $1.500000000e+00, v2  }
0xd9: {  	v29 =	vsub.f32 $1.500000000e+00, v29;
	v4 =	vmul.f32 v43, v4;
	v5 =	vmul.f32 v5, v11  }
0xda: {  	v3 =	vmul.f32 v38, v3;
	v2 =	vmul.f32 v2, v7  }
0xdb: {  	v15 =	vsub.f32 $1.500000000e+00, v33;
	v16 =	vmul.f32 v28, v29;
	v44 =	vmul.f32 v5, v9  }
0xdc: {  	v47 =	vsub.f32 $1.500000000e+00, v40;
	v3 =	vmul.f32 v3, v38;
	v2 =	vmul.f32 v2, v39  }
0xdd: {  	v42 =	vmul.f32 v12, v15;
	v12 =	vsub.f32 $1.500000000e+00, v46;
	v45 =	vld [tilespmem:s12+$0x9010];
	v9 =	vmul.f32 v44, v5  }
0xde: {  	v49 =	vmul.f32 v16, v14;
	v48 =	vld [tilespmem:s12+$0x9020];
	v3 =	vsub.f32 $1.500000000e+00, v3;
	[tilespmem:s12+$0x9030] =	vst v2;
	v2 =	vmul.f32 v4, v43  }
0xdf: {  	v51 =	vmul.f32 v12, v18;
	v53 =	vmul.f32 v42, v21;
	v50 =	vld [tilespmem:s12+$0x9000];
	v9 =	vsub.f32 $1.500000000e+00, v9  }
0xe0: {  	v54 =	vmul.f32 v49, v16;
	v3 =	vmul.f32 v3, v38;
	v2 =	vsub.f32 $1.500000000e+00, v2  }
0xe1: {  	v4 =	vmul.f32 v20, v47;
	v5 =	vmul.f32 v9, v5  }
0xe2: {  	v3 =	vmul.f32 v3, v45;
	v2 =	vmul.f32 v2, v43  }
0xe3: {  	v52 =	vmul.f32 v4, v22;
	v5 =	vmul.f32 v5, v48  }
0xe4: {  	[tilespmem:s12+$0x9010] =	vst v3;
	v3 =	vmul.f32 v51, v6;
	v2 =	vmul.f32 v2, v50  }
0xe5: {  	v56 =	vsub.f32 $1.500000000e+00, v54;
	v55 =	vmul.f32 v52, v4;
	[tilespmem:s12+$0x9020] =	vst v5  }
0xe6: {  	[tilespmem:s12+$0x9000] =	vst v2;
	v2 =	vmul.f32 v3, v51;
	v3 =	vmul.f32 v53, v42  }
0xe7: {  	v6 =	vmul.f32 v56, v16;
	v5 =	vsub.f32 $1.500000000e+00, v55;
	v57 =	vld [tilespmem:s13+$0x9030]  }
0xe8: {  	v2 =	vsub.f32 $1.500000000e+00, v2;
	v3 =	vsub.f32 $1.500000000e+00, v3  }
0xe9: {  	v58 =	vmul.f32 v6, v14;
	v4 =	vmul.f32 v5, v4  }
0xea: {  	v2 =	vmul.f32 v2, v51;
	v3 =	vmul.f32 v3, v42  }
0xeb: {  	v5 =	vmul.f32 v58, v6;
	v59 =	vmul.f32 v4, v22  }
0xec: {  	v2 =	vmul.f32 v2, v57;
	v60 =	vmul.f32 v3, v21  }
0xed: {  	v61 =	vld [tilespmem:s13+$0x9010];
	v7 =	vmul.f32 v59, v4  }
0xee: {  	v62 =	vld [tilespmem:s13+$0x9020];
	v5 =	vsub.f32 $1.500000000e+00, v5;
	[tilespmem:s13+$0x9030] =	vst v2;
	v2 =	vmul.f32 v60, v3  }
0xef: {  	v63 =	vld [tilespmem:s13+$0x9000];
	v7 =	vsub.f32 $1.500000000e+00, v7  }
0xf0: {  	v5 =	vmul.f32 v5, v6;
	v2 =	vsub.f32 $1.500000000e+00, v2  }
0xf1: {  	v4 =	vmul.f32 v7, v4  }
0xf2: {  	v5 =	vmul.f32 v5, v61;
	v2 =	vmul.f32 v2, v3  }
0xf3: {  	v3 =	vmul.f32 v4, v62  }
0xf4: {  	[tilespmem:s13+$0x9010] =	vst v5;
	v2 =	vmul.f32 v2, v63  }
0xf5: {  	[tilespmem:s13+$0x9020] =	vst v3  }
0xf6: {  	s5 =	rddreg [dreg:$0xc];
	[tilespmem:s13+$0x9000] =	vst v2  }
0xf7: {  	[spmem:s5] =	stream.linear.scatter [tilespmem:s8], [sflag:$0x11], $0x2780, $0x38;
	[tilespmem:$0x15580] =	vst v63  }
0xf8: {  	_ =	swait.ge [sflag:s16], $0x2780  }
0xf9: {  	[sflag:s16] =	ssyncset.done $0x0  }
0xfa: {  	[sflag:s16] =	ssyncadd.s32 $0xFFFFD880  }
0xfb: {  	s12 =	simm.s32 $0x0;
	s13 =	simm.s32 $0xFFFFFFF8;
	[bflag:$0x0] =	sbarrier.arrive $0xFFFF  }
0xfc: {  	[tilespmem:s24], [sflag:$0x1] =	stream.indirect.gather [spmem:s3], $0x10, s12, s23, $0xb8;
	[tilespmem:$0x15580] =	vst v63  }
.LBB2_9:
0xfd: {  	_ =	swait.ge [sflag:s25], $0x800  }
0xfe: {  	s14 =	sshra.s32 s12, $0x2;
	[sflag:s25] =	ssyncset.done $0x0  }
0xff: {  	p1 =	seq.s32 s12, $0x0;
	s6 =	sadd.s32 $0x2800, s14;
	[sflag:s25] =	ssyncadd.s32 $0xFFFFF800  }
0x100: {  	[spmem:s2] =	stream.indirect.scatter.add.f32 [tilespmem:s24], [sflag:$0x9], $0x10, s6, s23, $0xb8;
	[tilespmem:$0x15580] =	vst v63  }
0x101: {  	s6 =	simm.s32 @!p1 $0xA  }
0x102: {  	_ =	swait.ge @!p1 [sflag:s6], $0x800  }
0x103: {  	[sflag:s6] =	ssyncset.done @!p1 $0x0  }
0x104: {  	s8 =	sadd.s32 $0x80, s14;
	[sflag:s6] =	ssyncadd.s32 @!p1 $0xFFFFF800  }
0x105: {  	[tilespmem:s26], [sflag:$0x2] =	stream.indirect.gather [spmem:s3], $0x10, s8, s23, $0xb8;
	[tilespmem:$0x15580] =	vst v63  }
0x106: {  	_ =	swait.ge [sflag:s28], $0x800  }
0x107: {  	p2 =	sgt.u32 s13, $0x47;
	[sflag:s28] =	ssyncset.done $0x0  }
0x108: {  	s9 =	sadd.s32 $0x2880, s14;
	s6 =	sshra.s32 @p2 s12, $0x2;
	[sflag:s28] =	ssyncadd.s32 $0xFFFFF800  }
0x109: {  	[spmem:s2] =	stream.indirect.scatter.add.f32 [tilespmem:s26], [sflag:$0xA], $0x10, s9, s23, $0xb8;
	[tilespmem:$0x15580] =	vst v63  }
0x10a: {  	s7 =	simm.s32 @p2 $0x80;
	s15 =	sadd.s32 @p2 $0x100, s6;
	s8 =	simm.s32 @p2 $0x6000  }
0x10b: {  	[tilespmem:s8], [sflag:$0x3] =	stream.indirect.gather @p2 [spmem:s3], $0x10, s15, s7, $0xb8;
	[tilespmem:$0x15580] =	vst v63  }
0x10c: {  	s15 =	simm.s32 @p2 $0x3  }
0x10d: {  	_ =	swait.ge @p2 [sflag:s15], $0x800  }
0x10e: {  	[sflag:s15] =	ssyncset.done @p2 $0x0  }
0x10f: {  	[sflag:s15] =	ssyncadd.s32 @p2 $0xFFFFF800;
	s15 =	sadd.s32 @p2 $0x2900, s6  }
0x110: {  	[spmem:s2] =	stream.indirect.scatter.add.f32 @p2 [tilespmem:s8], [sflag:$0xB], $0x10, s15, s7, $0xb8;
	[tilespmem:$0x15580] =	vst v63  }
0x111: {  	s8 =	simm.s32 @!p2 $0xB  }
0x112: {  	_ =	swait.ge @!p2 [sflag:s8], $0x800  }
0x113: {  	[sflag:s8] =	ssyncset.done @!p2 $0x0  }
0x114: {  	[sflag:s8] =	ssyncadd.s32 @!p2 $0xFFFFF800;
	s8 =	sshra.s32 @!p2 s12, $0x2  }
0x115: {  	s5 =	simm.s32 @!p2 $0x6000;
	s9 =	simm.s32 @!p2 $0x80;
	s15 =	sadd.s32 @!p2 $0x100, s8  }
0x116: {  	[tilespmem:s5], [sflag:$0x3] =	stream.indirect.gather @!p2 [spmem:s3], $0x10, s15, s9, $0xb8;
	[tilespmem:$0x15580] =	vst v63  }
0x117: {  	s15 =	simm.s32 @!p2 $0x3  }
0x118: {  	_ =	swait.ge @!p2 [sflag:s15], $0x800  }
0x119: {  	[sflag:s15] =	ssyncset.done @!p2 $0x0  }
0x11a: {  	[sflag:s15] =	ssyncadd.s32 @!p2 $0xFFFFF800;
	s15 =	sadd.s32 @!p2 $0x2900, s8  }
0x11b: {  	[spmem:s2] =	stream.indirect.scatter.add.f32 @!p2 [tilespmem:s5], [sflag:$0xB], $0x10, s15, s9, $0xb8;
	[tilespmem:$0x15580] =	vst v63  }
0x11c: {  	s5 =	simm.s32 @!p2 $0xC  }
0x11d: {  	_ =	swait.ge @!p2 [sflag:s5], $0x800  }
0x11e: {  	[sflag:s5] =	ssyncset.done @!p2 $0x0  }
0x11f: {  	s15 =	sadd.s32 $0x180, s14;
	[sflag:s5] =	ssyncadd.s32 @!p2 $0xFFFFF800  }
0x120: {  	[tilespmem:s29], [sflag:$0x4] =	stream.indirect.gather [spmem:s3], $0x10, s15, s23, $0xb8;
	[tilespmem:$0x15580] =	vst v63  }
0x121: {  	_ =	swait.ge [sflag:s30], $0x800  }
0x122: {  	[sflag:s30] =	ssyncset.done $0x0  }
0x123: {  	s15 =	sadd.s32 $0x2980, s14;
	[sflag:s30] =	ssyncadd.s32 $0xFFFFF800  }
0x124: {  	[spmem:s2] =	stream.indirect.scatter.add.f32 [tilespmem:s29], [sflag:$0xC], $0x10, s15, s23, $0xb8;
	[tilespmem:$0x15580] =	vst v63  }
0x125: {  	s5 =	sadd.s32 @p2 $0x200, s6;
	s15 =	simm.s32 @p2 $0x7000  }
0x126: {  	[tilespmem:s15], [sflag:$0x5] =	stream.indirect.gather @p2 [spmem:s3], $0x10, s5, s7, $0xb8;
	[tilespmem:$0x15580] =	vst v63  }
0x127: {  	s5 =	simm.s32 @p2 $0x5  }
0x128: {  	_ =	swait.ge @p2 [sflag:s5], $0x800  }
0x129: {  	[sflag:s5] =	ssyncset.done @p2 $0x0  }
0x12a: {  	[sflag:s5] =	ssyncadd.s32 @p2 $0xFFFFF800;
	s5 =	sadd.s32 @p2 $0x2A00, s6  }
0x12b: {  	[spmem:s2] =	stream.indirect.scatter.add.f32 @p2 [tilespmem:s15], [sflag:$0xD], $0x10, s5, s7, $0xb8;
	[tilespmem:$0x15580] =	vst v63  }
0x12c: {  	s5 =	simm.s32 @!p2 $0xD  }
0x12d: {  	_ =	swait.ge @!p2 [sflag:s5], $0x800  }
0x12e: {  	[sflag:s5] =	ssyncset.done @!p2 $0x0  }
0x12f: {  	s6 =	simm.s32 @!p2 $0x7000;
	[sflag:s5] =	ssyncadd.s32 @!p2 $0xFFFFF800;
	s5 =	sadd.s32 @!p2 $0x200, s8  }
0x130: {  	[tilespmem:s6], [sflag:$0x5] =	stream.indirect.gather @!p2 [spmem:s3], $0x10, s5, s9, $0xb8;
	[tilespmem:$0x15580] =	vst v63  }
0x131: {  	s5 =	simm.s32 @!p2 $0x5  }
0x132: {  	_ =	swait.ge @!p2 [sflag:s5], $0x800  }
0x133: {  	[sflag:s5] =	ssyncset.done @!p2 $0x0  }
0x134: {  	[sflag:s5] =	ssyncadd.s32 @!p2 $0xFFFFF800;
	s5 =	sadd.s32 @!p2 $0x2A00, s8  }
0x135: {  	[spmem:s2] =	stream.indirect.scatter.add.f32 @!p2 [tilespmem:s6], [sflag:$0xD], $0x10, s5, s9, $0xb8;
	[tilespmem:$0x15580] =	vst v63  }
0x136: {  	s5 =	simm.s32 @!p2 $0xE  }
0x137: {  	_ =	swait.ge @!p2 [sflag:s5], $0x800  }
0x138: {  	[sflag:s5] =	ssyncset.done @!p2 $0x0  }
0x139: {  	s15 =	sadd.s32 $0x280, s14;
	[sflag:s5] =	ssyncadd.s32 @!p2 $0xFFFFF800  }
0x13a: {  	[tilespmem:s31], [sflag:$0x6] =	stream.indirect.gather [spmem:s3], $0x10, s15, s23, $0xb8;
	[tilespmem:$0x15580] =	vst v63  }
0x13b: {  	_ =	swait.ge [sflag:s1], $0x800  }
0x13c: {  	[sflag:s1] =	ssyncset.done $0x0  }
0x13d: {  	s6 =	sadd.s32 $0x2A80, s14;
	s5 =	simm.s32 @!p2 $0xF;
	[sflag:s1] =	ssyncadd.s32 $0xFFFFF800  }
0x13e: {  	[spmem:s2] =	stream.indirect.scatter.add.f32 [tilespmem:s31], [sflag:$0xE], $0x10, s6, s23, $0xb8;
	[tilespmem:$0x15580] =	vst v63  }
0x13f: {  	_ =	swait.ge @!p2 [sflag:s5], $0x800  }
0x140: {  	[sflag:s5] =	ssyncset.done @!p2 $0x0  }
0x141: {  	s7 =	sadd.s32 $0x300, s14;
	[sflag:s5] =	ssyncadd.s32 @!p2 $0xFFFFF800  }
0x142: {  	[tilespmem:s0], [sflag:$0x7] =	stream.indirect.gather [spmem:s3], $0x10, s7, s23, $0xb8;
	[tilespmem:$0x15580] =	vst v63  }
0x143: {  	_ =	swait.ge [sflag:s4], $0x800  }
0x144: {  	[sflag:s4] =	ssyncset.done $0x0  }
0x145: {  	s8 =	sadd.s32 $0x2B00, s14;
	s5 =	simm.s32 @!p1 $0x10;
	[sflag:s4] =	ssyncadd.s32 $0xFFFFF800  }
0x146: {  	[spmem:s2] =	stream.indirect.scatter.add.f32 [tilespmem:s0], [sflag:$0xF], $0x10, s8, s23, $0xb8;
	[tilespmem:$0x15580] =	vst v63  }
0x147: {  	_ =	swait.ge @!p1 [sflag:s5], $0x800  }
0x148: {  	[sflag:s5] =	ssyncset.done @!p1 $0x0  }
0x149: {  	s9 =	sadd.s32 $0x380, s14;
	[sflag:s5] =	ssyncadd.s32 @!p1 $0xFFFFF800  }
0x14a: {  	[tilespmem:s17], [sflag:$0x8] =	stream.indirect.gather [spmem:s3], $0x10, s9, s23, $0xb8;
	[tilespmem:$0x15580] =	vst v63  }
0x14b: {  	_ =	swait.ge [sflag:s21], $0x800  }
0x14c: {  	p1 =	seq.s32 s12, $0x9000;
	[sflag:s21] =	ssyncset.done $0x0  }
.Ltmp6:
0x14d: {  	s15 =	sadd.s32 $0x2B80, s14;
	[sflag:s21] =	ssyncadd.s32 $0xFFFFF800;
	(pc) =	sbr.rel @p1 .LBB2_11-.Ltmp6, $4  }
0x14e: {  	[spmem:s2] =	stream.indirect.scatter.add.f32 [tilespmem:s17], [sflag:$0x10], $0x10, s15, s23, $0xb8;
	[tilespmem:$0x15580] =	vst v63  }
0x14f: {  	_ =	swait.ge [sflag:s22], $0x800  }
0x150: {  	[sflag:s22] =	ssyncset.done $0x0  }
0x151: {  	[sflag:s22] =	ssyncadd.s32 $0xFFFFF800  }
.Ltmp7:
0x152: {  	(pc) =	sbr.rel .LBB2_9-.Ltmp7, $3  }
0x153: {  	_ =	sdelay $0x1  }
0x154: {  	s5 =	sadd.s32 $0x400, s14;
	s13 =	sadd.s32 $0x8, s13;
	s12 =	sadd.s32 $0x1000, s12  }
0x155: {  	[tilespmem:s24], [sflag:$0x1] =	stream.indirect.gather [spmem:s3], $0x10, s5, s23, $0xb8;
	[tilespmem:$0x15580] =	vst v63  }
.LBB2_12:
0x156: {  	_ =	sfence.sel $0x180000  }
0x157: {  	[bflag:$0x0] =	sbarrier.arrive $0xFFFF  }
0x158: {  	_ =	strace $0x9000004A  }
0x159: {  	s0 =	stileid.u32;
	[bflag:$0x2] =	sbarrier.arrive $0xFFFF  }
0x15a: {  	p0 =	sne.s32 s0, $0x0;
	s0 =	rddreg [dreg:$0x3]  }
0x15b: {  	s0 =	sadd.s32 @!p0 $0x100000, s0  }
0x15c: {  	[sflag:s0] =	ssyncadd.tile.s32 @!p0 $0x1;
	_ =	shalt  }
.Lfunc_end2:
_tile_overlayer_lowered:
.L_overlay_start_2:
0x15d: {  	(tag) =	ssettag $0x2  }
0x15e: {  	s0 =	rddreg [dreg:$0x0];
	s2 =	stileid.u32  }
0x15f: {  	s1 =	rddreg [dreg:$0x1];
	p0 =	sne.s32 s2, $0x0  }
0x160: {  	s3 =	rddreg [dreg:$0x2];
	[bflag:$0x3] =	sbarrier.arrive $0xFFFF;
	s2 =	simm.s32 @!p0 $0x1C11  }
0x161: {  	[timem:s3], [sflag:s2] =	dma.local @!p0 [hbm:s0], s1  }
0x162: {  	s0 =	simm.s32 @!p0 $0x11  }
0x163: {  	_ =	swait.ge @!p0 [sflag:s0], s1  }
0x164: {  	s1 =	ssub.s32 @!p0 $0x0, s1;
	[sflag:s0] =	ssyncset.done @!p0 $0x0  }
0x165: {  	[sflag:s0] =	ssyncadd.s32 @!p0 s1  }
0x166: {  	[bflag:$0x3] =	sbarrier.arrive $0xFFFF  }
0x167: {  	_ =	shalt  }

// kernel: kernel.13.cloned.1.call-start
scs
__scs_entry_jumppad:
0x0: {  	(pc) =	sbr.rel $0x88, $3  }
0x1: {  	(tag) =	ssettag $0x0;
	lr =	simm.s32 $0x1  }
0x2: {  	[smem:$0x3F9B] =	sst lr;
	_ =	strace $0xD0000000  }
0x3: {  	_ = 	snop  }
0x4: {  	_ = 	snop  }
0x5: {  	_ = 	snop  }
0x6: {  	_ = 	snop  }
0x7: {  	_ = 	snop  }
__scs_overlays_trampoline_lowered:
0x8: {  	[smem:$0x3FAA] =	sst s0  }
0x9: {  	[smem:$0x3FAB] =	sst s1  }
0xa: {  	[smem:$0x3FAC] =	sst s2  }
0xb: {  	[smem:$0x3FAD] =	sst s3  }
0xc: {  	[smem:$0x3FAE] =	sst s4  }
0xd: {  	[smem:$0x3FAF] =	sst s5  }
0xe: {  	[smem:$0x3FB0] =	sst s6  }
0xf: {  	[smem:$0x3FB1] =	sst s7  }
0x10: {  	[smem:$0x3FB2] =	sst s8  }
0x11: {  	[smem:$0x3FB3] =	sst s9;
	s0 =	simm.s32 @!p0 $0x0  }
0x12: {  	s1 =	sld [smem:$0x3F99];
	s0 =	simm.s32 @p0 $0x1  }
0x13: {  	[smem:$0x3FB4] =	sst s0;
	s0 =	simm.s32 @!p1 $0x0  }
0x14: {  	s2 =	sld [smem:$0x3F98];
	s0 =	simm.s32 @p1 $0x1  }
0x15: {  	[smem:$0x3FB5] =	sst s0;
	s0 =	simm.s32 @!p2 $0x0  }
0x16: {  	s3 =	sld [smem:$0x3FDB];
	s0 =	simm.s32 @p2 $0x1  }
0x17: {  	s4 =	simm.s32 $0x1BF5;
	[smem:$0x3FB7] =	sst s0  }
0x18: {  	s0 =	sld [smem:$0x3F9A];
	_ =	swait.ge [sflag:s4], $0x0  }
0x19: {  	s7 =	sld [smem:$0x3F9B]  }
0x1a: {  	s8 =	sadd.s32 $0xFFFFE003, lr  }
0x1b: {  	s9 =	sadd.s32 $0xFFFFFEF7, lr;
	s5 =	simm.s32 $0xFFFFFFFF;
	p2 =	slt.u32 s8, $0xFFFFF086  }
0x1c: {  	p1 =	slt.u32 s9, $0xF7A;
	s5 =	simm.s32 @!p2 $0x0  }
0x1d: {  	s5 =	simm.s32 @p1 $0x1;
	p0 =	seq.s32 s7, s2  }
0x1e: {  	s7 =	smul.u32 @!p0 $0xF7A, s2;
	p2 =	seq.s32 @!p0 s5, $0x0  }
0x1f: {  	s9 =	smul.u32 $0xF7A, s1;
	s8 =	simm.s32 @!p0 $0x1BF5;
	p2 =	por !p2, p0  }
0x20: {  	[sflag:s8] =	ssyncset.s32 @!p0 $0xFFFFF086;
	s6 =	sadd.s32 @!p0 s3, s7;
	s7 =	simm.s32 @!p0 $0x108  }
0x21: {  	s3 =	sadd.s32 s3, s9;
	s6 =	sadd.s32 @!p0 $0x88, s6;
	s7 =	simm.s32 @p2 $0x1082  }
0x22: {  	[simem:s7], [sflag:s8] =	dma.local @!p0 [hbm:s6], $0xF7A  }
0x23: {  	s9 =	sor.u32 $0xD0000000, s2;
	s6 =	simm.s32 $0x108;
	_ =	swait.ge @!p0 [sflag:s8], $0x0  }
0x24: {  	s3 =	sadd.s32 $0x88, s3;
	s6 =	simm.s32 @!p1 $0x1082;
	[sflag:s4] =	ssyncset.s32 $0xFFFFF086  }
0x25: {  	[simem:s6], [sflag:s4] =	dma.local [hbm:s3], $0xF7A  }
0x26: {  	[smem:$0x3F9B] =	sst s1;
	(tag) =	ssettag s2;
	_ =	strace s9  }
0x27: {  	s1 =	sld [smem:$0x3FAB]  }
0x28: {  	s2 =	sld [smem:$0x3FAC]  }
0x29: {  	s4 =	sld [smem:$0x3FAE]  }
0x2a: {  	p0 =	seq.s32 s5, $0x0;
	s5 =	sld [smem:$0x3FAF]  }
0x2b: {  	s6 =	sld [smem:$0x3FB0]  }
0x2c: {  	s7 =	sld [smem:$0x3FB1]  }
0x2d: {  	s3 =	simm.s32 $0x108;
	s8 =	sld [smem:$0x3FB2]  }
0x2e: {  	s3 =	simm.s32 @!p0 $0x1082;
	s9 =	sld [smem:$0x3FB3]  }
0x2f: {  	lr =	sadd.s32 s0, s3;
	s0 =	sld [smem:$0x3FAA]  }
0x30: {  	s3 =	sld [smem:$0x3FAD]  }
0x31: {  	[smem:$0x3FB6] =	sst s10  }
0x32: {  	s10 =	sld [smem:$0x3FB4];
	_ =	sdelay $0x3  }
0x33: {  	p0 =	seq.s32 s10, $0x1;
	s10 =	sld [smem:$0x3FB6];
	_ =	sdelay $0x3  }
0x34: {  	[smem:$0x3FB6] =	sst s10  }
0x35: {  	s10 =	sld [smem:$0x3FB5];
	_ =	sdelay $0x3  }
0x36: {  	p1 =	seq.s32 s10, $0x1;
	s10 =	sld [smem:$0x3FB6];
	_ =	sdelay $0x3  }
0x37: {  	[smem:$0x3FB6] =	sst s10  }
0x38: {  	s10 =	sld [smem:$0x3FB7]  }
0x39: {  	_ = 	snop;
	(pc) =	sbr.ind lr, $3  }
0x3a: {  	_ = 	snop  }
0x3b: {  	_ = 	snop  }
0x3c: {  	p2 =	seq.s32 s10, $0x1;
	s10 =	sld [smem:$0x3FB6]  }
0x3d: {  	_ =	shalt  }
0x3e: {  	_ =	shalt  }
0x3f: {  	_ =	shalt  }
0x40: {  	_ =	shalt  }
0x41: {  	_ =	shalt  }
0x42: {  	_ =	shalt  }
0x43: {  	_ =	shalt  }
0x44: {  	_ =	shalt  }
0x45: {  	_ =	shalt  }
0x46: {  	_ =	shalt  }
0x47: {  	_ =	shalt  }
0x48: {  	_ =	shalt  }
0x49: {  	_ =	shalt  }
0x4a: {  	_ =	shalt  }
0x4b: {  	_ =	shalt  }
0x4c: {  	_ =	shalt  }
0x4d: {  	_ =	shalt  }
0x4e: {  	_ =	shalt  }
0x4f: {  	_ =	shalt  }
0x50: {  	_ =	shalt  }
0x51: {  	_ =	shalt  }
0x52: {  	_ =	shalt  }
0x53: {  	_ =	shalt  }
0x54: {  	_ =	shalt  }
0x55: {  	_ =	shalt  }
0x56: {  	_ =	shalt  }
0x57: {  	_ =	shalt  }
0x58: {  	_ =	shalt  }
0x59: {  	_ =	shalt  }
0x5a: {  	_ =	shalt  }
0x5b: {  	_ =	shalt  }
0x5c: {  	_ =	shalt  }
0x5d: {  	_ =	shalt  }
0x5e: {  	_ =	shalt  }
0x5f: {  	_ =	shalt  }
0x60: {  	_ =	shalt  }
0x61: {  	_ =	shalt  }
0x62: {  	_ =	shalt  }
0x63: {  	_ =	shalt  }
0x64: {  	_ =	shalt  }
0x65: {  	_ =	shalt  }
0x66: {  	_ =	shalt  }
0x67: {  	_ =	shalt  }
0x68: {  	_ =	shalt  }
0x69: {  	_ =	shalt  }
0x6a: {  	_ =	shalt  }
0x6b: {  	_ =	shalt  }
0x6c: {  	_ =	shalt  }
0x6d: {  	_ =	shalt  }
0x6e: {  	_ =	shalt  }
0x6f: {  	_ =	shalt  }
0x70: {  	_ =	shalt  }
0x71: {  	_ =	shalt  }
0x72: {  	_ =	shalt  }
0x73: {  	_ =	shalt  }
0x74: {  	_ =	shalt  }
0x75: {  	_ =	shalt  }
0x76: {  	_ =	shalt  }
0x77: {  	_ =	shalt  }
0x78: {  	_ =	shalt  }
0x79: {  	_ =	shalt  }
0x7a: {  	_ =	shalt  }
0x7b: {  	_ =	shalt  }
0x7c: {  	_ =	shalt  }
0x7d: {  	_ =	shalt  }
0x7e: {  	_ =	shalt  }
0x7f: {  	_ =	shalt  }
0x80: {  	_ =	shalt  }
0x81: {  	_ =	shalt  }
0x82: {  	_ =	shalt  }
0x83: {  	_ =	shalt  }
0x84: {  	_ =	shalt  }
0x85: {  	_ =	shalt  }
0x86: {  	_ =	shalt  }
0x87: {  	_ =	shalt  }
.Lfunc_end0:
.L_simem_size_0:
called_computation.2_lowered:
.L_overlay_start_0:
0x88: {  	s2 =	sld [smem:$0x3FD9]  }
0x89: {  	s3 =	sld [smem:$0x3FFE];
	_ =	sdelay $0x1  }
0x8a: {  	s1 =	srdreg.scid  }
0x8b: {  	s0 =	sand.u32 $0x1, s1  }
0x8c: {  	s17 =	sshll.u32 s0, $0xA;
	s2 =	sadd.s32 s3, s2  }
0x8d: {  	s2 =	sadd.s32 s2, s17  }
0x8e: {  	[smem:$0x3FC2] =	sst s2  }
0x8f: {  	_ = 	snop  }
0x90: {  	s2 =	sld [smem:$0x3FC6]  }
0x91: {  	s18 =	sld [smem:$0x3FD0];
	(tm) =	ssettm $0x1  }
0x92: {  	s4 =	sld [smem:$0x3FFB];
	_ =	sdelay $0x3  }
0x93: {  	_ =	strace s4  }
0x94: {  	s4 =	sld [smem:$0x3FFC];
	_ =	sdelay $0x3  }
0x95: {  	_ =	strace s4  }
0x96: {  	s4 =	sld [smem:$0x3FFD];
	_ =	sdelay $0x3  }
0x97: {  	_ =	strace s4  }
0x98: {  	_ =	strace $0x8FFFFFFF  }
0x99: {  	s19 =	sld [smem:$0x3FDB];
	_ =	sdelay $0x1  }
0x9a: {  	s5 =	simm.s32 $_scs_section_size  }
0x9b: {  	s6 =	simm.s32 $_size__tile_overlayer_lowered;
	s7 =	simm.s32 $_tile_overlayer_lowered  }
0x9c: {  	s22 =	simm.s32 $0x1BFF;
	s21 =	sshll.u32 s7, $0x1;
	s4 =	sadd.s32 s5, s19  }
0x9d: {  	s8 =	simm.s32 $0x0;
	s20 =	sshll.u32 s6, $0x1;
	s6 =	sadd.s32 s21, s4  }
0x9e: {  	[timem:s8], [sflag:s22] =	dma.local [hbm:s6], s20  }
0x9f: {  	_ =	swait.ge [sflag:s22], s20  }
0xa0: {  	s5 =	ssub.s32 $0x0, s20;
	[sflag:s22] =	ssyncset.done $0x0  }
0xa1: {  	[sflag:s22] =	ssyncadd.s32 s5;
	_ =	sdelay $0x1  }
0xa2: {  	s23 =	simm.s32 $0x1B8B  }
0xa3: {  	_ =	swait.ge [sflag:s23], $0x1  }
0xa4: {  	[sflag:s23] =	ssyncset.done $0x0  }
0xa5: {  	s25 =	simm.s32 $0x1B8E;
	s24 =	sld [smem:$0x3FFE];
	[sflag:s23] =	ssyncadd.s32 $0xFFFFFFFF  }
0xa6: {  	s26 =	simm.s32 $execute0_lowered;
	[smem:$0x3FD2] =	sst s25  }
0xa7: {  	s6 =	sshll.u32 s26, $0x1;
	_ =	strace $0x8000004C;
	[dreg:$0x1] =	wrdreg $0xFFFFFFFF  }
0xa8: {  	s28 =	simm.s32 $_size_execute0_lowered;
	s4 =	sadd.s32 s4, s6;
	[dreg:$0x0] =	wrdreg $0x0  }
0xa9: {  	s6 =	sshll.u32 s28, $0x1;
	[dreg:$0x2] =	wrdreg s4  }
0xaa: {  	[dreg:$0x3] =	wrdreg s6  }
0xab: {  	[dreg:$0x4] =	wrdreg $0xC0  }
0xac: {  	_ =	task [dreg:s8], $0x5FFFF  }
0xad: {  	[dreg:$0x1] =	wrdreg $0xFFFFFFFF  }
0xae: {  	[dreg:$0x0] =	wrdreg $0x60  }
0xaf: {  	[dreg:$0x2] =	wrdreg s24  }
0xb0: {  	[dreg:$0x3] =	wrdreg s2  }
0xb1: {  	[dreg:$0x4] =	wrdreg s18  }
0xb2: {  	[dreg:$0x5] =	wrdreg $0x155900  }
0xb3: {  	[dreg:$0x6] =	wrdreg $0x17D100  }
0xb4: {  	[dreg:$0x7] =	wrdreg $0x9  }
0xb5: {  	_ =	task.clear_ibuf [dreg:s8], $0x8FFFF;
	_ =	strace $0x9000004C  }
0xb6: {  	s29 =	simm.s32 $0x9;
	_ =	strace $0x8000004E  }
0xb7: {  	_ =	swait.ge [sflag:s29], $0x1  }
0xb8: {  	[sflag:s29] =	ssyncadd.s32 $0xFFFFFFFF  }
0xb9: {  	_ =	strace $0x9000004E  }
0xba: {  	_ =	sfence  }
0xbb: {  	s30 =	sld [smem:$0x0];
	_ =	sdelay $0x2  }
0xbc: {  	s31 =	sshll.u32 s1, $0xD;
	s1 =	sshrl.u32 s1, $0x2  }
0xbd: {  	s3 =	sand.u32 $0x4000, s31;
	s1 =	sadd.s32 s1, s30  }
0xbe: {  	s0 =	sor.u32 s3, s0;
	s1 =	sshll.u32 s1, $0x11  }
0xbf: {  	s0 =	sor.u32 s1, s0  }
0xc0: {  	s0 =	sadd.s32 $0x8F2B, s0  }
0xc1: {  	[sflag:s0] =	ssyncadd.remote.s32 $0x1  }
0xc2: {  	_ =	sfence.sel $0xFFFF  }
0xc3: {  	[dreg:$0x0] =	wrdreg $0xFFFFFFFF;
	(pc) =	sbr.abs _section_cstart, $3  }
0xc4: {  	[dreg:$0x1] =	wrdreg $0xFFFFFFFF  }
0xc5: {  	_ =	task.clear_ibuf [dreg:s8], $0x2FFFF;
	_ =	strace $0x9FFFFFFF  }
0xc6: {  	(tm) =	ssettm $0x7FFFFFFF  }
0xc7: {  	_ =	shalt  }
tec
execute0_lowered:
.L_overlay_start_1:
0x0: {  	(tag) =	ssettag $0x1  }
0x1: {  	s0 =	rddreg [dreg:$0x0]  }
0x2: {  	s1 =	rddreg [dreg:$0x2]  }
0x3: {  	s3 =	rddreg [dreg:$0x3];
	s2 =	srdreg.scid  }
0x4: {  	s8 =	stileid.u32;
	s4 =	rddreg [dreg:$0x4]  }
0x5: {  	s6 =	simm.s32 $0x0;
	s31 =	simm.s32 $0x80;
	s28 =	simm.s32 $0x7  }
0x6: {  	s29 =	simm.s32 $0x8;
	s30 =	simm.s32 $0x9;
	s2 =	sand.u32 $0x1, s2  }
0x7: {  	s5 =	sshll.u32 s8, $0x1;
	[smem:$0x7FF] =	sst s6;
	s7 =	sadd.s32 $0x16200, s0  }
0x8: {  	s8 =	smul.u32 $0x2780, s8;
	s9 =	sadd.s32 $0x25000, s0;
	s16 =	sadd.s32 $0xBD00, s0  }
0x9: {  	s5 =	sor.u32 s2, s5;
	_ =	strace $0x8000004D;
	s10 =	ssub.s32 $0x2, s2  }
0xa: {  	[dreg:$0x9] =	wrdreg s16;
	s18 =	smul.u32 $0x27800, s2;
	p1 =	sne.s32 s2, $0x0  }
0xb: {  	s2 =	simm.s32 $0x5000;
	s13 =	smul.u32 $0x2800, s5;
	s11 =	sshrl.u32 s8, $0x3  }
0xc: {  	s12 =	sshrl.u32 s10, $0x1;
	s17 =	sadd.s32 s8, s3;
	s23 =	sadd.s32 s8, s4  }
0xd: {  	p0 =	seq.s32 s5, $0x1F;
	s5 =	simm.s32 $0x5800;
	s14 =	sadd.s32 s11, s0  }
0xe: {  	s10 =	ssub.s32 s10, s12;
	[dreg:$0xb] =	wrdreg s17;
	s20 =	sadd.s32 s7, s11  }
0xf: {  	s21 =	sadd.s32 $0x4F00, s11;
	s22 =	sadd.s32 s9, s11;
	[dreg:$0x11] =	wrdreg s23  }
0x10: {  	s12 =	simm.s32 $0x9000;
	s23 =	simm.s32 $0x2;
	[dreg:$0xd] =	wrdreg s20  }
0x11: {  	s6 =	sshrl.u32 s13, $0x3;
	s13 =	sadd.s32 $0x15C00, s0;
	[dreg:$0xf] =	wrdreg s22  }
0x12: {  	s19 =	sadd.s32 $0x20000, s14;
	s7 =	sadd.s32 s7, s21;
	[dreg:$0x6] =	wrdreg s13  }
0x13: {  	s24 =	sadd.s32 $0x2EE00, s14;
	s25 =	sadd.s32 $0x33E00, s14;
	[dreg:$0xc] =	wrdreg s19  }
0x14: {  	s26 =	smax.u32 s10, $0x1;
	s22 =	simm.s32 $0x11;
	[dreg:$0xe] =	wrdreg s7  }
0x15: {  	s10 =	simm.s32 $0x8800;
	s14 =	simm.s32 $0xF;
	[dreg:$0x12] =	wrdreg s24  }
0x16: {  	s6 =	sadd.s32 s6, s0;
	s0 =	sadd.s32 $0x15940, s0;
	[dreg:$0x13] =	wrdreg s25  }
0x17: {  	[dreg:$0x15] =	wrdreg s26;
	s7 =	simm.s32 $0x6800;
	s25 =	simm.s32 $0x4  }
0x18: {  	s26 =	simm.s32 $0x6;
	s24 =	simm.s32 $0x10;
	s15 =	sadd.s32 $0x2200, s6  }
.Ltmp0:
0x19: {  	s6 =	sadd.s32 $0xBE40, s6;
	[dreg:$0xa] =	wrdreg s0;
	(pc) =	sbr.rel .LBB2_1-.Ltmp0, $4  }
0x1a: {  	s0 =	sadd.s32 s8, s18;
	s8 =	simm.s32 $0x7800;
	[dreg:$0x7] =	wrdreg s15  }
0x1b: {  	[dreg:$0x8] =	wrdreg s6;
	s6 =	sadd.s32 s9, s21;
	s0 =	sshrl.u32 s0, $0x3  }
0x1c: {  	s9 =	simm.s32 $0x8000;
	[dreg:$0x10] =	wrdreg s6;
	s0 =	sadd.s32 s1, s0  }
0x1d: {  	v0 =	vimm.s32 $0x0;
	v1 =	vimm.s32 $0x2710;
	s15 =	simm.s32 $0x0;
	s1 =	simm.s32 $0x1;
	[dreg:$0x14] =	wrdreg s0  }
.LBB2_11:
0x1e: {  	s0 =	simm.s32 $0xA  }
0x1f: {  	_ =	swait.ge [sflag:s0], $0x800  }
0x20: {  	[sflag:s0] =	ssyncset.done $0x0  }
0x21: {  	s12 =	simm.s32 $0xB;
	[sflag:s0] =	ssyncadd.s32 $0xFFFFF800  }
0x22: {  	_ =	swait.ge [sflag:s12], $0x800  }
0x23: {  	[sflag:s12] =	ssyncset.done $0x0  }
0x24: {  	s13 =	simm.s32 $0xC;
	[sflag:s12] =	ssyncadd.s32 $0xFFFFF800  }
0x25: {  	_ =	swait.ge [sflag:s13], $0x800  }
0x26: {  	[sflag:s13] =	ssyncset.done $0x0  }
0x27: {  	s18 =	simm.s32 $0xD;
	[sflag:s13] =	ssyncadd.s32 $0xFFFFF800  }
0x28: {  	_ =	swait.ge [sflag:s18], $0x800  }
0x29: {  	[sflag:s18] =	ssyncset.done $0x0  }
0x2a: {  	s19 =	simm.s32 $0xE;
	[sflag:s18] =	ssyncadd.s32 $0xFFFFF800  }
0x2b: {  	_ =	swait.ge [sflag:s19], $0x800  }
0x2c: {  	[sflag:s19] =	ssyncset.done $0x0  }
0x2d: {  	[sflag:s19] =	ssyncadd.s32 $0xFFFFF800  }
0x2e: {  	_ =	swait.ge [sflag:s14], $0x800  }
0x2f: {  	[sflag:s14] =	ssyncset.done $0x0  }
0x30: {  	[sflag:s14] =	ssyncadd.s32 $0xFFFFF800  }
0x31: {  	_ =	swait.ge [sflag:s24], $0x800  }
0x32: {  	[sflag:s24] =	ssyncset.done $0x0  }
0x33: {  	[sflag:s24] =	ssyncadd.s32 $0xFFFFF800  }
0x34: {  	[bflag:$0x0] =	sbarrier.arrive $0xFFFF  }
0x35: {  	s20 =	rddreg [dreg:$0x14]  }
0x36: {  	[hbm:s20], [sflag:s16] =	dma.local [spmem:s17], $0x4F0  }
0x37: {  	_ =	swait.ge [sflag:s22], $0x4F0  }
0x38: {  	s15 =	sadd.s32 $0x1, s15;
	s21 =	rddreg [dreg:$0x15]  }
0x39: {  	p2 =	sne.s32 s15, s21  }
.Ltmp1:
0x3a: {  	_ = 	snop;
	(pc) =	sbr.rel @!p2 .LBB2_12-.Ltmp1, $3  }
0x3b: {  	_ =	sdelay $0x1  }
0x3c: {  	[sflag:s22] =	ssyncset.done $0x0  }
0x3d: {  	s12 =	simm.s32 $0x9000;
	[sflag:s22] =	ssyncadd.s32 $0xFFFFFB10  }
.LBB2_1:
.Ltmp2:
0x3e: {  	(pc) =	sbr.rel @!p0 .LBB2_2-.Ltmp2, $1  }
0x3f: {  	_ =	sdelay $0x3  }
0x40: {  	s16 =	simm.s32 $0x0;
	s0 =	rddreg [dreg:$0x9]  }
0x41: {  	[tilespmem:s16], [sflag:$0x11] =	stream.linear.gather [hbm4b:s0+s16], $0xA00, $0x38;
	[tilespmem:$0x1A490] =	vst v63  }
0x42: {  	_ =	swait.ge [sflag:s22], $0xA00  }
0x43: {  	[sflag:s22] =	ssyncset.done $0x0  }
0x44: {  	s6 =	simm.s32 $0x2800;
	s21 =	rddreg [dreg:$0xa];
	[sflag:s22] =	ssyncadd.s32 $0xFFFFF600  }
0x45: {  	[tilespmem:s6], [sflag:$0x11] =	stream.linear.gather [hbm4b:s21+s16], $0xA00, $0x38;
	[tilespmem:$0x1A490] =	vst v63  }
0x46: {  	_ =	swait.ge [sflag:s22], $0xA00  }
0x47: {  	[sflag:s22] =	ssyncset.done $0x0  }
0x48: {  	s17 =	simm.s32 $0x200;
	s16 =	simm.s32 $0x0;
	[sflag:s22] =	ssyncadd.s32 $0xFFFFF600  }
.LBB2_4:
0x49: {  	p2 =	sne.s32 s17, $0x7600;
	[tilespmem:s16+$0x3270] =	vst v1  }
0x4a: {  	[tilespmem:s16+$0xA00] =	vst v0  }
0x4b: {  	[tilespmem:s16+$0x3200] =	vst v1  }
0x4c: {  	[tilespmem:s16+$0xA10] =	vst v0  }
0x4d: {  	[tilespmem:s16+$0x3210] =	vst v1  }
0x4e: {  	[tilespmem:s16+$0xA20] =	vst v0  }
0x4f: {  	[tilespmem:s16+$0x3220] =	vst v1  }
0x50: {  	[tilespmem:s16+$0xA30] =	vst v0  }
0x51: {  	[tilespmem:s16+$0x3230] =	vst v1  }
0x52: {  	[tilespmem:s16+$0xA40] =	vst v0  }
0x53: {  	[tilespmem:s16+$0x3240] =	vst v1  }
.Ltmp3:
0x54: {  	[tilespmem:s16+$0xA50] =	vst v0;
	(pc) =	sbr.rel @p2 .LBB2_4-.Ltmp3, $4  }
0x55: {  	[tilespmem:s16+$0x3250] =	vst v1  }
0x56: {  	[tilespmem:s16+$0xA60] =	vst v0  }
0x57: {  	[tilespmem:s16+$0x3260] =	vst v1  }
0x58: {  	[tilespmem:s16+$0xA70] =	vst v0;
	s16 =	sshra.s32 s17, $0x2;
	s17 =	sadd.s32 $0x200, s17  }
0x59: {  	[tilespmem:s16+$0x3270] =	vst v1  }
0x5a: {  	[tilespmem:s16+$0xA00] =	vst v0  }
0x5b: {  	[tilespmem:s16+$0x3200] =	vst v1  }
0x5c: {  	[tilespmem:s16+$0xA10] =	vst v0  }
0x5d: {  	[tilespmem:s16+$0x3210] =	vst v1  }
0x5e: {  	[tilespmem:s16+$0xA20] =	vst v0  }
0x5f: {  	[tilespmem:s16+$0x3220] =	vst v1  }
0x60: {  	[tilespmem:s16+$0xA30] =	vst v0  }
0x61: {  	[tilespmem:s16+$0x3230] =	vst v1  }
0x62: {  	[tilespmem:s16+$0xA40] =	vst v0  }
0x63: {  	[tilespmem:s16+$0x3240] =	vst v1  }
.Ltmp4:
0x64: {  	[tilespmem:s16+$0xA50] =	vst v0;
	(pc) =	sbr.rel .LBB2_6-.Ltmp4, $4  }
0x65: {  	[tilespmem:s16+$0x3250] =	vst v1  }
0x66: {  	[tilespmem:s16+$0xA60] =	vst v0  }
0x67: {  	[tilespmem:s16+$0x3260] =	vst v1  }
0x68: {  	[tilespmem:s16+$0xA70] =	vst v0  }
.LBB2_2:
0x69: {  	s0 =	simm.s32 $0x0;
	s6 =	rddreg [dreg:$0x7]  }
0x6a: {  	[tilespmem:s0], [sflag:$0x11] =	stream.linear.gather [hbm4b:s6+s0], $0x2800, $0x38;
	[tilespmem:$0x1A490] =	vst v63  }
0x6b: {  	_ =	swait.ge [sflag:s22], $0x2800  }
0x6c: {  	[sflag:s22] =	ssyncset.done $0x0  }
0x6d: {  	s11 =	simm.s32 $0x2800;
	s21 =	rddreg [dreg:$0x8];
	[sflag:s22] =	ssyncadd.s32 $0xFFFFD800  }
0x6e: {  	[tilespmem:s11], [sflag:$0x11] =	stream.linear.gather [hbm4b:s21+s0], $0x2800, $0x38;
	[tilespmem:$0x1A490] =	vst v63  }
0x6f: {  	_ =	swait.ge [sflag:s22], $0x2800  }
0x70: {  	[sflag:s22] =	ssyncset.done $0x0  }
0x71: {  	[sflag:s22] =	ssyncadd.s32 $0xFFFFD800  }
.LBB2_6:
0x72: {  	s0 =	stileid.u32  }
0x73: {  	s6 =	rddreg [dreg:$0xb];
	s16 =	sshll.u32 s0, $0x6  }
0x74: {  	s11 =	rddreg [dreg:$0x6];
	s17 =	sshrl.u32 s6, $0x3;
	s16 =	sor.u32 $0x1C11, s16  }
0x75: {  	[spmem:s17], [sflag:s16] =	dma.local [hbm:s11], $0x4F0  }
0x76: {  	_ =	swait.ge [sflag:s22], $0x4F0  }
0x77: {  	[sflag:s22] =	ssyncset.done $0x0  }
0x78: {  	s18 =	simm.s32 $0x0;
	s13 =	rddreg [dreg:$0xc];
	[sflag:s22] =	ssyncadd.s32 $0xFFFFFB10  }
0x79: {  	[tilespmem:s12], [sflag:$0x11] =	stream.linear.gather [hbm4b:s13+s18], $0x2780, $0x38;
	[tilespmem:$0x1A490] =	vst v63  }
0x7a: {  	_ =	swait.ge [sflag:s22], $0x2780  }
0x7b: {  	[sflag:s22] =	ssyncset.done $0x0  }
0x7c: {  	s6 =	simm.s32 $0xB780;
	s19 =	rddreg [dreg:$0xd];
	[sflag:s22] =	ssyncadd.s32 $0xFFFFD880  }
0x7d: {  	[tilespmem:s6], [sflag:$0x11] =	stream.linear.gather [hbm4b:s19+s18], $0x2780, $0x38;
	[tilespmem:$0x1A490] =	vst v63  }
0x7e: {  	_ =	swait.ge [sflag:s22], $0x2780  }
0x7f: {  	[sflag:s22] =	ssyncset.done $0x0  }
0x80: {  	s21 =	simm.s32 $0xDF00;
	s20 =	rddreg [dreg:$0xe];
	[sflag:s22] =	ssyncadd.s32 $0xFFFFD880  }
0x81: {  	[tilespmem:s21], [sflag:$0x11] =	stream.linear.gather [hbm4b:s20+s18], $0x2780, $0x38;
	[tilespmem:$0x1A490] =	vst v63  }
0x82: {  	_ =	swait.ge [sflag:s22], $0x2780  }
0x83: {  	[sflag:s22] =	ssyncset.done $0x0  }
0x84: {  	s11 =	simm.s32 $0x10680;
	s6 =	rddreg [dreg:$0xf];
	[sflag:s22] =	ssyncadd.s32 $0xFFFFD880  }
0x85: {  	[tilespmem:s11], [sflag:$0x11] =	stream.linear.gather [hbm4b:s6+s18], $0x2780, $0x38;
	[tilespmem:$0x1A490] =	vst v63  }
0x86: {  	_ =	swait.ge [sflag:s22], $0x2780  }
0x87: {  	[sflag:s22] =	ssyncset.done $0x0  }
0x88: {  	s19 =	simm.s32 $0x12E00;
	s13 =	rddreg [dreg:$0x10];
	[sflag:s22] =	ssyncadd.s32 $0xFFFFD880  }
0x89: {  	[tilespmem:s19], [sflag:$0x11] =	stream.linear.gather [hbm4b:s13+s18], $0x2780, $0x38;
	[tilespmem:$0x1A490] =	vst v63  }
0x8a: {  	_ =	swait.ge [sflag:s22], $0x2780  }
0x8b: {  	[sflag:s22] =	ssyncset.done $0x0  }
0x8c: {  	[sflag:s22] =	ssyncadd.s32 $0xFFFFD880  }
0x8d: {  	s21 =	simm.s32 $0x15580;
	s20 =	rddreg [dreg:$0x1]  }
0x8e: {  	[tilespmem:s21], [sflag:$0x11] =	stream.linear.gather [hbm4b:s20+s18], $0x10, $0x38;
	[tilespmem:$0x1A490] =	vst v63  }
0x8f: {  	_ =	swait.ge [sflag:s22], $0x10  }
0x90: {  	[sflag:s22] =	ssyncset.done $0x0  }
0x91: {  	s18 =	simm.s32 $0x0;
	[sflag:s22] =	ssyncadd.s32 $0xFFFFFFF0  }
0x92: {  	v2 =	vld [tilespmem:s18+$0xDF30]  }
0x93: {  	v3 =	vld [tilespmem:s18+$0xB7B0];
	_ =	sdelay $0x3  }
0x94: {  	v4 =	vld [tilespmem:s18+$0xDF20]  }
0x95: {  	v2 =	vadd.f32 v2, v3;
	v3 =	vld [tilespmem:s18+$0xB7A0];
	_ =	sdelay $0x1  }
0x96: {  	v5 =	vld [tilespmem:s18+$0xDF00];
	v2 =	vadd.f32 $1.000000000e+00, v2  }
0x97: {  	v6 =	vld [tilespmem:s18+$0xB780]  }
0x98: {  	v7 =	vshra.s32 v2, $0x1;
	v8 =	vmul.f32 $5.000000000e-01, v2  }
0x99: {  	v2 =	vsub.s32 $0x5F3759DF, v7;
	v3 =	vadd.f32 v4, v3  }
0x9a: {  	v4 =	vmul.f32 v2, v8  }
0x9b: {  	v3 =	vadd.f32 $1.000000000e+00, v3  }
0x9c: {  	v5 =	vadd.f32 v5, v6;
	v6 =	vld [tilespmem:s18+$0xDF10];
	v4 =	vmul.f32 v2, v4  }
0x9d: {  	v7 =	vld [tilespmem:s18+$0xB790];
	v9 =	vshra.s32 v3, $0x1;
	v3 =	vmul.f32 $5.000000000e-01, v3  }
0x9e: {  	v5 =	vadd.f32 $1.000000000e+00, v5;
	v4 =	vsub.f32 $1.500000000e+00, v4;
	v9 =	vsub.s32 $0x5F3759DF, v9  }
0x9f: {  	v10 =	vmul.f32 v9, v3  }
0xa0: {  	v11 =	vmul.f32 $5.000000000e-01, v5;
	v4 =	vmul.f32 v2, v4;
	v2 =	vshra.s32 v5, $0x1  }
0xa1: {  	v5 =	vsub.s32 $0x5F3759DF, v2;
	v2 =	vmul.f32 v9, v10  }
0xa2: {  	v6 =	vadd.f32 v6, v7;
	v10 =	vmul.f32 v4, v8;
	v12 =	vmul.f32 v5, v11  }
0xa3: {  	v2 =	vsub.f32 $1.500000000e+00, v2  }
0xa4: {  	v6 =	vadd.f32 $1.000000000e+00, v6;
	v7 =	vmul.f32 v10, v4;
	v10 =	vmul.f32 v5, v12  }
0xa5: {  	v9 =	vmul.f32 v9, v2  }
0xa6: {  	v12 =	vshra.s32 v6, $0x1;
	v7 =	vsub.f32 $1.500000000e+00, v7;
	v10 =	vsub.f32 $1.500000000e+00, v10  }
0xa7: {  	v13 =	vmul.f32 $5.000000000e-01, v6;
	v6 =	vsub.s32 $0x5F3759DF, v12;
	v12 =	vmul.f32 v9, v3  }
0xa8: {  	v4 =	vmul.f32 v7, v4;
	v7 =	vmul.f32 v5, v10  }
0xa9: {  	v5 =	vmul.f32 v6, v13;
	v10 =	vmul.f32 v12, v9  }
0xaa: {  	v15 =	vld [tilespmem:s18+$0x12E00];
	v8 =	vmul.f32 v4, v8;
	v14 =	vmul.f32 v7, v11  }
0xab: {  	v16 =	vld [tilespmem:s18+$0x106B0];
	v5 =	vmul.f32 v6, v5;
	v10 =	vsub.f32 $1.500000000e+00, v10  }
0xac: {  	v17 =	vld [tilespmem:s18+$0x12E20];
	v8 =	vmul.f32 v8, v4;
	v14 =	vmul.f32 v14, v7  }
0xad: {  	v18 =	vld [tilespmem:s18+$0x9030];
	v5 =	vsub.f32 $1.500000000e+00, v5;
	v9 =	vmul.f32 v10, v9  }
0xae: {  	v12 =	vld [tilespmem:s18+$0x12E30];
	v8 =	vsub.f32 $1.500000000e+00, v8;
	v10 =	vsub.f32 $1.500000000e+00, v14  }
0xaf: {  	v19 =	vld [tilespmem:s18+$0x106A0];
	v14 =	vmul.f32 v6, v5;
	v3 =	vmul.f32 v9, v3  }
0xb0: {  	v20 =	vld [tilespmem:s18+$0x10680];
	v5 =	vmul.f32 v8, v4;
	v4 =	vmul.f32 v10, v7  }
0xb1: {  	v21 =	vld [tilespmem:s18+$0x9020];
	v7 =	vmul.f32 v14, v13  }
0xb2: {  	v2 =	vld [tilespmem:$0x15580];
	v3 =	vmul.f32 v3, v9;
	v8 =	vmul.f32 v4, v11  }
0xb3: {  	s19 =	simm.s32 $0x40;
	v6 =	vld [tilespmem:s18+$0x9000];
	v10 =	vadd.f32 v12, v16;
	[tilespmem:s18+$0xB7B0] =	vst v5;
	v11 =	vmul.f32 v7, v14;
	v12 =	vmul.f32 v5, v5  }
0xb4: {  	v22 =	vld [tilespmem:s19+$0xDF30];
	v3 =	vsub.f32 $1.500000000e+00, v3;
	v16 =	vmul.f32 v8, v4  }
0xb5: {  	v23 =	vmul.f32 v5, v10;
	v7 =	vld [tilespmem:s19+$0xDF20];
	v10 =	vsub.f32 $1.500000000e+00, v11;
	v11 =	vmul.f32 v12, v18  }
0xb6: {  	v24 =	vld [tilespmem:s19+$0xB7B0];
	v3 =	vmul.f32 v3, v9;
	v12 =	vsub.f32 $1.500000000e+00, v16  }
0xb7: {  	v8 =	vld [tilespmem:s19+$0xDF00];
	v10 =	vmul.f32 v10, v14;
	v14 =	vadd.f32 v17, v19;
	v16 =	vadd.f32 v11, v23  }
0xb8: {  	v9 =	vld [tilespmem:s18+$0x12E10];
	v17 =	vmul.f32 v3, v3;
	v4 =	vmul.f32 v12, v4  }
0xb9: {  	v11 =	vld [tilespmem:s18+$0x10690];
	[tilespmem:s18+$0xB7A0] =	vst v3;
	v18 =	vmul.f32 v10, v13;
	v14 =	vmul.f32 v3, v14;
	v23 =	vadd.f32 v16, v2  }
0xba: {  	v12 =	vld [tilespmem:s19+$0xB7A0];
	v16 =	vadd.f32 v15, v20;
	v17 =	vmul.f32 v17, v21;
	v15 =	vmul.f32 v4, v4;
	[tilespmem:s18+$0xB780] =	vst v4  }
0xbb: {  	s20 =	simm.s32 $0x200;
	v19 =	vadd.f32 v22, v24;
	v20 =	vmul.f32 v18, v10;
	v18 =	vmax.f32 v23, $0.0e+00;
	v13 =	vld [tilespmem:s19+$0xB780]  }
.LBB2_7:
0xbc: {  	p2 =	sne.s32 s20, $0x9D00;
	v16 =	vmul.f32 v4, v16;
	v6 =	vmul.f32 v15, v6;
	v14 =	vadd.f32 v17, v14;
	[tilespmem:s18+$0x106B0] =	vst v18;
	s21 =	smov.u32 s20;
	s20 =	sadd.s32 $0x100, s20  }
0xbd: {  	v5 =	vmul.f32 v18, v5;
	v15 =	vadd.f32 $1.000000000e+00, v19;
	v17 =	vsub.f32 $1.500000000e+00, v20  }
0xbe: {  	v6 =	vadd.f32 v6, v16;
	v14 =	vadd.f32 v14, v2  }
0xbf: {  	v16 =	vshra.s32 v15, $0x1;
	v15 =	vmul.f32 $5.000000000e-01, v15;
	v10 =	vmul.f32 v17, v10;
	v17 =	vld [tilespmem:s18+$0x9010]  }
0xc0: {  	v9 =	vadd.f32 v9, v11;
	v7 =	vadd.f32 v7, v12;
	v12 =	vsub.s32 $0x5F3759DF, v16;
	[tilespmem:s18+$0x9030] =	vst v5  }
0xc1: {  	v5 =	vadd.f32 v8, v13;
	v6 =	vadd.f32 v6, v2;
	v8 =	vmul.f32 v12, v15;
	[tilespmem:s18+$0xB790] =	vst v10  }
0xc2: {  	v7 =	vadd.f32 $1.000000000e+00, v7;
	v9 =	vmul.f32 v10, v9;
	v13 =	vmul.f32 v10, v10;
	v11 =	vld [tilespmem:s19+$0xDF10]  }
0xc3: {  	v14 =	vmax.f32 v14, $0.0e+00;
	v5 =	vadd.f32 $1.000000000e+00, v5;
	v16 =	vld [tilespmem:s19+$0xB790];
	v8 =	vmul.f32 v12, v8  }
0xc4: {  	v18 =	vshra.s32 v7, $0x1;
	v7 =	vmul.f32 $5.000000000e-01, v7;
	v13 =	vmul.f32 v13, v17;
	[tilespmem:s18+$0x106A0] =	vst v14  }
0xc5: {  	v17 =	vshra.s32 v5, $0x1;
	v18 =	vsub.s32 $0x5F3759DF, v18;
	v8 =	vsub.f32 $1.500000000e+00, v8  }
0xc6: {  	v19 =	vmul.f32 $5.000000000e-01, v5;
	v5 =	vmul.f32 v18, v7;
	v9 =	vadd.f32 v13, v9  }
0xc7: {  	v6 =	vmax.f32 v6, $0.0e+00;
	v13 =	vsub.s32 $0x5F3759DF, v17;
	v8 =	vmul.f32 v12, v8  }
0xc8: {  	v12 =	vmul.f32 v13, v19;
	v5 =	vmul.f32 v18, v5;
	v11 =	vadd.f32 v11, v16;
	[tilespmem:s18+$0x10680] =	vst v6  }
0xc9: {  	v4 =	vmul.f32 v6, v4;
	v6 =	vadd.f32 v9, v2;
	v16 =	vmul.f32 v8, v15  }
0xca: {  	v9 =	vmul.f32 v13, v12;
	v5 =	vsub.f32 $1.500000000e+00, v5;
	v11 =	vadd.f32 $1.000000000e+00, v11  }
0xcb: {  	v3 =	vmul.f32 v14, v3;
	v12 =	vmul.f32 v16, v8;
	[tilespmem:s18+$0x9000] =	vst v4;
	v4 =	vmax.f32 v6, $0.0e+00  }
0xcc: {  	v6 =	vsub.f32 $1.500000000e+00, v9;
	v5 =	vmul.f32 v18, v5;
	[tilespmem:s18+$0x10690] =	vst v4;
	v4 =	vmul.f32 v4, v10  }
0xcd: {  	v9 =	vshra.s32 v11, $0x1;
	v11 =	vmul.f32 $5.000000000e-01, v11;
	v10 =	vsub.f32 $1.500000000e+00, v12;
	[tilespmem:s18+$0x9020] =	vst v3  }
0xce: {  	v3 =	vmul.f32 v13, v6;
	v6 =	vsub.s32 $0x5F3759DF, v9;
	v9 =	vmul.f32 v5, v7;
	[tilespmem:s18+$0x9010] =	vst v4;
	s18 =	smov.u32 s19  }
0xcf: {  	v4 =	vmul.f32 v6, v11;
	v8 =	vmul.f32 v10, v8  }
0xd0: {  	v10 =	vmul.f32 v3, v19;
	v9 =	vmul.f32 v9, v5  }
0xd1: {  	v4 =	vmul.f32 v6, v4;
	v13 =	vld [tilespmem:s18+$0x12E00];
	v12 =	vmul.f32 v8, v15  }
0xd2: {  	v10 =	vmul.f32 v10, v3;
	v9 =	vsub.f32 $1.500000000e+00, v9;
	v14 =	vld [tilespmem:s18+$0x12E30]  }
0xd3: {  	v4 =	vsub.f32 $1.500000000e+00, v4;
	v12 =	vmul.f32 v12, v8;
	v15 =	vld [tilespmem:s18+$0x106B0]  }
0xd4: {  	v10 =	vsub.f32 $1.500000000e+00, v10;
	v9 =	vmul.f32 v9, v5;
	v16 =	vld [tilespmem:s18+$0x12E20]  }
0xd5: {  	v4 =	vmul.f32 v6, v4;
	v5 =	vsub.f32 $1.500000000e+00, v12;
	v12 =	vld [tilespmem:s18+$0x9030]  }
0xd6: {  	v17 =	vmul.f32 v10, v3;
	v3 =	vmul.f32 v9, v7;
	v18 =	vld [tilespmem:s18+$0x106A0]  }
0xd7: {  	v7 =	vmul.f32 v4, v11;
	v20 =	vld [tilespmem:s18+$0x10680];
	v5 =	vmul.f32 v5, v8  }
0xd8: {  	v8 =	vmul.f32 v17, v19;
	v3 =	vmul.f32 v3, v9;
	v6 =	vld [tilespmem:s18+$0x9000];
	v10 =	vadd.f32 v14, v15  }
0xd9: {  	s19 =	sshra.s32 s21, $0x2;
	v14 =	vmul.f32 v7, v4;
	v19 =	vld [tilespmem:s18+$0x9020];
	v15 =	vmul.f32 v5, v5;
	[tilespmem:s18+$0xB7B0] =	vst v5  }
0xda: {  	v8 =	vmul.f32 v8, v17;
	v3 =	vsub.f32 $1.500000000e+00, v3;
	v21 =	vld [tilespmem:s19+$0xDF30];
	v22 =	vmul.f32 v5, v10  }
0xdb: {  	v10 =	vsub.f32 $1.500000000e+00, v14;
	v7 =	vld [tilespmem:s19+$0xDF20];
	v12 =	vmul.f32 v15, v12  }
0xdc: {  	v14 =	vsub.f32 $1.500000000e+00, v8;
	v3 =	vmul.f32 v3, v9;
	v23 =	vld [tilespmem:s19+$0xB7B0]  }
.Ltmp5:
0xdd: {  	v15 =	vadd.f32 v16, v18;
	v10 =	vmul.f32 v10, v4;
	v8 =	vld [tilespmem:s19+$0xDF00];
	v12 =	vadd.f32 v12, v22;
	(pc) =	sbr.rel @p2 .LBB2_7-.Ltmp5, $4  }
0xde: {  	v4 =	vmul.f32 v14, v17;
	v17 =	vmul.f32 v3, v3;
	v9 =	vld [tilespmem:s18+$0x12E10];
	[tilespmem:s18+$0xB7A0] =	vst v3  }
0xdf: {  	v14 =	vmul.f32 v3, v15;
	v18 =	vmul.f32 v10, v11;
	v11 =	vld [tilespmem:s18+$0x10690];
	v22 =	vadd.f32 v12, v2  }
0xe0: {  	v16 =	vadd.f32 v13, v20;
	v15 =	vmul.f32 v4, v4;
	v17 =	vmul.f32 v17, v19;
	v12 =	vld [tilespmem:s19+$0xB7A0];
	[tilespmem:s18+$0xB780] =	vst v4  }
0xe1: {  	v20 =	vmul.f32 v18, v10;
	v13 =	vld [tilespmem:s19+$0xB780];
	v19 =	vadd.f32 v21, v23;
	v18 =	vmax.f32 v22, $0.0e+00  }
0xe2: {  	_ = 	snop  }
0xe3: {  	v20 =	vsub.f32 $1.500000000e+00, v20  }
0xe4: {  	v5 =	vmul.f32 v18, v5  }
0xe5: {  	[tilespmem:s18+$0x106B0] =	vst v18;
	v19 =	vadd.f32 $1.000000000e+00, v19;
	v10 =	vmul.f32 v20, v10  }
0xe6: {  	v16 =	vmul.f32 v4, v16;
	v6 =	vmul.f32 v15, v6;
	v14 =	vadd.f32 v17, v14;
	[tilespmem:s18+$0x9030] =	vst v5  }
0xe7: {  	v59 =	vld [tilespmem:s18+$0x9010];
	v9 =	vadd.f32 v9, v11;
	v57 =	vshra.s32 v19, $0x1;
	v58 =	vmul.f32 $5.000000000e-01, v19;
	[tilespmem:s18+$0xB790] =	vst v10  }
0xe8: {  	v6 =	vadd.f32 v6, v16;
	v7 =	vadd.f32 v7, v12;
	v60 =	vsub.s32 $0x5F3759DF, v57;
	v63 =	vld [tilespmem:s19+$0xDF10]  }
0xe9: {  	v61 =	vadd.f32 v14, v2;
	v8 =	vadd.f32 v8, v13;
	v62 =	vmul.f32 v60, v58;
	v22 =	vld [tilespmem:s19+$0xB790]  }
0xea: {  	v6 =	vadd.f32 v6, v2;
	v7 =	vadd.f32 $1.000000000e+00, v7;
	v21 =	vmul.f32 v10, v10  }
0xeb: {  	v9 =	vmul.f32 v10, v9;
	v8 =	vadd.f32 $1.000000000e+00, v8;
	v5 =	vmul.f32 v60, v62  }
0xec: {  	v23 =	vshra.s32 v7, $0x1;
	v7 =	vmul.f32 $5.000000000e-01, v7;
	v14 =	vmul.f32 v21, v59  }
0xed: {  	v24 =	vshra.s32 v8, $0x1;
	v16 =	vsub.s32 $0x5F3759DF, v23;
	v8 =	vmul.f32 $5.000000000e-01, v8  }
0xee: {  	v5 =	vsub.f32 $1.500000000e+00, v5;
	v18 =	vsub.s32 $0x5F3759DF, v24;
	v13 =	vadd.f32 v63, v22  }
0xef: {  	v11 =	vmax.f32 v61, $0.0e+00;
	v25 =	vmul.f32 v16, v7;
	v26 =	vmul.f32 v18, v8  }
0xf0: {  	v3 =	vmul.f32 v11, v3;
	v5 =	vmul.f32 v60, v5;
	v13 =	vadd.f32 $1.000000000e+00, v13  }
0xf1: {  	v9 =	vadd.f32 v14, v9;
	v27 =	vmul.f32 v16, v25;
	v12 =	vmul.f32 v18, v26  }
0xf2: {  	v28 =	vmul.f32 v5, v58;
	v30 =	vshra.s32 v13, $0x1;
	v13 =	vmul.f32 $5.000000000e-01, v13  }
0xf3: {  	v14 =	vsub.f32 $1.500000000e+00, v27;
	v12 =	vsub.f32 $1.500000000e+00, v12;
	v32 =	vsub.s32 $0x5F3759DF, v30  }
0xf4: {  	v6 =	vmax.f32 v6, $0.0e+00;
	v15 =	vmul.f32 v28, v5;
	v34 =	vmul.f32 v32, v13  }
0xf5: {  	[tilespmem:s18+$0x106A0] =	vst v11;
	v9 =	vadd.f32 v9, v2;
	v14 =	vmul.f32 v16, v14;
	v33 =	vmul.f32 v18, v12  }
0xf6: {  	v29 =	vmul.f32 v6, v4;
	[tilespmem:s18+$0x10680] =	vst v6;
	v31 =	vsub.f32 $1.500000000e+00, v15;
	v37 =	vmul.f32 v32, v34  }
0xf7: {  	[tilespmem:s18+$0x9020] =	vst v3;
	v9 =	vmax.f32 v9, $0.0e+00;
	v35 =	vmul.f32 v14, v7;
	v36 =	vmul.f32 v33, v8  }
0xf8: {  	[tilespmem:s18+$0x9000] =	vst v29;
	v10 =	vmul.f32 v9, v10;
	v5 =	vmul.f32 v31, v5;
	v39 =	vsub.f32 $1.500000000e+00, v37  }
0xf9: {  	[tilespmem:s18+$0x10690] =	vst v9;
	v3 =	vmul.f32 v35, v14;
	v9 =	vmul.f32 v36, v33  }
0xfa: {  	[tilespmem:s18+$0x9010] =	vst v10;
	v38 =	vmul.f32 v5, v58;
	v10 =	vmul.f32 v32, v39  }
0xfb: {  	v40 =	vld [tilespmem:s19+$0x12E30];
	v3 =	vsub.f32 $1.500000000e+00, v3  }
0xfc: {  	v41 =	vld [tilespmem:s19+$0x106B0];
	v9 =	vsub.f32 $1.500000000e+00, v9;
	v4 =	vmul.f32 v38, v5;
	v43 =	vmul.f32 v10, v13  }
0xfd: {  	v3 =	vmul.f32 v3, v14  }
0xfe: {  	v6 =	vmul.f32 v9, v33;
	v4 =	vsub.f32 $1.500000000e+00, v4;
	v9 =	vmul.f32 v43, v10  }
0xff: {  	v42 =	vld [tilespmem:s19+$0x9030];
	v7 =	vmul.f32 v3, v7  }
0x100: {  	v44 =	vld [tilespmem:s19+$0x12E00];
	v4 =	vmul.f32 v4, v5;
	v9 =	vsub.f32 $1.500000000e+00, v9  }
0x101: {  	v45 =	vld [tilespmem:s19+$0x12E20];
	v11 =	vadd.f32 v40, v41;
	v8 =	vmul.f32 v6, v8;
	v7 =	vmul.f32 v7, v3  }
0x102: {  	v46 =	vld [tilespmem:s19+$0x106A0];
	v47 =	vmul.f32 v4, v4;
	v9 =	vmul.f32 v9, v10  }
0x103: {  	v48 =	vld [tilespmem:s19+$0x10680];
	v8 =	vmul.f32 v8, v6;
	v11 =	vmul.f32 v4, v11  }
0x104: {  	v50 =	vld [tilespmem:s19+$0x9020];
	v12 =	vmul.f32 v47, v42;
	v53 =	vmul.f32 v9, v13  }
0x105: {  	v52 =	vld [tilespmem:s19+$0x12E10];
	v7 =	vsub.f32 $1.500000000e+00, v7  }
0x106: {  	v54 =	vld [tilespmem:s19+$0x10690];
	v8 =	vsub.f32 $1.500000000e+00, v8;
	v51 =	vadd.f32 v12, v11;
	v11 =	vmul.f32 v53, v9  }
0x107: {  	v49 =	vld [tilespmem:s19+$0x9000];
	v5 =	vadd.f32 v45, v46;
	v3 =	vmul.f32 v7, v3  }
0x108: {  	v6 =	vmul.f32 v8, v6;
	v11 =	vsub.f32 $1.500000000e+00, v11  }
0x109: {  	v58 =	vld [tilespmem:s19+$0x9010];
	v56 =	vadd.f32 v44, v48;
	v55 =	vmul.f32 v3, v3;
	v5 =	vmul.f32 v3, v5  }
0x10a: {  	v57 =	vmul.f32 v6, v6;
	v7 =	vadd.f32 v51, v2;
	v9 =	vmul.f32 v11, v9  }
0x10b: {  	v8 =	vadd.f32 v52, v54;
	v59 =	vmul.f32 v6, v56;
	v12 =	vmul.f32 v55, v50  }
0x10c: {  	[tilespmem:s19+$0xB7B0] =	vst v4;
	v60 =	vmul.f32 v57, v49;
	v7 =	vmax.f32 v7, $0.0e+00;
	v61 =	vmul.f32 v9, v9  }
0x10d: {  	[tilespmem:s19+$0xB7A0] =	vst v3;
	v5 =	vadd.f32 v12, v5;
	v4 =	vmul.f32 v7, v4  }
0x10e: {  	[tilespmem:s19+$0xB780] =	vst v6;
	v62 =	vadd.f32 v60, v59;
	v8 =	vmul.f32 v9, v8;
	v10 =	vmul.f32 v61, v58  }
0x10f: {  	[tilespmem:s19+$0x106B0] =	vst v7;
	v5 =	vadd.f32 v5, v2  }
0x110: {  	v7 =	vadd.f32 v62, v2;
	[tilespmem:s19+$0x9030] =	vst v4;
	v63 =	vadd.f32 v10, v8  }
0x111: {  	[tilespmem:s19+$0xB790] =	vst v9;
	v5 =	vmax.f32 v5, $0.0e+00  }
0x112: {  	v7 =	vmax.f32 v7, $0.0e+00;
	[tilespmem:s19+$0x106A0] =	vst v5;
	v3 =	vmul.f32 v5, v3;
	v2 =	vadd.f32 v63, v2  }
0x113: {  	[tilespmem:s19+$0x10680] =	vst v7  }
0x114: {  	v6 =	vmul.f32 v7, v6;
	[tilespmem:s19+$0x9020] =	vst v3;
	v2 =	vmax.f32 v2, $0.0e+00  }
0x115: {  	[tilespmem:s19+$0x10690] =	vst v2;
	v2 =	vmul.f32 v2, v9  }
0x116: {  	[tilespmem:s19+$0x9000] =	vst v6  }
0x117: {  	s0 =	rddreg [dreg:$0x11];
	[tilespmem:s19+$0x9010] =	vst v2  }
0x118: {  	[spmem:s0] =	stream.linear.scatter [tilespmem:s12], [sflag:$0x11], $0x2780, $0x38;
	[tilespmem:$0x1A490] =	vst v63  }
0x119: {  	_ =	swait.ge [sflag:s22], $0x2780  }
0x11a: {  	s18 =	simm.s32 @!p1 $0x0;
	[sflag:s22] =	ssyncset.done $0x0  }
0x11b: {  	s19 =	simm.s32 @!p1 $0x10680;
	s0 =	rddreg [dreg:$0x12];
	[sflag:s22] =	ssyncadd.s32 $0xFFFFD880  }
0x11c: {  	[hbm4b:s0+s18] =	stream.linear.scatter @!p1 [tilespmem:s19], [sflag:$0x11], $0x2780, $0x38;
	[tilespmem:$0x1A490] =	vst v63  }
0x11d: {  	s19 =	simm.s32 @!p1 $0x11  }
0x11e: {  	_ =	swait.ge @!p1 [sflag:s19], $0x2780  }
0x11f: {  	[sflag:s19] =	ssyncset.done @!p1 $0x0  }
0x120: {  	s20 =	simm.s32 @!p1 $0xB780;
	s0 =	rddreg [dreg:$0x13];
	[sflag:s19] =	ssyncadd.s32 @!p1 $0xFFFFD880  }
0x121: {  	[hbm4b:s0+s18] =	stream.linear.scatter @!p1 [tilespmem:s20], [sflag:$0x11], $0x2780, $0x38;
	[tilespmem:$0x1A490] =	vst v63  }
0x122: {  	_ =	swait.ge @!p1 [sflag:s19], $0x2780  }
0x123: {  	[sflag:s19] =	ssyncset.done @!p1 $0x0  }
0x124: {  	[sflag:s19] =	ssyncadd.s32 @!p1 $0xFFFFD880  }
0x125: {  	s18 =	simm.s32 $0x0;
	s19 =	simm.s32 $0xFFFFFFF8;
	[bflag:$0x0] =	sbarrier.arrive $0xFFFF  }
0x126: {  	[tilespmem:s2], [sflag:$0x1] =	stream.indirect.gather [spmem:s4], $0x10, s18, s31, $0xb8;
	[tilespmem:$0x1A490] =	vst v63  }
.LBB2_9:
0x127: {  	_ =	swait.ge [sflag:s1], $0x800  }
0x128: {  	s20 =	sshra.s32 s18, $0x2;
	[sflag:s1] =	ssyncset.done $0x0  }
0x129: {  	p2 =	seq.s32 s18, $0x0;
	s21 =	sadd.s32 $0x2800, s20;
	[sflag:s1] =	ssyncadd.s32 $0xFFFFF800  }
0x12a: {  	[spmem:s3] =	stream.indirect.scatter.add.f32 [tilespmem:s2], [sflag:$0x9], $0x10, s21, s31, $0xb8;
	[tilespmem:$0x1A490] =	vst v63  }
0x12b: {  	s21 =	simm.s32 @!p2 $0xA  }
0x12c: {  	_ =	swait.ge @!p2 [sflag:s21], $0x800  }
0x12d: {  	[sflag:s21] =	ssyncset.done @!p2 $0x0  }
0x12e: {  	s11 =	sadd.s32 $0x80, s20;
	[sflag:s21] =	ssyncadd.s32 @!p2 $0xFFFFF800  }
0x12f: {  	[tilespmem:s5], [sflag:$0x2] =	stream.indirect.gather [spmem:s4], $0x10, s11, s31, $0xb8;
	[tilespmem:$0x1A490] =	vst v63  }
0x130: {  	_ =	swait.ge [sflag:s23], $0x800  }
0x131: {  	p3 =	sgt.u32 s19, $0x47;
	[sflag:s23] =	ssyncset.done $0x0  }
0x132: {  	s12 =	sadd.s32 $0x2880, s20;
	s21 =	sshra.s32 @p3 s18, $0x2;
	[sflag:s23] =	ssyncadd.s32 $0xFFFFF800  }
0x133: {  	[spmem:s3] =	stream.indirect.scatter.add.f32 [tilespmem:s5], [sflag:$0xA], $0x10, s12, s31, $0xb8;
	[tilespmem:$0x1A490] =	vst v63  }
0x134: {  	s6 =	simm.s32 @p3 $0x80;
	s0 =	sadd.s32 @p3 $0x100, s21;
	s11 =	simm.s32 @p3 $0x6000  }
0x135: {  	[tilespmem:s11], [sflag:$0x3] =	stream.indirect.gather @p3 [spmem:s4], $0x10, s0, s6, $0xb8;
	[tilespmem:$0x1A490] =	vst v63  }
0x136: {  	s0 =	simm.s32 @p3 $0x3  }
0x137: {  	_ =	swait.ge @p3 [sflag:s0], $0x800  }
0x138: {  	[sflag:s0] =	ssyncset.done @p3 $0x0  }
0x139: {  	[sflag:s0] =	ssyncadd.s32 @p3 $0xFFFFF800;
	s0 =	sadd.s32 @p3 $0x2900, s21  }
0x13a: {  	[spmem:s3] =	stream.indirect.scatter.add.f32 @p3 [tilespmem:s11], [sflag:$0xB], $0x10, s0, s6, $0xb8;
	[tilespmem:$0x1A490] =	vst v63  }
0x13b: {  	s0 =	simm.s32 @!p3 $0xB  }
0x13c: {  	_ =	swait.ge @!p3 [sflag:s0], $0x800  }
0x13d: {  	[sflag:s0] =	ssyncset.done @!p3 $0x0  }
0x13e: {  	[sflag:s0] =	ssyncadd.s32 @!p3 $0xFFFFF800;
	s0 =	sshra.s32 @!p3 s18, $0x2  }
0x13f: {  	s13 =	simm.s32 @!p3 $0x6000;
	s12 =	simm.s32 @!p3 $0x80;
	s11 =	sadd.s32 @!p3 $0x100, s0  }
0x140: {  	[tilespmem:s13], [sflag:$0x3] =	stream.indirect.gather @!p3 [spmem:s4], $0x10, s11, s12, $0xb8;
	[tilespmem:$0x1A490] =	vst v63  }
0x141: {  	s11 =	simm.s32 @!p3 $0x3  }
0x142: {  	_ =	swait.ge @!p3 [sflag:s11], $0x800  }
0x143: {  	[sflag:s11] =	ssyncset.done @!p3 $0x0  }
0x144: {  	[sflag:s11] =	ssyncadd.s32 @!p3 $0xFFFFF800;
	s11 =	sadd.s32 @!p3 $0x2900, s0  }
0x145: {  	[spmem:s3] =	stream.indirect.scatter.add.f32 @!p3 [tilespmem:s13], [sflag:$0xB], $0x10, s11, s12, $0xb8;
	[tilespmem:$0x1A490] =	vst v63  }
0x146: {  	s11 =	simm.s32 @!p3 $0xC  }
0x147: {  	_ =	swait.ge @!p3 [sflag:s11], $0x800  }
0x148: {  	[sflag:s11] =	ssyncset.done @!p3 $0x0  }
0x149: {  	s13 =	sadd.s32 $0x180, s20;
	[sflag:s11] =	ssyncadd.s32 @!p3 $0xFFFFF800  }
0x14a: {  	[tilespmem:s7], [sflag:$0x4] =	stream.indirect.gather [spmem:s4], $0x10, s13, s31, $0xb8;
	[tilespmem:$0x1A490] =	vst v63  }
0x14b: {  	_ =	swait.ge [sflag:s25], $0x800  }
0x14c: {  	[sflag:s25] =	ssyncset.done $0x0  }
0x14d: {  	s13 =	sadd.s32 $0x2980, s20;
	[sflag:s25] =	ssyncadd.s32 $0xFFFFF800  }
0x14e: {  	[spmem:s3] =	stream.indirect.scatter.add.f32 [tilespmem:s7], [sflag:$0xC], $0x10, s13, s31, $0xb8;
	[tilespmem:$0x1A490] =	vst v63  }
0x14f: {  	s11 =	sadd.s32 @p3 $0x200, s21;
	s13 =	simm.s32 @p3 $0x7000  }
0x150: {  	[tilespmem:s13], [sflag:$0x5] =	stream.indirect.gather @p3 [spmem:s4], $0x10, s11, s6, $0xb8;
	[tilespmem:$0x1A490] =	vst v63  }
0x151: {  	s11 =	simm.s32 @p3 $0x5  }
0x152: {  	_ =	swait.ge @p3 [sflag:s11], $0x800  }
0x153: {  	[sflag:s11] =	ssyncset.done @p3 $0x0  }
0x154: {  	[sflag:s11] =	ssyncadd.s32 @p3 $0xFFFFF800;
	s11 =	sadd.s32 @p3 $0x2A00, s21  }
0x155: {  	[spmem:s3] =	stream.indirect.scatter.add.f32 @p3 [tilespmem:s13], [sflag:$0xD], $0x10, s11, s6, $0xb8;
	[tilespmem:$0x1A490] =	vst v63  }
0x156: {  	s6 =	simm.s32 @!p3 $0xD  }
0x157: {  	_ =	swait.ge @!p3 [sflag:s6], $0x800  }
0x158: {  	[sflag:s6] =	ssyncset.done @!p3 $0x0  }
0x159: {  	s11 =	simm.s32 @!p3 $0x7000;
	[sflag:s6] =	ssyncadd.s32 @!p3 $0xFFFFF800;
	s6 =	sadd.s32 @!p3 $0x200, s0  }
0x15a: {  	[tilespmem:s11], [sflag:$0x5] =	stream.indirect.gather @!p3 [spmem:s4], $0x10, s6, s12, $0xb8;
	[tilespmem:$0x1A490] =	vst v63  }
0x15b: {  	s6 =	simm.s32 @!p3 $0x5  }
0x15c: {  	_ =	swait.ge @!p3 [sflag:s6], $0x800  }
0x15d: {  	[sflag:s6] =	ssyncset.done @!p3 $0x0  }
0x15e: {  	s0 =	sadd.s32 @!p3 $0x2A00, s0;
	[sflag:s6] =	ssyncadd.s32 @!p3 $0xFFFFF800  }
0x15f: {  	[spmem:s3] =	stream.indirect.scatter.add.f32 @!p3 [tilespmem:s11], [sflag:$0xD], $0x10, s0, s12, $0xb8;
	[tilespmem:$0x1A490] =	vst v63  }
0x160: {  	s0 =	simm.s32 @!p3 $0xE  }
0x161: {  	_ =	swait.ge @!p3 [sflag:s0], $0x800  }
0x162: {  	[sflag:s0] =	ssyncset.done @!p3 $0x0  }
0x163: {  	s21 =	sadd.s32 $0x280, s20;
	[sflag:s0] =	ssyncadd.s32 @!p3 $0xFFFFF800  }
0x164: {  	[tilespmem:s8], [sflag:$0x6] =	stream.indirect.gather [spmem:s4], $0x10, s21, s31, $0xb8;
	[tilespmem:$0x1A490] =	vst v63  }
0x165: {  	_ =	swait.ge [sflag:s26], $0x800  }
0x166: {  	[sflag:s26] =	ssyncset.done $0x0  }
0x167: {  	s6 =	sadd.s32 $0x2A80, s20;
	s0 =	simm.s32 @!p3 $0xF;
	[sflag:s26] =	ssyncadd.s32 $0xFFFFF800  }
0x168: {  	[spmem:s3] =	stream.indirect.scatter.add.f32 [tilespmem:s8], [sflag:$0xE], $0x10, s6, s31, $0xb8;
	[tilespmem:$0x1A490] =	vst v63  }
0x169: {  	_ =	swait.ge @!p3 [sflag:s0], $0x800  }
0x16a: {  	[sflag:s0] =	ssyncset.done @!p3 $0x0  }
0x16b: {  	s11 =	sadd.s32 $0x300, s20;
	[sflag:s0] =	ssyncadd.s32 @!p3 $0xFFFFF800  }
0x16c: {  	[tilespmem:s9], [sflag:$0x7] =	stream.indirect.gather [spmem:s4], $0x10, s11, s31, $0xb8;
	[tilespmem:$0x1A490] =	vst v63  }
0x16d: {  	_ =	swait.ge [sflag:s28], $0x800  }
0x16e: {  	[sflag:s28] =	ssyncset.done $0x0  }
0x16f: {  	s12 =	sadd.s32 $0x2B00, s20;
	s0 =	simm.s32 @!p2 $0x10;
	[sflag:s28] =	ssyncadd.s32 $0xFFFFF800  }
0x170: {  	[spmem:s3] =	stream.indirect.scatter.add.f32 [tilespmem:s9], [sflag:$0xF], $0x10, s12, s31, $0xb8;
	[tilespmem:$0x1A490] =	vst v63  }
0x171: {  	_ =	swait.ge @!p2 [sflag:s0], $0x800  }
0x172: {  	[sflag:s0] =	ssyncset.done @!p2 $0x0  }
0x173: {  	s13 =	sadd.s32 $0x380, s20;
	[sflag:s0] =	ssyncadd.s32 @!p2 $0xFFFFF800  }
0x174: {  	[tilespmem:s10], [sflag:$0x8] =	stream.indirect.gather [spmem:s4], $0x10, s13, s31, $0xb8;
	[tilespmem:$0x1A490] =	vst v63  }
0x175: {  	_ =	swait.ge [sflag:s29], $0x800  }
0x176: {  	p2 =	seq.s32 s18, $0x9000;
	[sflag:s29] =	ssyncset.done $0x0  }
.Ltmp6:
0x177: {  	s21 =	sadd.s32 $0x2B80, s20;
	[sflag:s29] =	ssyncadd.s32 $0xFFFFF800;
	(pc) =	sbr.rel @p2 .LBB2_11-.Ltmp6, $4  }
0x178: {  	[spmem:s3] =	stream.indirect.scatter.add.f32 [tilespmem:s10], [sflag:$0x10], $0x10, s21, s31, $0xb8;
	[tilespmem:$0x1A490] =	vst v63  }
0x179: {  	_ =	swait.ge [sflag:s30], $0x800  }
0x17a: {  	[sflag:s30] =	ssyncset.done $0x0  }
0x17b: {  	[sflag:s30] =	ssyncadd.s32 $0xFFFFF800  }
.Ltmp7:
0x17c: {  	(pc) =	sbr.rel .LBB2_9-.Ltmp7, $3  }
0x17d: {  	_ =	sdelay $0x1  }
0x17e: {  	s0 =	sadd.s32 $0x400, s20;
	s19 =	sadd.s32 $0x8, s19;
	s18 =	sadd.s32 $0x1000, s18  }
0x17f: {  	[tilespmem:s2], [sflag:$0x1] =	stream.indirect.gather [spmem:s4], $0x10, s0, s31, $0xb8;
	[tilespmem:$0x1A490] =	vst v63  }
.LBB2_12:
0x180: {  	_ =	sfence.sel $0x180000  }
0x181: {  	[bflag:$0x0] =	sbarrier.arrive $0xFFFF  }
0x182: {  	_ =	strace $0x9000004D  }
0x183: {  	s0 =	stileid.u32;
	[bflag:$0x2] =	sbarrier.arrive $0xFFFF  }
0x184: {  	p0 =	sne.s32 s0, $0x0;
	s0 =	rddreg [dreg:$0x5]  }
0x185: {  	s0 =	sadd.s32 @!p0 $0x100000, s0  }
0x186: {  	[sflag:s0] =	ssyncadd.tile.s32 @!p0 $0x1;
	_ =	shalt  }
.Lfunc_end2:
_tile_overlayer_lowered:
.L_overlay_start_2:
0x187: {  	(tag) =	ssettag $0x2  }
0x188: {  	s0 =	rddreg [dreg:$0x0];
	s2 =	stileid.u32  }
0x189: {  	s1 =	rddreg [dreg:$0x1];
	p0 =	sne.s32 s2, $0x0  }
0x18a: {  	s3 =	rddreg [dreg:$0x2];
	[bflag:$0x3] =	sbarrier.arrive $0xFFFF;
	s2 =	simm.s32 @!p0 $0x1C11  }
0x18b: {  	[timem:s3], [sflag:s2] =	dma.local @!p0 [hbm:s0], s1  }
0x18c: {  	s0 =	simm.s32 @!p0 $0x11  }
0x18d: {  	_ =	swait.ge @!p0 [sflag:s0], s1  }
0x18e: {  	s1 =	ssub.s32 @!p0 $0x0, s1;
	[sflag:s0] =	ssyncset.done @!p0 $0x0  }
0x18f: {  	[sflag:s0] =	ssyncadd.s32 @!p0 s1  }
0x190: {  	[bflag:$0x3] =	sbarrier.arrive $0xFFFF  }
0x191: {  	_ =	shalt  }

// kernel: kernel.7.cloned.1.call-start
scs
__scs_entry_jumppad:
0x0: {  	(pc) =	sbr.rel $0x88, $3  }
0x1: {  	(tag) =	ssettag $0x0;
	lr =	simm.s32 $0x1  }
0x2: {  	[smem:$0x3F9B] =	sst lr;
	_ =	strace $0xD0000000  }
0x3: {  	_ = 	snop  }
0x4: {  	_ = 	snop  }
0x5: {  	_ = 	snop  }
0x6: {  	_ = 	snop  }
0x7: {  	_ = 	snop  }
__scs_overlays_trampoline_lowered:
0x8: {  	[smem:$0x3FAA] =	sst s0  }
0x9: {  	[smem:$0x3FAB] =	sst s1  }
0xa: {  	[smem:$0x3FAC] =	sst s2  }
0xb: {  	[smem:$0x3FAD] =	sst s3  }
0xc: {  	[smem:$0x3FAE] =	sst s4  }
0xd: {  	[smem:$0x3FAF] =	sst s5  }
0xe: {  	[smem:$0x3FB0] =	sst s6  }
0xf: {  	[smem:$0x3FB1] =	sst s7  }
0x10: {  	[smem:$0x3FB2] =	sst s8  }
0x11: {  	[smem:$0x3FB3] =	sst s9;
	s0 =	simm.s32 @!p0 $0x0  }
0x12: {  	s1 =	sld [smem:$0x3F99];
	s0 =	simm.s32 @p0 $0x1  }
0x13: {  	[smem:$0x3FB4] =	sst s0;
	s0 =	simm.s32 @!p1 $0x0  }
0x14: {  	s2 =	sld [smem:$0x3F98];
	s0 =	simm.s32 @p1 $0x1  }
0x15: {  	[smem:$0x3FB5] =	sst s0;
	s0 =	simm.s32 @!p2 $0x0  }
0x16: {  	s3 =	sld [smem:$0x3FDB];
	s0 =	simm.s32 @p2 $0x1  }
0x17: {  	s4 =	simm.s32 $0x1BF5;
	[smem:$0x3FB7] =	sst s0  }
0x18: {  	s0 =	sld [smem:$0x3F9A];
	_ =	swait.ge [sflag:s4], $0x0  }
0x19: {  	s7 =	sld [smem:$0x3F9B]  }
0x1a: {  	s8 =	sadd.s32 $0xFFFFE003, lr  }
0x1b: {  	s9 =	sadd.s32 $0xFFFFFEF7, lr;
	s5 =	simm.s32 $0xFFFFFFFF;
	p2 =	slt.u32 s8, $0xFFFFF086  }
0x1c: {  	p1 =	slt.u32 s9, $0xF7A;
	s5 =	simm.s32 @!p2 $0x0  }
0x1d: {  	s5 =	simm.s32 @p1 $0x1;
	p0 =	seq.s32 s7, s2  }
0x1e: {  	s7 =	smul.u32 @!p0 $0xF7A, s2;
	p2 =	seq.s32 @!p0 s5, $0x0  }
0x1f: {  	s9 =	smul.u32 $0xF7A, s1;
	s8 =	simm.s32 @!p0 $0x1BF5;
	p2 =	por !p2, p0  }
0x20: {  	[sflag:s8] =	ssyncset.s32 @!p0 $0xFFFFF086;
	s6 =	sadd.s32 @!p0 s3, s7;
	s7 =	simm.s32 @!p0 $0x108  }
0x21: {  	s3 =	sadd.s32 s3, s9;
	s6 =	sadd.s32 @!p0 $0x88, s6;
	s7 =	simm.s32 @p2 $0x1082  }
0x22: {  	[simem:s7], [sflag:s8] =	dma.local @!p0 [hbm:s6], $0xF7A  }
0x23: {  	s9 =	sor.u32 $0xD0000000, s2;
	s6 =	simm.s32 $0x108;
	_ =	swait.ge @!p0 [sflag:s8], $0x0  }
0x24: {  	s3 =	sadd.s32 $0x88, s3;
	s6 =	simm.s32 @!p1 $0x1082;
	[sflag:s4] =	ssyncset.s32 $0xFFFFF086  }
0x25: {  	[simem:s6], [sflag:s4] =	dma.local [hbm:s3], $0xF7A  }
0x26: {  	[smem:$0x3F9B] =	sst s1;
	(tag) =	ssettag s2;
	_ =	strace s9  }
0x27: {  	s1 =	sld [smem:$0x3FAB]  }
0x28: {  	s2 =	sld [smem:$0x3FAC]  }
0x29: {  	s4 =	sld [smem:$0x3FAE]  }
0x2a: {  	p0 =	seq.s32 s5, $0x0;
	s5 =	sld [smem:$0x3FAF]  }
0x2b: {  	s6 =	sld [smem:$0x3FB0]  }
0x2c: {  	s7 =	sld [smem:$0x3FB1]  }
0x2d: {  	s3 =	simm.s32 $0x108;
	s8 =	sld [smem:$0x3FB2]  }
0x2e: {  	s3 =	simm.s32 @!p0 $0x1082;
	s9 =	sld [smem:$0x3FB3]  }
0x2f: {  	lr =	sadd.s32 s0, s3;
	s0 =	sld [smem:$0x3FAA]  }
0x30: {  	s3 =	sld [smem:$0x3FAD]  }
0x31: {  	[smem:$0x3FB6] =	sst s10  }
0x32: {  	s10 =	sld [smem:$0x3FB4];
	_ =	sdelay $0x3  }
0x33: {  	p0 =	seq.s32 s10, $0x1;
	s10 =	sld [smem:$0x3FB6];
	_ =	sdelay $0x3  }
0x34: {  	[smem:$0x3FB6] =	sst s10  }
0x35: {  	s10 =	sld [smem:$0x3FB5];
	_ =	sdelay $0x3  }
0x36: {  	p1 =	seq.s32 s10, $0x1;
	s10 =	sld [smem:$0x3FB6];
	_ =	sdelay $0x3  }
0x37: {  	[smem:$0x3FB6] =	sst s10  }
0x38: {  	s10 =	sld [smem:$0x3FB7]  }
0x39: {  	_ = 	snop;
	(pc) =	sbr.ind lr, $3  }
0x3a: {  	_ = 	snop  }
0x3b: {  	_ = 	snop  }
0x3c: {  	p2 =	seq.s32 s10, $0x1;
	s10 =	sld [smem:$0x3FB6]  }
0x3d: {  	_ =	shalt  }
0x3e: {  	_ =	shalt  }
0x3f: {  	_ =	shalt  }
0x40: {  	_ =	shalt  }
0x41: {  	_ =	shalt  }
0x42: {  	_ =	shalt  }
0x43: {  	_ =	shalt  }
0x44: {  	_ =	shalt  }
0x45: {  	_ =	shalt  }
0x46: {  	_ =	shalt  }
0x47: {  	_ =	shalt  }
0x48: {  	_ =	shalt  }
0x49: {  	_ =	shalt  }
0x4a: {  	_ =	shalt  }
0x4b: {  	_ =	shalt  }
0x4c: {  	_ =	shalt  }
0x4d: {  	_ =	shalt  }
0x4e: {  	_ =	shalt  }
0x4f: {  	_ =	shalt  }
0x50: {  	_ =	shalt  }
0x51: {  	_ =	shalt  }
0x52: {  	_ =	shalt  }
0x53: {  	_ =	shalt  }
0x54: {  	_ =	shalt  }
0x55: {  	_ =	shalt  }
0x56: {  	_ =	shalt  }
0x57: {  	_ =	shalt  }
0x58: {  	_ =	shalt  }
0x59: {  	_ =	shalt  }
0x5a: {  	_ =	shalt  }
0x5b: {  	_ =	shalt  }
0x5c: {  	_ =	shalt  }
0x5d: {  	_ =	shalt  }
0x5e: {  	_ =	shalt  }
0x5f: {  	_ =	shalt  }
0x60: {  	_ =	shalt  }
0x61: {  	_ =	shalt  }
0x62: {  	_ =	shalt  }
0x63: {  	_ =	shalt  }
0x64: {  	_ =	shalt  }
0x65: {  	_ =	shalt  }
0x66: {  	_ =	shalt  }
0x67: {  	_ =	shalt  }
0x68: {  	_ =	shalt  }
0x69: {  	_ =	shalt  }
0x6a: {  	_ =	shalt  }
0x6b: {  	_ =	shalt  }
0x6c: {  	_ =	shalt  }
0x6d: {  	_ =	shalt  }
0x6e: {  	_ =	shalt  }
0x6f: {  	_ =	shalt  }
0x70: {  	_ =	shalt  }
0x71: {  	_ =	shalt  }
0x72: {  	_ =	shalt  }
0x73: {  	_ =	shalt  }
0x74: {  	_ =	shalt  }
0x75: {  	_ =	shalt  }
0x76: {  	_ =	shalt  }
0x77: {  	_ =	shalt  }
0x78: {  	_ =	shalt  }
0x79: {  	_ =	shalt  }
0x7a: {  	_ =	shalt  }
0x7b: {  	_ =	shalt  }
0x7c: {  	_ =	shalt  }
0x7d: {  	_ =	shalt  }
0x7e: {  	_ =	shalt  }
0x7f: {  	_ =	shalt  }
0x80: {  	_ =	shalt  }
0x81: {  	_ =	shalt  }
0x82: {  	_ =	shalt  }
0x83: {  	_ =	shalt  }
0x84: {  	_ =	shalt  }
0x85: {  	_ =	shalt  }
0x86: {  	_ =	shalt  }
0x87: {  	_ =	shalt  }
.Lfunc_end0:
.L_simem_size_0:
called_computation_lowered:
.L_overlay_start_0:
0x88: {  	s2 =	sld [smem:$0x3FD9]  }
0x89: {  	s3 =	sld [smem:$0x3FFE];
	_ =	sdelay $0x1  }
0x8a: {  	s1 =	srdreg.scid  }
0x8b: {  	s0 =	sand.u32 $0x1, s1  }
0x8c: {  	s17 =	sshll.u32 s0, $0xA;
	s2 =	sadd.s32 s3, s2  }
0x8d: {  	s2 =	sadd.s32 s2, s17  }
0x8e: {  	[smem:$0x3FC2] =	sst s2  }
0x8f: {  	_ = 	snop  }
0x90: {  	s2 =	sld [smem:$0x3FD0];
	(tm) =	ssettm $0x1  }
0x91: {  	s18 =	sld [smem:$0x3FFB];
	_ =	sdelay $0x3  }
0x92: {  	_ =	strace s18  }
0x93: {  	s3 =	sld [smem:$0x3FFC];
	_ =	sdelay $0x3  }
0x94: {  	_ =	strace s3  }
0x95: {  	s3 =	sld [smem:$0x3FFD];
	_ =	sdelay $0x3  }
0x96: {  	_ =	strace s3  }
0x97: {  	_ =	strace $0x8FFFFFFF  }
0x98: {  	s19 =	sld [smem:$0x3FDB];
	_ =	sdelay $0x1  }
0x99: {  	s4 =	simm.s32 $_scs_section_size  }
0x9a: {  	s5 =	simm.s32 $_size__tile_overlayer_lowered;
	s6 =	simm.s32 $_tile_overlayer_lowered  }
0x9b: {  	s22 =	simm.s32 $0x1BFF;
	s21 =	sshll.u32 s6, $0x1;
	s3 =	sadd.s32 s4, s19  }
0x9c: {  	s7 =	simm.s32 $0x0;
	s20 =	sshll.u32 s5, $0x1;
	s5 =	sadd.s32 s21, s3  }
0x9d: {  	[timem:s7], [sflag:s22] =	dma.local [hbm:s5], s20  }
0x9e: {  	_ =	swait.ge [sflag:s22], s20  }
0x9f: {  	s4 =	ssub.s32 $0x0, s20;
	[sflag:s22] =	ssyncset.done $0x0  }
0xa0: {  	[sflag:s22] =	ssyncadd.s32 s4;
	_ =	sdelay $0x1  }
0xa1: {  	s23 =	simm.s32 $0x1B8B  }
0xa2: {  	_ =	swait.ge [sflag:s23], $0x1  }
0xa3: {  	[sflag:s23] =	ssyncset.done $0x0  }
0xa4: {  	s25 =	simm.s32 $0x1B8E;
	s24 =	sld [smem:$0x3FFE];
	[sflag:s23] =	ssyncadd.s32 $0xFFFFFFFF  }
0xa5: {  	s26 =	simm.s32 $execute0_lowered;
	[smem:$0x3FD2] =	sst s25  }
0xa6: {  	s5 =	sshll.u32 s26, $0x1;
	_ =	strace $0x80000046;
	[dreg:$0x1] =	wrdreg $0xFFFFFFFF  }
0xa7: {  	s28 =	simm.s32 $_size_execute0_lowered;
	s3 =	sadd.s32 s3, s5;
	[dreg:$0x0] =	wrdreg $0x0  }
0xa8: {  	s5 =	sshll.u32 s28, $0x1;
	[dreg:$0x2] =	wrdreg s3  }
0xa9: {  	[dreg:$0x3] =	wrdreg s5  }
0xaa: {  	[dreg:$0x4] =	wrdreg $0xC0  }
0xab: {  	_ =	task [dreg:s7], $0x5FFFF  }
0xac: {  	[dreg:$0x1] =	wrdreg $0xFFFFFFFF  }
0xad: {  	[dreg:$0x0] =	wrdreg $0x60  }
0xae: {  	[dreg:$0x2] =	wrdreg s24  }
0xaf: {  	[dreg:$0x3] =	wrdreg s2  }
0xb0: {  	[dreg:$0x4] =	wrdreg $0x58000  }
0xb1: {  	[dreg:$0x5] =	wrdreg $0x9  }
0xb2: {  	_ =	task.clear_ibuf [dreg:s7], $0x6FFFF;
	_ =	strace $0x90000046  }
0xb3: {  	s29 =	simm.s32 $0x9;
	_ =	strace $0x80000048  }
0xb4: {  	_ =	swait.ge [sflag:s29], $0x1  }
0xb5: {  	[sflag:s29] =	ssyncadd.s32 $0xFFFFFFFF  }
0xb6: {  	_ =	strace $0x90000048  }
0xb7: {  	_ =	sfence  }
0xb8: {  	s30 =	sld [smem:$0x0];
	_ =	sdelay $0x2  }
0xb9: {  	s31 =	sshll.u32 s1, $0xD;
	s1 =	sshrl.u32 s1, $0x2  }
0xba: {  	s3 =	sand.u32 $0x4000, s31;
	s1 =	sadd.s32 s1, s30  }
0xbb: {  	s0 =	sor.u32 s3, s0;
	s1 =	sshll.u32 s1, $0x11  }
0xbc: {  	s0 =	sor.u32 s1, s0  }
0xbd: {  	s0 =	sadd.s32 $0x8F2B, s0  }
0xbe: {  	[sflag:s0] =	ssyncadd.remote.s32 $0x1  }
0xbf: {  	_ =	sfence.sel $0xFFFF  }
0xc0: {  	[dreg:$0x0] =	wrdreg $0xFFFFFFFF;
	(pc) =	sbr.abs _section_cstart, $3  }
0xc1: {  	[dreg:$0x1] =	wrdreg $0xFFFFFFFF  }
0xc2: {  	_ =	task.clear_ibuf [dreg:s7], $0x2FFFF;
	_ =	strace $0x9FFFFFFF  }
0xc3: {  	(tm) =	ssettm $0x7FFFFFFF  }
tec
execute0_lowered:
.L_overlay_start_1:
0x0: {  	(tag) =	ssettag $0x1  }
0x1: {  	s0 =	srdreg.scid;
	s1 =	rddreg [dreg:$0x0]  }
0x2: {  	s13 =	stileid.u32;
	s3 =	rddreg [dreg:$0x2]  }
0x3: {  	s5 =	simm.s32 $0x0;
	s12 =	simm.s32 $0x9;
	s14 =	simm.s32 $0x5000  }
0x4: {  	s17 =	simm.s32 $0x80;
	s18 =	simm.s32 $0x2880;
	s19 =	simm.s32 $0x2900  }
0x5: {  	s20 =	simm.s32 $0x2980;
	s21 =	simm.s32 $0x2A00;
	s22 =	simm.s32 $0x2A80  }
0x6: {  	s28 =	simm.s32 $0x3;
	s29 =	simm.s32 $0x4;
	s30 =	simm.s32 $0x5  }
0x7: {  	s31 =	simm.s32 $0x6;
	s0 =	sand.u32 $0x1, s0;
	s2 =	sshll.u32 s13, $0x1  }
0x8: {  	s6 =	smul.u32 $0x2780, s13;
	[smem:$0x7FF] =	sst s5;
	s5 =	sadd.s32 $0x15C00, s1  }
0x9: {  	s9 =	sadd.s32 $0x15940, s1;
	s26 =	sshll.u32 s13, $0x6;
	s13 =	simm.s32 $0x2800  }
0xa: {  	s2 =	sor.u32 s0, s2;
	s23 =	smul.u32 $0x27800, s0;
	_ =	strace $0x80000047  }
0xb: {  	s0 =	ssub.s32 $0x2, s0;
	s15 =	sor.u32 $0x1C09, s26;
	s26 =	simm.s32 $0x2  }
0xc: {  	s4 =	smul.u32 $0x2800, s2;
	s8 =	sshrl.u32 s0, $0x1;
	s25 =	sadd.s32 s6, s3  }
0xd: {  	p0 =	seq.s32 s2, $0x1F;
	s2 =	simm.s32 $0x0;
	s7 =	sadd.s32 s6, s23  }
0xe: {  	s0 =	ssub.s32 s0, s8;
	s8 =	sadd.s32 $0xBD00, s1;
	s16 =	sshrl.u32 s25, $0x3  }
0xf: {  	s23 =	simm.s32 $0x2B00;
	s25 =	simm.s32 $0x1;
	s4 =	sshrl.u32 s4, $0x3  }
0x10: {  	s7 =	sshrl.u32 s7, $0x3;
	s11 =	smax.u32 s0, $0x1;
	s4 =	sadd.s32 s4, s1  }
0x11: {  	s0 =	simm.s32 $0x8;
	s10 =	sadd.s32 s7, s1;
	s24 =	sadd.s32 $0x2200, s4  }
0x12: {  	s1 =	simm.s32 $0x7;
	s4 =	sadd.s32 $0xBE40, s4;
	[dreg:$0x4] =	wrdreg s24  }
0x13: {  	v0 =	vimm.s32 $0x0;
	v1 =	vimm.s32 $0x2710;
	s10 =	sadd.s32 $0x16200, s10;
	[dreg:$0x5] =	wrdreg s4;
	s24 =	simm.s32 $0x2B80  }
.LBB2_1:
.Ltmp0:
0x14: {  	(pc) =	sbr.rel @!p0 .LBB2_2-.Ltmp0, $2  }
0x15: {  	_ =	sdelay $0x2  }
0x16: {  	s4 =	simm.s32 $0x0  }
0x17: {  	[tilespmem:s4], [sflag:$0x9] =	stream.linear.gather [hbm4b:s8+s4], $0xA00, $0x38;
	[tilespmem:$0x7F80] =	vst v63  }
0x18: {  	_ =	swait.ge [sflag:s12], $0xA00  }
0x19: {  	[sflag:s12] =	ssyncset.done $0x0  }
0x1a: {  	[sflag:s12] =	ssyncadd.s32 $0xFFFFF600  }
0x1b: {  	[tilespmem:s13], [sflag:$0x9] =	stream.linear.gather [hbm4b:s9+s4], $0xA00, $0x38;
	[tilespmem:$0x7F80] =	vst v63  }
0x1c: {  	_ =	swait.ge [sflag:s12], $0xA00  }
0x1d: {  	[sflag:s12] =	ssyncset.done $0x0  }
0x1e: {  	s6 =	simm.s32 $0x200;
	s4 =	simm.s32 $0x0;
	[sflag:s12] =	ssyncadd.s32 $0xFFFFF600  }
.LBB2_4:
0x1f: {  	p1 =	sne.s32 s6, $0x7600;
	[tilespmem:s4+$0x3270] =	vst v1  }
0x20: {  	[tilespmem:s4+$0xA00] =	vst v0  }
0x21: {  	[tilespmem:s4+$0x3200] =	vst v1  }
0x22: {  	[tilespmem:s4+$0xA10] =	vst v0  }
0x23: {  	[tilespmem:s4+$0x3210] =	vst v1  }
0x24: {  	[tilespmem:s4+$0xA20] =	vst v0  }
0x25: {  	[tilespmem:s4+$0x3220] =	vst v1  }
0x26: {  	[tilespmem:s4+$0xA30] =	vst v0  }
0x27: {  	[tilespmem:s4+$0x3230] =	vst v1  }
0x28: {  	[tilespmem:s4+$0xA40] =	vst v0  }
0x29: {  	[tilespmem:s4+$0x3240] =	vst v1  }
.Ltmp1:
0x2a: {  	[tilespmem:s4+$0xA50] =	vst v0;
	(pc) =	sbr.rel @p1 .LBB2_4-.Ltmp1, $4  }
0x2b: {  	[tilespmem:s4+$0x3250] =	vst v1  }
0x2c: {  	[tilespmem:s4+$0xA60] =	vst v0  }
0x2d: {  	[tilespmem:s4+$0x3260] =	vst v1  }
0x2e: {  	[tilespmem:s4+$0xA70] =	vst v0;
	s4 =	sshra.s32 s6, $0x2;
	s6 =	sadd.s32 $0x200, s6  }
0x2f: {  	[tilespmem:s4+$0x3270] =	vst v1  }
0x30: {  	[tilespmem:s4+$0xA00] =	vst v0  }
0x31: {  	[tilespmem:s4+$0x3200] =	vst v1  }
0x32: {  	[tilespmem:s4+$0xA10] =	vst v0  }
0x33: {  	[tilespmem:s4+$0x3210] =	vst v1  }
0x34: {  	[tilespmem:s4+$0xA20] =	vst v0  }
0x35: {  	[tilespmem:s4+$0x3220] =	vst v1  }
0x36: {  	[tilespmem:s4+$0xA30] =	vst v0  }
0x37: {  	[tilespmem:s4+$0x3230] =	vst v1  }
0x38: {  	[tilespmem:s4+$0xA40] =	vst v0  }
0x39: {  	[tilespmem:s4+$0x3240] =	vst v1  }
.Ltmp2:
0x3a: {  	[tilespmem:s4+$0xA50] =	vst v0;
	(pc) =	sbr.rel .LBB2_6-.Ltmp2, $4  }
0x3b: {  	[tilespmem:s4+$0x3250] =	vst v1  }
0x3c: {  	[tilespmem:s4+$0xA60] =	vst v0  }
0x3d: {  	[tilespmem:s4+$0x3260] =	vst v1  }
0x3e: {  	[tilespmem:s4+$0xA70] =	vst v0  }
.LBB2_2:
0x3f: {  	s6 =	rddreg [dreg:$0x4]  }
0x40: {  	[tilespmem:s4], [sflag:$0x9] =	stream.linear.gather [hbm4b:s6+s4], $0x2800, $0x38;
	[tilespmem:$0x7F80] =	vst v63  }
0x41: {  	_ =	swait.ge [sflag:s12], $0x2800  }
0x42: {  	[sflag:s12] =	ssyncset.done $0x0  }
0x43: {  	s7 =	rddreg [dreg:$0x5];
	[sflag:s12] =	ssyncadd.s32 $0xFFFFD800  }
0x44: {  	[tilespmem:s13], [sflag:$0x9] =	stream.linear.gather [hbm4b:s7+s4], $0x2800, $0x38;
	[tilespmem:$0x7F80] =	vst v63  }
0x45: {  	_ =	swait.ge [sflag:s12], $0x2800  }
0x46: {  	[sflag:s12] =	ssyncset.done $0x0  }
0x47: {  	[sflag:s12] =	ssyncadd.s32 $0xFFFFD800  }
.LBB2_6:
0x48: {  	s4 =	simm.s32 $0x0;
	s6 =	rddreg [dreg:$0x1]  }
0x49: {  	[tilespmem:s14], [sflag:$0x9] =	stream.linear.gather [hbm4b:s6+s4], $0x800, $0x38;
	[tilespmem:$0x7F80] =	vst v63  }
0x4a: {  	_ =	swait.ge [sflag:s12], $0x800  }
0x4b: {  	[sflag:s12] =	ssyncset.done $0x0  }
0x4c: {  	[sflag:s12] =	ssyncadd.s32 $0xFFFFF800  }
0x4d: {  	[spmem:s16], [sflag:s15] =	dma.local [hbm:s5], $0x4F0  }
0x4e: {  	_ =	swait.ge [sflag:s12], $0x4F0  }
0x4f: {  	[sflag:s12] =	ssyncset.done $0x0  }
0x50: {  	[sflag:s12] =	ssyncadd.s32 $0xFFFFFB10  }
0x51: {  	[bflag:$0x0] =	sbarrier.arrive $0xFFFF  }
0x52: {  	[spmem:s3] =	stream.indirect.scatter.add.f32 [tilespmem:s14], [sflag:$0x1], $0x10, s13, s17, $0xb8;
	[tilespmem:$0x7F80] =	vst v63  }
0x53: {  	_ = 	snop  }
0x54: {  	[spmem:s3] =	stream.indirect.scatter.add.f32 [tilespmem:s14], [sflag:$0x2], $0x10, s18, s17, $0xb8;
	[tilespmem:$0x7F80] =	vst v63  }
0x55: {  	_ = 	snop  }
0x56: {  	[spmem:s3] =	stream.indirect.scatter.add.f32 [tilespmem:s14], [sflag:$0x3], $0x10, s19, s17, $0xb8;
	[tilespmem:$0x7F80] =	vst v63  }
0x57: {  	_ = 	snop  }
0x58: {  	[spmem:s3] =	stream.indirect.scatter.add.f32 [tilespmem:s14], [sflag:$0x4], $0x10, s20, s17, $0xb8;
	[tilespmem:$0x7F80] =	vst v63  }
0x59: {  	_ = 	snop  }
0x5a: {  	[spmem:s3] =	stream.indirect.scatter.add.f32 [tilespmem:s14], [sflag:$0x5], $0x10, s21, s17, $0xb8;
	[tilespmem:$0x7F80] =	vst v63  }
0x5b: {  	_ = 	snop  }
0x5c: {  	[spmem:s3] =	stream.indirect.scatter.add.f32 [tilespmem:s14], [sflag:$0x6], $0x10, s22, s17, $0xb8;
	[tilespmem:$0x7F80] =	vst v63  }
0x5d: {  	_ = 	snop  }
0x5e: {  	[spmem:s3] =	stream.indirect.scatter.add.f32 [tilespmem:s14], [sflag:$0x7], $0x10, s23, s17, $0xb8;
	[tilespmem:$0x7F80] =	vst v63  }
0x5f: {  	_ = 	snop  }
0x60: {  	[spmem:s3] =	stream.indirect.scatter.add.f32 [tilespmem:s14], [sflag:$0x8], $0x10, s24, s17, $0xb8;
	[tilespmem:$0x7F80] =	vst v63  }
0x61: {  	_ =	swait.ge [sflag:s25], $0x800  }
0x62: {  	[sflag:s25] =	ssyncset.done $0x0  }
0x63: {  	s7 =	simm.s32 $0x2C00;
	[sflag:s25] =	ssyncadd.s32 $0xFFFFF800  }
0x64: {  	[spmem:s3] =	stream.indirect.scatter.add.f32 [tilespmem:s14], [sflag:$0x1], $0x10, s7, s17, $0xb8;
	[tilespmem:$0x7F80] =	vst v63  }
0x65: {  	_ =	swait.ge [sflag:s26], $0x800  }
0x66: {  	[sflag:s26] =	ssyncset.done $0x0  }
0x67: {  	s6 =	simm.s32 $0x2C80;
	[sflag:s26] =	ssyncadd.s32 $0xFFFFF800  }
0x68: {  	[spmem:s3] =	stream.indirect.scatter.add.f32 [tilespmem:s14], [sflag:$0x2], $0x10, s6, s17, $0xb8;
	[tilespmem:$0x7F80] =	vst v63  }
0x69: {  	_ =	swait.ge [sflag:s28], $0x800  }
0x6a: {  	[sflag:s28] =	ssyncset.done $0x0  }
0x6b: {  	s7 =	simm.s32 $0x2D00;
	[sflag:s28] =	ssyncadd.s32 $0xFFFFF800  }
0x6c: {  	[spmem:s3] =	stream.indirect.scatter.add.f32 [tilespmem:s14], [sflag:$0x3], $0x10, s7, s17, $0xb8;
	[tilespmem:$0x7F80] =	vst v63  }
0x6d: {  	_ =	swait.ge [sflag:s29], $0x800  }
0x6e: {  	[sflag:s29] =	ssyncset.done $0x0  }
0x6f: {  	s6 =	simm.s32 $0x2D80;
	[sflag:s29] =	ssyncadd.s32 $0xFFFFF800  }
0x70: {  	[spmem:s3] =	stream.indirect.scatter.add.f32 [tilespmem:s14], [sflag:$0x4], $0x10, s6, s17, $0xb8;
	[tilespmem:$0x7F80] =	vst v63  }
0x71: {  	_ =	swait.ge [sflag:s30], $0x800  }
0x72: {  	[sflag:s30] =	ssyncset.done $0x0  }
0x73: {  	s7 =	simm.s32 $0x2E00;
	[sflag:s30] =	ssyncadd.s32 $0xFFFFF800  }
0x74: {  	[spmem:s3] =	stream.indirect.scatter.add.f32 [tilespmem:s14], [sflag:$0x5], $0x10, s7, s17, $0xb8;
	[tilespmem:$0x7F80] =	vst v63  }
0x75: {  	_ =	swait.ge [sflag:s31], $0x800  }
0x76: {  	[sflag:s31] =	ssyncset.done $0x0  }
0x77: {  	s6 =	simm.s32 $0x2E80;
	[sflag:s31] =	ssyncadd.s32 $0xFFFFF800  }
0x78: {  	[spmem:s3] =	stream.indirect.scatter.add.f32 [tilespmem:s14], [sflag:$0x6], $0x10, s6, s17, $0xb8;
	[tilespmem:$0x7F80] =	vst v63  }
0x79: {  	_ =	swait.ge [sflag:s1], $0x800  }
0x7a: {  	[sflag:s1] =	ssyncset.done $0x0  }
0x7b: {  	s7 =	simm.s32 $0x2F00;
	[sflag:s1] =	ssyncadd.s32 $0xFFFFF800  }
0x7c: {  	[spmem:s3] =	stream.indirect.scatter.add.f32 [tilespmem:s14], [sflag:$0x7], $0x10, s7, s17, $0xb8;
	[tilespmem:$0x7F80] =	vst v63  }
0x7d: {  	_ =	swait.ge [sflag:s0], $0x800  }
0x7e: {  	[sflag:s0] =	ssyncset.done $0x0  }
0x7f: {  	s4 =	simm.s32 $0x1000;
	s6 =	simm.s32 $0x2F80;
	[sflag:s0] =	ssyncadd.s32 $0xFFFFF800  }
.LBB2_7:
0x80: {  	[spmem:s3] =	stream.indirect.scatter.add.f32 [tilespmem:s14], [sflag:$0x8], $0x10, s6, s17, $0xb8;
	[tilespmem:$0x7F80] =	vst v63  }
0x81: {  	s6 =	smov.u32 s4  }
0x82: {  	p1 =	sne.s32 s4, $0x8000;
	s4 =	sadd.s32 $0x1000, s4;
	_ =	swait.ge [sflag:s25], $0x800  }
0x83: {  	s6 =	sshra.s32 s6, $0x2;
	[sflag:s25] =	ssyncset.done $0x0  }
0x84: {  	s7 =	sadd.s32 $0x2C00, s6;
	[sflag:s25] =	ssyncadd.s32 $0xFFFFF800  }
0x85: {  	[spmem:s3] =	stream.indirect.scatter.add.f32 [tilespmem:s14], [sflag:$0x1], $0x10, s7, s17, $0xb8;
	[tilespmem:$0x7F80] =	vst v63  }
0x86: {  	_ =	swait.ge [sflag:s26], $0x800  }
0x87: {  	[sflag:s26] =	ssyncset.done $0x0  }
0x88: {  	s7 =	sadd.s32 $0x2C80, s6;
	[sflag:s26] =	ssyncadd.s32 $0xFFFFF800  }
0x89: {  	[spmem:s3] =	stream.indirect.scatter.add.f32 [tilespmem:s14], [sflag:$0x2], $0x10, s7, s17, $0xb8;
	[tilespmem:$0x7F80] =	vst v63  }
0x8a: {  	_ =	swait.ge [sflag:s28], $0x800  }
0x8b: {  	[sflag:s28] =	ssyncset.done $0x0  }
0x8c: {  	s7 =	sadd.s32 $0x2D00, s6;
	[sflag:s28] =	ssyncadd.s32 $0xFFFFF800  }
0x8d: {  	[spmem:s3] =	stream.indirect.scatter.add.f32 [tilespmem:s14], [sflag:$0x3], $0x10, s7, s17, $0xb8;
	[tilespmem:$0x7F80] =	vst v63  }
0x8e: {  	_ =	swait.ge [sflag:s29], $0x800  }
0x8f: {  	[sflag:s29] =	ssyncset.done $0x0  }
0x90: {  	s7 =	sadd.s32 $0x2D80, s6;
	[sflag:s29] =	ssyncadd.s32 $0xFFFFF800  }
0x91: {  	[spmem:s3] =	stream.indirect.scatter.add.f32 [tilespmem:s14], [sflag:$0x4], $0x10, s7, s17, $0xb8;
	[tilespmem:$0x7F80] =	vst v63  }
0x92: {  	_ =	swait.ge [sflag:s30], $0x800  }
0x93: {  	[sflag:s30] =	ssyncset.done $0x0  }
0x94: {  	s7 =	sadd.s32 $0x2E00, s6;
	[sflag:s30] =	ssyncadd.s32 $0xFFFFF800  }
0x95: {  	[spmem:s3] =	stream.indirect.scatter.add.f32 [tilespmem:s14], [sflag:$0x5], $0x10, s7, s17, $0xb8;
	[tilespmem:$0x7F80] =	vst v63  }
0x96: {  	_ =	swait.ge [sflag:s31], $0x800  }
0x97: {  	[sflag:s31] =	ssyncset.done $0x0  }
0x98: {  	s7 =	sadd.s32 $0x2E80, s6;
	[sflag:s31] =	ssyncadd.s32 $0xFFFFF800  }
0x99: {  	[spmem:s3] =	stream.indirect.scatter.add.f32 [tilespmem:s14], [sflag:$0x6], $0x10, s7, s17, $0xb8;
	[tilespmem:$0x7F80] =	vst v63  }
0x9a: {  	_ =	swait.ge [sflag:s1], $0x800  }
0x9b: {  	[sflag:s1] =	ssyncset.done $0x0  }
.Ltmp3:
0x9c: {  	s7 =	sadd.s32 $0x2F00, s6;
	[sflag:s1] =	ssyncadd.s32 $0xFFFFF800;
	(pc) =	sbr.rel @p1 .LBB2_7-.Ltmp3, $4  }
0x9d: {  	[spmem:s3] =	stream.indirect.scatter.add.f32 [tilespmem:s14], [sflag:$0x7], $0x10, s7, s17, $0xb8;
	[tilespmem:$0x7F80] =	vst v63  }
0x9e: {  	_ =	swait.ge [sflag:s0], $0x800  }
0x9f: {  	[sflag:s0] =	ssyncset.done $0x0  }
0xa0: {  	s6 =	sadd.s32 $0x2F80, s6;
	[sflag:s0] =	ssyncadd.s32 $0xFFFFF800  }
0xa1: {  	[spmem:s3] =	stream.indirect.scatter.add.f32 [tilespmem:s14], [sflag:$0x8], $0x10, s6, s17, $0xb8;
	[tilespmem:$0x7F80] =	vst v63  }
0xa2: {  	_ =	swait.ge [sflag:s25], $0x800  }
0xa3: {  	[sflag:s25] =	ssyncset.done $0x0  }
0xa4: {  	[sflag:s25] =	ssyncadd.s32 $0xFFFFF800  }
0xa5: {  	_ =	swait.ge [sflag:s26], $0x800  }
0xa6: {  	[sflag:s26] =	ssyncset.done $0x0  }
0xa7: {  	[sflag:s26] =	ssyncadd.s32 $0xFFFFF800  }
0xa8: {  	_ =	swait.ge [sflag:s28], $0x800  }
0xa9: {  	[sflag:s28] =	ssyncset.done $0x0  }
0xaa: {  	[sflag:s28] =	ssyncadd.s32 $0xFFFFF800  }
0xab: {  	_ =	swait.ge [sflag:s29], $0x800  }
0xac: {  	[sflag:s29] =	ssyncset.done $0x0  }
0xad: {  	[sflag:s29] =	ssyncadd.s32 $0xFFFFF800  }
0xae: {  	_ =	swait.ge [sflag:s30], $0x800  }
0xaf: {  	[sflag:s30] =	ssyncset.done $0x0  }
0xb0: {  	[sflag:s30] =	ssyncadd.s32 $0xFFFFF800  }
0xb1: {  	_ =	swait.ge [sflag:s31], $0x800  }
0xb2: {  	[sflag:s31] =	ssyncset.done $0x0  }
0xb3: {  	[sflag:s31] =	ssyncadd.s32 $0xFFFFF800  }
0xb4: {  	_ =	swait.ge [sflag:s1], $0x800  }
0xb5: {  	[sflag:s1] =	ssyncset.done $0x0  }
0xb6: {  	[sflag:s1] =	ssyncadd.s32 $0xFFFFF800  }
0xb7: {  	_ =	swait.ge [sflag:s0], $0x800  }
0xb8: {  	s2 =	sadd.s32 $0x1, s2;
	[sflag:s0] =	ssyncset.done $0x0  }
0xb9: {  	p1 =	sne.s32 s2, s11;
	[sflag:s0] =	ssyncadd.s32 $0xFFFFF800  }
.Ltmp4:
0xba: {  	[bflag:$0x0] =	sbarrier.arrive $0xFFFF;
	(pc) =	sbr.rel @p1 .LBB2_1-.Ltmp4, $4  }
0xbb: {  	[hbm:s10], [sflag:s15] =	dma.local [spmem:s16], $0x4F0  }
0xbc: {  	_ =	swait.ge [sflag:s12], $0x4F0  }
0xbd: {  	[sflag:s12] =	ssyncset.done $0x0  }
0xbe: {  	[sflag:s12] =	ssyncadd.s32 $0xFFFFFB10  }
0xbf: {  	_ =	sfence.sel $0x180000  }
0xc0: {  	[bflag:$0x0] =	sbarrier.arrive $0xFFFF  }
0xc1: {  	_ =	strace $0x90000047  }
0xc2: {  	s0 =	stileid.u32;
	[bflag:$0x2] =	sbarrier.arrive $0xFFFF  }
0xc3: {  	p0 =	sne.s32 s0, $0x0;
	s0 =	rddreg [dreg:$0x3]  }
0xc4: {  	s0 =	sadd.s32 @!p0 $0x100000, s0  }
0xc5: {  	[sflag:s0] =	ssyncadd.tile.s32 @!p0 $0x1;
	_ =	shalt  }
.Lfunc_end2:
_tile_overlayer_lowered:
.L_overlay_start_2:
0xc6: {  	(tag) =	ssettag $0x2  }
0xc7: {  	s0 =	rddreg [dreg:$0x0];
	s2 =	stileid.u32  }
0xc8: {  	s1 =	rddreg [dreg:$0x1];
	p0 =	sne.s32 s2, $0x0  }
0xc9: {  	s3 =	rddreg [dreg:$0x2];
	[bflag:$0x3] =	sbarrier.arrive $0xFFFF;
	s2 =	simm.s32 @!p0 $0x1C09  }
0xca: {  	[timem:s3], [sflag:s2] =	dma.local @!p0 [hbm:s0], s1  }
0xcb: {  	s0 =	simm.s32 @!p0 $0x9  }
0xcc: {  	_ =	swait.ge @!p0 [sflag:s0], s1  }
0xcd: {  	s1 =	ssub.s32 @!p0 $0x0, s1;
	[sflag:s0] =	ssyncset.done @!p0 $0x0  }
0xce: {  	[sflag:s0] =	ssyncadd.s32 @!p0 s1  }
0xcf: {  	[bflag:$0x3] =	sbarrier.arrive $0xFFFF  }
0xd0: {  	_ =	shalt  }

</sc_bundles>
